<compile_context>
chip_gen: v7x
topology: tpu7x:2x2x1
jax: 0.10.2.dev20260603
libtpu: 0.0.44.dev20260713+nightly
codegen_flags: <defaults>
</compile_context>

<pallas_src>
import functools

import jax
import jax.numpy as jnp
from jax import lax
from jax.experimental import pallas as pl
from jax.experimental.pallas import tpu as pltpu
from jax.experimental.pallas import tpu_sc as plsc

N = 4096
E = 131072
D = 32
H = 256
NC = 2
NS = 16
LANES = 16
EPS = E // NS
G = 128
NG = EPS // G
HA = 128
ZPAD = N + 8
ZW = 16
ZP = 128
KVAL = 15

_MESH = dict(core_axis_name="c", subcore_axis_name="s", num_cores=NC,
             num_subcores=NS)



def _sc1_body(src_hbm, dst_hbm, haug_hbm, zeros_hbm,
              agg_out, stamp_out,
              src1, keys2d, ids2d, dst2d,
              rows0, rows1, acc_sh,
              semp, sems, semz, semg,
              sg0, sg1, sa0, sa1):
    c = lax.axis_index("c")
    s = lax.axis_index("s")
    base = s * EPS
    off = c * E + base
    pltpu.sync_copy(src_hbm.at[pl.ds(off, EPS)], src1)
    stamp_base = c * (N * N)

    rps = N // NS
    pltpu.async_copy(zeros_hbm.at[pl.ds(s * rps, rps)],
                     acc_sh.at[pl.ds(s * rps, rps)], semz)

    def pack_body(j, _):
        pltpu.sync_copy(dst_hbm.at[pl.ds(off + j * G, G)], dst2d.at[j])
        return 0
    lax.fori_loop(0, NG, pack_body, 0)

    def key_body(i, _):
        j = i // (G // LANES)
        co = (i % (G // LANES)) * LANES
        sl = pl.ds(i * LANES, LANES)
        sv = src1[sl]
        dv = dst2d[j, pl.ds(co, LANES)]
        keys2d[j, pl.ds(co, LANES)] = stamp_base + sv * N + dv
        ids2d[j, pl.ds(co, LANES)] = base + i * LANES + lax.iota(jnp.int32,
                                                                 LANES)
        return 0
    lax.fori_loop(0, EPS // LANES, key_body, 0)

    def scat_body(j, _):
        pltpu.sync_copy(ids2d.at[j], stamp_out.at[keys2d.at[j]])
        return 0
    lax.fori_loop(0, NG, scat_body, 0)
    pltpu.make_async_copy(zeros_hbm.at[pl.ds(s * rps, rps)],
                          acc_sh.at[pl.ds(s * rps, rps)], semz).wait()

    plsc.subcore_barrier()

    def pipe_body(jj, _):
        j0 = 2 * jj
        pltpu.async_copy(haug_hbm.at[src1.at[pl.ds(j0 * G, G)]],
                         rows0, sg0).wait()
        pltpu.async_copy(rows0, acc_sh.at[dst2d.at[j0]], sa0, add=True).wait()
        pltpu.async_copy(haug_hbm.at[src1.at[pl.ds((j0 + 1) * G, G)]],
                         rows1, sg1).wait()
        pltpu.async_copy(rows1, acc_sh.at[dst2d.at[j0 + 1]], sa1,
                         add=True).wait()
        return 0
    lax.fori_loop(0, NG // 2, pipe_body, 0)

    plsc.subcore_barrier()
    pltpu.sync_copy(acc_sh.at[pl.ds(s * rps, rps)],
                    agg_out.at[pl.ds(c * N + s * rps, rps)])


_sc1 = functools.partial(
    pl.kernel,
    out_type=(
        jax.ShapeDtypeStruct((NC * N, HA), jnp.float32),
        jax.ShapeDtypeStruct((NC * N * N,), jnp.int32),
    ),
    mesh=plsc.VectorSubcoreMesh(**_MESH),
    scratch_types=[
        pltpu.VMEM((EPS,), jnp.int32),
        pltpu.VMEM((NG, G), jnp.int32),
        pltpu.VMEM((NG, G), jnp.int32),
        pltpu.VMEM((NG, G), jnp.int32),
        pltpu.VMEM((G, HA), jnp.float32),
        pltpu.VMEM((G, HA), jnp.float32),
        pltpu.VMEM_SHARED((N, HA), jnp.float32),
    ] + [pltpu.SemaphoreType.DMA] * 8,
)(_sc1_body)


def _sc1b_body(src_hbm, dst_hbm, stamp_hbm, srcx_out,
               src1, dst1, keys1, got1, srcx1):
    c = lax.axis_index("c")
    s = lax.axis_index("s")
    base = s * EPS
    off = c * E + base
    pltpu.sync_copy(src_hbm.at[pl.ds(off, EPS)], src1)
    pltpu.sync_copy(dst_hbm.at[pl.ds(off, EPS)], dst1)
    stamp_base = c * (N * N)

    def key_body(i, _):
        sl = pl.ds(i * LANES, LANES)
        keys1[sl] = stamp_base + src1[sl] * N + dst1[sl]
        return 0
    lax.fori_loop(0, EPS // LANES, key_body, 0)

    def gath_body(j, _):
        pltpu.sync_copy(stamp_hbm.at[keys1.at[pl.ds(j * G, G)]],
                        got1.at[pl.ds(j * G, G)])
        return 0
    lax.fori_loop(0, NG, gath_body, 0)

    def srcx_body(i, _):
        sl = pl.ds(i * LANES, LANES)
        ids = base + i * LANES + lax.iota(jnp.int32, LANES)
        srcx1[sl] = jnp.where(got1[sl] == ids, src1[sl], -1)
        return 0
    lax.fori_loop(0, EPS // LANES, srcx_body, 0)
    pltpu.sync_copy(srcx1, srcx_out.at[pl.ds(off, EPS)])


_sc1b = functools.partial(
    pl.kernel,
    out_type=jax.ShapeDtypeStruct((NC * E,), jnp.int32),
    mesh=plsc.VectorSubcoreMesh(**_MESH),
    scratch_types=[
        pltpu.VMEM((EPS,), jnp.int32),
        pltpu.VMEM((EPS,), jnp.int32),
        pltpu.VMEM((EPS,), jnp.int32),
        pltpu.VMEM((EPS,), jnp.int32),
        pltpu.VMEM((EPS,), jnp.int32),
    ],
)(_sc1b_body)



def _sc2_body(src_hbm, dst_hbm, h1lo_hbm, h1hi_hbm, zeros_hbm,
              agglo_out, agghi_out,
              src1, dst2d, rows0, rows1, rows2, rows3, acc_sh,
              semp, semz,
              sg0, sg1, sg2, sg3, sa0, sa1, sa2, sa3):
    c = lax.axis_index("c")
    s = lax.axis_index("s")
    base = s * EPS
    off = c * E + base
    pltpu.sync_copy(src_hbm.at[pl.ds(off, EPS)], src1)

    rps = N // NS
    pltpu.async_copy(zeros_hbm.at[pl.ds(s * rps, rps)],
                     acc_sh.at[pl.ds(s * rps, rps)], semz)

    def pack_body(j, _):
        pltpu.sync_copy(dst_hbm.at[pl.ds(off + j * G, G)], dst2d.at[j])
        return 0
    lax.fori_loop(0, NG, pack_body, 0)
    pltpu.make_async_copy(zeros_hbm.at[pl.ds(s * rps, rps)],
                          acc_sh.at[pl.ds(s * rps, rps)], semz).wait()

    plsc.subcore_barrier()

    rbufs = (rows0, rows1, rows2, rows3)
    sgs = (sg0, sg1, sg2, sg3)
    sas = (sa0, sa1, sa2, sa3)

    for half, (h_hbm, out_hbm) in enumerate(((h1lo_hbm, agglo_out),
                                             (h1hi_hbm, agghi_out))):
        def pipe_body(jj, _):
            j0 = 4 * jj
            for t in range(4):
                pltpu.async_copy(h_hbm.at[src1.at[pl.ds((j0 + t) * G, G)]],
                                 rbufs[t], sgs[t]).wait()
                pltpu.async_copy(rbufs[t], acc_sh.at[dst2d.at[j0 + t]],
                                 sas[t], add=True).wait()
            return 0
        lax.fori_loop(0, NG // 4, pipe_body, 0)

        plsc.subcore_barrier()
        pltpu.sync_copy(acc_sh.at[pl.ds(s * rps, rps)],
                        out_hbm.at[pl.ds(c * N + s * rps, rps)])
        plsc.subcore_barrier()
        if half == 0:
            pltpu.sync_copy(zeros_hbm.at[pl.ds(s * rps, rps)],
                            acc_sh.at[pl.ds(s * rps, rps)])
            plsc.subcore_barrier()


_sc2 = functools.partial(
    pl.kernel,
    out_type=(
        jax.ShapeDtypeStruct((NC * N, H // 2), jnp.float32),
        jax.ShapeDtypeStruct((NC * N, H // 2), jnp.float32),
    ),
    mesh=plsc.VectorSubcoreMesh(**_MESH),
    scratch_types=[
        pltpu.VMEM((EPS,), jnp.int32),
        pltpu.VMEM((NG, G), jnp.int32),
        pltpu.VMEM((G, H // 2), jnp.float32),
        pltpu.VMEM((G, H // 2), jnp.float32),
        pltpu.VMEM((G, H // 2), jnp.float32),
        pltpu.VMEM((G, H // 2), jnp.float32),
        pltpu.VMEM_SHARED((N, H // 2), jnp.float32),
    ] + [pltpu.SemaphoreType.DMA] * 10,
)(_sc2_body)



def _sc3_body(srcx_hbm, dst_hbm, z_hbm, zeros_hbm, out_hbm,
              srcx1, dst1, gidx1, sx2d, rows0, rows1, rows2, rows3, acc_sh,
              semp, semz,
              sg0, sg1, sg2, sg3, sa0, sa1, sa2, sa3):
    c = lax.axis_index("c")
    s = lax.axis_index("s")
    base = s * EPS
    off = c * E + base
    pltpu.sync_copy(dst_hbm.at[pl.ds(off, EPS)], dst1)
    pltpu.sync_copy(srcx_hbm.at[pl.ds(off, EPS)], srcx1)

    rps = N // NS
    pltpu.async_copy(zeros_hbm.at[pl.ds(s * rps, rps)],
                     acc_sh.at[pl.ds(s * rps, rps)], semz)

    def idx_body(i, _):
        j = i // (G // LANES)
        co = (i % (G // LANES)) * LANES
        sl = pl.ds(i * LANES, LANES)
        sx = srcx1[sl]
        canon = sx >= 0
        gidx1[sl] = jnp.where(canon, dst1[sl], N)
        sx2d[j, pl.ds(co, LANES)] = jnp.where(canon, sx, 0)
        return 0
    lax.fori_loop(0, EPS // LANES, idx_body, 0)

    pltpu.make_async_copy(zeros_hbm.at[pl.ds(s * rps, rps)],
                          acc_sh.at[pl.ds(s * rps, rps)], semz).wait()
    plsc.subcore_barrier()

    rbufs = (rows0, rows1, rows2, rows3)
    sgs = (sg0, sg1, sg2, sg3)
    sas = (sa0, sa1, sa2, sa3)

    def pipe_body(jj, _):
        j0 = 4 * jj
        for t in range(4):
            pltpu.async_copy(z_hbm.at[gidx1.at[pl.ds((j0 + t) * G, G)]],
                             rbufs[t], sgs[t]).wait()
            pltpu.async_copy(rbufs[t], acc_sh.at[sx2d.at[j0 + t]],
                             sas[t], add=True).wait()
        return 0
    lax.fori_loop(0, NG // 4, pipe_body, 0)

    plsc.subcore_barrier()
    pltpu.sync_copy(acc_sh.at[pl.ds(s * rps, rps)],
                    out_hbm.at[pl.ds(c * N + s * rps, rps)])


_sc3 = functools.partial(
    pl.kernel,
    out_type=jax.ShapeDtypeStruct((NC * N, ZP), jnp.float32),
    mesh=plsc.VectorSubcoreMesh(**_MESH),
    scratch_types=[
        pltpu.VMEM((EPS,), jnp.int32),
        pltpu.VMEM((EPS,), jnp.int32),
        pltpu.VMEM((EPS,), jnp.int32),
        pltpu.VMEM((NG, G), jnp.int32),
        pltpu.VMEM((G, ZP), jnp.float32),
        pltpu.VMEM((G, ZP), jnp.float32),
        pltpu.VMEM((G, ZP), jnp.float32),
        pltpu.VMEM((G, ZP), jnp.float32),
        pltpu.VMEM_SHARED((N, ZP), jnp.float32),
    ] + [pltpu.SemaphoreType.DMA] * 10,
)(_sc3_body)



_BLK = 512
_GRID = N // _BLK


def _embed_body(x_ref, w_ref, b_ref, o_ref):
    h = jnp.dot(x_ref[...], w_ref[...],
                preferred_element_type=jnp.float32) + b_ref[...]
    ones = jnp.ones((h.shape[0], 1), jnp.float32)
    zer = jnp.zeros((h.shape[0], HA - D - 1), jnp.float32)
    o_ref[...] = jnp.concatenate([h, ones, zer], axis=1)


def _tc_embed(x, w, b):
    return pl.pallas_call(
        _embed_body,
        grid=(_GRID,),
        in_specs=[
            pl.BlockSpec((_BLK, x.shape[1]), lambda i: (i, 0)),
            pl.BlockSpec(w.shape, lambda i: (0, 0)),
            pl.BlockSpec(b.shape, lambda i: (0, 0)),
        ],
        out_specs=pl.BlockSpec((_BLK, HA), lambda i: (i, 0)),
        out_shape=jax.ShapeDtypeStruct((N, HA), jnp.float32),
    )(x, w, b)


def _sage_body(x_ref, agg_ref, wl_ref, wra_ref, wrb_ref, b_ref, olo_ref, ohi_ref, xw):
    x = x_ref[...][:, :xw]
    ga = agg_ref[0]
    gb = agg_ref[1]
    mean_a = ga[:, :xw] / jnp.maximum(ga[:, xw:xw + 1], 1.0)
    mean_b = gb[:, :xw] / jnp.maximum(gb[:, xw:xw + 1], 1.0)
    h1 = jax.nn.relu(
        jnp.dot(x, wl_ref[...], preferred_element_type=jnp.float32)
        + jnp.dot(mean_a, wra_ref[...], preferred_element_type=jnp.float32)
        + jnp.dot(mean_b, wrb_ref[...], preferred_element_type=jnp.float32)
        + b_ref[...])
    olo_ref[...] = h1[:, :H // 2]
    ohi_ref[...] = h1[:, H // 2:]


def _tc_sage1(haug, agg1, wl, wra, wrb, b):
    return pl.pallas_call(
        functools.partial(_sage_body, xw=D),
        grid=(_GRID,),
        in_specs=[
            pl.BlockSpec((_BLK, HA), lambda i: (i, 0)),
            pl.BlockSpec((NC, _BLK, HA), lambda i: (0, i, 0)),
            pl.BlockSpec(wl.shape, lambda i: (0, 0)),
            pl.BlockSpec(wra.shape, lambda i: (0, 0)),
            pl.BlockSpec(wrb.shape, lambda i: (0, 0)),
            pl.BlockSpec(b.shape, lambda i: (0, 0)),
        ],
        out_specs=[
            pl.BlockSpec((_BLK, H // 2), lambda i: (i, 0)),
            pl.BlockSpec((_BLK, H // 2), lambda i: (i, 0)),
        ],
        out_shape=[
            jax.ShapeDtypeStruct((N, H // 2), jnp.float32),
            jax.ShapeDtypeStruct((N, H // 2), jnp.float32),
        ],
    )(haug, agg1, wl, wra, wrb, b)


def _sage2_body(h1lo_ref, h1hi_ref, agglo_ref, agghi_ref, cnt_ref, wl_ref,
                wra_ref, wrb_ref, b_ref, wc_ref, h2_ref, z_ref):
    h1 = jnp.concatenate([h1lo_ref[...], h1hi_ref[...]], axis=1)
    agg_a = jnp.concatenate([agglo_ref[0], agghi_ref[0]], axis=1)
    agg_b = jnp.concatenate([agglo_ref[1], agghi_ref[1]], axis=1)
    mean_a = agg_a / jnp.maximum(cnt_ref[0][:, D:D + 1], 1.0)
    mean_b = agg_b / jnp.maximum(cnt_ref[1][:, D:D + 1], 1.0)
    h2 = jax.nn.relu(
        jnp.dot(h1, wl_ref[...], preferred_element_type=jnp.float32)
        + jnp.dot(mean_a, wra_ref[...], preferred_element_type=jnp.float32)
        + jnp.dot(mean_b, wrb_ref[...], preferred_element_type=jnp.float32)
        + b_ref[...])
    h2_ref[...] = h2
    z_ref[...] = jnp.dot(h2, wc_ref[...], preferred_element_type=jnp.float32)


def _tc_sage2(h1lo, h1hi, agg2lo, agg2hi, agg1, wl, wra, wrb, b, wc):
    return pl.pallas_call(
        _sage2_body,
        grid=(_GRID,),
        in_specs=[
            pl.BlockSpec((_BLK, H // 2), lambda i: (i, 0)),
            pl.BlockSpec((_BLK, H // 2), lambda i: (i, 0)),
            pl.BlockSpec((NC, _BLK, H // 2), lambda i: (0, i, 0)),
            pl.BlockSpec((NC, _BLK, H // 2), lambda i: (0, i, 0)),
            pl.BlockSpec((NC, _BLK, HA), lambda i: (0, i, 0)),
            pl.BlockSpec(wl.shape, lambda i: (0, 0)),
            pl.BlockSpec(wra.shape, lambda i: (0, 0)),
            pl.BlockSpec(wrb.shape, lambda i: (0, 0)),
            pl.BlockSpec(b.shape, lambda i: (0, 0)),
            pl.BlockSpec(wc.shape, lambda i: (0, 0)),
        ],
        out_specs=[
            pl.BlockSpec((_BLK, H), lambda i: (i, 0)),
            pl.BlockSpec((_BLK, ZP), lambda i: (i, 0)),
        ],
        out_shape=[
            jax.ShapeDtypeStruct((N, H), jnp.float32),
            jax.ShapeDtypeStruct((N, ZP), jnp.float32),
        ],
    )(h1lo, h1hi, agg2lo, agg2hi, agg1, wl, wra, wrb, b, wc)


def _softmax_body(za_ref, bc_ref, o_ref):
    logits = za_ref[0] + za_ref[1] + bc_ref[...]
    mask = lax.broadcasted_iota(jnp.int32, (1, ZP), 1) < KVAL
    logits = jnp.where(mask, logits, -1e30)
    m = jnp.max(logits, axis=-1, keepdims=True)
    e = jnp.exp(logits - m)
    o_ref[...] = e / jnp.sum(e, axis=-1, keepdims=True)


def _tc_softmax(za, bc):
    return pl.pallas_call(
        _softmax_body,
        grid=(_GRID,),
        in_specs=[
            pl.BlockSpec((NC, _BLK, ZP), lambda i: (0, i, 0)),
            pl.BlockSpec(bc.shape, lambda i: (0, 0)),
        ],
        out_specs=pl.BlockSpec((_BLK, ZP), lambda i: (i, 0)),
        out_shape=jax.ShapeDtypeStruct((N, ZP), jnp.float32),
    )(za, bc)


def _fin_body(s1_ref, h2_ref, t_ref, wc2_ref, bc2_ref, x2_ref, s2_ref,
              x1_acc, ga_acc, gb_acc):
    i = pl.program_id(0)

    @pl.when(i == 0)
    def _():
        x1_acc[...] = jnp.zeros((ZW, H), jnp.float32)
        ga_acc[...] = jnp.zeros((ZW, ZW), jnp.float32)
        gb_acc[...] = jnp.zeros((ZW, ZW), jnp.float32)

    s1 = s1_ref[...][:, :ZW]
    dn = (((0,), (0,)), ((), ()))
    x1_acc[...] += lax.dot_general(s1, h2_ref[...], dn,
                                   preferred_element_type=jnp.float32)
    ga_acc[...] += lax.dot_general(s1, t_ref[0][:, :ZW], dn,
                                   preferred_element_type=jnp.float32)
    gb_acc[...] += lax.dot_general(s1, t_ref[1][:, :ZW], dn,
                                   preferred_element_type=jnp.float32)

    @pl.when(i == pl.num_programs(0) - 1)
    def _():
        x1 = x1_acc[...]
        a1 = ga_acc[...] + gb_acc[...]
        l2 = jnp.dot(a1, jnp.dot(x1, wc2_ref[...],
                                 preferred_element_type=jnp.float32),
                     preferred_element_type=jnp.float32) + bc2_ref[...]
        mask = lax.broadcasted_iota(jnp.int32, (1, ZW), 1) < KVAL
        l2 = jnp.where(mask, l2, -1e30)
        m = jnp.max(l2, axis=-1, keepdims=True)
        e = jnp.exp(l2 - m)
        s2 = e / jnp.sum(e, axis=-1, keepdims=True)
        s2_ref[...] = s2
        x2_ref[...] = lax.dot_general(s2, x1, (((0,), (0,)), ((), ())),
                                      preferred_element_type=jnp.float32)


def _tc_final(s1p, h2, t, wc2, bc2):
    return pl.pallas_call(
        _fin_body,
        grid=(_GRID,),
        in_specs=[
            pl.BlockSpec((_BLK, ZP), lambda i: (i, 0)),
            pl.BlockSpec((_BLK, H), lambda i: (i, 0)),
            pl.BlockSpec((NC, _BLK, ZP), lambda i: (0, i, 0)),
            pl.BlockSpec(wc2.shape, lambda i: (0, 0)),
            pl.BlockSpec(bc2.shape, lambda i: (0, 0)),
        ],
        out_specs=[
            pl.BlockSpec((ZW, H), lambda i: (0, 0)),
            pl.BlockSpec((ZW, ZW), lambda i: (0, 0)),
        ],
        out_shape=[
            jax.ShapeDtypeStruct((ZW, H), jnp.float32),
            jax.ShapeDtypeStruct((ZW, ZW), jnp.float32),
        ],
        scratch_shapes=[
            pltpu.VMEM((ZW, H), jnp.float32),
            pltpu.VMEM((ZW, ZW), jnp.float32),
            pltpu.VMEM((ZW, ZW), jnp.float32),
        ],
    )(s1p, h2, t, wc2, bc2)



def kernel(x_note, edge_index_a, edge_index_b, W_embed, b_embed,
           Wl1_a, Wr1_a, b1_a, Wl1_b, Wr1_b, b1_b,
           Wl2_a, Wr2_a, b2_a, Wl2_b, Wr2_b, b2_b,
           Wc1, bc1, Wc2, bc2):
    K = Wc1.shape[1]
    src_ab = jnp.concatenate([edge_index_a[0], edge_index_b[0]])
    dst_ab = jnp.concatenate([edge_index_a[1], edge_index_b[1]])

    wl1 = Wl1_a + Wl1_b
    b1 = (b1_a + b1_b).reshape(1, H)
    wl2 = Wl2_a + Wl2_b
    b2 = (b2_a + b2_b).reshape(1, H)
    wc1p = jnp.pad(Wc1, ((0, 0), (0, ZP - K)))
    bc1p = jnp.pad(bc1, (0, ZP - K)).reshape(1, ZP)
    wc2p = jnp.pad(Wc2, ((0, 0), (0, ZW - K)))
    bc2p = jnp.pad(bc2, (0, ZW - K)).reshape(1, ZW)

    zeros128 = jnp.zeros((N, 128), jnp.float32)

    haug = _tc_embed(x_note, W_embed, b_embed.reshape(1, D))
    agg1, stamp = _sc1(src_ab, dst_ab, haug, zeros128)
    srcx = _sc1b(src_ab, dst_ab, stamp)
    agg1r = agg1.reshape(NC, N, HA)
    h1lo, h1hi = _tc_sage1(haug, agg1r, wl1, Wr1_a, Wr1_b, b1)
    agg2lo, agg2hi = _sc2(src_ab, dst_ab, h1lo, h1hi, zeros128)
    h2, zp = _tc_sage2(h1lo, h1hi, agg2lo.reshape(NC, N, H // 2),
                       agg2hi.reshape(NC, N, H // 2), agg1r,
                       wl2, Wr2_a, Wr2_b, b2, wc1p)
    zpp = jnp.pad(zp, ((0, ZPAD - N), (0, 0)))
    za = _sc3(srcx, dst_ab, zpp, zeros128)
    s1p = _tc_softmax(za.reshape(NC, N, ZP), bc1p)
    s1pp = jnp.pad(s1p, ((0, ZPAD - N), (0, 0)))
    t = _sc3(srcx, dst_ab, s1pp, zeros128)
    x2p, s2p = _tc_final(s1p, h2, t.reshape(NC, N, ZP), wc2p, bc2p)
    return (x2p[:K], s1p[:, :K], s2p[:K, :K])

# --- scband reference (transcript-rebuilt; emitter-appended) ---
"""Pipeline reference for scband-group-mat-4286377361698 (READ-ONLY COPY).

The authoritative reference and input builder live on the scoring server;
editing this copy changes nothing except your own understanding.
"""

import jax, jax.numpy as jnp
import numpy as np

N = 4096
F = 111
D = 32
H = 256
K = 15
E = 131072

def _glorot(key, shape):
    lim = float(np.sqrt(6.0 / (shape[0] + shape[1])))
    return jax.random.uniform(key, shape, dtype=jnp.float32, minval=-lim, maxval=lim)

def setup_inputs(seed: int = 0):
    key = jax.random.key(seed)
    ks = jax.random.split(key, 24)
    inp = {}
    inp['x_note'] = jax.random.normal(ks[0], (N, F), dtype=jnp.float32)
    inp['edge_index_a'] = jax.random.randint(ks[1], (2, E), 0, N, dtype=jnp.int32)
    inp['edge_index_b'] = jax.random.randint(ks[2], (2, E), 0, N, dtype=jnp.int32)
    inp['W_embed'] = _glorot(ks[3], (F, D))
    inp['b_embed'] = jnp.zeros((D,), jnp.float32)
    inp['Wl1_a'] = _glorot(ks[4], (D, H)); inp['Wr1_a'] = _glorot(ks[5], (D, H)); inp['b1_a'] = jnp.zeros((H,), jnp.float32)
    inp['Wl1_b'] = _glorot(ks[6], (D, H)); inp['Wr1_b'] = _glorot(ks[7], (D, H)); inp['b1_b'] = jnp.zeros((H,), jnp.float32)
    inp['Wl2_a'] = _glorot(ks[8], (H, H)); inp['Wr2_a'] = _glorot(ks[9], (H, H)); inp['b2_a'] = jnp.zeros((H,), jnp.float32)
    inp['Wl2_b'] = _glorot(ks[10], (H, H)); inp['Wr2_b'] = _glorot(ks[11], (H, H)); inp['b2_b'] = jnp.zeros((H,), jnp.float32)
    inp['Wc1'] = _glorot(ks[12], (H, K)); inp['bc1'] = jnp.zeros((K,), jnp.float32)
    inp['Wc2'] = _glorot(ks[13], (H, K)); inp['bc2'] = jnp.zeros((K,), jnp.float32)
    return inp

def _sage(x, edge_index, Wl, Wr, b):
    src = edge_index[0]
    dst = edge_index[1]
    msgs = jnp.take(x, src, axis=0)
    agg = jax.ops.segment_sum(msgs, dst, num_segments=x.shape[0])
    cnt = jax.ops.segment_sum(jnp.ones((edge_index.shape[1],), jnp.float32), dst, num_segments=x.shape[0])
    mean = agg / jnp.maximum(cnt, 1.0)[:, None]
    return x @ Wl + mean @ Wr + b

def _coord_to_adj(edge_index, n):
    return jnp.zeros((n, n), jnp.float32).at[edge_index[0], edge_index[1]].set(1.0)

def _cluster(x, adjs, Wc, bc):
    A = adjs[0] + adjs[1]
    S = jax.nn.softmax(A @ (x @ Wc) + bc, axis=-1)
    x_p = S.T @ x
    adjs_p = (S.T @ adjs[0] @ S, S.T @ adjs[1] @ S)
    return x_p, adjs_p, S

def _forward(x_note, edge_index_a, edge_index_b, W_embed, b_embed, Wl1_a, Wr1_a, b1_a, Wl1_b, Wr1_b, b1_b, Wl2_a, Wr2_a, b2_a, Wl2_b, Wr2_b, b2_b, Wc1, bc1, Wc2, bc2):
    n = x_note.shape[0]
    h = x_note @ W_embed + b_embed
    adj_a = _coord_to_adj(edge_index_a, n)
    adj_b = _coord_to_adj(edge_index_b, n)
    h1 = jax.nn.relu(_sage(h, edge_index_a, Wl1_a, Wr1_a, b1_a) + _sage(h, edge_index_b, Wl1_b, Wr1_b, b1_b))
    h2 = jax.nn.relu(_sage(h1, edge_index_a, Wl2_a, Wr2_a, b2_a) + _sage(h1, edge_index_b, Wl2_b, Wr2_b, b2_b))
    x1, adjs1, S1 = _cluster(h2, (adj_a, adj_b), Wc1, bc1)
    x2, adjs2, S2 = _cluster(x1, adjs1, Wc2, bc2)
    return (x2, S1, S2)

def reference(x_note, edge_index_a, edge_index_b, W_embed, b_embed, Wl1_a, Wr1_a, b1_a, Wl1_b, Wr1_b, b1_b, Wl2_a, Wr2_a, b2_a, Wl2_b, Wr2_b, b2_b, Wc1, bc1, Wc2, bc2):
    return _forward(x_note, edge_index_a, edge_index_b, W_embed, b_embed, Wl1_a, Wr1_a, b1_a, Wl1_b, Wr1_b, b1_b, Wl2_a, Wr2_a, b2_a, Wl2_b, Wr2_b, b2_b, Wc1, bc1, Wc2, bc2)

if __name__ == "__main__":
    import jax
    _d = setup_inputs()
    print(jax.jit(kernel)(*tuple(_d.values())))

</pallas_src>

<mosaic_0001>
#map = affine_map<(d0, d1) -> (0)>
#map1 = affine_map<(d0, d1) -> (0, 0)>
module attributes {stable_mosaic.version = 14 : i64} {
  func.func @_sc3_body(%arg0: i32, %arg1: i32, %arg2: memref<262144xi32, #tpu.memory_space<hbm>>, %arg3: memref<262144xi32, #tpu.memory_space<hbm>>, %arg4: memref<4104x128xf32, #tpu.memory_space<hbm>>, %arg5: memref<4096x128xf32, #tpu.memory_space<hbm>>, %arg6: memref<8192x128xf32, #tpu.memory_space<hbm>>, %arg7: memref<8192xi32, #tpu.memory_space<vmem>>, %arg8: memref<8192xi32, #tpu.memory_space<vmem>>, %arg9: memref<8192xi32, #tpu.memory_space<vmem>>, %arg10: memref<64x128xi32, #tpu.memory_space<vmem>>, %arg11: memref<128x128xf32, #tpu.memory_space<vmem>>, %arg12: memref<128x128xf32, #tpu.memory_space<vmem>>, %arg13: memref<128x128xf32, #tpu.memory_space<vmem>>, %arg14: memref<128x128xf32, #tpu.memory_space<vmem>>, %arg15: memref<4096x128xf32, #tpu.memory_space<vmem_shared>>, %arg16: memref<!tpu.dma_semaphore, #tpu.memory_space<semaphore_mem>>, %arg17: memref<!tpu.dma_semaphore, #tpu.memory_space<semaphore_mem>>, %arg18: memref<!tpu.dma_semaphore, #tpu.memory_space<semaphore_mem>>, %arg19: memref<!tpu.dma_semaphore, #tpu.memory_space<semaphore_mem>>, %arg20: memref<!tpu.dma_semaphore, #tpu.memory_space<semaphore_mem>>, %arg21: memref<!tpu.dma_semaphore, #tpu.memory_space<semaphore_mem>>, %arg22: memref<!tpu.dma_semaphore, #tpu.memory_space<semaphore_mem>>, %arg23: memref<!tpu.dma_semaphore, #tpu.memory_space<semaphore_mem>>, %arg24: memref<!tpu.dma_semaphore, #tpu.memory_space<semaphore_mem>>, %arg25: memref<!tpu.dma_semaphore, #tpu.memory_space<semaphore_mem>>) attributes {dimension_semantics = [#tpu.dimension_semantics<core_parallel>, #tpu.dimension_semantics<subcore_parallel>], iteration_bounds = array<i64: 2, 16>, scalar_prefetch = 0 : i64, scratch_operands = 19 : i64, tpu.core_type = #tpu.core_type<sc_vector_subcore>, window_params = [{transform_indices = #map}, {transform_indices = #map}, {transform_indices = #map1}, {transform_indices = #map1}, {transform_indices = #map1}]} {
    %mul3A = arith.constant 8192 : i32
    %mul3A_0 = arith.muli %arg1, %mul3A : i32
    %mul3A_1 = arith.constant 131072 : i32
    %mul3A_2 = arith.muli %arg0, %mul3A_1 : i32
    %add3A = arith.addi %mul3A_2, %mul3A_0 : i32
    "tpu.region"() ({
      %run_scoped3A = tpu.sem_alloc : memref<!tpu.dma_semaphore, #tpu.memory_space<semaphore_mem>>
      %dma_start3A_38 = tpu.memref_slice %arg3[%add3A] : memref<262144xi32, #tpu.memory_space<hbm>> -> memref<8192xi32, #tpu.memory_space<hbm>>
      %dma_start3A_39 = tpu.memref_slice %arg3[%add3A] : memref<262144xi32, #tpu.memory_space<hbm>> -> memref<8192xi32, #tpu.memory_space<hbm>>
      tpu.enqueue_dma source(%dma_start3A_39 : memref<8192xi32, #tpu.memory_space<hbm>>) target(%arg8 : memref<8192xi32, #tpu.memory_space<vmem>>) target_semaphore(%run_scoped3A : memref<!tpu.dma_semaphore, #tpu.memory_space<semaphore_mem>>)
      %dma_wait3A_40 = tpu.memref_slice %arg3[%add3A] : memref<262144xi32, #tpu.memory_space<hbm>> -> memref<8192xi32, #tpu.memory_space<hbm>>
      %dma_wait3A_41 = tpu.memref_slice %arg3[%add3A] : memref<262144xi32, #tpu.memory_space<hbm>> -> memref<8192xi32, #tpu.memory_space<hbm>>
      tpu.wait_dma2 semaphore(%run_scoped3A : memref<!tpu.dma_semaphore, #tpu.memory_space<semaphore_mem>>) src(%dma_wait3A_41 : memref<8192xi32, #tpu.memory_space<hbm>>) dst(%arg8 : memref<8192xi32, #tpu.memory_space<vmem>>)
      tpu.yield
    }) : () -> ()
    "tpu.region"() ({
      %run_scoped3A = tpu.sem_alloc : memref<!tpu.dma_semaphore, #tpu.memory_space<semaphore_mem>>
      %dma_start3A_38 = tpu.memref_slice %arg2[%add3A] : memref<262144xi32, #tpu.memory_space<hbm>> -> memref<8192xi32, #tpu.memory_space<hbm>>
      %dma_start3A_39 = tpu.memref_slice %arg2[%add3A] : memref<262144xi32, #tpu.memory_space<hbm>> -> memref<8192xi32, #tpu.memory_space<hbm>>
      tpu.enqueue_dma source(%dma_start3A_39 : memref<8192xi32, #tpu.memory_space<hbm>>) target(%arg7 : memref<8192xi32, #tpu.memory_space<vmem>>) target_semaphore(%run_scoped3A : memref<!tpu.dma_semaphore, #tpu.memory_space<semaphore_mem>>)
      %dma_wait3A_40 = tpu.memref_slice %arg2[%add3A] : memref<262144xi32, #tpu.memory_space<hbm>> -> memref<8192xi32, #tpu.memory_space<hbm>>
      %dma_wait3A_41 = tpu.memref_slice %arg2[%add3A] : memref<262144xi32, #tpu.memory_space<hbm>> -> memref<8192xi32, #tpu.memory_space<hbm>>
      tpu.wait_dma2 semaphore(%run_scoped3A : memref<!tpu.dma_semaphore, #tpu.memory_space<semaphore_mem>>) src(%dma_wait3A_41 : memref<8192xi32, #tpu.memory_space<hbm>>) dst(%arg7 : memref<8192xi32, #tpu.memory_space<vmem>>)
      tpu.yield
    }) : () -> ()
    %mul3A_3 = arith.constant 256 : i32
    %mul3A_4 = arith.muli %arg1, %mul3A_3 : i32
    %mul3A_5 = arith.constant 256 : i32
    %mul3A_6 = arith.muli %arg1, %mul3A_5 : i32
    %dma_start3A = arith.constant 0 : i32
    %dma_start3A_7 = tpu.memref_slice %arg15[%mul3A_6, %dma_start3A] : memref<4096x128xf32, #tpu.memory_space<vmem_shared>> -> memref<256x128xf32, #tpu.memory_space<vmem_shared>>
    %dma_start3A_8 = arith.constant 0 : i32
    %dma_start3A_9 = tpu.memref_slice %arg5[%mul3A_4, %dma_start3A_8] : memref<4096x128xf32, #tpu.memory_space<hbm>> -> memref<256x128xf32, #tpu.memory_space<hbm>>
    tpu.enqueue_dma source(%dma_start3A_9 : memref<256x128xf32, #tpu.memory_space<hbm>>) target(%dma_start3A_7 : memref<256x128xf32, #tpu.memory_space<vmem_shared>>) target_semaphore(%arg17 : memref<!tpu.dma_semaphore, #tpu.memory_space<semaphore_mem>>)
    %scan3A = arith.constant 0 : i32
    %scan3A_10 = arith.constant 0 : i32
    %scan3A_11 = arith.constant 512 : i32
    %scan3A_12 = arith.addi %scan3A_10, %scan3A_11 : i32
    %scan3A_13 = arith.constant 1 : i32
    %scan3A_14 = scf.for %scan3A_38 = %scan3A_10 to %scan3A_12 step %scan3A_13 iter_args(%scan3A_39 = %scan3A) -> (i32)  : i32 {
      %jit3A = arith.constant 8 : i32
      %div3A = arith.divsi %scan3A_38, %jit3A : i32
      %sign3A = arith.constant 0 : i32
      %sign3A_40 = arith.cmpi sgt, %scan3A_38, %sign3A : i32
      %sign3A_41 = arith.extui %sign3A_40 : i1 to i32
      %sign3A_42 = arith.constant 0 : i32
      %sign3A_43 = arith.cmpi slt, %scan3A_38, %sign3A_42 : i32
      %sign3A_44 = arith.extui %sign3A_43 : i1 to i32
      %sign3A_45 = arith.subi %sign3A_41, %sign3A_44 : i32
      %sign3A_46 = arith.constant 0 : i32
      %sign3A_47 = arith.cmpi sgt, %jit3A, %sign3A_46 : i32
      %sign3A_48 = arith.extui %sign3A_47 : i1 to i32
      %sign3A_49 = arith.constant 0 : i32
      %sign3A_50 = arith.cmpi slt, %jit3A, %sign3A_49 : i32
      %sign3A_51 = arith.extui %sign3A_50 : i1 to i32
      %sign3A_52 = arith.subi %sign3A_48, %sign3A_51 : i32
      %ne3A = arith.cmpi ne, %sign3A_45, %sign3A_52 : i32
      %rem3A = arith.remsi %scan3A_38, %jit3A : i32
      %ne3A_53 = arith.constant 0 : i32
      %ne3A_54 = arith.cmpi ne, %rem3A, %ne3A_53 : i32
      %and3A = arith.andi %ne3A, %ne3A_54 : i1
      %sub3A = arith.constant 1 : i32
      %sub3A_55 = arith.subi %div3A, %sub3A : i32
      %select_n3A = arith.select %and3A, %sub3A_55, %div3A : i32
      %jit3A_56 = arith.constant 8 : i32
      %eq3A = arith.constant 0 : i32
      %eq3A_57 = arith.cmpi eq, %jit3A_56, %eq3A : i32
      %jit3A_58 = arith.constant 1 : i32
      %select_n3A_59 = arith.select %eq3A_57, %jit3A_58, %jit3A_56 : i32
      %rem3A_60 = arith.remsi %scan3A_38, %select_n3A_59 : i32
      %ne3A_61 = arith.constant 0 : i32
      %ne3A_62 = arith.cmpi ne, %rem3A_60, %ne3A_61 : i32
      %lt3A = arith.constant 0 : i32
      %lt3A_63 = arith.cmpi slt, %rem3A_60, %lt3A : i32
      %lt3A_64 = arith.constant 0 : i32
      %lt3A_65 = arith.cmpi slt, %select_n3A_59, %lt3A_64 : i32
      %ne3A_66 = arith.xori %lt3A_63, %lt3A_65 : i1
      %and3A_67 = arith.andi %ne3A_66, %ne3A_62 : i1
      %add3A_68 = arith.addi %rem3A_60, %select_n3A_59 : i32
      %select_n3A_69 = arith.select %and3A_67, %add3A_68, %rem3A_60 : i32
      %mul3A_70 = arith.constant 16 : i32
      %mul3A_71 = arith.muli %select_n3A_69, %mul3A_70 : i32
      %mul3A_72 = arith.constant 16 : i32
      %mul3A_73 = arith.muli %scan3A_38, %mul3A_72 : i32
      %get3A = arith.index_cast %mul3A_73 : i32 to index
      %get3A_74 = tpu.vector_load %arg7[%get3A] {strides = array<i32>} : memref<8192xi32, #tpu.memory_space<vmem>>, vector<16xi32>,
      %get3A_75 = vector.shape_cast %get3A_74 : vector<16xi32> to vector<16xi32>
      %ge3A = arith.constant 0 : i32
      %ge3A_76 = vector.broadcast %ge3A : i32 to vector<16xi32>
      %ge3A_77 = arith.cmpi sge, %get3A_75, %ge3A_76 : vector<16xi32>
      %get3A_78 = arith.index_cast %mul3A_73 : i32 to index
      %get3A_79 = tpu.vector_load %arg8[%get3A_78] {strides = array<i32>} : memref<8192xi32, #tpu.memory_space<vmem>>, vector<16xi32>,
      %get3A_80 = vector.shape_cast %get3A_79 : vector<16xi32> to vector<16xi32>
      %jit3A_81 = arith.constant 4096 : i32
      %broadcast_in_dim3A = vector.broadcast %jit3A_81 : i32 to vector<16xi32>
      %select_n3A_82 = arith.select %ge3A_77, %get3A_80, %broadcast_in_dim3A : vector<16xi1>, vector<16xi32>
      %swap3A = arith.index_cast %mul3A_73 : i32 to index
      %swap3A_83 = tpu.vector_load %arg9[%swap3A] {strides = array<i32>} : memref<8192xi32, #tpu.memory_space<vmem>>, vector<16xi32>,
      %swap3A_84 = vector.shape_cast %swap3A_83 : vector<16xi32> to vector<16xi32>
      %swap3A_85 = vector.shape_cast %select_n3A_82 : vector<16xi32> to vector<16xi32>
      tpu.vector_store %arg9[%swap3A], %swap3A_85 {strides = array<i32>} : memref<8192xi32, #tpu.memory_space<vmem>>, vector<16xi32>,
      %jit3A_86 = arith.constant 0 : i32
      %broadcast_in_dim3A_87 = vector.broadcast %jit3A_86 : i32 to vector<16xi32>
      %select_n3A_88 = arith.select %ge3A_77, %get3A_75, %broadcast_in_dim3A_87 : vector<16xi1>, vector<16xi32>
      %swap3A_89 = arith.index_cast %select_n3A : i32 to index
      %swap3A_90 = arith.index_cast %mul3A_71 : i32 to index
      %swap3A_91 = tpu.vector_load %arg10[%swap3A_89, %swap3A_90] {strides = array<i32>} : memref<64x128xi32, #tpu.memory_space<vmem>>, vector<1x16xi32>,
      %swap3A_92 = vector.shape_cast %swap3A_91 : vector<1x16xi32> to vector<16xi32>
      %swap3A_93 = vector.shape_cast %select_n3A_88 : vector<16xi32> to vector<1x16xi32>
      tpu.vector_store %arg10[%swap3A_89, %swap3A_90], %swap3A_93 {strides = array<i32>} : memref<64x128xi32, #tpu.memory_space<vmem>>, vector<1x16xi32>,
      %scan3A_94 = arith.constant 0 : i32
      scf.yield %scan3A_94 : i32
    }
    %scan3A_15 = arith.constant 512 : i32
    %mul3A_16 = arith.constant 256 : i32
    %mul3A_17 = arith.muli %arg1, %mul3A_16 : i32
    %mul3A_18 = arith.constant 256 : i32
    %mul3A_19 = arith.muli %arg1, %mul3A_18 : i32
    %dma_wait3A = arith.constant 0 : i32
    %dma_wait3A_20 = tpu.memref_slice %arg15[%mul3A_19, %dma_wait3A] : memref<4096x128xf32, #tpu.memory_space<vmem_shared>> -> memref<256x128xf32, #tpu.memory_space<vmem_shared>>
    %dma_wait3A_21 = arith.constant 0 : i32
    %dma_wait3A_22 = tpu.memref_slice %arg5[%mul3A_17, %dma_wait3A_21] : memref<4096x128xf32, #tpu.memory_space<hbm>> -> memref<256x128xf32, #tpu.memory_space<hbm>>
    tpu.wait_dma2 semaphore(%arg17 : memref<!tpu.dma_semaphore, #tpu.memory_space<semaphore_mem>>) src(%dma_wait3A_22 : memref<256x128xf32, #tpu.memory_space<hbm>>) dst(%dma_wait3A_20 : memref<256x128xf32, #tpu.memory_space<vmem_shared>>)
    %barrier3A = arith.constant 0 : index
    tpu.barrier barrier_id(%barrier3A)
    %scan3A_23 = arith.constant 0 : i32
    %scan3A_24 = arith.constant 0 : i32
    %scan3A_25 = arith.constant 16 : i32
    %scan3A_26 = arith.addi %scan3A_24, %scan3A_25 : i32
    %scan3A_27 = arith.constant 1 : i32
    %scan3A_28 = scf.for %scan3A_38 = %scan3A_24 to %scan3A_26 step %scan3A_27 iter_args(%scan3A_39 = %scan3A_23) -> (i32)  : i32 {
      %mul3A_40 = arith.constant 4 : i32
      %mul3A_41 = arith.muli %mul3A_40, %scan3A_38 : i32
      %add3A_42 = arith.constant 0 : i32
      %add3A_43 = arith.addi %mul3A_41, %add3A_42 : i32
      %mul3A_44 = arith.constant 128 : i32
      %mul3A_45 = arith.muli %add3A_43, %mul3A_44 : i32
      %dma_start3A_46 = tpu.memref_slice %arg9[%mul3A_45] : memref<8192xi32, #tpu.memory_space<vmem>> -> memref<128xi32, #tpu.memory_space<vmem>>
      %dma_start3A_47 = arith.constant 0 : i32
      %dma_start3A_48 = arith.constant 0 : i32
      %dma_start3A_49 = tpu.memref_slice %arg4[%dma_start3A_47, %dma_start3A_48] : memref<4104x128xf32, #tpu.memory_space<hbm>> -> memref<4104x128xf32, #tpu.memory_space<hbm>>
      tpu.enqueue_indirect_dma source(%dma_start3A_49 : memref<4104x128xf32, #tpu.memory_space<hbm>>) target(%arg11 : memref<128x128xf32, #tpu.memory_space<vmem>>) offsets(%dma_start3A_46 : memref<128xi32, #tpu.memory_space<vmem>>) semaphore(%arg18 : memref<!tpu.dma_semaphore, #tpu.memory_space<semaphore_mem>>)
      %dma_wait3A_50 = tpu.memref_slice %arg9[%mul3A_45] : memref<8192xi32, #tpu.memory_space<vmem>> -> memref<128xi32, #tpu.memory_space<vmem>>
      %dma_wait3A_51 = arith.constant 0 : i32
      %dma_wait3A_52 = arith.constant 0 : i32
      %dma_wait3A_53 = tpu.memref_slice %arg4[%dma_wait3A_51, %dma_wait3A_52] : memref<4104x128xf32, #tpu.memory_space<hbm>> -> memref<4104x128xf32, #tpu.memory_space<hbm>>
      tpu.wait_indirect_dma semaphore(%arg18 : memref<!tpu.dma_semaphore, #tpu.memory_space<semaphore_mem>>) src(%dma_wait3A_53 : memref<4104x128xf32, #tpu.memory_space<hbm>>) dst(%arg11 : memref<128x128xf32, #tpu.memory_space<vmem>>)
      %add3A_54 = arith.constant 0 : i32
      %add3A_55 = arith.addi %mul3A_41, %add3A_54 : i32
      %dma_start3A_56 = arith.constant 0 : i32
      %dma_start3A_57 = tpu.memref_slice %arg10[%add3A_55, %dma_start3A_56] : memref<64x128xi32, #tpu.memory_space<vmem>> -> memref<1x128xi32, #tpu.memory_space<vmem>>
      %dma_start3A_58 = tpu.memref_squeeze %dma_start3A_57 : memref<1x128xi32, #tpu.memory_space<vmem>> -> memref<128xi32, #tpu.memory_space<vmem>>
      %dma_start3A_59 = arith.constant 0 : i32
      %dma_start3A_60 = arith.constant 0 : i32
      %dma_start3A_61 = tpu.memref_slice %arg15[%dma_start3A_59, %dma_start3A_60] : memref<4096x128xf32, #tpu.memory_space<vmem_shared>> -> memref<4096x128xf32, #tpu.memory_space<vmem_shared>>
      tpu.enqueue_indirect_dma source(%arg11 : memref<128x128xf32, #tpu.memory_space<vmem>>) target(%dma_start3A_61 : memref<4096x128xf32, #tpu.memory_space<vmem_shared>>) offsets(%dma_start3A_58 : memref<128xi32, #tpu.memory_space<vmem>>) semaphore(%arg22 : memref<!tpu.dma_semaphore, #tpu.memory_space<semaphore_mem>>) {add = true}
      %dma_wait3A_62 = arith.constant 0 : i32
      %dma_wait3A_63 = tpu.memref_slice %arg10[%add3A_55, %dma_wait3A_62] : memref<64x128xi32, #tpu.memory_space<vmem>> -> memref<1x128xi32, #tpu.memory_space<vmem>>
      %dma_wait3A_64 = tpu.memref_squeeze %dma_wait3A_63 : memref<1x128xi32, #tpu.memory_space<vmem>> -> memref<128xi32, #tpu.memory_space<vmem>>
      %dma_wait3A_65 = arith.constant 0 : i32
      %dma_wait3A_66 = arith.constant 0 : i32
      %dma_wait3A_67 = tpu.memref_slice %arg15[%dma_wait3A_65, %dma_wait3A_66] : memref<4096x128xf32, #tpu.memory_space<vmem_shared>> -> memref<4096x128xf32, #tpu.memory_space<vmem_shared>>
      tpu.wait_indirect_dma semaphore(%arg22 : memref<!tpu.dma_semaphore, #tpu.memory_space<semaphore_mem>>) src(%arg11 : memref<128x128xf32, #tpu.memory_space<vmem>>) dst(%dma_wait3A_67 : memref<4096x128xf32, #tpu.memory_space<vmem_shared>>)
      %add3A_68 = arith.constant 1 : i32
      %add3A_69 = arith.addi %mul3A_41, %add3A_68 : i32
      %mul3A_70 = arith.constant 128 : i32
      %mul3A_71 = arith.muli %add3A_69, %mul3A_70 : i32
      %dma_start3A_72 = tpu.memref_slice %arg9[%mul3A_71] : memref<8192xi32, #tpu.memory_space<vmem>> -> memref<128xi32, #tpu.memory_space<vmem>>
      %dma_start3A_73 = arith.constant 0 : i32
      %dma_start3A_74 = arith.constant 0 : i32
      %dma_start3A_75 = tpu.memref_slice %arg4[%dma_start3A_73, %dma_start3A_74] : memref<4104x128xf32, #tpu.memory_space<hbm>> -> memref<4104x128xf32, #tpu.memory_space<hbm>>
      tpu.enqueue_indirect_dma source(%dma_start3A_75 : memref<4104x128xf32, #tpu.memory_space<hbm>>) target(%arg12 : memref<128x128xf32, #tpu.memory_space<vmem>>) offsets(%dma_start3A_72 : memref<128xi32, #tpu.memory_space<vmem>>) semaphore(%arg19 : memref<!tpu.dma_semaphore, #tpu.memory_space<semaphore_mem>>)
      %dma_wait3A_76 = tpu.memref_slice %arg9[%mul3A_71] : memref<8192xi32, #tpu.memory_space<vmem>> -> memref<128xi32, #tpu.memory_space<vmem>>
      %dma_wait3A_77 = arith.constant 0 : i32
      %dma_wait3A_78 = arith.constant 0 : i32
      %dma_wait3A_79 = tpu.memref_slice %arg4[%dma_wait3A_77, %dma_wait3A_78] : memref<4104x128xf32, #tpu.memory_space<hbm>> -> memref<4104x128xf32, #tpu.memory_space<hbm>>
      tpu.wait_indirect_dma semaphore(%arg19 : memref<!tpu.dma_semaphore, #tpu.memory_space<semaphore_mem>>) src(%dma_wait3A_79 : memref<4104x128xf32, #tpu.memory_space<hbm>>) dst(%arg12 : memref<128x128xf32, #tpu.memory_space<vmem>>)
      %add3A_80 = arith.constant 1 : i32
      %add3A_81 = arith.addi %mul3A_41, %add3A_80 : i32
      %dma_start3A_82 = arith.constant 0 : i32
      %dma_start3A_83 = tpu.memref_slice %arg10[%add3A_81, %dma_start3A_82] : memref<64x128xi32, #tpu.memory_space<vmem>> -> memref<1x128xi32, #tpu.memory_space<vmem>>
      %dma_start3A_84 = tpu.memref_squeeze %dma_start3A_83 : memref<1x128xi32, #tpu.memory_space<vmem>> -> memref<128xi32, #tpu.memory_space<vmem>>
      %dma_start3A_85 = arith.constant 0 : i32
      %dma_start3A_86 = arith.constant 0 : i32
      %dma_start3A_87 = tpu.memref_slice %arg15[%dma_start3A_85, %dma_start3A_86] : memref<4096x128xf32, #tpu.memory_space<vmem_shared>> -> memref<4096x128xf32, #tpu.memory_space<vmem_shared>>
      tpu.enqueue_indirect_dma source(%arg12 : memref<128x128xf32, #tpu.memory_space<vmem>>) target(%dma_start3A_87 : memref<4096x128xf32, #tpu.memory_space<vmem_shared>>) offsets(%dma_start3A_84 : memref<128xi32, #tpu.memory_space<vmem>>) semaphore(%arg23 : memref<!tpu.dma_semaphore, #tpu.memory_space<semaphore_mem>>) {add = true}
      %dma_wait3A_88 = arith.constant 0 : i32
      %dma_wait3A_89 = tpu.memref_slice %arg10[%add3A_81, %dma_wait3A_88] : memref<64x128xi32, #tpu.memory_space<vmem>> -> memref<1x128xi32, #tpu.memory_space<vmem>>
      %dma_wait3A_90 = tpu.memref_squeeze %dma_wait3A_89 : memref<1x128xi32, #tpu.memory_space<vmem>> -> memref<128xi32, #tpu.memory_space<vmem>>
      %dma_wait3A_91 = arith.constant 0 : i32
      %dma_wait3A_92 = arith.constant 0 : i32
      %dma_wait3A_93 = tpu.memref_slice %arg15[%dma_wait3A_91, %dma_wait3A_92] : memref<4096x128xf32, #tpu.memory_space<vmem_shared>> -> memref<4096x128xf32, #tpu.memory_space<vmem_shared>>
      tpu.wait_indirect_dma semaphore(%arg23 : memref<!tpu.dma_semaphore, #tpu.memory_space<semaphore_mem>>) src(%arg12 : memref<128x128xf32, #tpu.memory_space<vmem>>) dst(%dma_wait3A_93 : memref<4096x128xf32, #tpu.memory_space<vmem_shared>>)
      %add3A_94 = arith.constant 2 : i32
      %add3A_95 = arith.addi %mul3A_41, %add3A_94 : i32
      %mul3A_96 = arith.constant 128 : i32
      %mul3A_97 = arith.muli %add3A_95, %mul3A_96 : i32
      %dma_start3A_98 = tpu.memref_slice %arg9[%mul3A_97] : memref<8192xi32, #tpu.memory_space<vmem>> -> memref<128xi32, #tpu.memory_space<vmem>>
      %dma_start3A_99 = arith.constant 0 : i32
      %dma_start3A_100 = arith.constant 0 : i32
      %dma_start3A_101 = tpu.memref_slice %arg4[%dma_start3A_99, %dma_start3A_100] : memref<4104x128xf32, #tpu.memory_space<hbm>> -> memref<4104x128xf32, #tpu.memory_space<hbm>>
      tpu.enqueue_indirect_dma source(%dma_start3A_101 : memref<4104x128xf32, #tpu.memory_space<hbm>>) target(%arg13 : memref<128x128xf32, #tpu.memory_space<vmem>>) offsets(%dma_start3A_98 : memref<128xi32, #tpu.memory_space<vmem>>) semaphore(%arg20 : memref<!tpu.dma_semaphore, #tpu.memory_space<semaphore_mem>>)
      %dma_wait3A_102 = tpu.memref_slice %arg9[%mul3A_97] : memref<8192xi32, #tpu.memory_space<vmem>> -> memref<128xi32, #tpu.memory_space<vmem>>
      %dma_wait3A_103 = arith.constant 0 : i32
      %dma_wait3A_104 = arith.constant 0 : i32
      %dma_wait3A_105 = tpu.memref_slice %arg4[%dma_wait3A_103, %dma_wait3A_104] : memref<4104x128xf32, #tpu.memory_space<hbm>> -> memref<4104x128xf32, #tpu.memory_space<hbm>>
      tpu.wait_indirect_dma semaphore(%arg20 : memref<!tpu.dma_semaphore, #tpu.memory_space<semaphore_mem>>) src(%dma_wait3A_105 : memref<4104x128xf32, #tpu.memory_space<hbm>>) dst(%arg13 : memref<128x128xf32, #tpu.memory_space<vmem>>)
      %add3A_106 = arith.constant 2 : i32
      %add3A_107 = arith.addi %mul3A_41, %add3A_106 : i32
      %dma_start3A_108 = arith.constant 0 : i32
      %dma_start3A_109 = tpu.memref_slice %arg10[%add3A_107, %dma_start3A_108] : memref<64x128xi32, #tpu.memory_space<vmem>> -> memref<1x128xi32, #tpu.memory_space<vmem>>
      %dma_start3A_110 = tpu.memref_squeeze %dma_start3A_109 : memref<1x128xi32, #tpu.memory_space<vmem>> -> memref<128xi32, #tpu.memory_space<vmem>>
      %dma_start3A_111 = arith.constant 0 : i32
      %dma_start3A_112 = arith.constant 0 : i32
      %dma_start3A_113 = tpu.memref_slice %arg15[%dma_start3A_111, %dma_start3A_112] : memref<4096x128xf32, #tpu.memory_space<vmem_shared>> -> memref<4096x128xf32, #tpu.memory_space<vmem_shared>>
      tpu.enqueue_indirect_dma source(%arg13 : memref<128x128xf32, #tpu.memory_space<vmem>>) target(%dma_start3A_113 : memref<4096x128xf32, #tpu.memory_space<vmem_shared>>) offsets(%dma_start3A_110 : memref<128xi32, #tpu.memory_space<vmem>>) semaphore(%arg24 : memref<!tpu.dma_semaphore, #tpu.memory_space<semaphore_mem>>) {add = true}
      %dma_wait3A_114 = arith.constant 0 : i32
      %dma_wait3A_115 = tpu.memref_slice %arg10[%add3A_107, %dma_wait3A_114] : memref<64x128xi32, #tpu.memory_space<vmem>> -> memref<1x128xi32, #tpu.memory_space<vmem>>
      %dma_wait3A_116 = tpu.memref_squeeze %dma_wait3A_115 : memref<1x128xi32, #tpu.memory_space<vmem>> -> memref<128xi32, #tpu.memory_space<vmem>>
      %dma_wait3A_117 = arith.constant 0 : i32
      %dma_wait3A_118 = arith.constant 0 : i32
      %dma_wait3A_119 = tpu.memref_slice %arg15[%dma_wait3A_117, %dma_wait3A_118] : memref<4096x128xf32, #tpu.memory_space<vmem_shared>> -> memref<4096x128xf32, #tpu.memory_space<vmem_shared>>
      tpu.wait_indirect_dma semaphore(%arg24 : memref<!tpu.dma_semaphore, #tpu.memory_space<semaphore_mem>>) src(%arg13 : memref<128x128xf32, #tpu.memory_space<vmem>>) dst(%dma_wait3A_119 : memref<4096x128xf32, #tpu.memory_space<vmem_shared>>)
      %add3A_120 = arith.constant 3 : i32
      %add3A_121 = arith.addi %mul3A_41, %add3A_120 : i32
      %mul3A_122 = arith.constant 128 : i32
      %mul3A_123 = arith.muli %add3A_121, %mul3A_122 : i32
      %dma_start3A_124 = tpu.memref_slice %arg9[%mul3A_123] : memref<8192xi32, #tpu.memory_space<vmem>> -> memref<128xi32, #tpu.memory_space<vmem>>
      %dma_start3A_125 = arith.constant 0 : i32
      %dma_start3A_126 = arith.constant 0 : i32
      %dma_start3A_127 = tpu.memref_slice %arg4[%dma_start3A_125, %dma_start3A_126] : memref<4104x128xf32, #tpu.memory_space<hbm>> -> memref<4104x128xf32, #tpu.memory_space<hbm>>
      tpu.enqueue_indirect_dma source(%dma_start3A_127 : memref<4104x128xf32, #tpu.memory_space<hbm>>) target(%arg14 : memref<128x128xf32, #tpu.memory_space<vmem>>) offsets(%dma_start3A_124 : memref<128xi32, #tpu.memory_space<vmem>>) semaphore(%arg21 : memref<!tpu.dma_semaphore, #tpu.memory_space<semaphore_mem>>)
      %dma_wait3A_128 = tpu.memref_slice %arg9[%mul3A_123] : memref<8192xi32, #tpu.memory_space<vmem>> -> memref<128xi32, #tpu.memory_space<vmem>>
      %dma_wait3A_129 = arith.constant 0 : i32
      %dma_wait3A_130 = arith.constant 0 : i32
      %dma_wait3A_131 = tpu.memref_slice %arg4[%dma_wait3A_129, %dma_wait3A_130] : memref<4104x128xf32, #tpu.memory_space<hbm>> -> memref<4104x128xf32, #tpu.memory_space<hbm>>
      tpu.wait_indirect_dma semaphore(%arg21 : memref<!tpu.dma_semaphore, #tpu.memory_space<semaphore_mem>>) src(%dma_wait3A_131 : memref<4104x128xf32, #tpu.memory_space<hbm>>) dst(%arg14 : memref<128x128xf32, #tpu.memory_space<vmem>>)
      %add3A_132 = arith.constant 3 : i32
      %add3A_133 = arith.addi %mul3A_41, %add3A_132 : i32
      %dma_start3A_134 = arith.constant 0 : i32
      %dma_start3A_135 = tpu.memref_slice %arg10[%add3A_133, %dma_start3A_134] : memref<64x128xi32, #tpu.memory_space<vmem>> -> memref<1x128xi32, #tpu.memory_space<vmem>>
      %dma_start3A_136 = tpu.memref_squeeze %dma_start3A_135 : memref<1x128xi32, #tpu.memory_space<vmem>> -> memref<128xi32, #tpu.memory_space<vmem>>
      %dma_start3A_137 = arith.constant 0 : i32
      %dma_start3A_138 = arith.constant 0 : i32
      %dma_start3A_139 = tpu.memref_slice %arg15[%dma_start3A_137, %dma_start3A_138] : memref<4096x128xf32, #tpu.memory_space<vmem_shared>> -> memref<4096x128xf32, #tpu.memory_space<vmem_shared>>
      tpu.enqueue_indirect_dma source(%arg14 : memref<128x128xf32, #tpu.memory_space<vmem>>) target(%dma_start3A_139 : memref<4096x128xf32, #tpu.memory_space<vmem_shared>>) offsets(%dma_start3A_136 : memref<128xi32, #tpu.memory_space<vmem>>) semaphore(%arg25 : memref<!tpu.dma_semaphore, #tpu.memory_space<semaphore_mem>>) {add = true}
      %dma_wait3A_140 = arith.constant 0 : i32
      %dma_wait3A_141 = tpu.memref_slice %arg10[%add3A_133, %dma_wait3A_140] : memref<64x128xi32, #tpu.memory_space<vmem>> -> memref<1x128xi32, #tpu.memory_space<vmem>>
      %dma_wait3A_142 = tpu.memref_squeeze %dma_wait3A_141 : memref<1x128xi32, #tpu.memory_space<vmem>> -> memref<128xi32, #tpu.memory_space<vmem>>
      %dma_wait3A_143 = arith.constant 0 : i32
      %dma_wait3A_144 = arith.constant 0 : i32
      %dma_wait3A_145 = tpu.memref_slice %arg15[%dma_wait3A_143, %dma_wait3A_144] : memref<4096x128xf32, #tpu.memory_space<vmem_shared>> -> memref<4096x128xf32, #tpu.memory_space<vmem_shared>>
      tpu.wait_indirect_dma semaphore(%arg25 : memref<!tpu.dma_semaphore, #tpu.memory_space<semaphore_mem>>) src(%arg14 : memref<128x128xf32, #tpu.memory_space<vmem>>) dst(%dma_wait3A_145 : memref<4096x128xf32, #tpu.memory_space<vmem_shared>>)
      %scan3A_146 = arith.constant 0 : i32
      scf.yield %scan3A_146 : i32
    }
    %scan3A_29 = arith.constant 16 : i32
    %barrier3A_30 = arith.constant 0 : index
    tpu.barrier barrier_id(%barrier3A_30)
    %mul3A_31 = arith.constant 256 : i32
    %mul3A_32 = arith.muli %arg1, %mul3A_31 : i32
    %mul3A_33 = arith.constant 4096 : i32
    %mul3A_34 = arith.muli %arg0, %mul3A_33 : i32
    %mul3A_35 = arith.constant 256 : i32
    %mul3A_36 = arith.muli %arg1, %mul3A_35 : i32
    %add3A_37 = arith.addi %mul3A_34, %mul3A_36 : i32
    "tpu.region"() ({
      %run_scoped3A = tpu.sem_alloc : memref<!tpu.dma_semaphore, #tpu.memory_space<semaphore_mem>>
      %dma_start3A_38 = arith.constant 0 : i32
      %dma_start3A_39 = tpu.memref_slice %arg6[%add3A_37, %dma_start3A_38] : memref<8192x128xf32, #tpu.memory_space<hbm>> -> memref<256x128xf32, #tpu.memory_space<hbm>>
      %dma_start3A_40 = arith.constant 0 : i32
      %dma_start3A_41 = tpu.memref_slice %arg15[%mul3A_32, %dma_start3A_40] : memref<4096x128xf32, #tpu.memory_space<vmem_shared>> -> memref<256x128xf32, #tpu.memory_space<vmem_shared>>
      tpu.enqueue_dma source(%dma_start3A_41 : memref<256x128xf32, #tpu.memory_space<vmem_shared>>) target(%dma_start3A_39 : memref<256x128xf32, #tpu.memory_space<hbm>>) target_semaphore(%run_scoped3A : memref<!tpu.dma_semaphore, #tpu.memory_space<semaphore_mem>>)
      %dma_wait3A_42 = arith.constant 0 : i32
      %dma_wait3A_43 = tpu.memref_slice %arg6[%add3A_37, %dma_wait3A_42] : memref<8192x128xf32, #tpu.memory_space<hbm>> -> memref<256x128xf32, #tpu.memory_space<hbm>>
      %dma_wait3A_44 = arith.constant 0 : i32
      %dma_wait3A_45 = tpu.memref_slice %arg15[%mul3A_32, %dma_wait3A_44] : memref<4096x128xf32, #tpu.memory_space<vmem_shared>> -> memref<256x128xf32, #tpu.memory_space<vmem_shared>>
      tpu.wait_dma2 semaphore(%run_scoped3A : memref<!tpu.dma_semaphore, #tpu.memory_space<semaphore_mem>>) src(%dma_wait3A_45 : memref<256x128xf32, #tpu.memory_space<vmem_shared>>) dst(%dma_wait3A_43 : memref<256x128xf32, #tpu.memory_space<hbm>>)
      tpu.yield
    }) : () -> ()
    return
  }
}

#map = affine_map<(d0, d1) -> (0)>
#map1 = affine_map<(d0, d1) -> (0, 0)>
module attributes {stable_mosaic.version = 14 : i64} {
  func.func @_sc1_body(%arg0: i32, %arg1: i32, %arg2: memref<262144xi32, #tpu.memory_space<hbm>>, %arg3: memref<262144xi32, #tpu.memory_space<hbm>>, %arg4: memref<4096x128xf32, #tpu.memory_space<hbm>>, %arg5: memref<4096x128xf32, #tpu.memory_space<hbm>>, %arg6: memref<8192x128xf32, #tpu.memory_space<hbm>>, %arg7: memref<33554432xi32, #tpu.memory_space<hbm>>, %arg8: memref<8192xi32, #tpu.memory_space<vmem>>, %arg9: memref<64x128xi32, #tpu.memory_space<vmem>>, %arg10: memref<64x128xi32, #tpu.memory_space<vmem>>, %arg11: memref<64x128xi32, #tpu.memory_space<vmem>>, %arg12: memref<128x128xf32, #tpu.memory_space<vmem>>, %arg13: memref<128x128xf32, #tpu.memory_space<vmem>>, %arg14: memref<4096x128xf32, #tpu.memory_space<vmem_shared>>, %arg15: memref<!tpu.dma_semaphore, #tpu.memory_space<semaphore_mem>>, %arg16: memref<!tpu.dma_semaphore, #tpu.memory_space<semaphore_mem>>, %arg17: memref<!tpu.dma_semaphore, #tpu.memory_space<semaphore_mem>>, %arg18: memref<!tpu.dma_semaphore, #tpu.memory_space<semaphore_mem>>, %arg19: memref<!tpu.dma_semaphore, #tpu.memory_space<semaphore_mem>>, %arg20: memref<!tpu.dma_semaphore, #tpu.memory_space<semaphore_mem>>, %arg21: memref<!tpu.dma_semaphore, #tpu.memory_space<semaphore_mem>>, %arg22: memref<!tpu.dma_semaphore, #tpu.memory_space<semaphore_mem>>) attributes {dimension_semantics = [#tpu.dimension_semantics<core_parallel>, #tpu.dimension_semantics<subcore_parallel>], iteration_bounds = array<i64: 2, 16>, scalar_prefetch = 0 : i64, scratch_operands = 15 : i64, tpu.core_type = #tpu.core_type<sc_vector_subcore>, window_params = [{transform_indices = #map}, {transform_indices = #map}, {transform_indices = #map1}, {transform_indices = #map1}, {transform_indices = #map1}, {transform_indices = #map}]} {
    %mul3A = arith.constant 8192 : i32
    %mul3A_0 = arith.muli %arg1, %mul3A : i32
    %mul3A_1 = arith.constant 131072 : i32
    %mul3A_2 = arith.muli %arg0, %mul3A_1 : i32
    %add3A = arith.addi %mul3A_2, %mul3A_0 : i32
    "tpu.region"() ({
      %run_scoped3A = tpu.sem_alloc : memref<!tpu.dma_semaphore, #tpu.memory_space<semaphore_mem>>
      %dma_start3A_54 = tpu.memref_slice %arg2[%add3A] : memref<262144xi32, #tpu.memory_space<hbm>> -> memref<8192xi32, #tpu.memory_space<hbm>>
      %dma_start3A_55 = tpu.memref_slice %arg2[%add3A] : memref<262144xi32, #tpu.memory_space<hbm>> -> memref<8192xi32, #tpu.memory_space<hbm>>
      tpu.enqueue_dma source(%dma_start3A_55 : memref<8192xi32, #tpu.memory_space<hbm>>) target(%arg8 : memref<8192xi32, #tpu.memory_space<vmem>>) target_semaphore(%run_scoped3A : memref<!tpu.dma_semaphore, #tpu.memory_space<semaphore_mem>>)
      %dma_wait3A_56 = tpu.memref_slice %arg2[%add3A] : memref<262144xi32, #tpu.memory_space<hbm>> -> memref<8192xi32, #tpu.memory_space<hbm>>
      %dma_wait3A_57 = tpu.memref_slice %arg2[%add3A] : memref<262144xi32, #tpu.memory_space<hbm>> -> memref<8192xi32, #tpu.memory_space<hbm>>
      tpu.wait_dma2 semaphore(%run_scoped3A : memref<!tpu.dma_semaphore, #tpu.memory_space<semaphore_mem>>) src(%dma_wait3A_57 : memref<8192xi32, #tpu.memory_space<hbm>>) dst(%arg8 : memref<8192xi32, #tpu.memory_space<vmem>>)
      tpu.yield
    }) : () -> ()
    %mul3A_3 = arith.constant 16777216 : i32
    %mul3A_4 = arith.muli %arg0, %mul3A_3 : i32
    %mul3A_5 = arith.constant 256 : i32
    %mul3A_6 = arith.muli %arg1, %mul3A_5 : i32
    %mul3A_7 = arith.constant 256 : i32
    %mul3A_8 = arith.muli %arg1, %mul3A_7 : i32
    %dma_start3A = arith.constant 0 : i32
    %dma_start3A_9 = tpu.memref_slice %arg14[%mul3A_8, %dma_start3A] : memref<4096x128xf32, #tpu.memory_space<vmem_shared>> -> memref<256x128xf32, #tpu.memory_space<vmem_shared>>
    %dma_start3A_10 = arith.constant 0 : i32
    %dma_start3A_11 = tpu.memref_slice %arg5[%mul3A_6, %dma_start3A_10] : memref<4096x128xf32, #tpu.memory_space<hbm>> -> memref<256x128xf32, #tpu.memory_space<hbm>>
    tpu.enqueue_dma source(%dma_start3A_11 : memref<256x128xf32, #tpu.memory_space<hbm>>) target(%dma_start3A_9 : memref<256x128xf32, #tpu.memory_space<vmem_shared>>) target_semaphore(%arg17 : memref<!tpu.dma_semaphore, #tpu.memory_space<semaphore_mem>>)
    %scan3A = arith.constant 0 : i32
    %scan3A_12 = arith.constant 0 : i32
    %scan3A_13 = arith.constant 64 : i32
    %scan3A_14 = arith.addi %scan3A_12, %scan3A_13 : i32
    %scan3A_15 = arith.constant 1 : i32
    %scan3A_16 = scf.for %scan3A_54 = %scan3A_12 to %scan3A_14 step %scan3A_15 iter_args(%scan3A_55 = %scan3A) -> (i32)  : i32 {
      %mul3A_56 = arith.constant 128 : i32
      %mul3A_57 = arith.muli %scan3A_54, %mul3A_56 : i32
      %add3A_58 = arith.addi %add3A, %mul3A_57 : i32
      "tpu.region"() ({
        %run_scoped3A = tpu.sem_alloc : memref<!tpu.dma_semaphore, #tpu.memory_space<semaphore_mem>>
        %dma_start3A_60 = arith.constant 0 : i32
        %dma_start3A_61 = tpu.memref_slice %arg11[%scan3A_54, %dma_start3A_60] : memref<64x128xi32, #tpu.memory_space<vmem>> -> memref<1x128xi32, #tpu.memory_space<vmem>>
        %dma_start3A_62 = tpu.memref_squeeze %dma_start3A_61 : memref<1x128xi32, #tpu.memory_space<vmem>> -> memref<128xi32, #tpu.memory_space<vmem>>
        %dma_start3A_63 = tpu.memref_slice %arg3[%add3A_58] : memref<262144xi32, #tpu.memory_space<hbm>> -> memref<128xi32, #tpu.memory_space<hbm>>
        %dma_start3A_64 = arith.constant 0 : i32
        %dma_start3A_65 = tpu.memref_slice %arg11[%scan3A_54, %dma_start3A_64] : memref<64x128xi32, #tpu.memory_space<vmem>> -> memref<1x128xi32, #tpu.memory_space<vmem>>
        %dma_start3A_66 = tpu.memref_squeeze %dma_start3A_65 : memref<1x128xi32, #tpu.memory_space<vmem>> -> memref<128xi32, #tpu.memory_space<vmem>>
        %dma_start3A_67 = tpu.memref_slice %arg3[%add3A_58] : memref<262144xi32, #tpu.memory_space<hbm>> -> memref<128xi32, #tpu.memory_space<hbm>>
        tpu.enqueue_dma source(%dma_start3A_67 : memref<128xi32, #tpu.memory_space<hbm>>) target(%dma_start3A_66 : memref<128xi32, #tpu.memory_space<vmem>>) target_semaphore(%run_scoped3A : memref<!tpu.dma_semaphore, #tpu.memory_space<semaphore_mem>>)
        %dma_wait3A_68 = arith.constant 0 : i32
        %dma_wait3A_69 = tpu.memref_slice %arg11[%scan3A_54, %dma_wait3A_68] : memref<64x128xi32, #tpu.memory_space<vmem>> -> memref<1x128xi32, #tpu.memory_space<vmem>>
        %dma_wait3A_70 = tpu.memref_squeeze %dma_wait3A_69 : memref<1x128xi32, #tpu.memory_space<vmem>> -> memref<128xi32, #tpu.memory_space<vmem>>
        %dma_wait3A_71 = tpu.memref_slice %arg3[%add3A_58] : memref<262144xi32, #tpu.memory_space<hbm>> -> memref<128xi32, #tpu.memory_space<hbm>>
        %dma_wait3A_72 = arith.constant 0 : i32
        %dma_wait3A_73 = tpu.memref_slice %arg11[%scan3A_54, %dma_wait3A_72] : memref<64x128xi32, #tpu.memory_space<vmem>> -> memref<1x128xi32, #tpu.memory_space<vmem>>
        %dma_wait3A_74 = tpu.memref_squeeze %dma_wait3A_73 : memref<1x128xi32, #tpu.memory_space<vmem>> -> memref<128xi32, #tpu.memory_space<vmem>>
        %dma_wait3A_75 = tpu.memref_slice %arg3[%add3A_58] : memref<262144xi32, #tpu.memory_space<hbm>> -> memref<128xi32, #tpu.memory_space<hbm>>
        tpu.wait_dma2 semaphore(%run_scoped3A : memref<!tpu.dma_semaphore, #tpu.memory_space<semaphore_mem>>) src(%dma_wait3A_75 : memref<128xi32, #tpu.memory_space<hbm>>) dst(%dma_wait3A_74 : memref<128xi32, #tpu.memory_space<vmem>>)
        tpu.yield
      }) : () -> ()
      %scan3A_59 = arith.constant 0 : i32
      scf.yield %scan3A_59 : i32
    }
    %scan3A_17 = arith.constant 64 : i32
    %scan3A_18 = arith.constant 0 : i32
    %scan3A_19 = arith.constant 0 : i32
    %scan3A_20 = arith.constant 512 : i32
    %scan3A_21 = arith.addi %scan3A_19, %scan3A_20 : i32
    %scan3A_22 = arith.constant 1 : i32
    %scan3A_23 = scf.for %scan3A_54 = %scan3A_19 to %scan3A_21 step %scan3A_22 iter_args(%scan3A_55 = %scan3A_18) -> (i32)  : i32 {
      %jit3A = arith.constant 8 : i32
      %div3A = arith.divsi %scan3A_54, %jit3A : i32
      %sign3A = arith.constant 0 : i32
      %sign3A_56 = arith.cmpi sgt, %scan3A_54, %sign3A : i32
      %sign3A_57 = arith.extui %sign3A_56 : i1 to i32
      %sign3A_58 = arith.constant 0 : i32
      %sign3A_59 = arith.cmpi slt, %scan3A_54, %sign3A_58 : i32
      %sign3A_60 = arith.extui %sign3A_59 : i1 to i32
      %sign3A_61 = arith.subi %sign3A_57, %sign3A_60 : i32
      %sign3A_62 = arith.constant 0 : i32
      %sign3A_63 = arith.cmpi sgt, %jit3A, %sign3A_62 : i32
      %sign3A_64 = arith.extui %sign3A_63 : i1 to i32
      %sign3A_65 = arith.constant 0 : i32
      %sign3A_66 = arith.cmpi slt, %jit3A, %sign3A_65 : i32
      %sign3A_67 = arith.extui %sign3A_66 : i1 to i32
      %sign3A_68 = arith.subi %sign3A_64, %sign3A_67 : i32
      %ne3A = arith.cmpi ne, %sign3A_61, %sign3A_68 : i32
      %rem3A = arith.remsi %scan3A_54, %jit3A : i32
      %ne3A_69 = arith.constant 0 : i32
      %ne3A_70 = arith.cmpi ne, %rem3A, %ne3A_69 : i32
      %and3A = arith.andi %ne3A, %ne3A_70 : i1
      %sub3A = arith.constant 1 : i32
      %sub3A_71 = arith.subi %div3A, %sub3A : i32
      %select_n3A = arith.select %and3A, %sub3A_71, %div3A : i32
      %jit3A_72 = arith.constant 8 : i32
      %eq3A = arith.constant 0 : i32
      %eq3A_73 = arith.cmpi eq, %jit3A_72, %eq3A : i32
      %jit3A_74 = arith.constant 1 : i32
      %select_n3A_75 = arith.select %eq3A_73, %jit3A_74, %jit3A_72 : i32
      %rem3A_76 = arith.remsi %scan3A_54, %select_n3A_75 : i32
      %ne3A_77 = arith.constant 0 : i32
      %ne3A_78 = arith.cmpi ne, %rem3A_76, %ne3A_77 : i32
      %lt3A = arith.constant 0 : i32
      %lt3A_79 = arith.cmpi slt, %rem3A_76, %lt3A : i32
      %lt3A_80 = arith.constant 0 : i32
      %lt3A_81 = arith.cmpi slt, %select_n3A_75, %lt3A_80 : i32
      %ne3A_82 = arith.xori %lt3A_79, %lt3A_81 : i1
      %and3A_83 = arith.andi %ne3A_82, %ne3A_78 : i1
      %add3A_84 = arith.addi %rem3A_76, %select_n3A_75 : i32
      %select_n3A_85 = arith.select %and3A_83, %add3A_84, %rem3A_76 : i32
      %mul3A_86 = arith.constant 16 : i32
      %mul3A_87 = arith.muli %select_n3A_85, %mul3A_86 : i32
      %mul3A_88 = arith.constant 16 : i32
      %mul3A_89 = arith.muli %scan3A_54, %mul3A_88 : i32
      %get3A = arith.index_cast %mul3A_89 : i32 to index
      %get3A_90 = tpu.vector_load %arg8[%get3A] {strides = array<i32>} : memref<8192xi32, #tpu.memory_space<vmem>>, vector<16xi32>,
      %get3A_91 = vector.shape_cast %get3A_90 : vector<16xi32> to vector<16xi32>
      %get3A_92 = arith.index_cast %select_n3A : i32 to index
      %get3A_93 = arith.index_cast %mul3A_87 : i32 to index
      %get3A_94 = tpu.vector_load %arg11[%get3A_92, %get3A_93] {strides = array<i32>} : memref<64x128xi32, #tpu.memory_space<vmem>>, vector<1x16xi32>,
      %get3A_95 = vector.shape_cast %get3A_94 : vector<1x16xi32> to vector<16xi32>
      %mul3A_96 = arith.constant 4096 : i32
      %mul3A_97 = vector.broadcast %mul3A_96 : i32 to vector<16xi32>
      %mul3A_98 = arith.muli %get3A_91, %mul3A_97 : vector<16xi32>
      %add3A_99 = vector.broadcast %mul3A_4 : i32 to vector<16xi32>
      %add3A_100 = arith.addi %add3A_99, %mul3A_98 : vector<16xi32>
      %add3A_101 = arith.addi %add3A_100, %get3A_95 : vector<16xi32>
      %swap3A = arith.index_cast %select_n3A : i32 to index
      %swap3A_102 = arith.index_cast %mul3A_87 : i32 to index
      %swap3A_103 = tpu.vector_load %arg9[%swap3A, %swap3A_102] {strides = array<i32>} : memref<64x128xi32, #tpu.memory_space<vmem>>, vector<1x16xi32>,
      %swap3A_104 = vector.shape_cast %swap3A_103 : vector<1x16xi32> to vector<16xi32>
      %swap3A_105 = vector.shape_cast %add3A_101 : vector<16xi32> to vector<1x16xi32>
      tpu.vector_store %arg9[%swap3A, %swap3A_102], %swap3A_105 {strides = array<i32>} : memref<64x128xi32, #tpu.memory_space<vmem>>, vector<1x16xi32>,
      %mul3A_106 = arith.constant 16 : i32
      %mul3A_107 = arith.muli %scan3A_54, %mul3A_106 : i32
      %add3A_108 = arith.addi %mul3A_0, %mul3A_107 : i32
      %iota3A = tpu.iota {dimensions = array<i32: 0>} : vector<16xi32>
      %add3A_109 = vector.broadcast %add3A_108 : i32 to vector<16xi32>
      %add3A_110 = arith.addi %add3A_109, %iota3A : vector<16xi32>
      %swap3A_111 = arith.index_cast %select_n3A : i32 to index
      %swap3A_112 = arith.index_cast %mul3A_87 : i32 to index
      %swap3A_113 = tpu.vector_load %arg10[%swap3A_111, %swap3A_112] {strides = array<i32>} : memref<64x128xi32, #tpu.memory_space<vmem>>, vector<1x16xi32>,
      %swap3A_114 = vector.shape_cast %swap3A_113 : vector<1x16xi32> to vector<16xi32>
      %swap3A_115 = vector.shape_cast %add3A_110 : vector<16xi32> to vector<1x16xi32>
      tpu.vector_store %arg10[%swap3A_111, %swap3A_112], %swap3A_115 {strides = array<i32>} : memref<64x128xi32, #tpu.memory_space<vmem>>, vector<1x16xi32>,
      %scan3A_116 = arith.constant 0 : i32
      scf.yield %scan3A_116 : i32
    }
    %scan3A_24 = arith.constant 512 : i32
    %scan3A_25 = arith.constant 0 : i32
    %scan3A_26 = arith.constant 0 : i32
    %scan3A_27 = arith.constant 64 : i32
    %scan3A_28 = arith.addi %scan3A_26, %scan3A_27 : i32
    %scan3A_29 = arith.constant 1 : i32
    %scan3A_30 = scf.for %scan3A_54 = %scan3A_26 to %scan3A_28 step %scan3A_29 iter_args(%scan3A_55 = %scan3A_25) -> (i32)  : i32 {
      "tpu.region"() ({
        %run_scoped3A = tpu.sem_alloc : memref<!tpu.dma_semaphore, #tpu.memory_space<semaphore_mem>>
        %dma_start3A_57 = arith.constant 0 : i32
        %dma_start3A_58 = tpu.memref_slice %arg10[%scan3A_54, %dma_start3A_57] : memref<64x128xi32, #tpu.memory_space<vmem>> -> memref<1x128xi32, #tpu.memory_space<vmem>>
        %dma_start3A_59 = tpu.memref_squeeze %dma_start3A_58 : memref<1x128xi32, #tpu.memory_space<vmem>> -> memref<128xi32, #tpu.memory_space<vmem>>
        %dma_start3A_60 = arith.constant 0 : i32
        %dma_start3A_61 = tpu.memref_slice %arg9[%scan3A_54, %dma_start3A_60] : memref<64x128xi32, #tpu.memory_space<vmem>> -> memref<1x128xi32, #tpu.memory_space<vmem>>
        %dma_start3A_62 = tpu.memref_squeeze %dma_start3A_61 : memref<1x128xi32, #tpu.memory_space<vmem>> -> memref<128xi32, #tpu.memory_space<vmem>>
        %dma_start3A_63 = arith.constant 0 : i32
        %dma_start3A_64 = tpu.memref_slice %arg7[%dma_start3A_63] : memref<33554432xi32, #tpu.memory_space<hbm>> -> memref<33554432xi32, #tpu.memory_space<hbm>>
        tpu.enqueue_indirect_dma source(%dma_start3A_59 : memref<128xi32, #tpu.memory_space<vmem>>) target(%dma_start3A_64 : memref<33554432xi32, #tpu.memory_space<hbm>>) offsets(%dma_start3A_62 : memref<128xi32, #tpu.memory_space<vmem>>) semaphore(%run_scoped3A : memref<!tpu.dma_semaphore, #tpu.memory_space<semaphore_mem>>)
        %dma_wait3A_65 = arith.constant 0 : i32
        %dma_wait3A_66 = tpu.memref_slice %arg10[%scan3A_54, %dma_wait3A_65] : memref<64x128xi32, #tpu.memory_space<vmem>> -> memref<1x128xi32, #tpu.memory_space<vmem>>
        %dma_wait3A_67 = tpu.memref_squeeze %dma_wait3A_66 : memref<1x128xi32, #tpu.memory_space<vmem>> -> memref<128xi32, #tpu.memory_space<vmem>>
        %dma_wait3A_68 = arith.constant 0 : i32
        %dma_wait3A_69 = tpu.memref_slice %arg9[%scan3A_54, %dma_wait3A_68] : memref<64x128xi32, #tpu.memory_space<vmem>> -> memref<1x128xi32, #tpu.memory_space<vmem>>
        %dma_wait3A_70 = tpu.memref_squeeze %dma_wait3A_69 : memref<1x128xi32, #tpu.memory_space<vmem>> -> memref<128xi32, #tpu.memory_space<vmem>>
        %dma_wait3A_71 = arith.constant 0 : i32
        %dma_wait3A_72 = tpu.memref_slice %arg7[%dma_wait3A_71] : memref<33554432xi32, #tpu.memory_space<hbm>> -> memref<33554432xi32, #tpu.memory_space<hbm>>
        tpu.wait_indirect_dma semaphore(%run_scoped3A : memref<!tpu.dma_semaphore, #tpu.memory_space<semaphore_mem>>) src(%dma_wait3A_67 : memref<128xi32, #tpu.memory_space<vmem>>) dst(%dma_wait3A_72 : memref<33554432xi32, #tpu.memory_space<hbm>>)
        tpu.yield
      }) : () -> ()
      %scan3A_56 = arith.constant 0 : i32
      scf.yield %scan3A_56 : i32
    }
    %scan3A_31 = arith.constant 64 : i32
    %mul3A_32 = arith.constant 256 : i32
    %mul3A_33 = arith.muli %arg1, %mul3A_32 : i32
    %mul3A_34 = arith.constant 256 : i32
    %mul3A_35 = arith.muli %arg1, %mul3A_34 : i32
    %dma_wait3A = arith.constant 0 : i32
    %dma_wait3A_36 = tpu.memref_slice %arg14[%mul3A_35, %dma_wait3A] : memref<4096x128xf32, #tpu.memory_space<vmem_shared>> -> memref<256x128xf32, #tpu.memory_space<vmem_shared>>
    %dma_wait3A_37 = arith.constant 0 : i32
    %dma_wait3A_38 = tpu.memref_slice %arg5[%mul3A_33, %dma_wait3A_37] : memref<4096x128xf32, #tpu.memory_space<hbm>> -> memref<256x128xf32, #tpu.memory_space<hbm>>
    tpu.wait_dma2 semaphore(%arg17 : memref<!tpu.dma_semaphore, #tpu.memory_space<semaphore_mem>>) src(%dma_wait3A_38 : memref<256x128xf32, #tpu.memory_space<hbm>>) dst(%dma_wait3A_36 : memref<256x128xf32, #tpu.memory_space<vmem_shared>>)
    %barrier3A = arith.constant 0 : index
    tpu.barrier barrier_id(%barrier3A)
    %scan3A_39 = arith.constant 0 : i32
    %scan3A_40 = arith.constant 0 : i32
    %scan3A_41 = arith.constant 32 : i32
    %scan3A_42 = arith.addi %scan3A_40, %scan3A_41 : i32
    %scan3A_43 = arith.constant 1 : i32
    %scan3A_44 = scf.for %scan3A_54 = %scan3A_40 to %scan3A_42 step %scan3A_43 iter_args(%scan3A_55 = %scan3A_39) -> (i32)  : i32 {
      %mul3A_56 = arith.constant 2 : i32
      %mul3A_57 = arith.muli %mul3A_56, %scan3A_54 : i32
      %mul3A_58 = arith.constant 128 : i32
      %mul3A_59 = arith.muli %mul3A_57, %mul3A_58 : i32
      %dma_start3A_60 = tpu.memref_slice %arg8[%mul3A_59] : memref<8192xi32, #tpu.memory_space<vmem>> -> memref<128xi32, #tpu.memory_space<vmem>>
      %dma_start3A_61 = arith.constant 0 : i32
      %dma_start3A_62 = arith.constant 0 : i32
      %dma_start3A_63 = tpu.memref_slice %arg4[%dma_start3A_61, %dma_start3A_62] : memref<4096x128xf32, #tpu.memory_space<hbm>> -> memref<4096x128xf32, #tpu.memory_space<hbm>>
      tpu.enqueue_indirect_dma source(%dma_start3A_63 : memref<4096x128xf32, #tpu.memory_space<hbm>>) target(%arg12 : memref<128x128xf32, #tpu.memory_space<vmem>>) offsets(%dma_start3A_60 : memref<128xi32, #tpu.memory_space<vmem>>) semaphore(%arg19 : memref<!tpu.dma_semaphore, #tpu.memory_space<semaphore_mem>>)
      %dma_wait3A_64 = tpu.memref_slice %arg8[%mul3A_59] : memref<8192xi32, #tpu.memory_space<vmem>> -> memref<128xi32, #tpu.memory_space<vmem>>
      %dma_wait3A_65 = arith.constant 0 : i32
      %dma_wait3A_66 = arith.constant 0 : i32
      %dma_wait3A_67 = tpu.memref_slice %arg4[%dma_wait3A_65, %dma_wait3A_66] : memref<4096x128xf32, #tpu.memory_space<hbm>> -> memref<4096x128xf32, #tpu.memory_space<hbm>>
      tpu.wait_indirect_dma semaphore(%arg19 : memref<!tpu.dma_semaphore, #tpu.memory_space<semaphore_mem>>) src(%dma_wait3A_67 : memref<4096x128xf32, #tpu.memory_space<hbm>>) dst(%arg12 : memref<128x128xf32, #tpu.memory_space<vmem>>)
      %dma_start3A_68 = arith.constant 0 : i32
      %dma_start3A_69 = tpu.memref_slice %arg11[%mul3A_57, %dma_start3A_68] : memref<64x128xi32, #tpu.memory_space<vmem>> -> memref<1x128xi32, #tpu.memory_space<vmem>>
      %dma_start3A_70 = tpu.memref_squeeze %dma_start3A_69 : memref<1x128xi32, #tpu.memory_space<vmem>> -> memref<128xi32, #tpu.memory_space<vmem>>
      %dma_start3A_71 = arith.constant 0 : i32
      %dma_start3A_72 = arith.constant 0 : i32
      %dma_start3A_73 = tpu.memref_slice %arg14[%dma_start3A_71, %dma_start3A_72] : memref<4096x128xf32, #tpu.memory_space<vmem_shared>> -> memref<4096x128xf32, #tpu.memory_space<vmem_shared>>
      tpu.enqueue_indirect_dma source(%arg12 : memref<128x128xf32, #tpu.memory_space<vmem>>) target(%dma_start3A_73 : memref<4096x128xf32, #tpu.memory_space<vmem_shared>>) offsets(%dma_start3A_70 : memref<128xi32, #tpu.memory_space<vmem>>) semaphore(%arg21 : memref<!tpu.dma_semaphore, #tpu.memory_space<semaphore_mem>>) {add = true}
      %dma_wait3A_74 = arith.constant 0 : i32
      %dma_wait3A_75 = tpu.memref_slice %arg11[%mul3A_57, %dma_wait3A_74] : memref<64x128xi32, #tpu.memory_space<vmem>> -> memref<1x128xi32, #tpu.memory_space<vmem>>
      %dma_wait3A_76 = tpu.memref_squeeze %dma_wait3A_75 : memref<1x128xi32, #tpu.memory_space<vmem>> -> memref<128xi32, #tpu.memory_space<vmem>>
      %dma_wait3A_77 = arith.constant 0 : i32
      %dma_wait3A_78 = arith.constant 0 : i32
      %dma_wait3A_79 = tpu.memref_slice %arg14[%dma_wait3A_77, %dma_wait3A_78] : memref<4096x128xf32, #tpu.memory_space<vmem_shared>> -> memref<4096x128xf32, #tpu.memory_space<vmem_shared>>
      tpu.wait_indirect_dma semaphore(%arg21 : memref<!tpu.dma_semaphore, #tpu.memory_space<semaphore_mem>>) src(%arg12 : memref<128x128xf32, #tpu.memory_space<vmem>>) dst(%dma_wait3A_79 : memref<4096x128xf32, #tpu.memory_space<vmem_shared>>)
      %add3A_80 = arith.constant 1 : i32
      %add3A_81 = arith.addi %mul3A_57, %add3A_80 : i32
      %mul3A_82 = arith.constant 128 : i32
      %mul3A_83 = arith.muli %add3A_81, %mul3A_82 : i32
      %dma_start3A_84 = tpu.memref_slice %arg8[%mul3A_83] : memref<8192xi32, #tpu.memory_space<vmem>> -> memref<128xi32, #tpu.memory_space<vmem>>
      %dma_start3A_85 = arith.constant 0 : i32
      %dma_start3A_86 = arith.constant 0 : i32
      %dma_start3A_87 = tpu.memref_slice %arg4[%dma_start3A_85, %dma_start3A_86] : memref<4096x128xf32, #tpu.memory_space<hbm>> -> memref<4096x128xf32, #tpu.memory_space<hbm>>
      tpu.enqueue_indirect_dma source(%dma_start3A_87 : memref<4096x128xf32, #tpu.memory_space<hbm>>) target(%arg13 : memref<128x128xf32, #tpu.memory_space<vmem>>) offsets(%dma_start3A_84 : memref<128xi32, #tpu.memory_space<vmem>>) semaphore(%arg20 : memref<!tpu.dma_semaphore, #tpu.memory_space<semaphore_mem>>)
      %dma_wait3A_88 = tpu.memref_slice %arg8[%mul3A_83] : memref<8192xi32, #tpu.memory_space<vmem>> -> memref<128xi32, #tpu.memory_space<vmem>>
      %dma_wait3A_89 = arith.constant 0 : i32
      %dma_wait3A_90 = arith.constant 0 : i32
      %dma_wait3A_91 = tpu.memref_slice %arg4[%dma_wait3A_89, %dma_wait3A_90] : memref<4096x128xf32, #tpu.memory_space<hbm>> -> memref<4096x128xf32, #tpu.memory_space<hbm>>
      tpu.wait_indirect_dma semaphore(%arg20 : memref<!tpu.dma_semaphore, #tpu.memory_space<semaphore_mem>>) src(%dma_wait3A_91 : memref<4096x128xf32, #tpu.memory_space<hbm>>) dst(%arg13 : memref<128x128xf32, #tpu.memory_space<vmem>>)
      %add3A_92 = arith.constant 1 : i32
      %add3A_93 = arith.addi %mul3A_57, %add3A_92 : i32
      %dma_start3A_94 = arith.constant 0 : i32
      %dma_start3A_95 = tpu.memref_slice %arg11[%add3A_93, %dma_start3A_94] : memref<64x128xi32, #tpu.memory_space<vmem>> -> memref<1x128xi32, #tpu.memory_space<vmem>>
      %dma_start3A_96 = tpu.memref_squeeze %dma_start3A_95 : memref<1x128xi32, #tpu.memory_space<vmem>> -> memref<128xi32, #tpu.memory_space<vmem>>
      %dma_start3A_97 = arith.constant 0 : i32
      %dma_start3A_98 = arith.constant 0 : i32
      %dma_start3A_99 = tpu.memref_slice %arg14[%dma_start3A_97, %dma_start3A_98] : memref<4096x128xf32, #tpu.memory_space<vmem_shared>> -> memref<4096x128xf32, #tpu.memory_space<vmem_shared>>
      tpu.enqueue_indirect_dma source(%arg13 : memref<128x128xf32, #tpu.memory_space<vmem>>) target(%dma_start3A_99 : memref<4096x128xf32, #tpu.memory_space<vmem_shared>>) offsets(%dma_start3A_96 : memref<128xi32, #tpu.memory_space<vmem>>) semaphore(%arg22 : memref<!tpu.dma_semaphore, #tpu.memory_space<semaphore_mem>>) {add = true}
      %dma_wait3A_100 = arith.constant 0 : i32
      %dma_wait3A_101 = tpu.memref_slice %arg11[%add3A_93, %dma_wait3A_100] : memref<64x128xi32, #tpu.memory_space<vmem>> -> memref<1x128xi32, #tpu.memory_space<vmem>>
      %dma_wait3A_102 = tpu.memref_squeeze %dma_wait3A_101 : memref<1x128xi32, #tpu.memory_space<vmem>> -> memref<128xi32, #tpu.memory_space<vmem>>
      %dma_wait3A_103 = arith.constant 0 : i32
      %dma_wait3A_104 = arith.constant 0 : i32
      %dma_wait3A_105 = tpu.memref_slice %arg14[%dma_wait3A_103, %dma_wait3A_104] : memref<4096x128xf32, #tpu.memory_space<vmem_shared>> -> memref<4096x128xf32, #tpu.memory_space<vmem_shared>>
      tpu.wait_indirect_dma semaphore(%arg22 : memref<!tpu.dma_semaphore, #tpu.memory_space<semaphore_mem>>) src(%arg13 : memref<128x128xf32, #tpu.memory_space<vmem>>) dst(%dma_wait3A_105 : memref<4096x128xf32, #tpu.memory_space<vmem_shared>>)
      %scan3A_106 = arith.constant 0 : i32
      scf.yield %scan3A_106 : i32
    }
    %scan3A_45 = arith.constant 32 : i32
    %barrier3A_46 = arith.constant 0 : index
    tpu.barrier barrier_id(%barrier3A_46)
    %mul3A_47 = arith.constant 256 : i32
    %mul3A_48 = arith.muli %arg1, %mul3A_47 : i32
    %mul3A_49 = arith.constant 4096 : i32
    %mul3A_50 = arith.muli %arg0, %mul3A_49 : i32
    %mul3A_51 = arith.constant 256 : i32
    %mul3A_52 = arith.muli %arg1, %mul3A_51 : i32
    %add3A_53 = arith.addi %mul3A_50, %mul3A_52 : i32
    "tpu.region"() ({
      %run_scoped3A = tpu.sem_alloc : memref<!tpu.dma_semaphore, #tpu.memory_space<semaphore_mem>>
      %dma_start3A_54 = arith.constant 0 : i32
      %dma_start3A_55 = tpu.memref_slice %arg6[%add3A_53, %dma_start3A_54] : memref<8192x128xf32, #tpu.memory_space<hbm>> -> memref<256x128xf32, #tpu.memory_space<hbm>>
      %dma_start3A_56 = arith.constant 0 : i32
      %dma_start3A_57 = tpu.memref_slice %arg14[%mul3A_48, %dma_start3A_56] : memref<4096x128xf32, #tpu.memory_space<vmem_shared>> -> memref<256x128xf32, #tpu.memory_space<vmem_shared>>
      tpu.enqueue_dma source(%dma_start3A_57 : memref<256x128xf32, #tpu.memory_space<vmem_shared>>) target(%dma_start3A_55 : memref<256x128xf32, #tpu.memory_space<hbm>>) target_semaphore(%run_scoped3A : memref<!tpu.dma_semaphore, #tpu.memory_space<semaphore_mem>>)
      %dma_wait3A_58 = arith.constant 0 : i32
      %dma_wait3A_59 = tpu.memref_slice %arg6[%add3A_53, %dma_wait3A_58] : memref<8192x128xf32, #tpu.memory_space<hbm>> -> memref<256x128xf32, #tpu.memory_space<hbm>>
      %dma_wait3A_60 = arith.constant 0 : i32
      %dma_wait3A_61 = tpu.memref_slice %arg14[%mul3A_48, %dma_wait3A_60] : memref<4096x128xf32, #tpu.memory_space<vmem_shared>> -> memref<256x128xf32, #tpu.memory_space<vmem_shared>>
      tpu.wait_dma2 semaphore(%run_scoped3A : memref<!tpu.dma_semaphore, #tpu.memory_space<semaphore_mem>>) src(%dma_wait3A_61 : memref<256x128xf32, #tpu.memory_space<vmem_shared>>) dst(%dma_wait3A_59 : memref<256x128xf32, #tpu.memory_space<hbm>>)
      tpu.yield
    }) : () -> ()
    return
  }
}

#map = affine_map<(d0, d1) -> (0)>
module attributes {stable_mosaic.version = 14 : i64} {
  func.func @_sc1b_body(%arg0: i32, %arg1: i32, %arg2: memref<262144xi32, #tpu.memory_space<hbm>>, %arg3: memref<262144xi32, #tpu.memory_space<hbm>>, %arg4: memref<33554432xi32, #tpu.memory_space<hbm>>, %arg5: memref<262144xi32, #tpu.memory_space<hbm>>, %arg6: memref<8192xi32, #tpu.memory_space<vmem>>, %arg7: memref<8192xi32, #tpu.memory_space<vmem>>, %arg8: memref<8192xi32, #tpu.memory_space<vmem>>, %arg9: memref<8192xi32, #tpu.memory_space<vmem>>, %arg10: memref<8192xi32, #tpu.memory_space<vmem>>) attributes {dimension_semantics = [#tpu.dimension_semantics<core_parallel>, #tpu.dimension_semantics<subcore_parallel>], iteration_bounds = array<i64: 2, 16>, scalar_prefetch = 0 : i64, scratch_operands = 5 : i64, tpu.core_type = #tpu.core_type<sc_vector_subcore>, window_params = [{transform_indices = #map}, {transform_indices = #map}, {transform_indices = #map}, {transform_indices = #map}]} {
    %mul3A = arith.constant 8192 : i32
    %mul3A_0 = arith.muli %arg1, %mul3A : i32
    %mul3A_1 = arith.constant 131072 : i32
    %mul3A_2 = arith.muli %arg0, %mul3A_1 : i32
    %add3A = arith.addi %mul3A_2, %mul3A_0 : i32
    "tpu.region"() ({
      %run_scoped3A = tpu.sem_alloc : memref<!tpu.dma_semaphore, #tpu.memory_space<semaphore_mem>>
      %dma_start3A = tpu.memref_slice %arg2[%add3A] : memref<262144xi32, #tpu.memory_space<hbm>> -> memref<8192xi32, #tpu.memory_space<hbm>>
      %dma_start3A_25 = tpu.memref_slice %arg2[%add3A] : memref<262144xi32, #tpu.memory_space<hbm>> -> memref<8192xi32, #tpu.memory_space<hbm>>
      tpu.enqueue_dma source(%dma_start3A_25 : memref<8192xi32, #tpu.memory_space<hbm>>) target(%arg6 : memref<8192xi32, #tpu.memory_space<vmem>>) target_semaphore(%run_scoped3A : memref<!tpu.dma_semaphore, #tpu.memory_space<semaphore_mem>>)
      %dma_wait3A = tpu.memref_slice %arg2[%add3A] : memref<262144xi32, #tpu.memory_space<hbm>> -> memref<8192xi32, #tpu.memory_space<hbm>>
      %dma_wait3A_26 = tpu.memref_slice %arg2[%add3A] : memref<262144xi32, #tpu.memory_space<hbm>> -> memref<8192xi32, #tpu.memory_space<hbm>>
      tpu.wait_dma2 semaphore(%run_scoped3A : memref<!tpu.dma_semaphore, #tpu.memory_space<semaphore_mem>>) src(%dma_wait3A_26 : memref<8192xi32, #tpu.memory_space<hbm>>) dst(%arg6 : memref<8192xi32, #tpu.memory_space<vmem>>)
      tpu.yield
    }) : () -> ()
    "tpu.region"() ({
      %run_scoped3A = tpu.sem_alloc : memref<!tpu.dma_semaphore, #tpu.memory_space<semaphore_mem>>
      %dma_start3A = tpu.memref_slice %arg3[%add3A] : memref<262144xi32, #tpu.memory_space<hbm>> -> memref<8192xi32, #tpu.memory_space<hbm>>
      %dma_start3A_25 = tpu.memref_slice %arg3[%add3A] : memref<262144xi32, #tpu.memory_space<hbm>> -> memref<8192xi32, #tpu.memory_space<hbm>>
      tpu.enqueue_dma source(%dma_start3A_25 : memref<8192xi32, #tpu.memory_space<hbm>>) target(%arg7 : memref<8192xi32, #tpu.memory_space<vmem>>) target_semaphore(%run_scoped3A : memref<!tpu.dma_semaphore, #tpu.memory_space<semaphore_mem>>)
      %dma_wait3A = tpu.memref_slice %arg3[%add3A] : memref<262144xi32, #tpu.memory_space<hbm>> -> memref<8192xi32, #tpu.memory_space<hbm>>
      %dma_wait3A_26 = tpu.memref_slice %arg3[%add3A] : memref<262144xi32, #tpu.memory_space<hbm>> -> memref<8192xi32, #tpu.memory_space<hbm>>
      tpu.wait_dma2 semaphore(%run_scoped3A : memref<!tpu.dma_semaphore, #tpu.memory_space<semaphore_mem>>) src(%dma_wait3A_26 : memref<8192xi32, #tpu.memory_space<hbm>>) dst(%arg7 : memref<8192xi32, #tpu.memory_space<vmem>>)
      tpu.yield
    }) : () -> ()
    %mul3A_3 = arith.constant 16777216 : i32
    %mul3A_4 = arith.muli %arg0, %mul3A_3 : i32
    %scan3A = arith.constant 0 : i32
    %scan3A_5 = arith.constant 0 : i32
    %scan3A_6 = arith.constant 512 : i32
    %scan3A_7 = arith.addi %scan3A_5, %scan3A_6 : i32
    %scan3A_8 = arith.constant 1 : i32
    %scan3A_9 = scf.for %scan3A_25 = %scan3A_5 to %scan3A_7 step %scan3A_8 iter_args(%scan3A_26 = %scan3A) -> (i32)  : i32 {
      %mul3A_27 = arith.constant 16 : i32
      %mul3A_28 = arith.muli %scan3A_25, %mul3A_27 : i32
      %get3A = arith.index_cast %mul3A_28 : i32 to index
      %get3A_29 = tpu.vector_load %arg6[%get3A] {strides = array<i32>} : memref<8192xi32, #tpu.memory_space<vmem>>, vector<16xi32>,
      %get3A_30 = vector.shape_cast %get3A_29 : vector<16xi32> to vector<16xi32>
      %mul3A_31 = arith.constant 4096 : i32
      %mul3A_32 = vector.broadcast %mul3A_31 : i32 to vector<16xi32>
      %mul3A_33 = arith.muli %get3A_30, %mul3A_32 : vector<16xi32>
      %add3A_34 = vector.broadcast %mul3A_4 : i32 to vector<16xi32>
      %add3A_35 = arith.addi %add3A_34, %mul3A_33 : vector<16xi32>
      %get3A_36 = arith.index_cast %mul3A_28 : i32 to index
      %get3A_37 = tpu.vector_load %arg7[%get3A_36] {strides = array<i32>} : memref<8192xi32, #tpu.memory_space<vmem>>, vector<16xi32>,
      %get3A_38 = vector.shape_cast %get3A_37 : vector<16xi32> to vector<16xi32>
      %add3A_39 = arith.addi %add3A_35, %get3A_38 : vector<16xi32>
      %swap3A = arith.index_cast %mul3A_28 : i32 to index
      %swap3A_40 = tpu.vector_load %arg8[%swap3A] {strides = array<i32>} : memref<8192xi32, #tpu.memory_space<vmem>>, vector<16xi32>,
      %swap3A_41 = vector.shape_cast %swap3A_40 : vector<16xi32> to vector<16xi32>
      %swap3A_42 = vector.shape_cast %add3A_39 : vector<16xi32> to vector<16xi32>
      tpu.vector_store %arg8[%swap3A], %swap3A_42 {strides = array<i32>} : memref<8192xi32, #tpu.memory_space<vmem>>, vector<16xi32>,
      %scan3A_43 = arith.constant 0 : i32
      scf.yield %scan3A_43 : i32
    }
    %scan3A_10 = arith.constant 512 : i32
    %scan3A_11 = arith.constant 0 : i32
    %scan3A_12 = arith.constant 0 : i32
    %scan3A_13 = arith.constant 64 : i32
    %scan3A_14 = arith.addi %scan3A_12, %scan3A_13 : i32
    %scan3A_15 = arith.constant 1 : i32
    %scan3A_16 = scf.for %scan3A_25 = %scan3A_12 to %scan3A_14 step %scan3A_15 iter_args(%scan3A_26 = %scan3A_11) -> (i32)  : i32 {
      %mul3A_27 = arith.constant 128 : i32
      %mul3A_28 = arith.muli %scan3A_25, %mul3A_27 : i32
      %mul3A_29 = arith.constant 128 : i32
      %mul3A_30 = arith.muli %scan3A_25, %mul3A_29 : i32
      "tpu.region"() ({
        %run_scoped3A = tpu.sem_alloc : memref<!tpu.dma_semaphore, #tpu.memory_space<semaphore_mem>>
        %dma_start3A = tpu.memref_slice %arg9[%mul3A_30] : memref<8192xi32, #tpu.memory_space<vmem>> -> memref<128xi32, #tpu.memory_space<vmem>>
        %dma_start3A_32 = tpu.memref_slice %arg8[%mul3A_28] : memref<8192xi32, #tpu.memory_space<vmem>> -> memref<128xi32, #tpu.memory_space<vmem>>
        %dma_start3A_33 = arith.constant 0 : i32
        %dma_start3A_34 = tpu.memref_slice %arg4[%dma_start3A_33] : memref<33554432xi32, #tpu.memory_space<hbm>> -> memref<33554432xi32, #tpu.memory_space<hbm>>
        tpu.enqueue_indirect_dma source(%dma_start3A_34 : memref<33554432xi32, #tpu.memory_space<hbm>>) target(%dma_start3A : memref<128xi32, #tpu.memory_space<vmem>>) offsets(%dma_start3A_32 : memref<128xi32, #tpu.memory_space<vmem>>) semaphore(%run_scoped3A : memref<!tpu.dma_semaphore, #tpu.memory_space<semaphore_mem>>)
        %dma_wait3A = tpu.memref_slice %arg9[%mul3A_30] : memref<8192xi32, #tpu.memory_space<vmem>> -> memref<128xi32, #tpu.memory_space<vmem>>
        %dma_wait3A_35 = tpu.memref_slice %arg8[%mul3A_28] : memref<8192xi32, #tpu.memory_space<vmem>> -> memref<128xi32, #tpu.memory_space<vmem>>
        %dma_wait3A_36 = arith.constant 0 : i32
        %dma_wait3A_37 = tpu.memref_slice %arg4[%dma_wait3A_36] : memref<33554432xi32, #tpu.memory_space<hbm>> -> memref<33554432xi32, #tpu.memory_space<hbm>>
        tpu.wait_indirect_dma semaphore(%run_scoped3A : memref<!tpu.dma_semaphore, #tpu.memory_space<semaphore_mem>>) src(%dma_wait3A_37 : memref<33554432xi32, #tpu.memory_space<hbm>>) dst(%dma_wait3A : memref<128xi32, #tpu.memory_space<vmem>>)
        tpu.yield
      }) : () -> ()
      %scan3A_31 = arith.constant 0 : i32
      scf.yield %scan3A_31 : i32
    }
    %scan3A_17 = arith.constant 64 : i32
    %scan3A_18 = arith.constant 0 : i32
    %scan3A_19 = arith.constant 0 : i32
    %scan3A_20 = arith.constant 512 : i32
    %scan3A_21 = arith.addi %scan3A_19, %scan3A_20 : i32
    %scan3A_22 = arith.constant 1 : i32
    %scan3A_23 = scf.for %scan3A_25 = %scan3A_19 to %scan3A_21 step %scan3A_22 iter_args(%scan3A_26 = %scan3A_18) -> (i32)  : i32 {
      %mul3A_27 = arith.constant 16 : i32
      %mul3A_28 = arith.muli %scan3A_25, %mul3A_27 : i32
      %mul3A_29 = arith.constant 16 : i32
      %mul3A_30 = arith.muli %scan3A_25, %mul3A_29 : i32
      %add3A_31 = arith.addi %mul3A_0, %mul3A_30 : i32
      %iota3A = tpu.iota {dimensions = array<i32: 0>} : vector<16xi32>
      %add3A_32 = vector.broadcast %add3A_31 : i32 to vector<16xi32>
      %add3A_33 = arith.addi %add3A_32, %iota3A : vector<16xi32>
      %get3A = arith.index_cast %mul3A_28 : i32 to index
      %get3A_34 = tpu.vector_load %arg9[%get3A] {strides = array<i32>} : memref<8192xi32, #tpu.memory_space<vmem>>, vector<16xi32>,
      %get3A_35 = vector.shape_cast %get3A_34 : vector<16xi32> to vector<16xi32>
      %eq3A = arith.cmpi eq, %get3A_35, %add3A_33 : vector<16xi32>
      %get3A_36 = arith.index_cast %mul3A_28 : i32 to index
      %get3A_37 = tpu.vector_load %arg6[%get3A_36] {strides = array<i32>} : memref<8192xi32, #tpu.memory_space<vmem>>, vector<16xi32>,
      %get3A_38 = vector.shape_cast %get3A_37 : vector<16xi32> to vector<16xi32>
      %jit3A = arith.constant -1 : i32
      %broadcast_in_dim3A = vector.broadcast %jit3A : i32 to vector<16xi32>
      %select_n3A = arith.select %eq3A, %get3A_38, %broadcast_in_dim3A : vector<16xi1>, vector<16xi32>
      %swap3A = arith.index_cast %mul3A_28 : i32 to index
      %swap3A_39 = tpu.vector_load %arg10[%swap3A] {strides = array<i32>} : memref<8192xi32, #tpu.memory_space<vmem>>, vector<16xi32>,
      %swap3A_40 = vector.shape_cast %swap3A_39 : vector<16xi32> to vector<16xi32>
      %swap3A_41 = vector.shape_cast %select_n3A : vector<16xi32> to vector<16xi32>
      tpu.vector_store %arg10[%swap3A], %swap3A_41 {strides = array<i32>} : memref<8192xi32, #tpu.memory_space<vmem>>, vector<16xi32>,
      %scan3A_42 = arith.constant 0 : i32
      scf.yield %scan3A_42 : i32
    }
    %scan3A_24 = arith.constant 512 : i32
    "tpu.region"() ({
      %run_scoped3A = tpu.sem_alloc : memref<!tpu.dma_semaphore, #tpu.memory_space<semaphore_mem>>
      %dma_start3A = tpu.memref_slice %arg5[%add3A] : memref<262144xi32, #tpu.memory_space<hbm>> -> memref<8192xi32, #tpu.memory_space<hbm>>
      %dma_start3A_25 = tpu.memref_slice %arg5[%add3A] : memref<262144xi32, #tpu.memory_space<hbm>> -> memref<8192xi32, #tpu.memory_space<hbm>>
      tpu.enqueue_dma source(%arg10 : memref<8192xi32, #tpu.memory_space<vmem>>) target(%dma_start3A_25 : memref<8192xi32, #tpu.memory_space<hbm>>) target_semaphore(%run_scoped3A : memref<!tpu.dma_semaphore, #tpu.memory_space<semaphore_mem>>)
      %dma_wait3A = tpu.memref_slice %arg5[%add3A] : memref<262144xi32, #tpu.memory_space<hbm>> -> memref<8192xi32, #tpu.memory_space<hbm>>
      %dma_wait3A_26 = tpu.memref_slice %arg5[%add3A] : memref<262144xi32, #tpu.memory_space<hbm>> -> memref<8192xi32, #tpu.memory_space<hbm>>
      tpu.wait_dma2 semaphore(%run_scoped3A : memref<!tpu.dma_semaphore, #tpu.memory_space<semaphore_mem>>) src(%arg10 : memref<8192xi32, #tpu.memory_space<vmem>>) dst(%dma_wait3A_26 : memref<8192xi32, #tpu.memory_space<hbm>>)
      tpu.yield
    }) : () -> ()
    return
  }
}

#map = affine_map<(d0, d1) -> (0)>
#map1 = affine_map<(d0, d1) -> (0, 0)>
module attributes {stable_mosaic.version = 14 : i64} {
  func.func @_sc2_body(%arg0: i32, %arg1: i32, %arg2: memref<262144xi32, #tpu.memory_space<hbm>>, %arg3: memref<262144xi32, #tpu.memory_space<hbm>>, %arg4: memref<4096x128xf32, #tpu.memory_space<hbm>>, %arg5: memref<4096x128xf32, #tpu.memory_space<hbm>>, %arg6: memref<4096x128xf32, #tpu.memory_space<hbm>>, %arg7: memref<8192x128xf32, #tpu.memory_space<hbm>>, %arg8: memref<8192x128xf32, #tpu.memory_space<hbm>>, %arg9: memref<8192xi32, #tpu.memory_space<vmem>>, %arg10: memref<64x128xi32, #tpu.memory_space<vmem>>, %arg11: memref<128x128xf32, #tpu.memory_space<vmem>>, %arg12: memref<128x128xf32, #tpu.memory_space<vmem>>, %arg13: memref<128x128xf32, #tpu.memory_space<vmem>>, %arg14: memref<128x128xf32, #tpu.memory_space<vmem>>, %arg15: memref<4096x128xf32, #tpu.memory_space<vmem_shared>>, %arg16: memref<!tpu.dma_semaphore, #tpu.memory_space<semaphore_mem>>, %arg17: memref<!tpu.dma_semaphore, #tpu.memory_space<semaphore_mem>>, %arg18: memref<!tpu.dma_semaphore, #tpu.memory_space<semaphore_mem>>, %arg19: memref<!tpu.dma_semaphore, #tpu.memory_space<semaphore_mem>>, %arg20: memref<!tpu.dma_semaphore, #tpu.memory_space<semaphore_mem>>, %arg21: memref<!tpu.dma_semaphore, #tpu.memory_space<semaphore_mem>>, %arg22: memref<!tpu.dma_semaphore, #tpu.memory_space<semaphore_mem>>, %arg23: memref<!tpu.dma_semaphore, #tpu.memory_space<semaphore_mem>>, %arg24: memref<!tpu.dma_semaphore, #tpu.memory_space<semaphore_mem>>, %arg25: memref<!tpu.dma_semaphore, #tpu.memory_space<semaphore_mem>>) attributes {dimension_semantics = [#tpu.dimension_semantics<core_parallel>, #tpu.dimension_semantics<subcore_parallel>], iteration_bounds = array<i64: 2, 16>, scalar_prefetch = 0 : i64, scratch_operands = 17 : i64, tpu.core_type = #tpu.core_type<sc_vector_subcore>, window_params = [{transform_indices = #map}, {transform_indices = #map}, {transform_indices = #map1}, {transform_indices = #map1}, {transform_indices = #map1}, {transform_indices = #map1}, {transform_indices = #map1}]} {
    %mul3A = arith.constant 8192 : i32
    %mul3A_0 = arith.muli %arg1, %mul3A : i32
    %mul3A_1 = arith.constant 131072 : i32
    %mul3A_2 = arith.muli %arg0, %mul3A_1 : i32
    %add3A = arith.addi %mul3A_2, %mul3A_0 : i32
    "tpu.region"() ({
      %run_scoped3A = tpu.sem_alloc : memref<!tpu.dma_semaphore, #tpu.memory_space<semaphore_mem>>
      %dma_start3A_60 = tpu.memref_slice %arg2[%add3A] : memref<262144xi32, #tpu.memory_space<hbm>> -> memref<8192xi32, #tpu.memory_space<hbm>>
      %dma_start3A_61 = tpu.memref_slice %arg2[%add3A] : memref<262144xi32, #tpu.memory_space<hbm>> -> memref<8192xi32, #tpu.memory_space<hbm>>
      tpu.enqueue_dma source(%dma_start3A_61 : memref<8192xi32, #tpu.memory_space<hbm>>) target(%arg9 : memref<8192xi32, #tpu.memory_space<vmem>>) target_semaphore(%run_scoped3A : memref<!tpu.dma_semaphore, #tpu.memory_space<semaphore_mem>>)
      %dma_wait3A_62 = tpu.memref_slice %arg2[%add3A] : memref<262144xi32, #tpu.memory_space<hbm>> -> memref<8192xi32, #tpu.memory_space<hbm>>
      %dma_wait3A_63 = tpu.memref_slice %arg2[%add3A] : memref<262144xi32, #tpu.memory_space<hbm>> -> memref<8192xi32, #tpu.memory_space<hbm>>
      tpu.wait_dma2 semaphore(%run_scoped3A : memref<!tpu.dma_semaphore, #tpu.memory_space<semaphore_mem>>) src(%dma_wait3A_63 : memref<8192xi32, #tpu.memory_space<hbm>>) dst(%arg9 : memref<8192xi32, #tpu.memory_space<vmem>>)
      tpu.yield
    }) : () -> ()
    %mul3A_3 = arith.constant 256 : i32
    %mul3A_4 = arith.muli %arg1, %mul3A_3 : i32
    %mul3A_5 = arith.constant 256 : i32
    %mul3A_6 = arith.muli %arg1, %mul3A_5 : i32
    %dma_start3A = arith.constant 0 : i32
    %dma_start3A_7 = tpu.memref_slice %arg15[%mul3A_6, %dma_start3A] : memref<4096x128xf32, #tpu.memory_space<vmem_shared>> -> memref<256x128xf32, #tpu.memory_space<vmem_shared>>
    %dma_start3A_8 = arith.constant 0 : i32
    %dma_start3A_9 = tpu.memref_slice %arg6[%mul3A_4, %dma_start3A_8] : memref<4096x128xf32, #tpu.memory_space<hbm>> -> memref<256x128xf32, #tpu.memory_space<hbm>>
    tpu.enqueue_dma source(%dma_start3A_9 : memref<256x128xf32, #tpu.memory_space<hbm>>) target(%dma_start3A_7 : memref<256x128xf32, #tpu.memory_space<vmem_shared>>) target_semaphore(%arg17 : memref<!tpu.dma_semaphore, #tpu.memory_space<semaphore_mem>>)
    %scan3A = arith.constant 0 : i32
    %scan3A_10 = arith.constant 0 : i32
    %scan3A_11 = arith.constant 64 : i32
    %scan3A_12 = arith.addi %scan3A_10, %scan3A_11 : i32
    %scan3A_13 = arith.constant 1 : i32
    %scan3A_14 = scf.for %scan3A_60 = %scan3A_10 to %scan3A_12 step %scan3A_13 iter_args(%scan3A_61 = %scan3A) -> (i32)  : i32 {
      %mul3A_62 = arith.constant 128 : i32
      %mul3A_63 = arith.muli %scan3A_60, %mul3A_62 : i32
      %add3A_64 = arith.addi %add3A, %mul3A_63 : i32
      "tpu.region"() ({
        %run_scoped3A = tpu.sem_alloc : memref<!tpu.dma_semaphore, #tpu.memory_space<semaphore_mem>>
        %dma_start3A_66 = arith.constant 0 : i32
        %dma_start3A_67 = tpu.memref_slice %arg10[%scan3A_60, %dma_start3A_66] : memref<64x128xi32, #tpu.memory_space<vmem>> -> memref<1x128xi32, #tpu.memory_space<vmem>>
        %dma_start3A_68 = tpu.memref_squeeze %dma_start3A_67 : memref<1x128xi32, #tpu.memory_space<vmem>> -> memref<128xi32, #tpu.memory_space<vmem>>
        %dma_start3A_69 = tpu.memref_slice %arg3[%add3A_64] : memref<262144xi32, #tpu.memory_space<hbm>> -> memref<128xi32, #tpu.memory_space<hbm>>
        %dma_start3A_70 = arith.constant 0 : i32
        %dma_start3A_71 = tpu.memref_slice %arg10[%scan3A_60, %dma_start3A_70] : memref<64x128xi32, #tpu.memory_space<vmem>> -> memref<1x128xi32, #tpu.memory_space<vmem>>
        %dma_start3A_72 = tpu.memref_squeeze %dma_start3A_71 : memref<1x128xi32, #tpu.memory_space<vmem>> -> memref<128xi32, #tpu.memory_space<vmem>>
        %dma_start3A_73 = tpu.memref_slice %arg3[%add3A_64] : memref<262144xi32, #tpu.memory_space<hbm>> -> memref<128xi32, #tpu.memory_space<hbm>>
        tpu.enqueue_dma source(%dma_start3A_73 : memref<128xi32, #tpu.memory_space<hbm>>) target(%dma_start3A_72 : memref<128xi32, #tpu.memory_space<vmem>>) target_semaphore(%run_scoped3A : memref<!tpu.dma_semaphore, #tpu.memory_space<semaphore_mem>>)
        %dma_wait3A_74 = arith.constant 0 : i32
        %dma_wait3A_75 = tpu.memref_slice %arg10[%scan3A_60, %dma_wait3A_74] : memref<64x128xi32, #tpu.memory_space<vmem>> -> memref<1x128xi32, #tpu.memory_space<vmem>>
        %dma_wait3A_76 = tpu.memref_squeeze %dma_wait3A_75 : memref<1x128xi32, #tpu.memory_space<vmem>> -> memref<128xi32, #tpu.memory_space<vmem>>
        %dma_wait3A_77 = tpu.memref_slice %arg3[%add3A_64] : memref<262144xi32, #tpu.memory_space<hbm>> -> memref<128xi32, #tpu.memory_space<hbm>>
        %dma_wait3A_78 = arith.constant 0 : i32
        %dma_wait3A_79 = tpu.memref_slice %arg10[%scan3A_60, %dma_wait3A_78] : memref<64x128xi32, #tpu.memory_space<vmem>> -> memref<1x128xi32, #tpu.memory_space<vmem>>
        %dma_wait3A_80 = tpu.memref_squeeze %dma_wait3A_79 : memref<1x128xi32, #tpu.memory_space<vmem>> -> memref<128xi32, #tpu.memory_space<vmem>>
        %dma_wait3A_81 = tpu.memref_slice %arg3[%add3A_64] : memref<262144xi32, #tpu.memory_space<hbm>> -> memref<128xi32, #tpu.memory_space<hbm>>
        tpu.wait_dma2 semaphore(%run_scoped3A : memref<!tpu.dma_semaphore, #tpu.memory_space<semaphore_mem>>) src(%dma_wait3A_81 : memref<128xi32, #tpu.memory_space<hbm>>) dst(%dma_wait3A_80 : memref<128xi32, #tpu.memory_space<vmem>>)
        tpu.yield
      }) : () -> ()
      %scan3A_65 = arith.constant 0 : i32
      scf.yield %scan3A_65 : i32
    }
    %scan3A_15 = arith.constant 64 : i32
    %mul3A_16 = arith.constant 256 : i32
    %mul3A_17 = arith.muli %arg1, %mul3A_16 : i32
    %mul3A_18 = arith.constant 256 : i32
    %mul3A_19 = arith.muli %arg1, %mul3A_18 : i32
    %dma_wait3A = arith.constant 0 : i32
    %dma_wait3A_20 = tpu.memref_slice %arg15[%mul3A_19, %dma_wait3A] : memref<4096x128xf32, #tpu.memory_space<vmem_shared>> -> memref<256x128xf32, #tpu.memory_space<vmem_shared>>
    %dma_wait3A_21 = arith.constant 0 : i32
    %dma_wait3A_22 = tpu.memref_slice %arg6[%mul3A_17, %dma_wait3A_21] : memref<4096x128xf32, #tpu.memory_space<hbm>> -> memref<256x128xf32, #tpu.memory_space<hbm>>
    tpu.wait_dma2 semaphore(%arg17 : memref<!tpu.dma_semaphore, #tpu.memory_space<semaphore_mem>>) src(%dma_wait3A_22 : memref<256x128xf32, #tpu.memory_space<hbm>>) dst(%dma_wait3A_20 : memref<256x128xf32, #tpu.memory_space<vmem_shared>>)
    %barrier3A = arith.constant 0 : index
    tpu.barrier barrier_id(%barrier3A)
    %scan3A_23 = arith.constant 0 : i32
    %scan3A_24 = arith.constant 0 : i32
    %scan3A_25 = arith.constant 16 : i32
    %scan3A_26 = arith.addi %scan3A_24, %scan3A_25 : i32
    %scan3A_27 = arith.constant 1 : i32
    %scan3A_28 = scf.for %scan3A_60 = %scan3A_24 to %scan3A_26 step %scan3A_27 iter_args(%scan3A_61 = %scan3A_23) -> (i32)  : i32 {
      %mul3A_62 = arith.constant 4 : i32
      %mul3A_63 = arith.muli %mul3A_62, %scan3A_60 : i32
      %add3A_64 = arith.constant 0 : i32
      %add3A_65 = arith.addi %mul3A_63, %add3A_64 : i32
      %mul3A_66 = arith.constant 128 : i32
      %mul3A_67 = arith.muli %add3A_65, %mul3A_66 : i32
      %dma_start3A_68 = tpu.memref_slice %arg9[%mul3A_67] : memref<8192xi32, #tpu.memory_space<vmem>> -> memref<128xi32, #tpu.memory_space<vmem>>
      %dma_start3A_69 = arith.constant 0 : i32
      %dma_start3A_70 = arith.constant 0 : i32
      %dma_start3A_71 = tpu.memref_slice %arg4[%dma_start3A_69, %dma_start3A_70] : memref<4096x128xf32, #tpu.memory_space<hbm>> -> memref<4096x128xf32, #tpu.memory_space<hbm>>
      tpu.enqueue_indirect_dma source(%dma_start3A_71 : memref<4096x128xf32, #tpu.memory_space<hbm>>) target(%arg11 : memref<128x128xf32, #tpu.memory_space<vmem>>) offsets(%dma_start3A_68 : memref<128xi32, #tpu.memory_space<vmem>>) semaphore(%arg18 : memref<!tpu.dma_semaphore, #tpu.memory_space<semaphore_mem>>)
      %dma_wait3A_72 = tpu.memref_slice %arg9[%mul3A_67] : memref<8192xi32, #tpu.memory_space<vmem>> -> memref<128xi32, #tpu.memory_space<vmem>>
      %dma_wait3A_73 = arith.constant 0 : i32
      %dma_wait3A_74 = arith.constant 0 : i32
      %dma_wait3A_75 = tpu.memref_slice %arg4[%dma_wait3A_73, %dma_wait3A_74] : memref<4096x128xf32, #tpu.memory_space<hbm>> -> memref<4096x128xf32, #tpu.memory_space<hbm>>
      tpu.wait_indirect_dma semaphore(%arg18 : memref<!tpu.dma_semaphore, #tpu.memory_space<semaphore_mem>>) src(%dma_wait3A_75 : memref<4096x128xf32, #tpu.memory_space<hbm>>) dst(%arg11 : memref<128x128xf32, #tpu.memory_space<vmem>>)
      %add3A_76 = arith.constant 0 : i32
      %add3A_77 = arith.addi %mul3A_63, %add3A_76 : i32
      %dma_start3A_78 = arith.constant 0 : i32
      %dma_start3A_79 = tpu.memref_slice %arg10[%add3A_77, %dma_start3A_78] : memref<64x128xi32, #tpu.memory_space<vmem>> -> memref<1x128xi32, #tpu.memory_space<vmem>>
      %dma_start3A_80 = tpu.memref_squeeze %dma_start3A_79 : memref<1x128xi32, #tpu.memory_space<vmem>> -> memref<128xi32, #tpu.memory_space<vmem>>
      %dma_start3A_81 = arith.constant 0 : i32
      %dma_start3A_82 = arith.constant 0 : i32
      %dma_start3A_83 = tpu.memref_slice %arg15[%dma_start3A_81, %dma_start3A_82] : memref<4096x128xf32, #tpu.memory_space<vmem_shared>> -> memref<4096x128xf32, #tpu.memory_space<vmem_shared>>
      tpu.enqueue_indirect_dma source(%arg11 : memref<128x128xf32, #tpu.memory_space<vmem>>) target(%dma_start3A_83 : memref<4096x128xf32, #tpu.memory_space<vmem_shared>>) offsets(%dma_start3A_80 : memref<128xi32, #tpu.memory_space<vmem>>) semaphore(%arg22 : memref<!tpu.dma_semaphore, #tpu.memory_space<semaphore_mem>>) {add = true}
      %dma_wait3A_84 = arith.constant 0 : i32
      %dma_wait3A_85 = tpu.memref_slice %arg10[%add3A_77, %dma_wait3A_84] : memref<64x128xi32, #tpu.memory_space<vmem>> -> memref<1x128xi32, #tpu.memory_space<vmem>>
      %dma_wait3A_86 = tpu.memref_squeeze %dma_wait3A_85 : memref<1x128xi32, #tpu.memory_space<vmem>> -> memref<128xi32, #tpu.memory_space<vmem>>
      %dma_wait3A_87 = arith.constant 0 : i32
      %dma_wait3A_88 = arith.constant 0 : i32
      %dma_wait3A_89 = tpu.memref_slice %arg15[%dma_wait3A_87, %dma_wait3A_88] : memref<4096x128xf32, #tpu.memory_space<vmem_shared>> -> memref<4096x128xf32, #tpu.memory_space<vmem_shared>>
      tpu.wait_indirect_dma semaphore(%arg22 : memref<!tpu.dma_semaphore, #tpu.memory_space<semaphore_mem>>) src(%arg11 : memref<128x128xf32, #tpu.memory_space<vmem>>) dst(%dma_wait3A_89 : memref<4096x128xf32, #tpu.memory_space<vmem_shared>>)
      %add3A_90 = arith.constant 1 : i32
      %add3A_91 = arith.addi %mul3A_63, %add3A_90 : i32
      %mul3A_92 = arith.constant 128 : i32
      %mul3A_93 = arith.muli %add3A_91, %mul3A_92 : i32
      %dma_start3A_94 = tpu.memref_slice %arg9[%mul3A_93] : memref<8192xi32, #tpu.memory_space<vmem>> -> memref<128xi32, #tpu.memory_space<vmem>>
      %dma_start3A_95 = arith.constant 0 : i32
      %dma_start3A_96 = arith.constant 0 : i32
      %dma_start3A_97 = tpu.memref_slice %arg4[%dma_start3A_95, %dma_start3A_96] : memref<4096x128xf32, #tpu.memory_space<hbm>> -> memref<4096x128xf32, #tpu.memory_space<hbm>>
      tpu.enqueue_indirect_dma source(%dma_start3A_97 : memref<4096x128xf32, #tpu.memory_space<hbm>>) target(%arg12 : memref<128x128xf32, #tpu.memory_space<vmem>>) offsets(%dma_start3A_94 : memref<128xi32, #tpu.memory_space<vmem>>) semaphore(%arg19 : memref<!tpu.dma_semaphore, #tpu.memory_space<semaphore_mem>>)
      %dma_wait3A_98 = tpu.memref_slice %arg9[%mul3A_93] : memref<8192xi32, #tpu.memory_space<vmem>> -> memref<128xi32, #tpu.memory_space<vmem>>
      %dma_wait3A_99 = arith.constant 0 : i32
      %dma_wait3A_100 = arith.constant 0 : i32
      %dma_wait3A_101 = tpu.memref_slice %arg4[%dma_wait3A_99, %dma_wait3A_100] : memref<4096x128xf32, #tpu.memory_space<hbm>> -> memref<4096x128xf32, #tpu.memory_space<hbm>>
      tpu.wait_indirect_dma semaphore(%arg19 : memref<!tpu.dma_semaphore, #tpu.memory_space<semaphore_mem>>) src(%dma_wait3A_101 : memref<4096x128xf32, #tpu.memory_space<hbm>>) dst(%arg12 : memref<128x128xf32, #tpu.memory_space<vmem>>)
      %add3A_102 = arith.constant 1 : i32
      %add3A_103 = arith.addi %mul3A_63, %add3A_102 : i32
      %dma_start3A_104 = arith.constant 0 : i32
      %dma_start3A_105 = tpu.memref_slice %arg10[%add3A_103, %dma_start3A_104] : memref<64x128xi32, #tpu.memory_space<vmem>> -> memref<1x128xi32, #tpu.memory_space<vmem>>
      %dma_start3A_106 = tpu.memref_squeeze %dma_start3A_105 : memref<1x128xi32, #tpu.memory_space<vmem>> -> memref<128xi32, #tpu.memory_space<vmem>>
      %dma_start3A_107 = arith.constant 0 : i32
      %dma_start3A_108 = arith.constant 0 : i32
      %dma_start3A_109 = tpu.memref_slice %arg15[%dma_start3A_107, %dma_start3A_108] : memref<4096x128xf32, #tpu.memory_space<vmem_shared>> -> memref<4096x128xf32, #tpu.memory_space<vmem_shared>>
      tpu.enqueue_indirect_dma source(%arg12 : memref<128x128xf32, #tpu.memory_space<vmem>>) target(%dma_start3A_109 : memref<4096x128xf32, #tpu.memory_space<vmem_shared>>) offsets(%dma_start3A_106 : memref<128xi32, #tpu.memory_space<vmem>>) semaphore(%arg23 : memref<!tpu.dma_semaphore, #tpu.memory_space<semaphore_mem>>) {add = true}
      %dma_wait3A_110 = arith.constant 0 : i32
      %dma_wait3A_111 = tpu.memref_slice %arg10[%add3A_103, %dma_wait3A_110] : memref<64x128xi32, #tpu.memory_space<vmem>> -> memref<1x128xi32, #tpu.memory_space<vmem>>
      %dma_wait3A_112 = tpu.memref_squeeze %dma_wait3A_111 : memref<1x128xi32, #tpu.memory_space<vmem>> -> memref<128xi32, #tpu.memory_space<vmem>>
      %dma_wait3A_113 = arith.constant 0 : i32
      %dma_wait3A_114 = arith.constant 0 : i32
      %dma_wait3A_115 = tpu.memref_slice %arg15[%dma_wait3A_113, %dma_wait3A_114] : memref<4096x128xf32, #tpu.memory_space<vmem_shared>> -> memref<4096x128xf32, #tpu.memory_space<vmem_shared>>
      tpu.wait_indirect_dma semaphore(%arg23 : memref<!tpu.dma_semaphore, #tpu.memory_space<semaphore_mem>>) src(%arg12 : memref<128x128xf32, #tpu.memory_space<vmem>>) dst(%dma_wait3A_115 : memref<4096x128xf32, #tpu.memory_space<vmem_shared>>)
      %add3A_116 = arith.constant 2 : i32
      %add3A_117 = arith.addi %mul3A_63, %add3A_116 : i32
      %mul3A_118 = arith.constant 128 : i32
      %mul3A_119 = arith.muli %add3A_117, %mul3A_118 : i32
      %dma_start3A_120 = tpu.memref_slice %arg9[%mul3A_119] : memref<8192xi32, #tpu.memory_space<vmem>> -> memref<128xi32, #tpu.memory_space<vmem>>
      %dma_start3A_121 = arith.constant 0 : i32
      %dma_start3A_122 = arith.constant 0 : i32
      %dma_start3A_123 = tpu.memref_slice %arg4[%dma_start3A_121, %dma_start3A_122] : memref<4096x128xf32, #tpu.memory_space<hbm>> -> memref<4096x128xf32, #tpu.memory_space<hbm>>
      tpu.enqueue_indirect_dma source(%dma_start3A_123 : memref<4096x128xf32, #tpu.memory_space<hbm>>) target(%arg13 : memref<128x128xf32, #tpu.memory_space<vmem>>) offsets(%dma_start3A_120 : memref<128xi32, #tpu.memory_space<vmem>>) semaphore(%arg20 : memref<!tpu.dma_semaphore, #tpu.memory_space<semaphore_mem>>)
      %dma_wait3A_124 = tpu.memref_slice %arg9[%mul3A_119] : memref<8192xi32, #tpu.memory_space<vmem>> -> memref<128xi32, #tpu.memory_space<vmem>>
      %dma_wait3A_125 = arith.constant 0 : i32
      %dma_wait3A_126 = arith.constant 0 : i32
      %dma_wait3A_127 = tpu.memref_slice %arg4[%dma_wait3A_125, %dma_wait3A_126] : memref<4096x128xf32, #tpu.memory_space<hbm>> -> memref<4096x128xf32, #tpu.memory_space<hbm>>
      tpu.wait_indirect_dma semaphore(%arg20 : memref<!tpu.dma_semaphore, #tpu.memory_space<semaphore_mem>>) src(%dma_wait3A_127 : memref<4096x128xf32, #tpu.memory_space<hbm>>) dst(%arg13 : memref<128x128xf32, #tpu.memory_space<vmem>>)
      %add3A_128 = arith.constant 2 : i32
      %add3A_129 = arith.addi %mul3A_63, %add3A_128 : i32
      %dma_start3A_130 = arith.constant 0 : i32
      %dma_start3A_131 = tpu.memref_slice %arg10[%add3A_129, %dma_start3A_130] : memref<64x128xi32, #tpu.memory_space<vmem>> -> memref<1x128xi32, #tpu.memory_space<vmem>>
      %dma_start3A_132 = tpu.memref_squeeze %dma_start3A_131 : memref<1x128xi32, #tpu.memory_space<vmem>> -> memref<128xi32, #tpu.memory_space<vmem>>
      %dma_start3A_133 = arith.constant 0 : i32
      %dma_start3A_134 = arith.constant 0 : i32
      %dma_start3A_135 = tpu.memref_slice %arg15[%dma_start3A_133, %dma_start3A_134] : memref<4096x128xf32, #tpu.memory_space<vmem_shared>> -> memref<4096x128xf32, #tpu.memory_space<vmem_shared>>
      tpu.enqueue_indirect_dma source(%arg13 : memref<128x128xf32, #tpu.memory_space<vmem>>) target(%dma_start3A_135 : memref<4096x128xf32, #tpu.memory_space<vmem_shared>>) offsets(%dma_start3A_132 : memref<128xi32, #tpu.memory_space<vmem>>) semaphore(%arg24 : memref<!tpu.dma_semaphore, #tpu.memory_space<semaphore_mem>>) {add = true}
      %dma_wait3A_136 = arith.constant 0 : i32
      %dma_wait3A_137 = tpu.memref_slice %arg10[%add3A_129, %dma_wait3A_136] : memref<64x128xi32, #tpu.memory_space<vmem>> -> memref<1x128xi32, #tpu.memory_space<vmem>>
      %dma_wait3A_138 = tpu.memref_squeeze %dma_wait3A_137 : memref<1x128xi32, #tpu.memory_space<vmem>> -> memref<128xi32, #tpu.memory_space<vmem>>
      %dma_wait3A_139 = arith.constant 0 : i32
      %dma_wait3A_140 = arith.constant 0 : i32
      %dma_wait3A_141 = tpu.memref_slice %arg15[%dma_wait3A_139, %dma_wait3A_140] : memref<4096x128xf32, #tpu.memory_space<vmem_shared>> -> memref<4096x128xf32, #tpu.memory_space<vmem_shared>>
      tpu.wait_indirect_dma semaphore(%arg24 : memref<!tpu.dma_semaphore, #tpu.memory_space<semaphore_mem>>) src(%arg13 : memref<128x128xf32, #tpu.memory_space<vmem>>) dst(%dma_wait3A_141 : memref<4096x128xf32, #tpu.memory_space<vmem_shared>>)
      %add3A_142 = arith.constant 3 : i32
      %add3A_143 = arith.addi %mul3A_63, %add3A_142 : i32
      %mul3A_144 = arith.constant 128 : i32
      %mul3A_145 = arith.muli %add3A_143, %mul3A_144 : i32
      %dma_start3A_146 = tpu.memref_slice %arg9[%mul3A_145] : memref<8192xi32, #tpu.memory_space<vmem>> -> memref<128xi32, #tpu.memory_space<vmem>>
      %dma_start3A_147 = arith.constant 0 : i32
      %dma_start3A_148 = arith.constant 0 : i32
      %dma_start3A_149 = tpu.memref_slice %arg4[%dma_start3A_147, %dma_start3A_148] : memref<4096x128xf32, #tpu.memory_space<hbm>> -> memref<4096x128xf32, #tpu.memory_space<hbm>>
      tpu.enqueue_indirect_dma source(%dma_start3A_149 : memref<4096x128xf32, #tpu.memory_space<hbm>>) target(%arg14 : memref<128x128xf32, #tpu.memory_space<vmem>>) offsets(%dma_start3A_146 : memref<128xi32, #tpu.memory_space<vmem>>) semaphore(%arg21 : memref<!tpu.dma_semaphore, #tpu.memory_space<semaphore_mem>>)
      %dma_wait3A_150 = tpu.memref_slice %arg9[%mul3A_145] : memref<8192xi32, #tpu.memory_space<vmem>> -> memref<128xi32, #tpu.memory_space<vmem>>
      %dma_wait3A_151 = arith.constant 0 : i32
      %dma_wait3A_152 = arith.constant 0 : i32
      %dma_wait3A_153 = tpu.memref_slice %arg4[%dma_wait3A_151, %dma_wait3A_152] : memref<4096x128xf32, #tpu.memory_space<hbm>> -> memref<4096x128xf32, #tpu.memory_space<hbm>>
      tpu.wait_indirect_dma semaphore(%arg21 : memref<!tpu.dma_semaphore, #tpu.memory_space<semaphore_mem>>) src(%dma_wait3A_153 : memref<4096x128xf32, #tpu.memory_space<hbm>>) dst(%arg14 : memref<128x128xf32, #tpu.memory_space<vmem>>)
      %add3A_154 = arith.constant 3 : i32
      %add3A_155 = arith.addi %mul3A_63, %add3A_154 : i32
      %dma_start3A_156 = arith.constant 0 : i32
      %dma_start3A_157 = tpu.memref_slice %arg10[%add3A_155, %dma_start3A_156] : memref<64x128xi32, #tpu.memory_space<vmem>> -> memref<1x128xi32, #tpu.memory_space<vmem>>
      %dma_start3A_158 = tpu.memref_squeeze %dma_start3A_157 : memref<1x128xi32, #tpu.memory_space<vmem>> -> memref<128xi32, #tpu.memory_space<vmem>>
      %dma_start3A_159 = arith.constant 0 : i32
      %dma_start3A_160 = arith.constant 0 : i32
      %dma_start3A_161 = tpu.memref_slice %arg15[%dma_start3A_159, %dma_start3A_160] : memref<4096x128xf32, #tpu.memory_space<vmem_shared>> -> memref<4096x128xf32, #tpu.memory_space<vmem_shared>>
      tpu.enqueue_indirect_dma source(%arg14 : memref<128x128xf32, #tpu.memory_space<vmem>>) target(%dma_start3A_161 : memref<4096x128xf32, #tpu.memory_space<vmem_shared>>) offsets(%dma_start3A_158 : memref<128xi32, #tpu.memory_space<vmem>>) semaphore(%arg25 : memref<!tpu.dma_semaphore, #tpu.memory_space<semaphore_mem>>) {add = true}
      %dma_wait3A_162 = arith.constant 0 : i32
      %dma_wait3A_163 = tpu.memref_slice %arg10[%add3A_155, %dma_wait3A_162] : memref<64x128xi32, #tpu.memory_space<vmem>> -> memref<1x128xi32, #tpu.memory_space<vmem>>
      %dma_wait3A_164 = tpu.memref_squeeze %dma_wait3A_163 : memref<1x128xi32, #tpu.memory_space<vmem>> -> memref<128xi32, #tpu.memory_space<vmem>>
      %dma_wait3A_165 = arith.constant 0 : i32
      %dma_wait3A_166 = arith.constant 0 : i32
      %dma_wait3A_167 = tpu.memref_slice %arg15[%dma_wait3A_165, %dma_wait3A_166] : memref<4096x128xf32, #tpu.memory_space<vmem_shared>> -> memref<4096x128xf32, #tpu.memory_space<vmem_shared>>
      tpu.wait_indirect_dma semaphore(%arg25 : memref<!tpu.dma_semaphore, #tpu.memory_space<semaphore_mem>>) src(%arg14 : memref<128x128xf32, #tpu.memory_space<vmem>>) dst(%dma_wait3A_167 : memref<4096x128xf32, #tpu.memory_space<vmem_shared>>)
      %scan3A_168 = arith.constant 0 : i32
      scf.yield %scan3A_168 : i32
    }
    %scan3A_29 = arith.constant 16 : i32
    %barrier3A_30 = arith.constant 0 : index
    tpu.barrier barrier_id(%barrier3A_30)
    %mul3A_31 = arith.constant 256 : i32
    %mul3A_32 = arith.muli %arg1, %mul3A_31 : i32
    %mul3A_33 = arith.constant 4096 : i32
    %mul3A_34 = arith.muli %arg0, %mul3A_33 : i32
    %mul3A_35 = arith.constant 256 : i32
    %mul3A_36 = arith.muli %arg1, %mul3A_35 : i32
    %add3A_37 = arith.addi %mul3A_34, %mul3A_36 : i32
    "tpu.region"() ({
      %run_scoped3A = tpu.sem_alloc : memref<!tpu.dma_semaphore, #tpu.memory_space<semaphore_mem>>
      %dma_start3A_60 = arith.constant 0 : i32
      %dma_start3A_61 = tpu.memref_slice %arg7[%add3A_37, %dma_start3A_60] : memref<8192x128xf32, #tpu.memory_space<hbm>> -> memref<256x128xf32, #tpu.memory_space<hbm>>
      %dma_start3A_62 = arith.constant 0 : i32
      %dma_start3A_63 = tpu.memref_slice %arg15[%mul3A_32, %dma_start3A_62] : memref<4096x128xf32, #tpu.memory_space<vmem_shared>> -> memref<256x128xf32, #tpu.memory_space<vmem_shared>>
      tpu.enqueue_dma source(%dma_start3A_63 : memref<256x128xf32, #tpu.memory_space<vmem_shared>>) target(%dma_start3A_61 : memref<256x128xf32, #tpu.memory_space<hbm>>) target_semaphore(%run_scoped3A : memref<!tpu.dma_semaphore, #tpu.memory_space<semaphore_mem>>)
      %dma_wait3A_64 = arith.constant 0 : i32
      %dma_wait3A_65 = tpu.memref_slice %arg7[%add3A_37, %dma_wait3A_64] : memref<8192x128xf32, #tpu.memory_space<hbm>> -> memref<256x128xf32, #tpu.memory_space<hbm>>
      %dma_wait3A_66 = arith.constant 0 : i32
      %dma_wait3A_67 = tpu.memref_slice %arg15[%mul3A_32, %dma_wait3A_66] : memref<4096x128xf32, #tpu.memory_space<vmem_shared>> -> memref<256x128xf32, #tpu.memory_space<vmem_shared>>
      tpu.wait_dma2 semaphore(%run_scoped3A : memref<!tpu.dma_semaphore, #tpu.memory_space<semaphore_mem>>) src(%dma_wait3A_67 : memref<256x128xf32, #tpu.memory_space<vmem_shared>>) dst(%dma_wait3A_65 : memref<256x128xf32, #tpu.memory_space<hbm>>)
      tpu.yield
    }) : () -> ()
    %barrier3A_38 = arith.constant 0 : index
    tpu.barrier barrier_id(%barrier3A_38)
    %mul3A_39 = arith.constant 256 : i32
    %mul3A_40 = arith.muli %arg1, %mul3A_39 : i32
    %mul3A_41 = arith.constant 256 : i32
    %mul3A_42 = arith.muli %arg1, %mul3A_41 : i32
    "tpu.region"() ({
      %run_scoped3A = tpu.sem_alloc : memref<!tpu.dma_semaphore, #tpu.memory_space<semaphore_mem>>
      %dma_start3A_60 = arith.constant 0 : i32
      %dma_start3A_61 = tpu.memref_slice %arg15[%mul3A_42, %dma_start3A_60] : memref<4096x128xf32, #tpu.memory_space<vmem_shared>> -> memref<256x128xf32, #tpu.memory_space<vmem_shared>>
      %dma_start3A_62 = arith.constant 0 : i32
      %dma_start3A_63 = tpu.memref_slice %arg6[%mul3A_40, %dma_start3A_62] : memref<4096x128xf32, #tpu.memory_space<hbm>> -> memref<256x128xf32, #tpu.memory_space<hbm>>
      tpu.enqueue_dma source(%dma_start3A_63 : memref<256x128xf32, #tpu.memory_space<hbm>>) target(%dma_start3A_61 : memref<256x128xf32, #tpu.memory_space<vmem_shared>>) target_semaphore(%run_scoped3A : memref<!tpu.dma_semaphore, #tpu.memory_space<semaphore_mem>>)
      %dma_wait3A_64 = arith.constant 0 : i32
      %dma_wait3A_65 = tpu.memref_slice %arg15[%mul3A_42, %dma_wait3A_64] : memref<4096x128xf32, #tpu.memory_space<vmem_shared>> -> memref<256x128xf32, #tpu.memory_space<vmem_shared>>
      %dma_wait3A_66 = arith.constant 0 : i32
      %dma_wait3A_67 = tpu.memref_slice %arg6[%mul3A_40, %dma_wait3A_66] : memref<4096x128xf32, #tpu.memory_space<hbm>> -> memref<256x128xf32, #tpu.memory_space<hbm>>
      tpu.wait_dma2 semaphore(%run_scoped3A : memref<!tpu.dma_semaphore, #tpu.memory_space<semaphore_mem>>) src(%dma_wait3A_67 : memref<256x128xf32, #tpu.memory_space<hbm>>) dst(%dma_wait3A_65 : memref<256x128xf32, #tpu.memory_space<vmem_shared>>)
      tpu.yield
    }) : () -> ()
    %barrier3A_43 = arith.constant 0 : index
    tpu.barrier barrier_id(%barrier3A_43)
    %scan3A_44 = arith.constant 0 : i32
    %scan3A_45 = arith.constant 0 : i32
    %scan3A_46 = arith.constant 16 : i32
    %scan3A_47 = arith.addi %scan3A_45, %scan3A_46 : i32
    %scan3A_48 = arith.constant 1 : i32
    %scan3A_49 = scf.for %scan3A_60 = %scan3A_45 to %scan3A_47 step %scan3A_48 iter_args(%scan3A_61 = %scan3A_44) -> (i32)  : i32 {
      %mul3A_62 = arith.constant 4 : i32
      %mul3A_63 = arith.muli %mul3A_62, %scan3A_60 : i32
      %add3A_64 = arith.constant 0 : i32
      %add3A_65 = arith.addi %mul3A_63, %add3A_64 : i32
      %mul3A_66 = arith.constant 128 : i32
      %mul3A_67 = arith.muli %add3A_65, %mul3A_66 : i32
      %dma_start3A_68 = tpu.memref_slice %arg9[%mul3A_67] : memref<8192xi32, #tpu.memory_space<vmem>> -> memref<128xi32, #tpu.memory_space<vmem>>
      %dma_start3A_69 = arith.constant 0 : i32
      %dma_start3A_70 = arith.constant 0 : i32
      %dma_start3A_71 = tpu.memref_slice %arg5[%dma_start3A_69, %dma_start3A_70] : memref<4096x128xf32, #tpu.memory_space<hbm>> -> memref<4096x128xf32, #tpu.memory_space<hbm>>
      tpu.enqueue_indirect_dma source(%dma_start3A_71 : memref<4096x128xf32, #tpu.memory_space<hbm>>) target(%arg11 : memref<128x128xf32, #tpu.memory_space<vmem>>) offsets(%dma_start3A_68 : memref<128xi32, #tpu.memory_space<vmem>>) semaphore(%arg18 : memref<!tpu.dma_semaphore, #tpu.memory_space<semaphore_mem>>)
      %dma_wait3A_72 = tpu.memref_slice %arg9[%mul3A_67] : memref<8192xi32, #tpu.memory_space<vmem>> -> memref<128xi32, #tpu.memory_space<vmem>>
      %dma_wait3A_73 = arith.constant 0 : i32
      %dma_wait3A_74 = arith.constant 0 : i32
      %dma_wait3A_75 = tpu.memref_slice %arg5[%dma_wait3A_73, %dma_wait3A_74] : memref<4096x128xf32, #tpu.memory_space<hbm>> -> memref<4096x128xf32, #tpu.memory_space<hbm>>
      tpu.wait_indirect_dma semaphore(%arg18 : memref<!tpu.dma_semaphore, #tpu.memory_space<semaphore_mem>>) src(%dma_wait3A_75 : memref<4096x128xf32, #tpu.memory_space<hbm>>) dst(%arg11 : memref<128x128xf32, #tpu.memory_space<vmem>>)
      %add3A_76 = arith.constant 0 : i32
      %add3A_77 = arith.addi %mul3A_63, %add3A_76 : i32
      %dma_start3A_78 = arith.constant 0 : i32
      %dma_start3A_79 = tpu.memref_slice %arg10[%add3A_77, %dma_start3A_78] : memref<64x128xi32, #tpu.memory_space<vmem>> -> memref<1x128xi32, #tpu.memory_space<vmem>>
      %dma_start3A_80 = tpu.memref_squeeze %dma_start3A_79 : memref<1x128xi32, #tpu.memory_space<vmem>> -> memref<128xi32, #tpu.memory_space<vmem>>
      %dma_start3A_81 = arith.constant 0 : i32
      %dma_start3A_82 = arith.constant 0 : i32
      %dma_start3A_83 = tpu.memref_slice %arg15[%dma_start3A_81, %dma_start3A_82] : memref<4096x128xf32, #tpu.memory_space<vmem_shared>> -> memref<4096x128xf32, #tpu.memory_space<vmem_shared>>
      tpu.enqueue_indirect_dma source(%arg11 : memref<128x128xf32, #tpu.memory_space<vmem>>) target(%dma_start3A_83 : memref<4096x128xf32, #tpu.memory_space<vmem_shared>>) offsets(%dma_start3A_80 : memref<128xi32, #tpu.memory_space<vmem>>) semaphore(%arg22 : memref<!tpu.dma_semaphore, #tpu.memory_space<semaphore_mem>>) {add = true}
      %dma_wait3A_84 = arith.constant 0 : i32
      %dma_wait3A_85 = tpu.memref_slice %arg10[%add3A_77, %dma_wait3A_84] : memref<64x128xi32, #tpu.memory_space<vmem>> -> memref<1x128xi32, #tpu.memory_space<vmem>>
      %dma_wait3A_86 = tpu.memref_squeeze %dma_wait3A_85 : memref<1x128xi32, #tpu.memory_space<vmem>> -> memref<128xi32, #tpu.memory_space<vmem>>
      %dma_wait3A_87 = arith.constant 0 : i32
      %dma_wait3A_88 = arith.constant 0 : i32
      %dma_wait3A_89 = tpu.memref_slice %arg15[%dma_wait3A_87, %dma_wait3A_88] : memref<4096x128xf32, #tpu.memory_space<vmem_shared>> -> memref<4096x128xf32, #tpu.memory_space<vmem_shared>>
      tpu.wait_indirect_dma semaphore(%arg22 : memref<!tpu.dma_semaphore, #tpu.memory_space<semaphore_mem>>) src(%arg11 : memref<128x128xf32, #tpu.memory_space<vmem>>) dst(%dma_wait3A_89 : memref<4096x128xf32, #tpu.memory_space<vmem_shared>>)
      %add3A_90 = arith.constant 1 : i32
      %add3A_91 = arith.addi %mul3A_63, %add3A_90 : i32
      %mul3A_92 = arith.constant 128 : i32
      %mul3A_93 = arith.muli %add3A_91, %mul3A_92 : i32
      %dma_start3A_94 = tpu.memref_slice %arg9[%mul3A_93] : memref<8192xi32, #tpu.memory_space<vmem>> -> memref<128xi32, #tpu.memory_space<vmem>>
      %dma_start3A_95 = arith.constant 0 : i32
      %dma_start3A_96 = arith.constant 0 : i32
      %dma_start3A_97 = tpu.memref_slice %arg5[%dma_start3A_95, %dma_start3A_96] : memref<4096x128xf32, #tpu.memory_space<hbm>> -> memref<4096x128xf32, #tpu.memory_space<hbm>>
      tpu.enqueue_indirect_dma source(%dma_start3A_97 : memref<4096x128xf32, #tpu.memory_space<hbm>>) target(%arg12 : memref<128x128xf32, #tpu.memory_space<vmem>>) offsets(%dma_start3A_94 : memref<128xi32, #tpu.memory_space<vmem>>) semaphore(%arg19 : memref<!tpu.dma_semaphore, #tpu.memory_space<semaphore_mem>>)
      %dma_wait3A_98 = tpu.memref_slice %arg9[%mul3A_93] : memref<8192xi32, #tpu.memory_space<vmem>> -> memref<128xi32, #tpu.memory_space<vmem>>
      %dma_wait3A_99 = arith.constant 0 : i32
      %dma_wait3A_100 = arith.constant 0 : i32
      %dma_wait3A_101 = tpu.memref_slice %arg5[%dma_wait3A_99, %dma_wait3A_100] : memref<4096x128xf32, #tpu.memory_space<hbm>> -> memref<4096x128xf32, #tpu.memory_space<hbm>>
      tpu.wait_indirect_dma semaphore(%arg19 : memref<!tpu.dma_semaphore, #tpu.memory_space<semaphore_mem>>) src(%dma_wait3A_101 : memref<4096x128xf32, #tpu.memory_space<hbm>>) dst(%arg12 : memref<128x128xf32, #tpu.memory_space<vmem>>)
      %add3A_102 = arith.constant 1 : i32
      %add3A_103 = arith.addi %mul3A_63, %add3A_102 : i32
      %dma_start3A_104 = arith.constant 0 : i32
      %dma_start3A_105 = tpu.memref_slice %arg10[%add3A_103, %dma_start3A_104] : memref<64x128xi32, #tpu.memory_space<vmem>> -> memref<1x128xi32, #tpu.memory_space<vmem>>
      %dma_start3A_106 = tpu.memref_squeeze %dma_start3A_105 : memref<1x128xi32, #tpu.memory_space<vmem>> -> memref<128xi32, #tpu.memory_space<vmem>>
      %dma_start3A_107 = arith.constant 0 : i32
      %dma_start3A_108 = arith.constant 0 : i32
      %dma_start3A_109 = tpu.memref_slice %arg15[%dma_start3A_107, %dma_start3A_108] : memref<4096x128xf32, #tpu.memory_space<vmem_shared>> -> memref<4096x128xf32, #tpu.memory_space<vmem_shared>>
      tpu.enqueue_indirect_dma source(%arg12 : memref<128x128xf32, #tpu.memory_space<vmem>>) target(%dma_start3A_109 : memref<4096x128xf32, #tpu.memory_space<vmem_shared>>) offsets(%dma_start3A_106 : memref<128xi32, #tpu.memory_space<vmem>>) semaphore(%arg23 : memref<!tpu.dma_semaphore, #tpu.memory_space<semaphore_mem>>) {add = true}
      %dma_wait3A_110 = arith.constant 0 : i32
      %dma_wait3A_111 = tpu.memref_slice %arg10[%add3A_103, %dma_wait3A_110] : memref<64x128xi32, #tpu.memory_space<vmem>> -> memref<1x128xi32, #tpu.memory_space<vmem>>
      %dma_wait3A_112 = tpu.memref_squeeze %dma_wait3A_111 : memref<1x128xi32, #tpu.memory_space<vmem>> -> memref<128xi32, #tpu.memory_space<vmem>>
      %dma_wait3A_113 = arith.constant 0 : i32
      %dma_wait3A_114 = arith.constant 0 : i32
      %dma_wait3A_115 = tpu.memref_slice %arg15[%dma_wait3A_113, %dma_wait3A_114] : memref<4096x128xf32, #tpu.memory_space<vmem_shared>> -> memref<4096x128xf32, #tpu.memory_space<vmem_shared>>
      tpu.wait_indirect_dma semaphore(%arg23 : memref<!tpu.dma_semaphore, #tpu.memory_space<semaphore_mem>>) src(%arg12 : memref<128x128xf32, #tpu.memory_space<vmem>>) dst(%dma_wait3A_115 : memref<4096x128xf32, #tpu.memory_space<vmem_shared>>)
      %add3A_116 = arith.constant 2 : i32
      %add3A_117 = arith.addi %mul3A_63, %add3A_116 : i32
      %mul3A_118 = arith.constant 128 : i32
      %mul3A_119 = arith.muli %add3A_117, %mul3A_118 : i32
      %dma_start3A_120 = tpu.memref_slice %arg9[%mul3A_119] : memref<8192xi32, #tpu.memory_space<vmem>> -> memref<128xi32, #tpu.memory_space<vmem>>
      %dma_start3A_121 = arith.constant 0 : i32
      %dma_start3A_122 = arith.constant 0 : i32
      %dma_start3A_123 = tpu.memref_slice %arg5[%dma_start3A_121, %dma_start3A_122] : memref<4096x128xf32, #tpu.memory_space<hbm>> -> memref<4096x128xf32, #tpu.memory_space<hbm>>
      tpu.enqueue_indirect_dma source(%dma_start3A_123 : memref<4096x128xf32, #tpu.memory_space<hbm>>) target(%arg13 : memref<128x128xf32, #tpu.memory_space<vmem>>) offsets(%dma_start3A_120 : memref<128xi32, #tpu.memory_space<vmem>>) semaphore(%arg20 : memref<!tpu.dma_semaphore, #tpu.memory_space<semaphore_mem>>)
      %dma_wait3A_124 = tpu.memref_slice %arg9[%mul3A_119] : memref<8192xi32, #tpu.memory_space<vmem>> -> memref<128xi32, #tpu.memory_space<vmem>>
      %dma_wait3A_125 = arith.constant 0 : i32
      %dma_wait3A_126 = arith.constant 0 : i32
      %dma_wait3A_127 = tpu.memref_slice %arg5[%dma_wait3A_125, %dma_wait3A_126] : memref<4096x128xf32, #tpu.memory_space<hbm>> -> memref<4096x128xf32, #tpu.memory_space<hbm>>
      tpu.wait_indirect_dma semaphore(%arg20 : memref<!tpu.dma_semaphore, #tpu.memory_space<semaphore_mem>>) src(%dma_wait3A_127 : memref<4096x128xf32, #tpu.memory_space<hbm>>) dst(%arg13 : memref<128x128xf32, #tpu.memory_space<vmem>>)
      %add3A_128 = arith.constant 2 : i32
      %add3A_129 = arith.addi %mul3A_63, %add3A_128 : i32
      %dma_start3A_130 = arith.constant 0 : i32
      %dma_start3A_131 = tpu.memref_slice %arg10[%add3A_129, %dma_start3A_130] : memref<64x128xi32, #tpu.memory_space<vmem>> -> memref<1x128xi32, #tpu.memory_space<vmem>>
      %dma_start3A_132 = tpu.memref_squeeze %dma_start3A_131 : memref<1x128xi32, #tpu.memory_space<vmem>> -> memref<128xi32, #tpu.memory_space<vmem>>
      %dma_start3A_133 = arith.constant 0 : i32
      %dma_start3A_134 = arith.constant 0 : i32
      %dma_start3A_135 = tpu.memref_slice %arg15[%dma_start3A_133, %dma_start3A_134] : memref<4096x128xf32, #tpu.memory_space<vmem_shared>> -> memref<4096x128xf32, #tpu.memory_space<vmem_shared>>
      tpu.enqueue_indirect_dma source(%arg13 : memref<128x128xf32, #tpu.memory_space<vmem>>) target(%dma_start3A_135 : memref<4096x128xf32, #tpu.memory_space<vmem_shared>>) offsets(%dma_start3A_132 : memref<128xi32, #tpu.memory_space<vmem>>) semaphore(%arg24 : memref<!tpu.dma_semaphore, #tpu.memory_space<semaphore_mem>>) {add = true}
      %dma_wait3A_136 = arith.constant 0 : i32
      %dma_wait3A_137 = tpu.memref_slice %arg10[%add3A_129, %dma_wait3A_136] : memref<64x128xi32, #tpu.memory_space<vmem>> -> memref<1x128xi32, #tpu.memory_space<vmem>>
      %dma_wait3A_138 = tpu.memref_squeeze %dma_wait3A_137 : memref<1x128xi32, #tpu.memory_space<vmem>> -> memref<128xi32, #tpu.memory_space<vmem>>
      %dma_wait3A_139 = arith.constant 0 : i32
      %dma_wait3A_140 = arith.constant 0 : i32
      %dma_wait3A_141 = tpu.memref_slice %arg15[%dma_wait3A_139, %dma_wait3A_140] : memref<4096x128xf32, #tpu.memory_space<vmem_shared>> -> memref<4096x128xf32, #tpu.memory_space<vmem_shared>>
      tpu.wait_indirect_dma semaphore(%arg24 : memref<!tpu.dma_semaphore, #tpu.memory_space<semaphore_mem>>) src(%arg13 : memref<128x128xf32, #tpu.memory_space<vmem>>) dst(%dma_wait3A_141 : memref<4096x128xf32, #tpu.memory_space<vmem_shared>>)
      %add3A_142 = arith.constant 3 : i32
      %add3A_143 = arith.addi %mul3A_63, %add3A_142 : i32
      %mul3A_144 = arith.constant 128 : i32
      %mul3A_145 = arith.muli %add3A_143, %mul3A_144 : i32
      %dma_start3A_146 = tpu.memref_slice %arg9[%mul3A_145] : memref<8192xi32, #tpu.memory_space<vmem>> -> memref<128xi32, #tpu.memory_space<vmem>>
      %dma_start3A_147 = arith.constant 0 : i32
      %dma_start3A_148 = arith.constant 0 : i32
      %dma_start3A_149 = tpu.memref_slice %arg5[%dma_start3A_147, %dma_start3A_148] : memref<4096x128xf32, #tpu.memory_space<hbm>> -> memref<4096x128xf32, #tpu.memory_space<hbm>>
      tpu.enqueue_indirect_dma source(%dma_start3A_149 : memref<4096x128xf32, #tpu.memory_space<hbm>>) target(%arg14 : memref<128x128xf32, #tpu.memory_space<vmem>>) offsets(%dma_start3A_146 : memref<128xi32, #tpu.memory_space<vmem>>) semaphore(%arg21 : memref<!tpu.dma_semaphore, #tpu.memory_space<semaphore_mem>>)
      %dma_wait3A_150 = tpu.memref_slice %arg9[%mul3A_145] : memref<8192xi32, #tpu.memory_space<vmem>> -> memref<128xi32, #tpu.memory_space<vmem>>
      %dma_wait3A_151 = arith.constant 0 : i32
      %dma_wait3A_152 = arith.constant 0 : i32
      %dma_wait3A_153 = tpu.memref_slice %arg5[%dma_wait3A_151, %dma_wait3A_152] : memref<4096x128xf32, #tpu.memory_space<hbm>> -> memref<4096x128xf32, #tpu.memory_space<hbm>>
      tpu.wait_indirect_dma semaphore(%arg21 : memref<!tpu.dma_semaphore, #tpu.memory_space<semaphore_mem>>) src(%dma_wait3A_153 : memref<4096x128xf32, #tpu.memory_space<hbm>>) dst(%arg14 : memref<128x128xf32, #tpu.memory_space<vmem>>)
      %add3A_154 = arith.constant 3 : i32
      %add3A_155 = arith.addi %mul3A_63, %add3A_154 : i32
      %dma_start3A_156 = arith.constant 0 : i32
      %dma_start3A_157 = tpu.memref_slice %arg10[%add3A_155, %dma_start3A_156] : memref<64x128xi32, #tpu.memory_space<vmem>> -> memref<1x128xi32, #tpu.memory_space<vmem>>
      %dma_start3A_158 = tpu.memref_squeeze %dma_start3A_157 : memref<1x128xi32, #tpu.memory_space<vmem>> -> memref<128xi32, #tpu.memory_space<vmem>>
      %dma_start3A_159 = arith.constant 0 : i32
      %dma_start3A_160 = arith.constant 0 : i32
      %dma_start3A_161 = tpu.memref_slice %arg15[%dma_start3A_159, %dma_start3A_160] : memref<4096x128xf32, #tpu.memory_space<vmem_shared>> -> memref<4096x128xf32, #tpu.memory_space<vmem_shared>>
      tpu.enqueue_indirect_dma source(%arg14 : memref<128x128xf32, #tpu.memory_space<vmem>>) target(%dma_start3A_161 : memref<4096x128xf32, #tpu.memory_space<vmem_shared>>) offsets(%dma_start3A_158 : memref<128xi32, #tpu.memory_space<vmem>>) semaphore(%arg25 : memref<!tpu.dma_semaphore, #tpu.memory_space<semaphore_mem>>) {add = true}
      %dma_wait3A_162 = arith.constant 0 : i32
      %dma_wait3A_163 = tpu.memref_slice %arg10[%add3A_155, %dma_wait3A_162] : memref<64x128xi32, #tpu.memory_space<vmem>> -> memref<1x128xi32, #tpu.memory_space<vmem>>
      %dma_wait3A_164 = tpu.memref_squeeze %dma_wait3A_163 : memref<1x128xi32, #tpu.memory_space<vmem>> -> memref<128xi32, #tpu.memory_space<vmem>>
      %dma_wait3A_165 = arith.constant 0 : i32
      %dma_wait3A_166 = arith.constant 0 : i32
      %dma_wait3A_167 = tpu.memref_slice %arg15[%dma_wait3A_165, %dma_wait3A_166] : memref<4096x128xf32, #tpu.memory_space<vmem_shared>> -> memref<4096x128xf32, #tpu.memory_space<vmem_shared>>
      tpu.wait_indirect_dma semaphore(%arg25 : memref<!tpu.dma_semaphore, #tpu.memory_space<semaphore_mem>>) src(%arg14 : memref<128x128xf32, #tpu.memory_space<vmem>>) dst(%dma_wait3A_167 : memref<4096x128xf32, #tpu.memory_space<vmem_shared>>)
      %scan3A_168 = arith.constant 0 : i32
      scf.yield %scan3A_168 : i32
    }
    %scan3A_50 = arith.constant 16 : i32
    %barrier3A_51 = arith.constant 0 : index
    tpu.barrier barrier_id(%barrier3A_51)
    %mul3A_52 = arith.constant 256 : i32
    %mul3A_53 = arith.muli %arg1, %mul3A_52 : i32
    %mul3A_54 = arith.constant 4096 : i32
    %mul3A_55 = arith.muli %arg0, %mul3A_54 : i32
    %mul3A_56 = arith.constant 256 : i32
    %mul3A_57 = arith.muli %arg1, %mul3A_56 : i32
    %add3A_58 = arith.addi %mul3A_55, %mul3A_57 : i32
    "tpu.region"() ({
      %run_scoped3A = tpu.sem_alloc : memref<!tpu.dma_semaphore, #tpu.memory_space<semaphore_mem>>
      %dma_start3A_60 = arith.constant 0 : i32
      %dma_start3A_61 = tpu.memref_slice %arg8[%add3A_58, %dma_start3A_60] : memref<8192x128xf32, #tpu.memory_space<hbm>> -> memref<256x128xf32, #tpu.memory_space<hbm>>
      %dma_start3A_62 = arith.constant 0 : i32
      %dma_start3A_63 = tpu.memref_slice %arg15[%mul3A_53, %dma_start3A_62] : memref<4096x128xf32, #tpu.memory_space<vmem_shared>> -> memref<256x128xf32, #tpu.memory_space<vmem_shared>>
      tpu.enqueue_dma source(%dma_start3A_63 : memref<256x128xf32, #tpu.memory_space<vmem_shared>>) target(%dma_start3A_61 : memref<256x128xf32, #tpu.memory_space<hbm>>) target_semaphore(%run_scoped3A : memref<!tpu.dma_semaphore, #tpu.memory_space<semaphore_mem>>)
      %dma_wait3A_64 = arith.constant 0 : i32
      %dma_wait3A_65 = tpu.memref_slice %arg8[%add3A_58, %dma_wait3A_64] : memref<8192x128xf32, #tpu.memory_space<hbm>> -> memref<256x128xf32, #tpu.memory_space<hbm>>
      %dma_wait3A_66 = arith.constant 0 : i32
      %dma_wait3A_67 = tpu.memref_slice %arg15[%mul3A_53, %dma_wait3A_66] : memref<4096x128xf32, #tpu.memory_space<vmem_shared>> -> memref<256x128xf32, #tpu.memory_space<vmem_shared>>
      tpu.wait_dma2 semaphore(%run_scoped3A : memref<!tpu.dma_semaphore, #tpu.memory_space<semaphore_mem>>) src(%dma_wait3A_67 : memref<256x128xf32, #tpu.memory_space<vmem_shared>>) dst(%dma_wait3A_65 : memref<256x128xf32, #tpu.memory_space<hbm>>)
      tpu.yield
    }) : () -> ()
    %barrier3A_59 = arith.constant 0 : index
    tpu.barrier barrier_id(%barrier3A_59)
    return
  }
}

#map = affine_map<(d0, d1) -> (0)>
#map1 = affine_map<(d0, d1) -> (0, 0)>
module attributes {stable_mosaic.version = 14 : i64} {
  func.func @_sc3_body(%arg0: i32, %arg1: i32, %arg2: memref<262144xi32, #tpu.memory_space<hbm>>, %arg3: memref<262144xi32, #tpu.memory_space<hbm>>, %arg4: memref<4104x128xf32, #tpu.memory_space<hbm>>, %arg5: memref<4096x128xf32, #tpu.memory_space<hbm>>, %arg6: memref<8192x128xf32, #tpu.memory_space<hbm>>, %arg7: memref<8192xi32, #tpu.memory_space<vmem>>, %arg8: memref<8192xi32, #tpu.memory_space<vmem>>, %arg9: memref<8192xi32, #tpu.memory_space<vmem>>, %arg10: memref<64x128xi32, #tpu.memory_space<vmem>>, %arg11: memref<128x128xf32, #tpu.memory_space<vmem>>, %arg12: memref<128x128xf32, #tpu.memory_space<vmem>>, %arg13: memref<128x128xf32, #tpu.memory_space<vmem>>, %arg14: memref<128x128xf32, #tpu.memory_space<vmem>>, %arg15: memref<4096x128xf32, #tpu.memory_space<vmem_shared>>, %arg16: memref<!tpu.dma_semaphore, #tpu.memory_space<semaphore_mem>>, %arg17: memref<!tpu.dma_semaphore, #tpu.memory_space<semaphore_mem>>, %arg18: memref<!tpu.dma_semaphore, #tpu.memory_space<semaphore_mem>>, %arg19: memref<!tpu.dma_semaphore, #tpu.memory_space<semaphore_mem>>, %arg20: memref<!tpu.dma_semaphore, #tpu.memory_space<semaphore_mem>>, %arg21: memref<!tpu.dma_semaphore, #tpu.memory_space<semaphore_mem>>, %arg22: memref<!tpu.dma_semaphore, #tpu.memory_space<semaphore_mem>>, %arg23: memref<!tpu.dma_semaphore, #tpu.memory_space<semaphore_mem>>, %arg24: memref<!tpu.dma_semaphore, #tpu.memory_space<semaphore_mem>>, %arg25: memref<!tpu.dma_semaphore, #tpu.memory_space<semaphore_mem>>) attributes {dimension_semantics = [#tpu.dimension_semantics<core_parallel>, #tpu.dimension_semantics<subcore_parallel>], iteration_bounds = array<i64: 2, 16>, scalar_prefetch = 0 : i64, scratch_operands = 19 : i64, tpu.core_type = #tpu.core_type<sc_vector_subcore>, window_params = [{transform_indices = #map}, {transform_indices = #map}, {transform_indices = #map1}, {transform_indices = #map1}, {transform_indices = #map1}]} {
    %mul3A = arith.constant 8192 : i32
    %mul3A_0 = arith.muli %arg1, %mul3A : i32
    %mul3A_1 = arith.constant 131072 : i32
    %mul3A_2 = arith.muli %arg0, %mul3A_1 : i32
    %add3A = arith.addi %mul3A_2, %mul3A_0 : i32
    "tpu.region"() ({
      %run_scoped3A = tpu.sem_alloc : memref<!tpu.dma_semaphore, #tpu.memory_space<semaphore_mem>>
      %dma_start3A_38 = tpu.memref_slice %arg3[%add3A] : memref<262144xi32, #tpu.memory_space<hbm>> -> memref<8192xi32, #tpu.memory_space<hbm>>
      %dma_start3A_39 = tpu.memref_slice %arg3[%add3A] : memref<262144xi32, #tpu.memory_space<hbm>> -> memref<8192xi32, #tpu.memory_space<hbm>>
      tpu.enqueue_dma source(%dma_start3A_39 : memref<8192xi32, #tpu.memory_space<hbm>>) target(%arg8 : memref<8192xi32, #tpu.memory_space<vmem>>) target_semaphore(%run_scoped3A : memref<!tpu.dma_semaphore, #tpu.memory_space<semaphore_mem>>)
      %dma_wait3A_40 = tpu.memref_slice %arg3[%add3A] : memref<262144xi32, #tpu.memory_space<hbm>> -> memref<8192xi32, #tpu.memory_space<hbm>>
      %dma_wait3A_41 = tpu.memref_slice %arg3[%add3A] : memref<262144xi32, #tpu.memory_space<hbm>> -> memref<8192xi32, #tpu.memory_space<hbm>>
      tpu.wait_dma2 semaphore(%run_scoped3A : memref<!tpu.dma_semaphore, #tpu.memory_space<semaphore_mem>>) src(%dma_wait3A_41 : memref<8192xi32, #tpu.memory_space<hbm>>) dst(%arg8 : memref<8192xi32, #tpu.memory_space<vmem>>)
      tpu.yield
    }) : () -> ()
    "tpu.region"() ({
      %run_scoped3A = tpu.sem_alloc : memref<!tpu.dma_semaphore, #tpu.memory_space<semaphore_mem>>
      %dma_start3A_38 = tpu.memref_slice %arg2[%add3A] : memref<262144xi32, #tpu.memory_space<hbm>> -> memref<8192xi32, #tpu.memory_space<hbm>>
      %dma_start3A_39 = tpu.memref_slice %arg2[%add3A] : memref<262144xi32, #tpu.memory_space<hbm>> -> memref<8192xi32, #tpu.memory_space<hbm>>
      tpu.enqueue_dma source(%dma_start3A_39 : memref<8192xi32, #tpu.memory_space<hbm>>) target(%arg7 : memref<8192xi32, #tpu.memory_space<vmem>>) target_semaphore(%run_scoped3A : memref<!tpu.dma_semaphore, #tpu.memory_space<semaphore_mem>>)
      %dma_wait3A_40 = tpu.memref_slice %arg2[%add3A] : memref<262144xi32, #tpu.memory_space<hbm>> -> memref<8192xi32, #tpu.memory_space<hbm>>
      %dma_wait3A_41 = tpu.memref_slice %arg2[%add3A] : memref<262144xi32, #tpu.memory_space<hbm>> -> memref<8192xi32, #tpu.memory_space<hbm>>
      tpu.wait_dma2 semaphore(%run_scoped3A : memref<!tpu.dma_semaphore, #tpu.memory_space<semaphore_mem>>) src(%dma_wait3A_41 : memref<8192xi32, #tpu.memory_space<hbm>>) dst(%arg7 : memref<8192xi32, #tpu.memory_space<vmem>>)
      tpu.yield
    }) : () -> ()
    %mul3A_3 = arith.constant 256 : i32
    %mul3A_4 = arith.muli %arg1, %mul3A_3 : i32
    %mul3A_5 = arith.constant 256 : i32
    %mul3A_6 = arith.muli %arg1, %mul3A_5 : i32
    %dma_start3A = arith.constant 0 : i32
    %dma_start3A_7 = tpu.memref_slice %arg15[%mul3A_6, %dma_start3A] : memref<4096x128xf32, #tpu.memory_space<vmem_shared>> -> memref<256x128xf32, #tpu.memory_space<vmem_shared>>
    %dma_start3A_8 = arith.constant 0 : i32
    %dma_start3A_9 = tpu.memref_slice %arg5[%mul3A_4, %dma_start3A_8] : memref<4096x128xf32, #tpu.memory_space<hbm>> -> memref<256x128xf32, #tpu.memory_space<hbm>>
    tpu.enqueue_dma source(%dma_start3A_9 : memref<256x128xf32, #tpu.memory_space<hbm>>) target(%dma_start3A_7 : memref<256x128xf32, #tpu.memory_space<vmem_shared>>) target_semaphore(%arg17 : memref<!tpu.dma_semaphore, #tpu.memory_space<semaphore_mem>>)
    %scan3A = arith.constant 0 : i32
    %scan3A_10 = arith.constant 0 : i32
    %scan3A_11 = arith.constant 512 : i32
    %scan3A_12 = arith.addi %scan3A_10, %scan3A_11 : i32
    %scan3A_13 = arith.constant 1 : i32
    %scan3A_14 = scf.for %scan3A_38 = %scan3A_10 to %scan3A_12 step %scan3A_13 iter_args(%scan3A_39 = %scan3A) -> (i32)  : i32 {
      %jit3A = arith.constant 8 : i32
      %div3A = arith.divsi %scan3A_38, %jit3A : i32
      %sign3A = arith.constant 0 : i32
      %sign3A_40 = arith.cmpi sgt, %scan3A_38, %sign3A : i32
      %sign3A_41 = arith.extui %sign3A_40 : i1 to i32
      %sign3A_42 = arith.constant 0 : i32
      %sign3A_43 = arith.cmpi slt, %scan3A_38, %sign3A_42 : i32
      %sign3A_44 = arith.extui %sign3A_43 : i1 to i32
      %sign3A_45 = arith.subi %sign3A_41, %sign3A_44 : i32
      %sign3A_46 = arith.constant 0 : i32
      %sign3A_47 = arith.cmpi sgt, %jit3A, %sign3A_46 : i32
      %sign3A_48 = arith.extui %sign3A_47 : i1 to i32
      %sign3A_49 = arith.constant 0 : i32
      %sign3A_50 = arith.cmpi slt, %jit3A, %sign3A_49 : i32
      %sign3A_51 = arith.extui %sign3A_50 : i1 to i32
      %sign3A_52 = arith.subi %sign3A_48, %sign3A_51 : i32
      %ne3A = arith.cmpi ne, %sign3A_45, %sign3A_52 : i32
      %rem3A = arith.remsi %scan3A_38, %jit3A : i32
      %ne3A_53 = arith.constant 0 : i32
      %ne3A_54 = arith.cmpi ne, %rem3A, %ne3A_53 : i32
      %and3A = arith.andi %ne3A, %ne3A_54 : i1
      %sub3A = arith.constant 1 : i32
      %sub3A_55 = arith.subi %div3A, %sub3A : i32
      %select_n3A = arith.select %and3A, %sub3A_55, %div3A : i32
      %jit3A_56 = arith.constant 8 : i32
      %eq3A = arith.constant 0 : i32
      %eq3A_57 = arith.cmpi eq, %jit3A_56, %eq3A : i32
      %jit3A_58 = arith.constant 1 : i32
      %select_n3A_59 = arith.select %eq3A_57, %jit3A_58, %jit3A_56 : i32
      %rem3A_60 = arith.remsi %scan3A_38, %select_n3A_59 : i32
      %ne3A_61 = arith.constant 0 : i32
      %ne3A_62 = arith.cmpi ne, %rem3A_60, %ne3A_61 : i32
      %lt3A = arith.constant 0 : i32
      %lt3A_63 = arith.cmpi slt, %rem3A_60, %lt3A : i32
      %lt3A_64 = arith.constant 0 : i32
      %lt3A_65 = arith.cmpi slt, %select_n3A_59, %lt3A_64 : i32
      %ne3A_66 = arith.xori %lt3A_63, %lt3A_65 : i1
      %and3A_67 = arith.andi %ne3A_66, %ne3A_62 : i1
      %add3A_68 = arith.addi %rem3A_60, %select_n3A_59 : i32
      %select_n3A_69 = arith.select %and3A_67, %add3A_68, %rem3A_60 : i32
      %mul3A_70 = arith.constant 16 : i32
      %mul3A_71 = arith.muli %select_n3A_69, %mul3A_70 : i32
      %mul3A_72 = arith.constant 16 : i32
      %mul3A_73 = arith.muli %scan3A_38, %mul3A_72 : i32
      %get3A = arith.index_cast %mul3A_73 : i32 to index
      %get3A_74 = tpu.vector_load %arg7[%get3A] {strides = array<i32>} : memref<8192xi32, #tpu.memory_space<vmem>>, vector<16xi32>,
      %get3A_75 = vector.shape_cast %get3A_74 : vector<16xi32> to vector<16xi32>
      %ge3A = arith.constant 0 : i32
      %ge3A_76 = vector.broadcast %ge3A : i32 to vector<16xi32>
      %ge3A_77 = arith.cmpi sge, %get3A_75, %ge3A_76 : vector<16xi32>
      %get3A_78 = arith.index_cast %mul3A_73 : i32 to index
      %get3A_79 = tpu.vector_load %arg8[%get3A_78] {strides = array<i32>} : memref<8192xi32, #tpu.memory_space<vmem>>, vector<16xi32>,
      %get3A_80 = vector.shape_cast %get3A_79 : vector<16xi32> to vector<16xi32>
      %jit3A_81 = arith.constant 4096 : i32
      %broadcast_in_dim3A = vector.broadcast %jit3A_81 : i32 to vector<16xi32>
      %select_n3A_82 = arith.select %ge3A_77, %get3A_80, %broadcast_in_dim3A : vector<16xi1>, vector<16xi32>
      %swap3A = arith.index_cast %mul3A_73 : i32 to index
      %swap3A_83 = tpu.vector_load %arg9[%swap3A] {strides = array<i32>} : memref<8192xi32, #tpu.memory_space<vmem>>, vector<16xi32>,
      %swap3A_84 = vector.shape_cast %swap3A_83 : vector<16xi32> to vector<16xi32>
      %swap3A_85 = vector.shape_cast %select_n3A_82 : vector<16xi32> to vector<16xi32>
      tpu.vector_store %arg9[%swap3A], %swap3A_85 {strides = array<i32>} : memref<8192xi32, #tpu.memory_space<vmem>>, vector<16xi32>,
      %jit3A_86 = arith.constant 0 : i32
      %broadcast_in_dim3A_87 = vector.broadcast %jit3A_86 : i32 to vector<16xi32>
      %select_n3A_88 = arith.select %ge3A_77, %get3A_75, %broadcast_in_dim3A_87 : vector<16xi1>, vector<16xi32>
      %swap3A_89 = arith.index_cast %select_n3A : i32 to index
      %swap3A_90 = arith.index_cast %mul3A_71 : i32 to index
      %swap3A_91 = tpu.vector_load %arg10[%swap3A_89, %swap3A_90] {strides = array<i32>} : memref<64x128xi32, #tpu.memory_space<vmem>>, vector<1x16xi32>,
      %swap3A_92 = vector.shape_cast %swap3A_91 : vector<1x16xi32> to vector<16xi32>
      %swap3A_93 = vector.shape_cast %select_n3A_88 : vector<16xi32> to vector<1x16xi32>
      tpu.vector_store %arg10[%swap3A_89, %swap3A_90], %swap3A_93 {strides = array<i32>} : memref<64x128xi32, #tpu.memory_space<vmem>>, vector<1x16xi32>,
      %scan3A_94 = arith.constant 0 : i32
      scf.yield %scan3A_94 : i32
    }
    %scan3A_15 = arith.constant 512 : i32
    %mul3A_16 = arith.constant 256 : i32
    %mul3A_17 = arith.muli %arg1, %mul3A_16 : i32
    %mul3A_18 = arith.constant 256 : i32
    %mul3A_19 = arith.muli %arg1, %mul3A_18 : i32
    %dma_wait3A = arith.constant 0 : i32
    %dma_wait3A_20 = tpu.memref_slice %arg15[%mul3A_19, %dma_wait3A] : memref<4096x128xf32, #tpu.memory_space<vmem_shared>> -> memref<256x128xf32, #tpu.memory_space<vmem_shared>>
    %dma_wait3A_21 = arith.constant 0 : i32
    %dma_wait3A_22 = tpu.memref_slice %arg5[%mul3A_17, %dma_wait3A_21] : memref<4096x128xf32, #tpu.memory_space<hbm>> -> memref<256x128xf32, #tpu.memory_space<hbm>>
    tpu.wait_dma2 semaphore(%arg17 : memref<!tpu.dma_semaphore, #tpu.memory_space<semaphore_mem>>) src(%dma_wait3A_22 : memref<256x128xf32, #tpu.memory_space<hbm>>) dst(%dma_wait3A_20 : memref<256x128xf32, #tpu.memory_space<vmem_shared>>)
    %barrier3A = arith.constant 0 : index
    tpu.barrier barrier_id(%barrier3A)
    %scan3A_23 = arith.constant 0 : i32
    %scan3A_24 = arith.constant 0 : i32
    %scan3A_25 = arith.constant 16 : i32
    %scan3A_26 = arith.addi %scan3A_24, %scan3A_25 : i32
    %scan3A_27 = arith.constant 1 : i32
    %scan3A_28 = scf.for %scan3A_38 = %scan3A_24 to %scan3A_26 step %scan3A_27 iter_args(%scan3A_39 = %scan3A_23) -> (i32)  : i32 {
      %mul3A_40 = arith.constant 4 : i32
      %mul3A_41 = arith.muli %mul3A_40, %scan3A_38 : i32
      %add3A_42 = arith.constant 0 : i32
      %add3A_43 = arith.addi %mul3A_41, %add3A_42 : i32
      %mul3A_44 = arith.constant 128 : i32
      %mul3A_45 = arith.muli %add3A_43, %mul3A_44 : i32
      %dma_start3A_46 = tpu.memref_slice %arg9[%mul3A_45] : memref<8192xi32, #tpu.memory_space<vmem>> -> memref<128xi32, #tpu.memory_space<vmem>>
      %dma_start3A_47 = arith.constant 0 : i32
      %dma_start3A_48 = arith.constant 0 : i32
      %dma_start3A_49 = tpu.memref_slice %arg4[%dma_start3A_47, %dma_start3A_48] : memref<4104x128xf32, #tpu.memory_space<hbm>> -> memref<4104x128xf32, #tpu.memory_space<hbm>>
      tpu.enqueue_indirect_dma source(%dma_start3A_49 : memref<4104x128xf32, #tpu.memory_space<hbm>>) target(%arg11 : memref<128x128xf32, #tpu.memory_space<vmem>>) offsets(%dma_start3A_46 : memref<128xi32, #tpu.memory_space<vmem>>) semaphore(%arg18 : memref<!tpu.dma_semaphore, #tpu.memory_space<semaphore_mem>>)
      %dma_wait3A_50 = tpu.memref_slice %arg9[%mul3A_45] : memref<8192xi32, #tpu.memory_space<vmem>> -> memref<128xi32, #tpu.memory_space<vmem>>
      %dma_wait3A_51 = arith.constant 0 : i32
      %dma_wait3A_52 = arith.constant 0 : i32
      %dma_wait3A_53 = tpu.memref_slice %arg4[%dma_wait3A_51, %dma_wait3A_52] : memref<4104x128xf32, #tpu.memory_space<hbm>> -> memref<4104x128xf32, #tpu.memory_space<hbm>>
      tpu.wait_indirect_dma semaphore(%arg18 : memref<!tpu.dma_semaphore, #tpu.memory_space<semaphore_mem>>) src(%dma_wait3A_53 : memref<4104x128xf32, #tpu.memory_space<hbm>>) dst(%arg11 : memref<128x128xf32, #tpu.memory_space<vmem>>)
      %add3A_54 = arith.constant 0 : i32
      %add3A_55 = arith.addi %mul3A_41, %add3A_54 : i32
      %dma_start3A_56 = arith.constant 0 : i32
      %dma_start3A_57 = tpu.memref_slice %arg10[%add3A_55, %dma_start3A_56] : memref<64x128xi32, #tpu.memory_space<vmem>> -> memref<1x128xi32, #tpu.memory_space<vmem>>
      %dma_start3A_58 = tpu.memref_squeeze %dma_start3A_57 : memref<1x128xi32, #tpu.memory_space<vmem>> -> memref<128xi32, #tpu.memory_space<vmem>>
      %dma_start3A_59 = arith.constant 0 : i32
      %dma_start3A_60 = arith.constant 0 : i32
      %dma_start3A_61 = tpu.memref_slice %arg15[%dma_start3A_59, %dma_start3A_60] : memref<4096x128xf32, #tpu.memory_space<vmem_shared>> -> memref<4096x128xf32, #tpu.memory_space<vmem_shared>>
      tpu.enqueue_indirect_dma source(%arg11 : memref<128x128xf32, #tpu.memory_space<vmem>>) target(%dma_start3A_61 : memref<4096x128xf32, #tpu.memory_space<vmem_shared>>) offsets(%dma_start3A_58 : memref<128xi32, #tpu.memory_space<vmem>>) semaphore(%arg22 : memref<!tpu.dma_semaphore, #tpu.memory_space<semaphore_mem>>) {add = true}
      %dma_wait3A_62 = arith.constant 0 : i32
      %dma_wait3A_63 = tpu.memref_slice %arg10[%add3A_55, %dma_wait3A_62] : memref<64x128xi32, #tpu.memory_space<vmem>> -> memref<1x128xi32, #tpu.memory_space<vmem>>
      %dma_wait3A_64 = tpu.memref_squeeze %dma_wait3A_63 : memref<1x128xi32, #tpu.memory_space<vmem>> -> memref<128xi32, #tpu.memory_space<vmem>>
      %dma_wait3A_65 = arith.constant 0 : i32
      %dma_wait3A_66 = arith.constant 0 : i32
      %dma_wait3A_67 = tpu.memref_slice %arg15[%dma_wait3A_65, %dma_wait3A_66] : memref<4096x128xf32, #tpu.memory_space<vmem_shared>> -> memref<4096x128xf32, #tpu.memory_space<vmem_shared>>
      tpu.wait_indirect_dma semaphore(%arg22 : memref<!tpu.dma_semaphore, #tpu.memory_space<semaphore_mem>>) src(%arg11 : memref<128x128xf32, #tpu.memory_space<vmem>>) dst(%dma_wait3A_67 : memref<4096x128xf32, #tpu.memory_space<vmem_shared>>)
      %add3A_68 = arith.constant 1 : i32
      %add3A_69 = arith.addi %mul3A_41, %add3A_68 : i32
      %mul3A_70 = arith.constant 128 : i32
      %mul3A_71 = arith.muli %add3A_69, %mul3A_70 : i32
      %dma_start3A_72 = tpu.memref_slice %arg9[%mul3A_71] : memref<8192xi32, #tpu.memory_space<vmem>> -> memref<128xi32, #tpu.memory_space<vmem>>
      %dma_start3A_73 = arith.constant 0 : i32
      %dma_start3A_74 = arith.constant 0 : i32
      %dma_start3A_75 = tpu.memref_slice %arg4[%dma_start3A_73, %dma_start3A_74] : memref<4104x128xf32, #tpu.memory_space<hbm>> -> memref<4104x128xf32, #tpu.memory_space<hbm>>
      tpu.enqueue_indirect_dma source(%dma_start3A_75 : memref<4104x128xf32, #tpu.memory_space<hbm>>) target(%arg12 : memref<128x128xf32, #tpu.memory_space<vmem>>) offsets(%dma_start3A_72 : memref<128xi32, #tpu.memory_space<vmem>>) semaphore(%arg19 : memref<!tpu.dma_semaphore, #tpu.memory_space<semaphore_mem>>)
      %dma_wait3A_76 = tpu.memref_slice %arg9[%mul3A_71] : memref<8192xi32, #tpu.memory_space<vmem>> -> memref<128xi32, #tpu.memory_space<vmem>>
      %dma_wait3A_77 = arith.constant 0 : i32
      %dma_wait3A_78 = arith.constant 0 : i32
      %dma_wait3A_79 = tpu.memref_slice %arg4[%dma_wait3A_77, %dma_wait3A_78] : memref<4104x128xf32, #tpu.memory_space<hbm>> -> memref<4104x128xf32, #tpu.memory_space<hbm>>
      tpu.wait_indirect_dma semaphore(%arg19 : memref<!tpu.dma_semaphore, #tpu.memory_space<semaphore_mem>>) src(%dma_wait3A_79 : memref<4104x128xf32, #tpu.memory_space<hbm>>) dst(%arg12 : memref<128x128xf32, #tpu.memory_space<vmem>>)
      %add3A_80 = arith.constant 1 : i32
      %add3A_81 = arith.addi %mul3A_41, %add3A_80 : i32
      %dma_start3A_82 = arith.constant 0 : i32
      %dma_start3A_83 = tpu.memref_slice %arg10[%add3A_81, %dma_start3A_82] : memref<64x128xi32, #tpu.memory_space<vmem>> -> memref<1x128xi32, #tpu.memory_space<vmem>>
      %dma_start3A_84 = tpu.memref_squeeze %dma_start3A_83 : memref<1x128xi32, #tpu.memory_space<vmem>> -> memref<128xi32, #tpu.memory_space<vmem>>
      %dma_start3A_85 = arith.constant 0 : i32
      %dma_start3A_86 = arith.constant 0 : i32
      %dma_start3A_87 = tpu.memref_slice %arg15[%dma_start3A_85, %dma_start3A_86] : memref<4096x128xf32, #tpu.memory_space<vmem_shared>> -> memref<4096x128xf32, #tpu.memory_space<vmem_shared>>
      tpu.enqueue_indirect_dma source(%arg12 : memref<128x128xf32, #tpu.memory_space<vmem>>) target(%dma_start3A_87 : memref<4096x128xf32, #tpu.memory_space<vmem_shared>>) offsets(%dma_start3A_84 : memref<128xi32, #tpu.memory_space<vmem>>) semaphore(%arg23 : memref<!tpu.dma_semaphore, #tpu.memory_space<semaphore_mem>>) {add = true}
      %dma_wait3A_88 = arith.constant 0 : i32
      %dma_wait3A_89 = tpu.memref_slice %arg10[%add3A_81, %dma_wait3A_88] : memref<64x128xi32, #tpu.memory_space<vmem>> -> memref<1x128xi32, #tpu.memory_space<vmem>>
      %dma_wait3A_90 = tpu.memref_squeeze %dma_wait3A_89 : memref<1x128xi32, #tpu.memory_space<vmem>> -> memref<128xi32, #tpu.memory_space<vmem>>
      %dma_wait3A_91 = arith.constant 0 : i32
      %dma_wait3A_92 = arith.constant 0 : i32
      %dma_wait3A_93 = tpu.memref_slice %arg15[%dma_wait3A_91, %dma_wait3A_92] : memref<4096x128xf32, #tpu.memory_space<vmem_shared>> -> memref<4096x128xf32, #tpu.memory_space<vmem_shared>>
      tpu.wait_indirect_dma semaphore(%arg23 : memref<!tpu.dma_semaphore, #tpu.memory_space<semaphore_mem>>) src(%arg12 : memref<128x128xf32, #tpu.memory_space<vmem>>) dst(%dma_wait3A_93 : memref<4096x128xf32, #tpu.memory_space<vmem_shared>>)
      %add3A_94 = arith.constant 2 : i32
      %add3A_95 = arith.addi %mul3A_41, %add3A_94 : i32
      %mul3A_96 = arith.constant 128 : i32
      %mul3A_97 = arith.muli %add3A_95, %mul3A_96 : i32
      %dma_start3A_98 = tpu.memref_slice %arg9[%mul3A_97] : memref<8192xi32, #tpu.memory_space<vmem>> -> memref<128xi32, #tpu.memory_space<vmem>>
      %dma_start3A_99 = arith.constant 0 : i32
      %dma_start3A_100 = arith.constant 0 : i32
      %dma_start3A_101 = tpu.memref_slice %arg4[%dma_start3A_99, %dma_start3A_100] : memref<4104x128xf32, #tpu.memory_space<hbm>> -> memref<4104x128xf32, #tpu.memory_space<hbm>>
      tpu.enqueue_indirect_dma source(%dma_start3A_101 : memref<4104x128xf32, #tpu.memory_space<hbm>>) target(%arg13 : memref<128x128xf32, #tpu.memory_space<vmem>>) offsets(%dma_start3A_98 : memref<128xi32, #tpu.memory_space<vmem>>) semaphore(%arg20 : memref<!tpu.dma_semaphore, #tpu.memory_space<semaphore_mem>>)
      %dma_wait3A_102 = tpu.memref_slice %arg9[%mul3A_97] : memref<8192xi32, #tpu.memory_space<vmem>> -> memref<128xi32, #tpu.memory_space<vmem>>
      %dma_wait3A_103 = arith.constant 0 : i32
      %dma_wait3A_104 = arith.constant 0 : i32
      %dma_wait3A_105 = tpu.memref_slice %arg4[%dma_wait3A_103, %dma_wait3A_104] : memref<4104x128xf32, #tpu.memory_space<hbm>> -> memref<4104x128xf32, #tpu.memory_space<hbm>>
      tpu.wait_indirect_dma semaphore(%arg20 : memref<!tpu.dma_semaphore, #tpu.memory_space<semaphore_mem>>) src(%dma_wait3A_105 : memref<4104x128xf32, #tpu.memory_space<hbm>>) dst(%arg13 : memref<128x128xf32, #tpu.memory_space<vmem>>)
      %add3A_106 = arith.constant 2 : i32
      %add3A_107 = arith.addi %mul3A_41, %add3A_106 : i32
      %dma_start3A_108 = arith.constant 0 : i32
      %dma_start3A_109 = tpu.memref_slice %arg10[%add3A_107, %dma_start3A_108] : memref<64x128xi32, #tpu.memory_space<vmem>> -> memref<1x128xi32, #tpu.memory_space<vmem>>
      %dma_start3A_110 = tpu.memref_squeeze %dma_start3A_109 : memref<1x128xi32, #tpu.memory_space<vmem>> -> memref<128xi32, #tpu.memory_space<vmem>>
      %dma_start3A_111 = arith.constant 0 : i32
      %dma_start3A_112 = arith.constant 0 : i32
      %dma_start3A_113 = tpu.memref_slice %arg15[%dma_start3A_111, %dma_start3A_112] : memref<4096x128xf32, #tpu.memory_space<vmem_shared>> -> memref<4096x128xf32, #tpu.memory_space<vmem_shared>>
      tpu.enqueue_indirect_dma source(%arg13 : memref<128x128xf32, #tpu.memory_space<vmem>>) target(%dma_start3A_113 : memref<4096x128xf32, #tpu.memory_space<vmem_shared>>) offsets(%dma_start3A_110 : memref<128xi32, #tpu.memory_space<vmem>>) semaphore(%arg24 : memref<!tpu.dma_semaphore, #tpu.memory_space<semaphore_mem>>) {add = true}
      %dma_wait3A_114 = arith.constant 0 : i32
      %dma_wait3A_115 = tpu.memref_slice %arg10[%add3A_107, %dma_wait3A_114] : memref<64x128xi32, #tpu.memory_space<vmem>> -> memref<1x128xi32, #tpu.memory_space<vmem>>
      %dma_wait3A_116 = tpu.memref_squeeze %dma_wait3A_115 : memref<1x128xi32, #tpu.memory_space<vmem>> -> memref<128xi32, #tpu.memory_space<vmem>>
      %dma_wait3A_117 = arith.constant 0 : i32
      %dma_wait3A_118 = arith.constant 0 : i32
      %dma_wait3A_119 = tpu.memref_slice %arg15[%dma_wait3A_117, %dma_wait3A_118] : memref<4096x128xf32, #tpu.memory_space<vmem_shared>> -> memref<4096x128xf32, #tpu.memory_space<vmem_shared>>
      tpu.wait_indirect_dma semaphore(%arg24 : memref<!tpu.dma_semaphore, #tpu.memory_space<semaphore_mem>>) src(%arg13 : memref<128x128xf32, #tpu.memory_space<vmem>>) dst(%dma_wait3A_119 : memref<4096x128xf32, #tpu.memory_space<vmem_shared>>)
      %add3A_120 = arith.constant 3 : i32
      %add3A_121 = arith.addi %mul3A_41, %add3A_120 : i32
      %mul3A_122 = arith.constant 128 : i32
      %mul3A_123 = arith.muli %add3A_121, %mul3A_122 : i32
      %dma_start3A_124 = tpu.memref_slice %arg9[%mul3A_123] : memref<8192xi32, #tpu.memory_space<vmem>> -> memref<128xi32, #tpu.memory_space<vmem>>
      %dma_start3A_125 = arith.constant 0 : i32
      %dma_start3A_126 = arith.constant 0 : i32
      %dma_start3A_127 = tpu.memref_slice %arg4[%dma_start3A_125, %dma_start3A_126] : memref<4104x128xf32, #tpu.memory_space<hbm>> -> memref<4104x128xf32, #tpu.memory_space<hbm>>
      tpu.enqueue_indirect_dma source(%dma_start3A_127 : memref<4104x128xf32, #tpu.memory_space<hbm>>) target(%arg14 : memref<128x128xf32, #tpu.memory_space<vmem>>) offsets(%dma_start3A_124 : memref<128xi32, #tpu.memory_space<vmem>>) semaphore(%arg21 : memref<!tpu.dma_semaphore, #tpu.memory_space<semaphore_mem>>)
      %dma_wait3A_128 = tpu.memref_slice %arg9[%mul3A_123] : memref<8192xi32, #tpu.memory_space<vmem>> -> memref<128xi32, #tpu.memory_space<vmem>>
      %dma_wait3A_129 = arith.constant 0 : i32
      %dma_wait3A_130 = arith.constant 0 : i32
      %dma_wait3A_131 = tpu.memref_slice %arg4[%dma_wait3A_129, %dma_wait3A_130] : memref<4104x128xf32, #tpu.memory_space<hbm>> -> memref<4104x128xf32, #tpu.memory_space<hbm>>
      tpu.wait_indirect_dma semaphore(%arg21 : memref<!tpu.dma_semaphore, #tpu.memory_space<semaphore_mem>>) src(%dma_wait3A_131 : memref<4104x128xf32, #tpu.memory_space<hbm>>) dst(%arg14 : memref<128x128xf32, #tpu.memory_space<vmem>>)
      %add3A_132 = arith.constant 3 : i32
      %add3A_133 = arith.addi %mul3A_41, %add3A_132 : i32
      %dma_start3A_134 = arith.constant 0 : i32
      %dma_start3A_135 = tpu.memref_slice %arg10[%add3A_133, %dma_start3A_134] : memref<64x128xi32, #tpu.memory_space<vmem>> -> memref<1x128xi32, #tpu.memory_space<vmem>>
      %dma_start3A_136 = tpu.memref_squeeze %dma_start3A_135 : memref<1x128xi32, #tpu.memory_space<vmem>> -> memref<128xi32, #tpu.memory_space<vmem>>
      %dma_start3A_137 = arith.constant 0 : i32
      %dma_start3A_138 = arith.constant 0 : i32
      %dma_start3A_139 = tpu.memref_slice %arg15[%dma_start3A_137, %dma_start3A_138] : memref<4096x128xf32, #tpu.memory_space<vmem_shared>> -> memref<4096x128xf32, #tpu.memory_space<vmem_shared>>
      tpu.enqueue_indirect_dma source(%arg14 : memref<128x128xf32, #tpu.memory_space<vmem>>) target(%dma_start3A_139 : memref<4096x128xf32, #tpu.memory_space<vmem_shared>>) offsets(%dma_start3A_136 : memref<128xi32, #tpu.memory_space<vmem>>) semaphore(%arg25 : memref<!tpu.dma_semaphore, #tpu.memory_space<semaphore_mem>>) {add = true}
      %dma_wait3A_140 = arith.constant 0 : i32
      %dma_wait3A_141 = tpu.memref_slice %arg10[%add3A_133, %dma_wait3A_140] : memref<64x128xi32, #tpu.memory_space<vmem>> -> memref<1x128xi32, #tpu.memory_space<vmem>>
      %dma_wait3A_142 = tpu.memref_squeeze %dma_wait3A_141 : memref<1x128xi32, #tpu.memory_space<vmem>> -> memref<128xi32, #tpu.memory_space<vmem>>
      %dma_wait3A_143 = arith.constant 0 : i32
      %dma_wait3A_144 = arith.constant 0 : i32
      %dma_wait3A_145 = tpu.memref_slice %arg15[%dma_wait3A_143, %dma_wait3A_144] : memref<4096x128xf32, #tpu.memory_space<vmem_shared>> -> memref<4096x128xf32, #tpu.memory_space<vmem_shared>>
      tpu.wait_indirect_dma semaphore(%arg25 : memref<!tpu.dma_semaphore, #tpu.memory_space<semaphore_mem>>) src(%arg14 : memref<128x128xf32, #tpu.memory_space<vmem>>) dst(%dma_wait3A_145 : memref<4096x128xf32, #tpu.memory_space<vmem_shared>>)
      %scan3A_146 = arith.constant 0 : i32
      scf.yield %scan3A_146 : i32
    }
    %scan3A_29 = arith.constant 16 : i32
    %barrier3A_30 = arith.constant 0 : index
    tpu.barrier barrier_id(%barrier3A_30)
    %mul3A_31 = arith.constant 256 : i32
    %mul3A_32 = arith.muli %arg1, %mul3A_31 : i32
    %mul3A_33 = arith.constant 4096 : i32
    %mul3A_34 = arith.muli %arg0, %mul3A_33 : i32
    %mul3A_35 = arith.constant 256 : i32
    %mul3A_36 = arith.muli %arg1, %mul3A_35 : i32
    %add3A_37 = arith.addi %mul3A_34, %mul3A_36 : i32
    "tpu.region"() ({
      %run_scoped3A = tpu.sem_alloc : memref<!tpu.dma_semaphore, #tpu.memory_space<semaphore_mem>>
      %dma_start3A_38 = arith.constant 0 : i32
      %dma_start3A_39 = tpu.memref_slice %arg6[%add3A_37, %dma_start3A_38] : memref<8192x128xf32, #tpu.memory_space<hbm>> -> memref<256x128xf32, #tpu.memory_space<hbm>>
      %dma_start3A_40 = arith.constant 0 : i32
      %dma_start3A_41 = tpu.memref_slice %arg15[%mul3A_32, %dma_start3A_40] : memref<4096x128xf32, #tpu.memory_space<vmem_shared>> -> memref<256x128xf32, #tpu.memory_space<vmem_shared>>
      tpu.enqueue_dma source(%dma_start3A_41 : memref<256x128xf32, #tpu.memory_space<vmem_shared>>) target(%dma_start3A_39 : memref<256x128xf32, #tpu.memory_space<hbm>>) target_semaphore(%run_scoped3A : memref<!tpu.dma_semaphore, #tpu.memory_space<semaphore_mem>>)
      %dma_wait3A_42 = arith.constant 0 : i32
      %dma_wait3A_43 = tpu.memref_slice %arg6[%add3A_37, %dma_wait3A_42] : memref<8192x128xf32, #tpu.memory_space<hbm>> -> memref<256x128xf32, #tpu.memory_space<hbm>>
      %dma_wait3A_44 = arith.constant 0 : i32
      %dma_wait3A_45 = tpu.memref_slice %arg15[%mul3A_32, %dma_wait3A_44] : memref<4096x128xf32, #tpu.memory_space<vmem_shared>> -> memref<256x128xf32, #tpu.memory_space<vmem_shared>>
      tpu.wait_dma2 semaphore(%run_scoped3A : memref<!tpu.dma_semaphore, #tpu.memory_space<semaphore_mem>>) src(%dma_wait3A_45 : memref<256x128xf32, #tpu.memory_space<vmem_shared>>) dst(%dma_wait3A_43 : memref<256x128xf32, #tpu.memory_space<hbm>>)
      tpu.yield
    }) : () -> ()
    return
  }
}

module attributes {stable_mosaic.version = 14 : i64} {
  func.func @_embed_body(%arg0: i32, %arg1: memref<512x111xf32, #tpu.memory_space<vmem>>, %arg2: memref<111x32xf32, #tpu.memory_space<vmem>>, %arg3: memref<1x32xf32, #tpu.memory_space<vmem>>, %arg4: memref<512x128xf32, #tpu.memory_space<vmem>>) attributes {dimension_semantics = [#tpu.dimension_semantics<arbitrary>], iteration_bounds = array<i64: 8>, scalar_prefetch = 0 : i64, scratch_operands = 0 : i64, tpu.core_type = #tpu.core_type<tc>, window_params = [{transform_indices = @transform_0, window_bounds = array<i64: 512, 111>}, {pipeline_mode = #tpu.pipeline_mode<synchronous>, transform_indices = @transform_1, window_bounds = array<i64: 111, 32>}, {pipeline_mode = #tpu.pipeline_mode<synchronous>, transform_indices = @transform_2, window_bounds = array<i64: 1, 32>}, {transform_indices = @transform_3, window_bounds = array<i64: 512, 128>}]} {
    %get3A = arith.constant 0 : index
    %get3A_0 = arith.constant 0 : index
    %get3A_1 = vector.load %arg1[%get3A, %get3A_0] : memref<512x111xf32, #tpu.memory_space<vmem>>, vector<512x111xf32>
    %get3A_2 = arith.constant 0 : index
    %get3A_3 = arith.constant 0 : index
    %get3A_4 = vector.load %arg2[%get3A_2, %get3A_3] : memref<111x32xf32, #tpu.memory_space<vmem>>, vector<111x32xf32>
    %dot_general3A = arith.constant dense<0.000000e+00> : vector<512x32xf32>
    %dot_general3A_5 = tpu.matmul %get3A_1, %get3A_4, %dot_general3A {dimension_numbers = #tpu.dot_dimension_numbers<[1], [0], [0], [1], [0, 0, 1, 1], [], []>, transpose_lhs_hint = false} : vector<512x111xf32>, vector<111x32xf32>, vector<512x32xf32> -> vector<512x32xf32>
    %get3A_6 = arith.constant 0 : index
    %get3A_7 = arith.constant 0 : index
    %get3A_8 = vector.load %arg3[%get3A_6, %get3A_7] : memref<1x32xf32, #tpu.memory_space<vmem>>, vector<1x32xf32>
    %add3A = vector.broadcast %get3A_8 : vector<1x32xf32> to vector<512x32xf32>
    %add3A_9 = arith.addf %dot_general3A_5, %add3A : vector<512x32xf32>
    %broadcast_in_dim3A = arith.constant 1.000000e+00 : f32
    %broadcast_in_dim3A_10 = vector.broadcast %broadcast_in_dim3A : f32 to vector<512x1xf32>
    %broadcast_in_dim3A_11 = arith.constant 0.000000e+00 : f32
    %broadcast_in_dim3A_12 = vector.broadcast %broadcast_in_dim3A_11 : f32 to vector<512x95xf32>
    %concatenate3A = tpu.concatenate %add3A_9, %broadcast_in_dim3A_10, %broadcast_in_dim3A_12 in 1 : vector<512x32xf32>, vector<512x1xf32>, vector<512x95xf32> -> vector<512x128xf32>
    %swap3A = arith.constant 0 : index
    %swap3A_13 = arith.constant 0 : index
    %swap3A_14 = vector.load %arg4[%swap3A, %swap3A_13] : memref<512x128xf32, #tpu.memory_space<vmem>>, vector<512x128xf32>
    tpu.vector_store %arg4[%swap3A, %swap3A_13], %concatenate3A {strides = array<i32>} : memref<512x128xf32, #tpu.memory_space<vmem>>, vector<512x128xf32>,
    return
  }
  func.func @transform_0(%arg0: i32) -> (i32, i32) {
    %c0_i32 = arith.constant 0 : i32
    %c0_i32_0 = arith.constant 0 : i32
    return %arg0, %c0_i32 : i32, i32
  }
  func.func @transform_1(%arg0: i32) -> (i32, i32) {
    %c0_i32 = arith.constant 0 : i32
    %c0_i32_0 = arith.constant 0 : i32
    %c0_i32_1 = arith.constant 0 : i32
    return %c0_i32, %c0_i32_0 : i32, i32
  }
  func.func @transform_2(%arg0: i32) -> (i32, i32) {
    %c0_i32 = arith.constant 0 : i32
    %c0_i32_0 = arith.constant 0 : i32
    %c0_i32_1 = arith.constant 0 : i32
    return %c0_i32, %c0_i32_0 : i32, i32
  }
  func.func @transform_3(%arg0: i32) -> (i32, i32) {
    %c0_i32 = arith.constant 0 : i32
    %c0_i32_0 = arith.constant 0 : i32
    return %arg0, %c0_i32 : i32, i32
  }
}

module attributes {stable_mosaic.version = 14 : i64} {
  func.func @_sage_body(%arg0: i32, %arg1: memref<512x128xf32, #tpu.memory_space<vmem>>, %arg2: memref<2x512x128xf32, #tpu.memory_space<vmem>>, %arg3: memref<32x256xf32, #tpu.memory_space<vmem>>, %arg4: memref<32x256xf32, #tpu.memory_space<vmem>>, %arg5: memref<32x256xf32, #tpu.memory_space<vmem>>, %arg6: memref<1x256xf32, #tpu.memory_space<vmem>>, %arg7: memref<512x128xf32, #tpu.memory_space<vmem>>, %arg8: memref<512x128xf32, #tpu.memory_space<vmem>>) attributes {dimension_semantics = [#tpu.dimension_semantics<arbitrary>], iteration_bounds = array<i64: 8>, scalar_prefetch = 0 : i64, scratch_operands = 0 : i64, tpu.core_type = #tpu.core_type<tc>, window_params = [{transform_indices = @transform_0, window_bounds = array<i64: 512, 128>}, {transform_indices = @transform_1, window_bounds = array<i64: 2, 512, 128>}, {pipeline_mode = #tpu.pipeline_mode<synchronous>, transform_indices = @transform_2, window_bounds = array<i64: 32, 256>}, {pipeline_mode = #tpu.pipeline_mode<synchronous>, transform_indices = @transform_3, window_bounds = array<i64: 32, 256>}, {pipeline_mode = #tpu.pipeline_mode<synchronous>, transform_indices = @transform_4, window_bounds = array<i64: 32, 256>}, {pipeline_mode = #tpu.pipeline_mode<synchronous>, transform_indices = @transform_5, window_bounds = array<i64: 1, 256>}, {transform_indices = @transform_6, window_bounds = array<i64: 512, 128>}, {transform_indices = @transform_7, window_bounds = array<i64: 512, 128>}]} {
    %get3A = arith.constant 0 : index
    %get3A_0 = arith.constant 0 : index
    %get3A_1 = vector.load %arg1[%get3A, %get3A_0] : memref<512x128xf32, #tpu.memory_space<vmem>>, vector<512x128xf32>
    %slice3A = vector.extract_strided_slice %get3A_1 {offsets = [0, 0], sizes = [512, 32], strides = [1, 1]} : vector<512x128xf32> to vector<512x32xf32>
    %get3A_2 = arith.constant 0 : index
    %get3A_3 = arith.constant 0 : index
    %get3A_4 = arith.constant 0 : index
    %get3A_5 = vector.load %arg2[%get3A_2, %get3A_3, %get3A_4] : memref<2x512x128xf32, #tpu.memory_space<vmem>>, vector<1x512x128xf32>
    %get3A_6 = vector.shape_cast %get3A_5 : vector<1x512x128xf32> to vector<512x128xf32>
    %get3A_7 = arith.constant 1 : index
    %get3A_8 = arith.constant 0 : index
    %get3A_9 = arith.constant 0 : index
    %get3A_10 = vector.load %arg2[%get3A_7, %get3A_8, %get3A_9] : memref<2x512x128xf32, #tpu.memory_space<vmem>>, vector<1x512x128xf32>
    %get3A_11 = vector.shape_cast %get3A_10 : vector<1x512x128xf32> to vector<512x128xf32>
    %slice3A_12 = vector.extract_strided_slice %get3A_6 {offsets = [0, 0], sizes = [512, 32], strides = [1, 1]} : vector<512x128xf32> to vector<512x32xf32>
    %slice3A_13 = vector.extract_strided_slice %get3A_6 {offsets = [0, 32], sizes = [512, 1], strides = [1, 1]} : vector<512x128xf32> to vector<512x1xf32>
    %max3A = arith.constant 1.000000e+00 : f32
    %max3A_14 = vector.broadcast %max3A : f32 to vector<512x1xf32>
    %max3A_15 = arith.maximumf %slice3A_13, %max3A_14 : vector<512x1xf32>
    %div3A = vector.broadcast %max3A_15 : vector<512x1xf32> to vector<512x32xf32>
    %div3A_16 = arith.divf %slice3A_12, %div3A : vector<512x32xf32>
    %slice3A_17 = vector.extract_strided_slice %get3A_11 {offsets = [0, 0], sizes = [512, 32], strides = [1, 1]} : vector<512x128xf32> to vector<512x32xf32>
    %slice3A_18 = vector.extract_strided_slice %get3A_11 {offsets = [0, 32], sizes = [512, 1], strides = [1, 1]} : vector<512x128xf32> to vector<512x1xf32>
    %max3A_19 = arith.constant 1.000000e+00 : f32
    %max3A_20 = vector.broadcast %max3A_19 : f32 to vector<512x1xf32>
    %max3A_21 = arith.maximumf %slice3A_18, %max3A_20 : vector<512x1xf32>
    %div3A_22 = vector.broadcast %max3A_21 : vector<512x1xf32> to vector<512x32xf32>
    %div3A_23 = arith.divf %slice3A_17, %div3A_22 : vector<512x32xf32>
    %get3A_24 = arith.constant 0 : index
    %get3A_25 = arith.constant 0 : index
    %get3A_26 = vector.load %arg3[%get3A_24, %get3A_25] : memref<32x256xf32, #tpu.memory_space<vmem>>, vector<32x256xf32>
    %dot_general3A = arith.constant dense<0.000000e+00> : vector<512x256xf32>
    %dot_general3A_27 = tpu.matmul %slice3A, %get3A_26, %dot_general3A {dimension_numbers = #tpu.dot_dimension_numbers<[1], [0], [0], [1], [0, 0, 1, 1], [], []>, transpose_lhs_hint = false} : vector<512x32xf32>, vector<32x256xf32>, vector<512x256xf32> -> vector<512x256xf32>
    %get3A_28 = arith.constant 0 : index
    %get3A_29 = arith.constant 0 : index
    %get3A_30 = vector.load %arg4[%get3A_28, %get3A_29] : memref<32x256xf32, #tpu.memory_space<vmem>>, vector<32x256xf32>
    %dot_general3A_31 = arith.constant dense<0.000000e+00> : vector<512x256xf32>
    %dot_general3A_32 = tpu.matmul %div3A_16, %get3A_30, %dot_general3A_31 {dimension_numbers = #tpu.dot_dimension_numbers<[1], [0], [0], [1], [0, 0, 1, 1], [], []>, transpose_lhs_hint = false} : vector<512x32xf32>, vector<32x256xf32>, vector<512x256xf32> -> vector<512x256xf32>
    %add3A = arith.addf %dot_general3A_27, %dot_general3A_32 : vector<512x256xf32>
    %get3A_33 = arith.constant 0 : index
    %get3A_34 = arith.constant 0 : index
    %get3A_35 = vector.load %arg5[%get3A_33, %get3A_34] : memref<32x256xf32, #tpu.memory_space<vmem>>, vector<32x256xf32>
    %dot_general3A_36 = arith.constant dense<0.000000e+00> : vector<512x256xf32>
    %dot_general3A_37 = tpu.matmul %div3A_23, %get3A_35, %dot_general3A_36 {dimension_numbers = #tpu.dot_dimension_numbers<[1], [0], [0], [1], [0, 0, 1, 1], [], []>, transpose_lhs_hint = false} : vector<512x32xf32>, vector<32x256xf32>, vector<512x256xf32> -> vector<512x256xf32>
    %add3A_38 = arith.addf %add3A, %dot_general3A_37 : vector<512x256xf32>
    %get3A_39 = arith.constant 0 : index
    %get3A_40 = arith.constant 0 : index
    %get3A_41 = vector.load %arg6[%get3A_39, %get3A_40] : memref<1x256xf32, #tpu.memory_space<vmem>>, vector<1x256xf32>
    %add3A_42 = vector.broadcast %get3A_41 : vector<1x256xf32> to vector<512x256xf32>
    %add3A_43 = arith.addf %add3A_38, %add3A_42 : vector<512x256xf32>
    %max3A_44 = arith.constant 0.000000e+00 : f32
    %max3A_45 = vector.broadcast %max3A_44 : f32 to vector<512x256xf32>
    %max3A_46 = arith.maximumf %add3A_43, %max3A_45 : vector<512x256xf32>
    %slice3A_47 = vector.extract_strided_slice %max3A_46 {offsets = [0, 0], sizes = [512, 128], strides = [1, 1]} : vector<512x256xf32> to vector<512x128xf32>
    %swap3A = arith.constant 0 : index
    %swap3A_48 = arith.constant 0 : index
    %swap3A_49 = vector.load %arg7[%swap3A, %swap3A_48] : memref<512x128xf32, #tpu.memory_space<vmem>>, vector<512x128xf32>
    tpu.vector_store %arg7[%swap3A, %swap3A_48], %slice3A_47 {strides = array<i32>} : memref<512x128xf32, #tpu.memory_space<vmem>>, vector<512x128xf32>,
    %slice3A_50 = vector.extract_strided_slice %max3A_46 {offsets = [0, 128], sizes = [512, 128], strides = [1, 1]} : vector<512x256xf32> to vector<512x128xf32>
    %swap3A_51 = arith.constant 0 : index
    %swap3A_52 = arith.constant 0 : index
    %swap3A_53 = vector.load %arg8[%swap3A_51, %swap3A_52] : memref<512x128xf32, #tpu.memory_space<vmem>>, vector<512x128xf32>
    tpu.vector_store %arg8[%swap3A_51, %swap3A_52], %slice3A_50 {strides = array<i32>} : memref<512x128xf32, #tpu.memory_space<vmem>>, vector<512x128xf32>,
    return
  }
  func.func @transform_0(%arg0: i32) -> (i32, i32) {
    %c0_i32 = arith.constant 0 : i32
    %c0_i32_0 = arith.constant 0 : i32
    return %arg0, %c0_i32 : i32, i32
  }
  func.func @transform_1(%arg0: i32) -> (i32, i32, i32) {
    %c0_i32 = arith.constant 0 : i32
    %c0_i32_0 = arith.constant 0 : i32
    %c0_i32_1 = arith.constant 0 : i32
    return %c0_i32, %arg0, %c0_i32_0 : i32, i32, i32
  }
  func.func @transform_2(%arg0: i32) -> (i32, i32) {
    %c0_i32 = arith.constant 0 : i32
    %c0_i32_0 = arith.constant 0 : i32
    %c0_i32_1 = arith.constant 0 : i32
    return %c0_i32, %c0_i32_0 : i32, i32
  }
  func.func @transform_3(%arg0: i32) -> (i32, i32) {
    %c0_i32 = arith.constant 0 : i32
    %c0_i32_0 = arith.constant 0 : i32
    %c0_i32_1 = arith.constant 0 : i32
    return %c0_i32, %c0_i32_0 : i32, i32
  }
  func.func @transform_4(%arg0: i32) -> (i32, i32) {
    %c0_i32 = arith.constant 0 : i32
    %c0_i32_0 = arith.constant 0 : i32
    %c0_i32_1 = arith.constant 0 : i32
    return %c0_i32, %c0_i32_0 : i32, i32
  }
  func.func @transform_5(%arg0: i32) -> (i32, i32) {
    %c0_i32 = arith.constant 0 : i32
    %c0_i32_0 = arith.constant 0 : i32
    %c0_i32_1 = arith.constant 0 : i32
    return %c0_i32, %c0_i32_0 : i32, i32
  }
  func.func @transform_6(%arg0: i32) -> (i32, i32) {
    %c0_i32 = arith.constant 0 : i32
    %c0_i32_0 = arith.constant 0 : i32
    return %arg0, %c0_i32 : i32, i32
  }
  func.func @transform_7(%arg0: i32) -> (i32, i32) {
    %c0_i32 = arith.constant 0 : i32
    %c0_i32_0 = arith.constant 0 : i32
    return %arg0, %c0_i32 : i32, i32
  }
}

module attributes {stable_mosaic.version = 14 : i64} {
  func.func @_sage2_body(%arg0: i32, %arg1: memref<512x128xf32, #tpu.memory_space<vmem>>, %arg2: memref<512x128xf32, #tpu.memory_space<vmem>>, %arg3: memref<2x512x128xf32, #tpu.memory_space<vmem>>, %arg4: memref<2x512x128xf32, #tpu.memory_space<vmem>>, %arg5: memref<2x512x128xf32, #tpu.memory_space<vmem>>, %arg6: memref<256x256xf32, #tpu.memory_space<vmem>>, %arg7: memref<256x256xf32, #tpu.memory_space<vmem>>, %arg8: memref<256x256xf32, #tpu.memory_space<vmem>>, %arg9: memref<1x256xf32, #tpu.memory_space<vmem>>, %arg10: memref<256x128xf32, #tpu.memory_space<vmem>>, %arg11: memref<512x256xf32, #tpu.memory_space<vmem>>, %arg12: memref<512x128xf32, #tpu.memory_space<vmem>>) attributes {dimension_semantics = [#tpu.dimension_semantics<arbitrary>], iteration_bounds = array<i64: 8>, scalar_prefetch = 0 : i64, scratch_operands = 0 : i64, tpu.core_type = #tpu.core_type<tc>, window_params = [{transform_indices = @transform_0, window_bounds = array<i64: 512, 128>}, {transform_indices = @transform_1, window_bounds = array<i64: 512, 128>}, {transform_indices = @transform_2, window_bounds = array<i64: 2, 512, 128>}, {transform_indices = @transform_3, window_bounds = array<i64: 2, 512, 128>}, {transform_indices = @transform_4, window_bounds = array<i64: 2, 512, 128>}, {pipeline_mode = #tpu.pipeline_mode<synchronous>, transform_indices = @transform_5, window_bounds = array<i64: 256, 256>}, {pipeline_mode = #tpu.pipeline_mode<synchronous>, transform_indices = @transform_6, window_bounds = array<i64: 256, 256>}, {pipeline_mode = #tpu.pipeline_mode<synchronous>, transform_indices = @transform_7, window_bounds = array<i64: 256, 256>}, {pipeline_mode = #tpu.pipeline_mode<synchronous>, transform_indices = @transform_8, window_bounds = array<i64: 1, 256>}, {pipeline_mode = #tpu.pipeline_mode<synchronous>, transform_indices = @transform_9, window_bounds = array<i64: 256, 128>}, {transform_indices = @transform_10, window_bounds = array<i64: 512, 256>}, {transform_indices = @transform_11, window_bounds = array<i64: 512, 128>}]} {
    %get3A = arith.constant 0 : index
    %get3A_0 = arith.constant 0 : index
    %get3A_1 = vector.load %arg1[%get3A, %get3A_0] : memref<512x128xf32, #tpu.memory_space<vmem>>, vector<512x128xf32>
    %get3A_2 = arith.constant 0 : index
    %get3A_3 = arith.constant 0 : index
    %get3A_4 = vector.load %arg2[%get3A_2, %get3A_3] : memref<512x128xf32, #tpu.memory_space<vmem>>, vector<512x128xf32>
    %concatenate3A = tpu.concatenate %get3A_1, %get3A_4 in 1 : vector<512x128xf32>, vector<512x128xf32> -> vector<512x256xf32>
    %get3A_5 = arith.constant 0 : index
    %get3A_6 = arith.constant 0 : index
    %get3A_7 = arith.constant 0 : index
    %get3A_8 = vector.load %arg3[%get3A_5, %get3A_6, %get3A_7] : memref<2x512x128xf32, #tpu.memory_space<vmem>>, vector<1x512x128xf32>
    %get3A_9 = vector.shape_cast %get3A_8 : vector<1x512x128xf32> to vector<512x128xf32>
    %get3A_10 = arith.constant 0 : index
    %get3A_11 = arith.constant 0 : index
    %get3A_12 = arith.constant 0 : index
    %get3A_13 = vector.load %arg4[%get3A_10, %get3A_11, %get3A_12] : memref<2x512x128xf32, #tpu.memory_space<vmem>>, vector<1x512x128xf32>
    %get3A_14 = vector.shape_cast %get3A_13 : vector<1x512x128xf32> to vector<512x128xf32>
    %concatenate3A_15 = tpu.concatenate %get3A_9, %get3A_14 in 1 : vector<512x128xf32>, vector<512x128xf32> -> vector<512x256xf32>
    %get3A_16 = arith.constant 1 : index
    %get3A_17 = arith.constant 0 : index
    %get3A_18 = arith.constant 0 : index
    %get3A_19 = vector.load %arg3[%get3A_16, %get3A_17, %get3A_18] : memref<2x512x128xf32, #tpu.memory_space<vmem>>, vector<1x512x128xf32>
    %get3A_20 = vector.shape_cast %get3A_19 : vector<1x512x128xf32> to vector<512x128xf32>
    %get3A_21 = arith.constant 1 : index
    %get3A_22 = arith.constant 0 : index
    %get3A_23 = arith.constant 0 : index
    %get3A_24 = vector.load %arg4[%get3A_21, %get3A_22, %get3A_23] : memref<2x512x128xf32, #tpu.memory_space<vmem>>, vector<1x512x128xf32>
    %get3A_25 = vector.shape_cast %get3A_24 : vector<1x512x128xf32> to vector<512x128xf32>
    %concatenate3A_26 = tpu.concatenate %get3A_20, %get3A_25 in 1 : vector<512x128xf32>, vector<512x128xf32> -> vector<512x256xf32>
    %get3A_27 = arith.constant 0 : index
    %get3A_28 = arith.constant 0 : index
    %get3A_29 = arith.constant 0 : index
    %get3A_30 = vector.load %arg5[%get3A_27, %get3A_28, %get3A_29] : memref<2x512x128xf32, #tpu.memory_space<vmem>>, vector<1x512x128xf32>
    %get3A_31 = vector.shape_cast %get3A_30 : vector<1x512x128xf32> to vector<512x128xf32>
    %slice3A = vector.extract_strided_slice %get3A_31 {offsets = [0, 32], sizes = [512, 1], strides = [1, 1]} : vector<512x128xf32> to vector<512x1xf32>
    %max3A = arith.constant 1.000000e+00 : f32
    %max3A_32 = vector.broadcast %max3A : f32 to vector<512x1xf32>
    %max3A_33 = arith.maximumf %slice3A, %max3A_32 : vector<512x1xf32>
    %div3A = vector.broadcast %max3A_33 : vector<512x1xf32> to vector<512x256xf32>
    %div3A_34 = arith.divf %concatenate3A_15, %div3A : vector<512x256xf32>
    %get3A_35 = arith.constant 1 : index
    %get3A_36 = arith.constant 0 : index
    %get3A_37 = arith.constant 0 : index
    %get3A_38 = vector.load %arg5[%get3A_35, %get3A_36, %get3A_37] : memref<2x512x128xf32, #tpu.memory_space<vmem>>, vector<1x512x128xf32>
    %get3A_39 = vector.shape_cast %get3A_38 : vector<1x512x128xf32> to vector<512x128xf32>
    %slice3A_40 = vector.extract_strided_slice %get3A_39 {offsets = [0, 32], sizes = [512, 1], strides = [1, 1]} : vector<512x128xf32> to vector<512x1xf32>
    %max3A_41 = arith.constant 1.000000e+00 : f32
    %max3A_42 = vector.broadcast %max3A_41 : f32 to vector<512x1xf32>
    %max3A_43 = arith.maximumf %slice3A_40, %max3A_42 : vector<512x1xf32>
    %div3A_44 = vector.broadcast %max3A_43 : vector<512x1xf32> to vector<512x256xf32>
    %div3A_45 = arith.divf %concatenate3A_26, %div3A_44 : vector<512x256xf32>
    %get3A_46 = arith.constant 0 : index
    %get3A_47 = arith.constant 0 : index
    %get3A_48 = vector.load %arg6[%get3A_46, %get3A_47] : memref<256x256xf32, #tpu.memory_space<vmem>>, vector<256x256xf32>
    %dot_general3A = arith.constant dense<0.000000e+00> : vector<512x256xf32>
    %dot_general3A_49 = tpu.matmul %concatenate3A, %get3A_48, %dot_general3A {dimension_numbers = #tpu.dot_dimension_numbers<[1], [0], [0], [1], [0, 0, 1, 1], [], []>, transpose_lhs_hint = false} : vector<512x256xf32>, vector<256x256xf32>, vector<512x256xf32> -> vector<512x256xf32>
    %get3A_50 = arith.constant 0 : index
    %get3A_51 = arith.constant 0 : index
    %get3A_52 = vector.load %arg7[%get3A_50, %get3A_51] : memref<256x256xf32, #tpu.memory_space<vmem>>, vector<256x256xf32>
    %dot_general3A_53 = arith.constant dense<0.000000e+00> : vector<512x256xf32>
    %dot_general3A_54 = tpu.matmul %div3A_34, %get3A_52, %dot_general3A_53 {dimension_numbers = #tpu.dot_dimension_numbers<[1], [0], [0], [1], [0, 0, 1, 1], [], []>, transpose_lhs_hint = false} : vector<512x256xf32>, vector<256x256xf32>, vector<512x256xf32> -> vector<512x256xf32>
    %add3A = arith.addf %dot_general3A_49, %dot_general3A_54 : vector<512x256xf32>
    %get3A_55 = arith.constant 0 : index
    %get3A_56 = arith.constant 0 : index
    %get3A_57 = vector.load %arg8[%get3A_55, %get3A_56] : memref<256x256xf32, #tpu.memory_space<vmem>>, vector<256x256xf32>
    %dot_general3A_58 = arith.constant dense<0.000000e+00> : vector<512x256xf32>
    %dot_general3A_59 = tpu.matmul %div3A_45, %get3A_57, %dot_general3A_58 {dimension_numbers = #tpu.dot_dimension_numbers<[1], [0], [0], [1], [0, 0, 1, 1], [], []>, transpose_lhs_hint = false} : vector<512x256xf32>, vector<256x256xf32>, vector<512x256xf32> -> vector<512x256xf32>
    %add3A_60 = arith.addf %add3A, %dot_general3A_59 : vector<512x256xf32>
    %get3A_61 = arith.constant 0 : index
    %get3A_62 = arith.constant 0 : index
    %get3A_63 = vector.load %arg9[%get3A_61, %get3A_62] : memref<1x256xf32, #tpu.memory_space<vmem>>, vector<1x256xf32>
    %add3A_64 = vector.broadcast %get3A_63 : vector<1x256xf32> to vector<512x256xf32>
    %add3A_65 = arith.addf %add3A_60, %add3A_64 : vector<512x256xf32>
    %max3A_66 = arith.constant 0.000000e+00 : f32
    %max3A_67 = vector.broadcast %max3A_66 : f32 to vector<512x256xf32>
    %max3A_68 = arith.maximumf %add3A_65, %max3A_67 : vector<512x256xf32>
    %swap3A = arith.constant 0 : index
    %swap3A_69 = arith.constant 0 : index
    %swap3A_70 = vector.load %arg11[%swap3A, %swap3A_69] : memref<512x256xf32, #tpu.memory_space<vmem>>, vector<512x256xf32>
    tpu.vector_store %arg11[%swap3A, %swap3A_69], %max3A_68 {strides = array<i32>} : memref<512x256xf32, #tpu.memory_space<vmem>>, vector<512x256xf32>,
    %get3A_71 = arith.constant 0 : index
    %get3A_72 = arith.constant 0 : index
    %get3A_73 = vector.load %arg10[%get3A_71, %get3A_72] : memref<256x128xf32, #tpu.memory_space<vmem>>, vector<256x128xf32>
    %dot_general3A_74 = arith.constant dense<0.000000e+00> : vector<512x128xf32>
    %dot_general3A_75 = tpu.matmul %max3A_68, %get3A_73, %dot_general3A_74 {dimension_numbers = #tpu.dot_dimension_numbers<[1], [0], [0], [1], [0, 0, 1, 1], [], []>, transpose_lhs_hint = false} : vector<512x256xf32>, vector<256x128xf32>, vector<512x128xf32> -> vector<512x128xf32>
    %swap3A_76 = arith.constant 0 : index
    %swap3A_77 = arith.constant 0 : index
    %swap3A_78 = vector.load %arg12[%swap3A_76, %swap3A_77] : memref<512x128xf32, #tpu.memory_space<vmem>>, vector<512x128xf32>
    tpu.vector_store %arg12[%swap3A_76, %swap3A_77], %dot_general3A_75 {strides = array<i32>} : memref<512x128xf32, #tpu.memory_space<vmem>>, vector<512x128xf32>,
    return
  }
  func.func @transform_0(%arg0: i32) -> (i32, i32) {
    %c0_i32 = arith.constant 0 : i32
    %c0_i32_0 = arith.constant 0 : i32
    return %arg0, %c0_i32 : i32, i32
  }
  func.func @transform_1(%arg0: i32) -> (i32, i32) {
    %c0_i32 = arith.constant 0 : i32
    %c0_i32_0 = arith.constant 0 : i32
    return %arg0, %c0_i32 : i32, i32
  }
  func.func @transform_2(%arg0: i32) -> (i32, i32, i32) {
    %c0_i32 = arith.constant 0 : i32
    %c0_i32_0 = arith.constant 0 : i32
    %c0_i32_1 = arith.constant 0 : i32
    return %c0_i32, %arg0, %c0_i32_0 : i32, i32, i32
  }
  func.func @transform_3(%arg0: i32) -> (i32, i32, i32) {
    %c0_i32 = arith.constant 0 : i32
    %c0_i32_0 = arith.constant 0 : i32
    %c0_i32_1 = arith.constant 0 : i32
    return %c0_i32, %arg0, %c0_i32_0 : i32, i32, i32
  }
  func.func @transform_4(%arg0: i32) -> (i32, i32, i32) {
    %c0_i32 = arith.constant 0 : i32
    %c0_i32_0 = arith.constant 0 : i32
    %c0_i32_1 = arith.constant 0 : i32
    return %c0_i32, %arg0, %c0_i32_0 : i32, i32, i32
  }
  func.func @transform_5(%arg0: i32) -> (i32, i32) {
    %c0_i32 = arith.constant 0 : i32
    %c0_i32_0 = arith.constant 0 : i32
    %c0_i32_1 = arith.constant 0 : i32
    return %c0_i32, %c0_i32_0 : i32, i32
  }
  func.func @transform_6(%arg0: i32) -> (i32, i32) {
    %c0_i32 = arith.constant 0 : i32
    %c0_i32_0 = arith.constant 0 : i32
    %c0_i32_1 = arith.constant 0 : i32
    return %c0_i32, %c0_i32_0 : i32, i32
  }
  func.func @transform_7(%arg0: i32) -> (i32, i32) {
    %c0_i32 = arith.constant 0 : i32
    %c0_i32_0 = arith.constant 0 : i32
    %c0_i32_1 = arith.constant 0 : i32
    return %c0_i32, %c0_i32_0 : i32, i32
  }
  func.func @transform_8(%arg0: i32) -> (i32, i32) {
    %c0_i32 = arith.constant 0 : i32
    %c0_i32_0 = arith.constant 0 : i32
    %c0_i32_1 = arith.constant 0 : i32
    return %c0_i32, %c0_i32_0 : i32, i32
  }
  func.func @transform_9(%arg0: i32) -> (i32, i32) {
    %c0_i32 = arith.constant 0 : i32
    %c0_i32_0 = arith.constant 0 : i32
    %c0_i32_1 = arith.constant 0 : i32
    return %c0_i32, %c0_i32_0 : i32, i32
  }
  func.func @transform_10(%arg0: i32) -> (i32, i32) {
    %c0_i32 = arith.constant 0 : i32
    %c0_i32_0 = arith.constant 0 : i32
    return %arg0, %c0_i32 : i32, i32
  }
  func.func @transform_11(%arg0: i32) -> (i32, i32) {
    %c0_i32 = arith.constant 0 : i32
    %c0_i32_0 = arith.constant 0 : i32
    return %arg0, %c0_i32 : i32, i32
  }
}

module attributes {stable_mosaic.version = 14 : i64} {
  func.func @_softmax_body(%arg0: i32, %arg1: memref<2x512x128xf32, #tpu.memory_space<vmem>>, %arg2: memref<1x128xf32, #tpu.memory_space<vmem>>, %arg3: memref<512x128xf32, #tpu.memory_space<vmem>>) attributes {dimension_semantics = [#tpu.dimension_semantics<arbitrary>], iteration_bounds = array<i64: 8>, scalar_prefetch = 0 : i64, scratch_operands = 0 : i64, tpu.core_type = #tpu.core_type<tc>, window_params = [{transform_indices = @transform_0, window_bounds = array<i64: 2, 512, 128>}, {pipeline_mode = #tpu.pipeline_mode<synchronous>, transform_indices = @transform_1, window_bounds = array<i64: 1, 128>}, {transform_indices = @transform_2, window_bounds = array<i64: 512, 128>}]} {
    %get3A = arith.constant 0 : index
    %get3A_0 = arith.constant 0 : index
    %get3A_1 = arith.constant 0 : index
    %get3A_2 = vector.load %arg1[%get3A, %get3A_0, %get3A_1] : memref<2x512x128xf32, #tpu.memory_space<vmem>>, vector<1x512x128xf32>
    %get3A_3 = vector.shape_cast %get3A_2 : vector<1x512x128xf32> to vector<512x128xf32>
    %get3A_4 = arith.constant 1 : index
    %get3A_5 = arith.constant 0 : index
    %get3A_6 = arith.constant 0 : index
    %get3A_7 = vector.load %arg1[%get3A_4, %get3A_5, %get3A_6] : memref<2x512x128xf32, #tpu.memory_space<vmem>>, vector<1x512x128xf32>
    %get3A_8 = vector.shape_cast %get3A_7 : vector<1x512x128xf32> to vector<512x128xf32>
    %add3A = arith.addf %get3A_3, %get3A_8 : vector<512x128xf32>
    %get3A_9 = arith.constant 0 : index
    %get3A_10 = arith.constant 0 : index
    %get3A_11 = vector.load %arg2[%get3A_9, %get3A_10] : memref<1x128xf32, #tpu.memory_space<vmem>>, vector<1x128xf32>
    %add3A_12 = vector.broadcast %get3A_11 : vector<1x128xf32> to vector<512x128xf32>
    %add3A_13 = arith.addf %add3A, %add3A_12 : vector<512x128xf32>
    %iota3A = tpu.iota {dimensions = array<i32: 1>} : vector<1x128xi32>
    %lt3A = arith.constant 15 : i32
    %lt3A_14 = vector.broadcast %lt3A : i32 to vector<1x128xi32>
    %lt3A_15 = arith.cmpi slt, %iota3A, %lt3A_14 : vector<1x128xi32>
    %jit3A = arith.constant -1.000000e+30 : f32
    %broadcast_in_dim3A = vector.shape_cast %lt3A_15 : vector<1x128xi1> to vector<1x128xi1>
    %broadcast_in_dim3A_16 = vector.broadcast %broadcast_in_dim3A : vector<1x128xi1> to vector<512x128xi1>
    %broadcast_in_dim3A_17 = vector.broadcast %jit3A : f32 to vector<512x128xf32>
    %select_n3A = arith.select %broadcast_in_dim3A_16, %add3A_13, %broadcast_in_dim3A_17 : vector<512x128xi1>, vector<512x128xf32>
    %reduce_max3A = arith.constant dense<0xFF800000> : vector<512xf32>
    %reduce_max3A_18 = vector.multi_reduction <maximumf>, %select_n3A, %reduce_max3A [1] : vector<512x128xf32> to vector<512xf32>
    %broadcast_in_dim3A_19 = vector.shape_cast %reduce_max3A_18 : vector<512xf32> to vector<512x1xf32>
    %sub3A = vector.broadcast %broadcast_in_dim3A_19 : vector<512x1xf32> to vector<512x128xf32>
    %sub3A_20 = arith.subf %select_n3A, %sub3A : vector<512x128xf32>
    %exp3A = math.exp %sub3A_20 : vector<512x128xf32>
    %reduce_sum3A = arith.constant dense<0.000000e+00> : vector<512xf32>
    %reduce_sum3A_21 = vector.multi_reduction <add>, %exp3A, %reduce_sum3A [1] : vector<512x128xf32> to vector<512xf32>
    %broadcast_in_dim3A_22 = vector.shape_cast %reduce_sum3A_21 : vector<512xf32> to vector<512x1xf32>
    %div3A = vector.broadcast %broadcast_in_dim3A_22 : vector<512x1xf32> to vector<512x128xf32>
    %div3A_23 = arith.divf %exp3A, %div3A : vector<512x128xf32>
    %swap3A = arith.constant 0 : index
    %swap3A_24 = arith.constant 0 : index
    %swap3A_25 = vector.load %arg3[%swap3A, %swap3A_24] : memref<512x128xf32, #tpu.memory_space<vmem>>, vector<512x128xf32>
    tpu.vector_store %arg3[%swap3A, %swap3A_24], %div3A_23 {strides = array<i32>} : memref<512x128xf32, #tpu.memory_space<vmem>>, vector<512x128xf32>,
    return
  }
  func.func @transform_0(%arg0: i32) -> (i32, i32, i32) {
    %c0_i32 = arith.constant 0 : i32
    %c0_i32_0 = arith.constant 0 : i32
    %c0_i32_1 = arith.constant 0 : i32
    return %c0_i32, %arg0, %c0_i32_0 : i32, i32, i32
  }
  func.func @transform_1(%arg0: i32) -> (i32, i32) {
    %c0_i32 = arith.constant 0 : i32
    %c0_i32_0 = arith.constant 0 : i32
    %c0_i32_1 = arith.constant 0 : i32
    return %c0_i32, %c0_i32_0 : i32, i32
  }
  func.func @transform_2(%arg0: i32) -> (i32, i32) {
    %c0_i32 = arith.constant 0 : i32
    %c0_i32_0 = arith.constant 0 : i32
    return %arg0, %c0_i32 : i32, i32
  }
}

module attributes {stable_mosaic.version = 14 : i64} {
  func.func @_fin_body(%arg0: i32, %arg1: memref<512x128xf32, #tpu.memory_space<vmem>>, %arg2: memref<512x256xf32, #tpu.memory_space<vmem>>, %arg3: memref<2x512x128xf32, #tpu.memory_space<vmem>>, %arg4: memref<256x16xf32, #tpu.memory_space<vmem>>, %arg5: memref<1x16xf32, #tpu.memory_space<vmem>>, %arg6: memref<16x256xf32, #tpu.memory_space<vmem>>, %arg7: memref<16x16xf32, #tpu.memory_space<vmem>>, %arg8: memref<16x256xf32, #tpu.memory_space<vmem>>, %arg9: memref<16x16xf32, #tpu.memory_space<vmem>>, %arg10: memref<16x16xf32, #tpu.memory_space<vmem>>) attributes {dimension_semantics = [#tpu.dimension_semantics<arbitrary>], iteration_bounds = array<i64: 8>, scalar_prefetch = 0 : i64, scratch_operands = 3 : i64, tpu.core_type = #tpu.core_type<tc>, window_params = [{transform_indices = @transform_0, window_bounds = array<i64: 512, 128>}, {transform_indices = @transform_1, window_bounds = array<i64: 512, 256>}, {transform_indices = @transform_2, window_bounds = array<i64: 2, 512, 128>}, {pipeline_mode = #tpu.pipeline_mode<synchronous>, transform_indices = @transform_3, window_bounds = array<i64: 256, 16>}, {pipeline_mode = #tpu.pipeline_mode<synchronous>, transform_indices = @transform_4, window_bounds = array<i64: 1, 16>}, {pipeline_mode = #tpu.pipeline_mode<synchronous>, transform_indices = @transform_5, window_bounds = array<i64: 16, 256>}, {pipeline_mode = #tpu.pipeline_mode<synchronous>, transform_indices = @transform_6, window_bounds = array<i64: 16, 16>}]} {
    %eq3A = arith.constant 0 : i32
    %eq3A_0 = arith.cmpi eq, %arg0, %eq3A : i32
    %convert_element_type3A = arith.extui %eq3A_0 : i1 to i32
    %cond3A = arith.constant 0 : i32
    %cond3A_1 = arith.cmpi ne, %convert_element_type3A, %cond3A : i32
    scf.if %cond3A_1 {
      %broadcast_in_dim3A = arith.constant 0.000000e+00 : f32
      %broadcast_in_dim3A_48 = vector.broadcast %broadcast_in_dim3A : f32 to vector<16x256xf32>
      %swap3A_49 = arith.constant 0 : index
      %swap3A_50 = arith.constant 0 : index
      %swap3A_51 = vector.load %arg8[%swap3A_49, %swap3A_50] : memref<16x256xf32, #tpu.memory_space<vmem>>, vector<16x256xf32>
      tpu.vector_store %arg8[%swap3A_49, %swap3A_50], %broadcast_in_dim3A_48 {strides = array<i32>} : memref<16x256xf32, #tpu.memory_space<vmem>>, vector<16x256xf32>,
      %broadcast_in_dim3A_52 = arith.constant 0.000000e+00 : f32
      %broadcast_in_dim3A_53 = vector.broadcast %broadcast_in_dim3A_52 : f32 to vector<16x16xf32>
      %swap3A_54 = arith.constant 0 : index
      %swap3A_55 = arith.constant 0 : index
      %swap3A_56 = vector.load %arg9[%swap3A_54, %swap3A_55] : memref<16x16xf32, #tpu.memory_space<vmem>>, vector<16x16xf32>
      tpu.vector_store %arg9[%swap3A_54, %swap3A_55], %broadcast_in_dim3A_53 {strides = array<i32>} : memref<16x16xf32, #tpu.memory_space<vmem>>, vector<16x16xf32>,
      %broadcast_in_dim3A_57 = arith.constant 0.000000e+00 : f32
      %broadcast_in_dim3A_58 = vector.broadcast %broadcast_in_dim3A_57 : f32 to vector<16x16xf32>
      %swap3A_59 = arith.constant 0 : index
      %swap3A_60 = arith.constant 0 : index
      %swap3A_61 = vector.load %arg10[%swap3A_59, %swap3A_60] : memref<16x16xf32, #tpu.memory_space<vmem>>, vector<16x16xf32>
      tpu.vector_store %arg10[%swap3A_59, %swap3A_60], %broadcast_in_dim3A_58 {strides = array<i32>} : memref<16x16xf32, #tpu.memory_space<vmem>>, vector<16x16xf32>,
    } else {
    }
    %get3A = arith.constant 0 : index
    %get3A_2 = arith.constant 0 : index
    %get3A_3 = vector.load %arg1[%get3A, %get3A_2] : memref<512x128xf32, #tpu.memory_space<vmem>>, vector<512x128xf32>
    %slice3A = vector.extract_strided_slice %get3A_3 {offsets = [0, 0], sizes = [512, 16], strides = [1, 1]} : vector<512x128xf32> to vector<512x16xf32>
    %get3A_4 = arith.constant 0 : index
    %get3A_5 = arith.constant 0 : index
    %get3A_6 = vector.load %arg8[%get3A_4, %get3A_5] : memref<16x256xf32, #tpu.memory_space<vmem>>, vector<16x256xf32>
    %get3A_7 = arith.constant 0 : index
    %get3A_8 = arith.constant 0 : index
    %get3A_9 = vector.load %arg2[%get3A_7, %get3A_8] : memref<512x256xf32, #tpu.memory_space<vmem>>, vector<512x256xf32>
    %dot_general3A = arith.constant dense<0.000000e+00> : vector<16x256xf32>
    %dot_general3A_10 = tpu.matmul %slice3A, %get3A_9, %dot_general3A {dimension_numbers = #tpu.dot_dimension_numbers<[0], [0], [1], [1], [0, 1, 1, 1], [], []>, transpose_lhs_hint = false} : vector<512x16xf32>, vector<512x256xf32>, vector<16x256xf32> -> vector<16x256xf32>
    %add3A = arith.addf %get3A_6, %dot_general3A_10 : vector<16x256xf32>
    %swap3A = arith.constant 0 : index
    %swap3A_11 = arith.constant 0 : index
    %swap3A_12 = vector.load %arg8[%swap3A, %swap3A_11] : memref<16x256xf32, #tpu.memory_space<vmem>>, vector<16x256xf32>
    tpu.vector_store %arg8[%swap3A, %swap3A_11], %add3A {strides = array<i32>} : memref<16x256xf32, #tpu.memory_space<vmem>>, vector<16x256xf32>,
    %get3A_13 = arith.constant 0 : index
    %get3A_14 = arith.constant 0 : index
    %get3A_15 = vector.load %arg9[%get3A_13, %get3A_14] : memref<16x16xf32, #tpu.memory_space<vmem>>, vector<16x16xf32>
    %get3A_16 = arith.constant 0 : index
    %get3A_17 = arith.constant 0 : index
    %get3A_18 = arith.constant 0 : index
    %get3A_19 = vector.load %arg3[%get3A_16, %get3A_17, %get3A_18] : memref<2x512x128xf32, #tpu.memory_space<vmem>>, vector<1x512x128xf32>
    %get3A_20 = vector.shape_cast %get3A_19 : vector<1x512x128xf32> to vector<512x128xf32>
    %slice3A_21 = vector.extract_strided_slice %get3A_20 {offsets = [0, 0], sizes = [512, 16], strides = [1, 1]} : vector<512x128xf32> to vector<512x16xf32>
    %dot_general3A_22 = arith.constant dense<0.000000e+00> : vector<16x16xf32>
    %dot_general3A_23 = tpu.matmul %slice3A, %slice3A_21, %dot_general3A_22 {dimension_numbers = #tpu.dot_dimension_numbers<[0], [0], [1], [1], [0, 1, 1, 1], [], []>, transpose_lhs_hint = false} : vector<512x16xf32>, vector<512x16xf32>, vector<16x16xf32> -> vector<16x16xf32>
    %add3A_24 = arith.addf %get3A_15, %dot_general3A_23 : vector<16x16xf32>
    %swap3A_25 = arith.constant 0 : index
    %swap3A_26 = arith.constant 0 : index
    %swap3A_27 = vector.load %arg9[%swap3A_25, %swap3A_26] : memref<16x16xf32, #tpu.memory_space<vmem>>, vector<16x16xf32>
    tpu.vector_store %arg9[%swap3A_25, %swap3A_26], %add3A_24 {strides = array<i32>} : memref<16x16xf32, #tpu.memory_space<vmem>>, vector<16x16xf32>,
    %get3A_28 = arith.constant 0 : index
    %get3A_29 = arith.constant 0 : index
    %get3A_30 = vector.load %arg10[%get3A_28, %get3A_29] : memref<16x16xf32, #tpu.memory_space<vmem>>, vector<16x16xf32>
    %get3A_31 = arith.constant 1 : index
    %get3A_32 = arith.constant 0 : index
    %get3A_33 = arith.constant 0 : index
    %get3A_34 = vector.load %arg3[%get3A_31, %get3A_32, %get3A_33] : memref<2x512x128xf32, #tpu.memory_space<vmem>>, vector<1x512x128xf32>
    %get3A_35 = vector.shape_cast %get3A_34 : vector<1x512x128xf32> to vector<512x128xf32>
    %slice3A_36 = vector.extract_strided_slice %get3A_35 {offsets = [0, 0], sizes = [512, 16], strides = [1, 1]} : vector<512x128xf32> to vector<512x16xf32>
    %dot_general3A_37 = arith.constant dense<0.000000e+00> : vector<16x16xf32>
    %dot_general3A_38 = tpu.matmul %slice3A, %slice3A_36, %dot_general3A_37 {dimension_numbers = #tpu.dot_dimension_numbers<[0], [0], [1], [1], [0, 1, 1, 1], [], []>, transpose_lhs_hint = false} : vector<512x16xf32>, vector<512x16xf32>, vector<16x16xf32> -> vector<16x16xf32>
    %add3A_39 = arith.addf %get3A_30, %dot_general3A_38 : vector<16x16xf32>
    %swap3A_40 = arith.constant 0 : index
    %swap3A_41 = arith.constant 0 : index
    %swap3A_42 = vector.load %arg10[%swap3A_40, %swap3A_41] : memref<16x16xf32, #tpu.memory_space<vmem>>, vector<16x16xf32>
    tpu.vector_store %arg10[%swap3A_40, %swap3A_41], %add3A_39 {strides = array<i32>} : memref<16x16xf32, #tpu.memory_space<vmem>>, vector<16x16xf32>,
    %eq3A_43 = arith.constant 7 : i32
    %eq3A_44 = arith.cmpi eq, %arg0, %eq3A_43 : i32
    %convert_element_type3A_45 = arith.extui %eq3A_44 : i1 to i32
    %cond3A_46 = arith.constant 0 : i32
    %cond3A_47 = arith.cmpi ne, %convert_element_type3A_45, %cond3A_46 : i32
    scf.if %cond3A_47 {
      %get3A_48 = arith.constant 0 : index
      %get3A_49 = arith.constant 0 : index
      %get3A_50 = vector.load %arg8[%get3A_48, %get3A_49] : memref<16x256xf32, #tpu.memory_space<vmem>>, vector<16x256xf32>
      %get3A_51 = arith.constant 0 : index
      %get3A_52 = arith.constant 0 : index
      %get3A_53 = vector.load %arg9[%get3A_51, %get3A_52] : memref<16x16xf32, #tpu.memory_space<vmem>>, vector<16x16xf32>
      %get3A_54 = arith.constant 0 : index
      %get3A_55 = arith.constant 0 : index
      %get3A_56 = vector.load %arg10[%get3A_54, %get3A_55] : memref<16x16xf32, #tpu.memory_space<vmem>>, vector<16x16xf32>
      %add3A_57 = arith.addf %get3A_53, %get3A_56 : vector<16x16xf32>
      %get3A_58 = arith.constant 0 : index
      %get3A_59 = arith.constant 0 : index
      %get3A_60 = vector.load %arg4[%get3A_58, %get3A_59] : memref<256x16xf32, #tpu.memory_space<vmem>>, vector<256x16xf32>
      %dot_general3A_61 = arith.constant dense<0.000000e+00> : vector<16x16xf32>
      %dot_general3A_62 = tpu.matmul %get3A_50, %get3A_60, %dot_general3A_61 {dimension_numbers = #tpu.dot_dimension_numbers<[1], [0], [0], [1], [0, 0, 1, 1], [], []>, transpose_lhs_hint = false} : vector<16x256xf32>, vector<256x16xf32>, vector<16x16xf32> -> vector<16x16xf32>
      %dot_general3A_63 = arith.constant dense<0.000000e+00> : vector<16x16xf32>
      %dot_general3A_64 = tpu.matmul %add3A_57, %dot_general3A_62, %dot_general3A_63 {dimension_numbers = #tpu.dot_dimension_numbers<[1], [0], [0], [1], [0, 0, 1, 1], [], []>, transpose_lhs_hint = false} : vector<16x16xf32>, vector<16x16xf32>, vector<16x16xf32> -> vector<16x16xf32>
      %get3A_65 = arith.constant 0 : index
      %get3A_66 = arith.constant 0 : index
      %get3A_67 = vector.load %arg5[%get3A_65, %get3A_66] : memref<1x16xf32, #tpu.memory_space<vmem>>, vector<1x16xf32>
      %add3A_68 = vector.broadcast %get3A_67 : vector<1x16xf32> to vector<16x16xf32>
      %add3A_69 = arith.addf %dot_general3A_64, %add3A_68 : vector<16x16xf32>
      %iota3A = tpu.iota {dimensions = array<i32: 1>} : vector<1x16xi32>
      %lt3A = arith.constant 15 : i32
      %lt3A_70 = vector.broadcast %lt3A : i32 to vector<1x16xi32>
      %lt3A_71 = arith.cmpi slt, %iota3A, %lt3A_70 : vector<1x16xi32>
      %jit3A = arith.constant -1.000000e+30 : f32
      %broadcast_in_dim3A = vector.shape_cast %lt3A_71 : vector<1x16xi1> to vector<1x16xi1>
      %broadcast_in_dim3A_72 = vector.broadcast %broadcast_in_dim3A : vector<1x16xi1> to vector<16x16xi1>
      %broadcast_in_dim3A_73 = vector.broadcast %jit3A : f32 to vector<16x16xf32>
      %select_n3A = arith.select %broadcast_in_dim3A_72, %add3A_69, %broadcast_in_dim3A_73 : vector<16x16xi1>, vector<16x16xf32>
      %reduce_max3A = arith.constant dense<0xFF800000> : vector<16xf32>
      %reduce_max3A_74 = vector.multi_reduction <maximumf>, %select_n3A, %reduce_max3A [1] : vector<16x16xf32> to vector<16xf32>
      %broadcast_in_dim3A_75 = vector.shape_cast %reduce_max3A_74 : vector<16xf32> to vector<16x1xf32>
      %sub3A = vector.broadcast %broadcast_in_dim3A_75 : vector<16x1xf32> to vector<16x16xf32>
      %sub3A_76 = arith.subf %select_n3A, %sub3A : vector<16x16xf32>
      %exp3A = math.exp %sub3A_76 : vector<16x16xf32>
      %reduce_sum3A = arith.constant dense<0.000000e+00> : vector<16xf32>
      %reduce_sum3A_77 = vector.multi_reduction <add>, %exp3A, %reduce_sum3A [1] : vector<16x16xf32> to vector<16xf32>
      %broadcast_in_dim3A_78 = vector.shape_cast %reduce_sum3A_77 : vector<16xf32> to vector<16x1xf32>
      %div3A = vector.broadcast %broadcast_in_dim3A_78 : vector<16x1xf32> to vector<16x16xf32>
      %div3A_79 = arith.divf %exp3A, %div3A : vector<16x16xf32>
      %swap3A_80 = arith.constant 0 : index
      %swap3A_81 = arith.constant 0 : index
      %swap3A_82 = vector.load %arg7[%swap3A_80, %swap3A_81] : memref<16x16xf32, #tpu.memory_space<vmem>>, vector<16x16xf32>
      tpu.vector_store %arg7[%swap3A_80, %swap3A_81], %div3A_79 {strides = array<i32>} : memref<16x16xf32, #tpu.memory_space<vmem>>, vector<16x16xf32>,
      %dot_general3A_83 = arith.constant dense<0.000000e+00> : vector<16x256xf32>
      %dot_general3A_84 = tpu.matmul %div3A_79, %get3A_50, %dot_general3A_83 {dimension_numbers = #tpu.dot_dimension_numbers<[0], [0], [1], [1], [0, 1, 1, 1], [], []>, transpose_lhs_hint = false} : vector<16x16xf32>, vector<16x256xf32>, vector<16x256xf32> -> vector<16x256xf32>
      %swap3A_85 = arith.constant 0 : index
      %swap3A_86 = arith.constant 0 : index
      %swap3A_87 = vector.load %arg6[%swap3A_85, %swap3A_86] : memref<16x256xf32, #tpu.memory_space<vmem>>, vector<16x256xf32>
      tpu.vector_store %arg6[%swap3A_85, %swap3A_86], %dot_general3A_84 {strides = array<i32>} : memref<16x256xf32, #tpu.memory_space<vmem>>, vector<16x256xf32>,
    } else {
    }
    return
  }
  func.func @transform_0(%arg0: i32) -> (i32, i32) {
    %c0_i32 = arith.constant 0 : i32
    %c0_i32_0 = arith.constant 0 : i32
    return %arg0, %c0_i32 : i32, i32
  }
  func.func @transform_1(%arg0: i32) -> (i32, i32) {
    %c0_i32 = arith.constant 0 : i32
    %c0_i32_0 = arith.constant 0 : i32
    return %arg0, %c0_i32 : i32, i32
  }
  func.func @transform_2(%arg0: i32) -> (i32, i32, i32) {
    %c0_i32 = arith.constant 0 : i32
    %c0_i32_0 = arith.constant 0 : i32
    %c0_i32_1 = arith.constant 0 : i32
    return %c0_i32, %arg0, %c0_i32_0 : i32, i32, i32
  }
  func.func @transform_3(%arg0: i32) -> (i32, i32) {
    %c0_i32 = arith.constant 0 : i32
    %c0_i32_0 = arith.constant 0 : i32
    %c0_i32_1 = arith.constant 0 : i32
    return %c0_i32, %c0_i32_0 : i32, i32
  }
  func.func @transform_4(%arg0: i32) -> (i32, i32) {
    %c0_i32 = arith.constant 0 : i32
    %c0_i32_0 = arith.constant 0 : i32
    %c0_i32_1 = arith.constant 0 : i32
    return %c0_i32, %c0_i32_0 : i32, i32
  }
  func.func @transform_5(%arg0: i32) -> (i32, i32) {
    %c0_i32 = arith.constant 0 : i32
    %c0_i32_0 = arith.constant 0 : i32
    %c0_i32_1 = arith.constant 0 : i32
    return %c0_i32, %c0_i32_0 : i32, i32
  }
  func.func @transform_6(%arg0: i32) -> (i32, i32) {
    %c0_i32 = arith.constant 0 : i32
    %c0_i32_0 = arith.constant 0 : i32
    %c0_i32_1 = arith.constant 0 : i32
    return %c0_i32, %c0_i32_0 : i32, i32
  }
}

</mosaic_0001>

<sc_bundles>
// kernel: kernel.12.cloned.1.call-start
scs
__scs_entry_jumppad:
0x0: {  	(pc) =	sbr.rel $0x88, $3  }
0x1: {  	(tag) =	ssettag $0x0;
	lr =	simm.s32 $0x1  }
0x2: {  	[smem:$0x3F8C] =	sst lr;
	_ =	strace $0xD0000000  }
0x3: {  	_ = 	snop  }
0x4: {  	_ = 	snop  }
0x5: {  	_ = 	snop  }
0x6: {  	_ = 	snop  }
0x7: {  	_ = 	snop  }
__scs_overlays_trampoline_lowered:
0x8: {  	[smem:$0x3F9B] =	sst s0  }
0x9: {  	[smem:$0x3F9C] =	sst s1  }
0xa: {  	[smem:$0x3F9D] =	sst s2  }
0xb: {  	[smem:$0x3F9E] =	sst s3  }
0xc: {  	[smem:$0x3F9F] =	sst s4  }
0xd: {  	[smem:$0x3FA0] =	sst s5  }
0xe: {  	[smem:$0x3FA1] =	sst s6  }
0xf: {  	[smem:$0x3FA2] =	sst s7  }
0x10: {  	[smem:$0x3FA3] =	sst s8  }
0x11: {  	[smem:$0x3FA4] =	sst s9;
	s0 =	simm.s32 @!p0 $0x0  }
0x12: {  	s1 =	sld [smem:$0x3F8A];
	s0 =	simm.s32 @p0 $0x1  }
0x13: {  	[smem:$0x3FA5] =	sst s0;
	s0 =	simm.s32 @!p1 $0x0  }
0x14: {  	s2 =	sld [smem:$0x3F89];
	s0 =	simm.s32 @p1 $0x1  }
0x15: {  	[smem:$0x3FA6] =	sst s0;
	s0 =	simm.s32 @!p2 $0x0  }
0x16: {  	s3 =	sld [smem:$0x3FDB];
	s0 =	simm.s32 @p2 $0x1  }
0x17: {  	s4 =	simm.s32 $0x1BF5;
	[smem:$0x3FA8] =	sst s0  }
0x18: {  	s0 =	sld [smem:$0x3F8B];
	_ =	swait.ge [sflag:s4], $0x0  }
0x19: {  	s7 =	sld [smem:$0x3F8C]  }
0x1a: {  	s8 =	sadd.s32 $0xFFFFE003, lr  }
0x1b: {  	s9 =	sadd.s32 $0xFFFFFEF7, lr;
	s5 =	simm.s32 $0xFFFFFFFF;
	p2 =	slt.u32 s8, $0xFFFFF086  }
0x1c: {  	p1 =	slt.u32 s9, $0xF7A;
	s5 =	simm.s32 @!p2 $0x0  }
0x1d: {  	s5 =	simm.s32 @p1 $0x1;
	p0 =	seq.s32 s7, s2  }
0x1e: {  	s7 =	smul.u32 @!p0 $0xF7A, s2;
	p2 =	seq.s32 @!p0 s5, $0x0  }
0x1f: {  	s9 =	smul.u32 $0xF7A, s1;
	s8 =	simm.s32 @!p0 $0x1BF5;
	p2 =	por !p2, p0  }
0x20: {  	[sflag:s8] =	ssyncset.s32 @!p0 $0xFFFFF086;
	s6 =	sadd.s32 @!p0 s3, s7;
	s7 =	simm.s32 @!p0 $0x108  }
0x21: {  	s3 =	sadd.s32 s3, s9;
	s6 =	sadd.s32 @!p0 $0x88, s6;
	s7 =	simm.s32 @p2 $0x1082  }
0x22: {  	[simem:s7], [sflag:s8] =	dma.local @!p0 [hbm:s6], $0xF7A  }
0x23: {  	s9 =	sor.u32 $0xD0000000, s2;
	s6 =	simm.s32 $0x108;
	_ =	swait.ge @!p0 [sflag:s8], $0x0  }
0x24: {  	s3 =	sadd.s32 $0x88, s3;
	s6 =	simm.s32 @!p1 $0x1082;
	[sflag:s4] =	ssyncset.s32 $0xFFFFF086  }
0x25: {  	[simem:s6], [sflag:s4] =	dma.local [hbm:s3], $0xF7A  }
0x26: {  	[smem:$0x3F8C] =	sst s1;
	(tag) =	ssettag s2;
	_ =	strace s9  }
0x27: {  	s1 =	sld [smem:$0x3F9C]  }
0x28: {  	s2 =	sld [smem:$0x3F9D]  }
0x29: {  	s4 =	sld [smem:$0x3F9F]  }
0x2a: {  	p0 =	seq.s32 s5, $0x0;
	s5 =	sld [smem:$0x3FA0]  }
0x2b: {  	s6 =	sld [smem:$0x3FA1]  }
0x2c: {  	s7 =	sld [smem:$0x3FA2]  }
0x2d: {  	s3 =	simm.s32 $0x108;
	s8 =	sld [smem:$0x3FA3]  }
0x2e: {  	s3 =	simm.s32 @!p0 $0x1082;
	s9 =	sld [smem:$0x3FA4]  }
0x2f: {  	lr =	sadd.s32 s0, s3;
	s0 =	sld [smem:$0x3F9B]  }
0x30: {  	s3 =	sld [smem:$0x3F9E]  }
0x31: {  	[smem:$0x3FA7] =	sst s10  }
0x32: {  	s10 =	sld [smem:$0x3FA5];
	_ =	sdelay $0x3  }
0x33: {  	p0 =	seq.s32 s10, $0x1;
	s10 =	sld [smem:$0x3FA7];
	_ =	sdelay $0x3  }
0x34: {  	[smem:$0x3FA7] =	sst s10  }
0x35: {  	s10 =	sld [smem:$0x3FA6];
	_ =	sdelay $0x3  }
0x36: {  	p1 =	seq.s32 s10, $0x1;
	s10 =	sld [smem:$0x3FA7];
	_ =	sdelay $0x3  }
0x37: {  	[smem:$0x3FA7] =	sst s10  }
0x38: {  	s10 =	sld [smem:$0x3FA8]  }
0x39: {  	_ = 	snop;
	(pc) =	sbr.ind lr, $3  }
0x3a: {  	_ = 	snop  }
0x3b: {  	_ = 	snop  }
0x3c: {  	p2 =	seq.s32 s10, $0x1;
	s10 =	sld [smem:$0x3FA7]  }
0x3d: {  	_ =	shalt  }
0x3e: {  	_ =	shalt  }
0x3f: {  	_ =	shalt  }
0x40: {  	_ =	shalt  }
0x41: {  	_ =	shalt  }
0x42: {  	_ =	shalt  }
0x43: {  	_ =	shalt  }
0x44: {  	_ =	shalt  }
0x45: {  	_ =	shalt  }
0x46: {  	_ =	shalt  }
0x47: {  	_ =	shalt  }
0x48: {  	_ =	shalt  }
0x49: {  	_ =	shalt  }
0x4a: {  	_ =	shalt  }
0x4b: {  	_ =	shalt  }
0x4c: {  	_ =	shalt  }
0x4d: {  	_ =	shalt  }
0x4e: {  	_ =	shalt  }
0x4f: {  	_ =	shalt  }
0x50: {  	_ =	shalt  }
0x51: {  	_ =	shalt  }
0x52: {  	_ =	shalt  }
0x53: {  	_ =	shalt  }
0x54: {  	_ =	shalt  }
0x55: {  	_ =	shalt  }
0x56: {  	_ =	shalt  }
0x57: {  	_ =	shalt  }
0x58: {  	_ =	shalt  }
0x59: {  	_ =	shalt  }
0x5a: {  	_ =	shalt  }
0x5b: {  	_ =	shalt  }
0x5c: {  	_ =	shalt  }
0x5d: {  	_ =	shalt  }
0x5e: {  	_ =	shalt  }
0x5f: {  	_ =	shalt  }
0x60: {  	_ =	shalt  }
0x61: {  	_ =	shalt  }
0x62: {  	_ =	shalt  }
0x63: {  	_ =	shalt  }
0x64: {  	_ =	shalt  }
0x65: {  	_ =	shalt  }
0x66: {  	_ =	shalt  }
0x67: {  	_ =	shalt  }
0x68: {  	_ =	shalt  }
0x69: {  	_ =	shalt  }
0x6a: {  	_ =	shalt  }
0x6b: {  	_ =	shalt  }
0x6c: {  	_ =	shalt  }
0x6d: {  	_ =	shalt  }
0x6e: {  	_ =	shalt  }
0x6f: {  	_ =	shalt  }
0x70: {  	_ =	shalt  }
0x71: {  	_ =	shalt  }
0x72: {  	_ =	shalt  }
0x73: {  	_ =	shalt  }
0x74: {  	_ =	shalt  }
0x75: {  	_ =	shalt  }
0x76: {  	_ =	shalt  }
0x77: {  	_ =	shalt  }
0x78: {  	_ =	shalt  }
0x79: {  	_ =	shalt  }
0x7a: {  	_ =	shalt  }
0x7b: {  	_ =	shalt  }
0x7c: {  	_ =	shalt  }
0x7d: {  	_ =	shalt  }
0x7e: {  	_ =	shalt  }
0x7f: {  	_ =	shalt  }
0x80: {  	_ =	shalt  }
0x81: {  	_ =	shalt  }
0x82: {  	_ =	shalt  }
0x83: {  	_ =	shalt  }
0x84: {  	_ =	shalt  }
0x85: {  	_ =	shalt  }
0x86: {  	_ =	shalt  }
0x87: {  	_ =	shalt  }
.Lfunc_end0:
.L_simem_size_0:
called_computation_lowered:
.L_overlay_start_0:
0x88: {  	s2 =	sld [smem:$0x3FD9]  }
0x89: {  	s3 =	sld [smem:$0x3FFE];
	_ =	sdelay $0x1  }
0x8a: {  	s1 =	srdreg.scid  }
0x8b: {  	s0 =	sand.u32 $0x1, s1  }
0x8c: {  	s16 =	sshll.u32 s0, $0xA;
	s2 =	sadd.s32 s3, s2  }
0x8d: {  	s2 =	sadd.s32 s2, s16  }
0x8e: {  	[smem:$0x3FB3] =	sst s2  }
0x8f: {  	_ = 	snop  }
0x90: {  	(tm) =	ssettm $0x1  }
0x91: {  	s17 =	sld [smem:$0x3FFB];
	_ =	sdelay $0x3  }
0x92: {  	_ =	strace s17  }
0x93: {  	s2 =	sld [smem:$0x3FFC];
	_ =	sdelay $0x3  }
0x94: {  	_ =	strace s2  }
0x95: {  	s2 =	sld [smem:$0x3FFD];
	_ =	sdelay $0x3  }
0x96: {  	_ =	strace s2  }
0x97: {  	_ =	strace $0x8FFFFFFF  }
0x98: {  	s18 =	sld [smem:$0x3FDB];
	_ =	sdelay $0x1  }
0x99: {  	s19 =	simm.s32 $_scs_section_size  }
0x9a: {  	s4 =	simm.s32 $_size__tile_overlayer_lowered;
	s5 =	simm.s32 $_tile_overlayer_lowered  }
0x9b: {  	s22 =	simm.s32 $0x1BFF;
	s21 =	sshll.u32 s5, $0x1;
	s2 =	sadd.s32 s19, s18  }
0x9c: {  	s6 =	simm.s32 $0x0;
	s20 =	sshll.u32 s4, $0x1;
	s4 =	sadd.s32 s21, s2  }
0x9d: {  	[timem:s6], [sflag:s22] =	dma.local [hbm:s4], s20  }
0x9e: {  	_ =	swait.ge [sflag:s22], s20  }
0x9f: {  	s3 =	ssub.s32 $0x0, s20;
	[sflag:s22] =	ssyncset.done $0x0  }
0xa0: {  	[sflag:s22] =	ssyncadd.s32 s3;
	_ =	sdelay $0x1  }
0xa1: {  	s23 =	simm.s32 $0x1B8B  }
0xa2: {  	_ =	swait.ge [sflag:s23], $0x1  }
0xa3: {  	[sflag:s23] =	ssyncset.done $0x0  }
0xa4: {  	s25 =	simm.s32 $0x1B8E;
	s24 =	sld [smem:$0x3FFE];
	[sflag:s23] =	ssyncadd.s32 $0xFFFFFFFF  }
0xa5: {  	s26 =	simm.s32 $execute0_lowered;
	[smem:$0x3FD2] =	sst s25  }
0xa6: {  	s4 =	sshll.u32 s26, $0x1;
	_ =	strace $0x80000046;
	[dreg:$0x1] =	wrdreg $0xFFFFFFFF  }
0xa7: {  	s28 =	simm.s32 $_size_execute0_lowered;
	s2 =	sadd.s32 s2, s4;
	[dreg:$0x0] =	wrdreg $0x0  }
0xa8: {  	s4 =	sshll.u32 s28, $0x1;
	[dreg:$0x2] =	wrdreg s2  }
0xa9: {  	[dreg:$0x3] =	wrdreg s4  }
0xaa: {  	[dreg:$0x4] =	wrdreg $0xC0  }
0xab: {  	_ =	task [dreg:s6], $0x5FFFF  }
0xac: {  	[dreg:$0x1] =	wrdreg $0xFFFFFFFF  }
0xad: {  	[dreg:$0x0] =	wrdreg $0x60  }
0xae: {  	[dreg:$0x2] =	wrdreg s24  }
0xaf: {  	[dreg:$0x3] =	wrdreg $0x100000  }
0xb0: {  	[dreg:$0x4] =	wrdreg $0x9  }
0xb1: {  	_ =	task.clear_ibuf [dreg:s6], $0x5FFFF;
	_ =	strace $0x90000046  }
0xb2: {  	s29 =	simm.s32 $0x9;
	_ =	strace $0x80000048  }
0xb3: {  	_ =	swait.ge [sflag:s29], $0x1  }
0xb4: {  	[sflag:s29] =	ssyncadd.s32 $0xFFFFFFFF  }
0xb5: {  	_ =	strace $0x90000048  }
0xb6: {  	_ =	sfence  }
0xb7: {  	s30 =	sld [smem:$0x0];
	_ =	sdelay $0x2  }
0xb8: {  	s31 =	sshll.u32 s1, $0xD;
	s1 =	sshrl.u32 s1, $0x2  }
0xb9: {  	s3 =	sand.u32 $0x4000, s31;
	s1 =	sadd.s32 s1, s30  }
0xba: {  	s0 =	sor.u32 s3, s0;
	s1 =	sshll.u32 s1, $0x11  }
0xbb: {  	s0 =	sor.u32 s1, s0  }
0xbc: {  	s0 =	sadd.s32 $0x8F2B, s0  }
0xbd: {  	[sflag:s0] =	ssyncadd.remote.s32 $0x1  }
0xbe: {  	_ =	sfence.sel $0xFFFF  }
0xbf: {  	[dreg:$0x0] =	wrdreg $0xFFFFFFFF;
	(pc) =	sbr.abs _section_cstart, $3  }
0xc0: {  	[dreg:$0x1] =	wrdreg $0xFFFFFFFF  }
0xc1: {  	_ =	task.clear_ibuf [dreg:s6], $0x2FFFF;
	_ =	strace $0x9FFFFFFF  }
0xc2: {  	(tm) =	ssettm $0x7FFFFFFF  }
0xc3: {  	_ =	shalt  }
tec
execute0_lowered:
.L_overlay_start_1:
0x0: {  	(tag) =	ssettag $0x1  }
0x1: {  	s1 =	srdreg.scid;
	s6 =	rddreg [dreg:$0x0]  }
0x2: {  	s0 =	stileid.u32;
	s2 =	rddreg [dreg:$0x1];
	s4 =	simm.s32 $0x0  }
0x3: {  	s13 =	simm.s32 $0x6;
	s16 =	simm.s32 $0x80;
	s17 =	simm.s32 $0x1  }
0x4: {  	s18 =	simm.s32 $0x8000;
	s19 =	simm.s32 $0x2;
	s20 =	simm.s32 $0x4  }
0x5: {  	s21 =	simm.s32 $0xC000;
	s23 =	simm.s32 $0x5;
	s24 =	simm.s32 $0x0  }
0x6: {  	s8 =	sand.u32 $0x1, s1;
	s3 =	sshll.u32 s0, $0xD;
	s1 =	rddreg [dreg:$0x2]  }
0x7: {  	[smem:$0x7FF] =	sst s4;
	s7 =	sshll.u32 s0, $0xC;
	s31 =	sshll.u32 s0, $0xF  }
0x8: {  	s5 =	sshll.u32 s8, $0x11;
	_ =	strace $0x80000047;
	s9 =	ssub.s32 $0x2, s8  }
0x9: {  	s10 =	sadd.s32 s7, s6;
	s30 =	sshll.u32 s8, $0x10;
	s22 =	sshll.u32 s8, $0x18  }
0xa: {  	s15 =	sadd.s32 s31, s2;
	s5 =	sor.u32 s3, s5;
	s29 =	sshrl.u32 s9, $0x1  }
0xb: {  	s8 =	sadd.s32 $0x26600, s10;
	s15 =	sshrl.u32 s15, $0x3;
	v0 =	vmov s22;
	s22 =	simm.s32 $0x3  }
0xc: {  	s5 =	sshrl.u32 s5, $0x3;
	s12 =	ssub.s32 s9, s29;
	s9 =	sadd.s32 s30, s10  }
0xd: {  	s11 =	sadd.s32 s5, s6;
	s5 =	sadd.s32 $0x6600, s6;
	s6 =	sadd.s32 $0x56600, s6  }
0xe: {  	s9 =	sadd.s32 $0x36600, s9;
	s10 =	smax.u32 s12, $0x1;
	s12 =	sshll.u32 s0, $0x6  }
0xf: {  	v1 =	vlaneseq.u32;
	s7 =	sadd.s32 $0x16600, s11;
	s11 =	sadd.s32 $0x1E600, s11;
	s14 =	sor.u32 $0x1C01, s12  }
.LBB2_1:
0x10: {  	[tilespmem:s4], [sflag:$0x6] =	stream.linear.gather [hbm4b:s7+s4], $0x2000, $0x38;
	[tilespmem:$0x18000] =	vst v63  }
0x11: {  	_ =	swait.ge [sflag:s13], $0x2000  }
0x12: {  	[sflag:s13] =	ssyncset.done $0x0  }
0x13: {  	s25 =	simm.s32 $0x6000;
	s26 =	sadd.s32 $0x0, s11;
	[sflag:s13] =	ssyncadd.s32 $0xFFFFE000  }
0x14: {  	[spmem:s15], [sflag:s14] =	dma.local [hbm:s8], $0x1000  }
0x15: {  	[tilespmem:s25], [sflag:$0x6] =	stream.linear.gather [hbm4b:s26+s4], $0x80, $0x38;
	[tilespmem:$0x18000] =	vst v63  }
0x16: {  	_ =	swait.ge [sflag:s13], $0x80  }
0x17: {  	s25 =	simm.s32 $0x10;
	s26 =	simm.s32 $0x6080;
	[sflag:s13] =	ssyncset.done $0x0  }
.LBB2_2:
0x18: {  	s28 =	sadd.s32 s25, s11  }
0x19: {  	s29 =	simm.s32 $0x0;
	[sflag:s13] =	ssyncadd.s32 $0xFFFFFF80;
	p0 =	sne.s32 s25, $0x3F0  }
0x1a: {  	[tilespmem:s26], [sflag:$0x6] =	stream.linear.gather [hbm4b:s28+s29], $0x80, $0x38;
	[tilespmem:$0x18000] =	vst v63  }
.Ltmp0:
0x1b: {  	_ = 	snop;
	(pc) =	sbr.rel @p0 .LBB2_2-.Ltmp0, $4  }
0x1c: {  	_ = 	snop  }
0x1d: {  	s25 =	sadd.s32 $0x10, s25  }
0x1e: {  	_ =	swait.ge [sflag:s13], $0x80  }
0x1f: {  	s26 =	sadd.s32 $0x80, s26;
	[sflag:s13] =	ssyncset.done $0x0  }
0x20: {  	[sflag:s13] =	ssyncadd.s32 $0xFFFFFF80;
	s25 =	simm.s32 $0x0  }
0x21: {  	v2 =	vld [tilespmem:s25+$0x0]  }
0x22: {  	v3 =	vor.u32 s3, v1  }
0x23: {  	[tilespmem:s25+$0x4000] =	vst v3;
	v3 =	vld [tilespmem:s25+$0x6000];
	_ =	sdelay $0x1  }
0x24: {  	s26 =	simm.s32 $0x40;
	s28 =	sadd.s32 $0x10, s3  }
.LBB2_4:
0x25: {  	s29 =	sshra.s32 s26, $0x2;
	v4 =	vor.u32 s28, v1;
	p0 =	sne.s32 s26, $0x7FC0;
	s26 =	sadd.s32 $0x40, s26;
	v5 =	vshll.u32 v2, $0xC  }
.Ltmp1:
0x26: {  	v2 =	vld [tilespmem:s29+$0x0];
	[tilespmem:s29+$0x4000] =	vst v4;
	v4 =	vadd.s32 v0, v5;
	(pc) =	sbr.rel @p0 .LBB2_4-.Ltmp1, $3  }
0x27: {  	v4 =	vadd.s32 v3, v4  }
0x28: {  	v3 =	vld [tilespmem:s29+$0x6000];
	[tilespmem:s25+$0x2000] =	vst v4;
	s25 =	smov.u32 s29;
	_ =	sdelay $0x1  }
0x29: {  	s28 =	sadd.s32 $0x10, s28  }
0x2a: {  	v2 =	vshll.u32 v2, $0xC  }
0x2b: {  	v2 =	vadd.s32 v0, v2  }
0x2c: {  	v2 =	vadd.s32 v3, v2  }
0x2d: {  	s31 =	simm.s32 $0x4000;
	s26 =	simm.s32 $0x2000;
	[tilespmem:s25+$0x2000] =	vst v2  }
0x2e: {  	[hbm4b:s6+s16] =	stream.indirect.scatter [tilespmem:s31], [sflag:$0x6], $0x1, s26, s16, $0xb8;
	[tilespmem:$0x18000] =	vst v63  }
0x2f: {  	s25 =	simm.s32 $0x200;
	_ =	swait.ge [sflag:s13], $0x80  }
.LBB2_6:
0x30: {  	s26 =	sshra.s32 s25, $0x2  }
0x31: {  	[sflag:s13] =	ssyncset.done $0x0;
	p0 =	sne.s32 s25, $0x7E00;
	s28 =	sadd.s32 $0x4000, s26  }
.Ltmp2:
0x32: {  	s26 =	sadd.s32 $0x2000, s26;
	[sflag:s13] =	ssyncadd.s32 $0xFFFFFF80;
	(pc) =	sbr.rel @p0 .LBB2_6-.Ltmp2, $3  }
0x33: {  	[hbm4b:s6+s16] =	stream.indirect.scatter [tilespmem:s28], [sflag:$0x6], $0x1, s26, s16, $0xb8;
	[tilespmem:$0x18000] =	vst v63  }
0x34: {  	s25 =	sadd.s32 $0x200, s25;
	_ =	sdelay $0x1  }
0x35: {  	_ =	swait.ge [sflag:s13], $0x80  }
0x36: {  	[sflag:s13] =	ssyncset.done $0x0  }
0x37: {  	[sflag:s13] =	ssyncadd.s32 $0xFFFFFF80  }
0x38: {  	_ =	swait.ge [sflag:s17], $0x1000  }
0x39: {  	[sflag:s17] =	ssyncset.done $0x0  }
0x3a: {  	[sflag:s17] =	ssyncadd.s32 $0xFFFFF000  }
0x3b: {  	s25 =	simm.s32 $0x0;
	[bflag:$0x0] =	sbarrier.arrive $0xFFFF  }
0x3c: {  	[tilespmem:s18], [sflag:$0x2] =	stream.indirect.gather [hbm4b:s5+s16], $0x80, s25, s16, $0xb8;
	[tilespmem:$0x18000] =	vst v63  }
0x3d: {  	_ =	swait.ge [sflag:s19], $0x4000  }
0x3e: {  	[sflag:s19] =	ssyncset.done $0x0  }
0x3f: {  	s29 =	simm.s32 $0x6000;
	[sflag:s19] =	ssyncadd.s32 $0xFFFFC000  }
0x40: {  	[spmem:s2] =	stream.indirect.scatter.add.f32 [tilespmem:s18], [sflag:$0x4], $0x80, s29, s16, $0xb8;
	[tilespmem:$0x18000] =	vst v63  }
0x41: {  	_ =	swait.ge [sflag:s20], $0x4000  }
0x42: {  	[sflag:s20] =	ssyncset.done $0x0  }
0x43: {  	s30 =	simm.s32 $0x80;
	[sflag:s20] =	ssyncadd.s32 $0xFFFFC000  }
0x44: {  	[tilespmem:s21], [sflag:$0x3] =	stream.indirect.gather [hbm4b:s5+s16], $0x80, s30, s16, $0xb8;
	[tilespmem:$0x18000] =	vst v63  }
0x45: {  	_ =	swait.ge [sflag:s22], $0x4000  }
0x46: {  	[sflag:s22] =	ssyncset.done $0x0  }
0x47: {  	s31 =	simm.s32 $0x6080;
	[sflag:s22] =	ssyncadd.s32 $0xFFFFC000  }
0x48: {  	[spmem:s2] =	stream.indirect.scatter.add.f32 [tilespmem:s21], [sflag:$0x5], $0x80, s31, s16, $0xb8;
	[tilespmem:$0x18000] =	vst v63  }
0x49: {  	_ =	swait.ge [sflag:s23], $0x4000  }
0x4a: {  	s26 =	simm.s32 $0x800;
	s25 =	simm.s32 $0x400;
	[sflag:s23] =	ssyncset.done $0x0  }
.LBB2_8:
0x4b: {  	s28 =	sshra.s32 s25, $0x2  }
0x4c: {  	[sflag:s23] =	ssyncadd.s32 $0xFFFFC000;
	s25 =	smov.u32 s26;
	s29 =	sadd.s32 $0x400, s26  }
0x4d: {  	[tilespmem:s18], [sflag:$0x2] =	stream.indirect.gather [hbm4b:s5+s16], $0x80, s28, s16, $0xb8;
	[tilespmem:$0x18000] =	vst v63  }
0x4e: {  	p0 =	sne.s32 s26, $0x7C00;
	_ =	swait.ge [sflag:s19], $0x4000  }
0x4f: {  	[sflag:s19] =	ssyncset.done $0x0  }
0x50: {  	s26 =	sadd.s32 $0x6000, s28;
	[sflag:s19] =	ssyncadd.s32 $0xFFFFC000  }
0x51: {  	[spmem:s2] =	stream.indirect.scatter.add.f32 [tilespmem:s18], [sflag:$0x4], $0x80, s26, s16, $0xb8;
	[tilespmem:$0x18000] =	vst v63  }
0x52: {  	_ =	swait.ge [sflag:s20], $0x4000  }
0x53: {  	[sflag:s20] =	ssyncset.done $0x0  }
0x54: {  	s26 =	sadd.s32 $0x80, s28;
	[sflag:s20] =	ssyncadd.s32 $0xFFFFC000  }
0x55: {  	[tilespmem:s21], [sflag:$0x3] =	stream.indirect.gather [hbm4b:s5+s16], $0x80, s26, s16, $0xb8;
	[tilespmem:$0x18000] =	vst v63  }
0x56: {  	_ =	swait.ge [sflag:s22], $0x4000  }
.Ltmp3:
0x57: {  	[sflag:s22] =	ssyncset.done $0x0;
	(pc) =	sbr.rel @p0 .LBB2_8-.Ltmp3, $4  }
0x58: {  	s26 =	sadd.s32 $0x6080, s28;
	[sflag:s22] =	ssyncadd.s32 $0xFFFFC000  }
0x59: {  	[spmem:s2] =	stream.indirect.scatter.add.f32 [tilespmem:s21], [sflag:$0x5], $0x80, s26, s16, $0xb8;
	[tilespmem:$0x18000] =	vst v63  }
0x5a: {  	_ =	swait.ge [sflag:s23], $0x4000  }
0x5b: {  	s26 =	smov.u32 s29;
	[sflag:s23] =	ssyncset.done $0x0  }
0x5c: {  	s25 =	sshra.s32 s25, $0x2;
	[sflag:s23] =	ssyncadd.s32 $0xFFFFC000  }
0x5d: {  	[tilespmem:s18], [sflag:$0x2] =	stream.indirect.gather [hbm4b:s5+s16], $0x80, s25, s16, $0xb8;
	[tilespmem:$0x18000] =	vst v63  }
0x5e: {  	_ =	swait.ge [sflag:s19], $0x4000  }
0x5f: {  	[sflag:s19] =	ssyncset.done $0x0  }
0x60: {  	s26 =	sadd.s32 $0x6000, s25;
	[sflag:s19] =	ssyncadd.s32 $0xFFFFC000  }
0x61: {  	[spmem:s2] =	stream.indirect.scatter.add.f32 [tilespmem:s18], [sflag:$0x4], $0x80, s26, s16, $0xb8;
	[tilespmem:$0x18000] =	vst v63  }
0x62: {  	_ =	swait.ge [sflag:s20], $0x4000  }
0x63: {  	[sflag:s20] =	ssyncset.done $0x0  }
0x64: {  	s30 =	sadd.s32 $0x80, s25;
	[sflag:s20] =	ssyncadd.s32 $0xFFFFC000  }
0x65: {  	[tilespmem:s21], [sflag:$0x3] =	stream.indirect.gather [hbm4b:s5+s16], $0x80, s30, s16, $0xb8;
	[tilespmem:$0x18000] =	vst v63  }
0x66: {  	_ =	swait.ge [sflag:s22], $0x4000  }
0x67: {  	[sflag:s22] =	ssyncset.done $0x0  }
0x68: {  	s25 =	sadd.s32 $0x6080, s25;
	[sflag:s22] =	ssyncadd.s32 $0xFFFFC000  }
0x69: {  	[spmem:s2] =	stream.indirect.scatter.add.f32 [tilespmem:s21], [sflag:$0x5], $0x80, s25, s16, $0xb8;
	[tilespmem:$0x18000] =	vst v63  }
0x6a: {  	_ =	swait.ge [sflag:s23], $0x4000  }
0x6b: {  	s24 =	sadd.s32 $0x1, s24;
	[sflag:s23] =	ssyncset.done $0x0  }
0x6c: {  	p0 =	sne.s32 s24, s10;
	[sflag:s23] =	ssyncadd.s32 $0xFFFFC000  }
.Ltmp4:
0x6d: {  	s31 =	sor.u32 $0x1C06, s12;
	[bflag:$0x0] =	sbarrier.arrive $0xFFFF;
	(pc) =	sbr.rel @p0 .LBB2_1-.Ltmp4, $4  }
0x6e: {  	[hbm:s9], [sflag:s31] =	dma.local [spmem:s15], $0x1000  }
0x6f: {  	_ =	swait.ge [sflag:s13], $0x1000  }
0x70: {  	[sflag:s13] =	ssyncset.done $0x0  }
0x71: {  	[sflag:s13] =	ssyncadd.s32 $0xFFFFF000  }
0x72: {  	_ =	sfence.sel $0x180000  }
0x73: {  	[bflag:$0x0] =	sbarrier.arrive $0xFFFF  }
0x74: {  	p0 =	sne.s32 s0, $0x0;
	_ =	strace $0x90000047  }
0x75: {  	s0 =	sadd.s32 @!p0 $0x100000, s1;
	[bflag:$0x2] =	sbarrier.arrive $0xFFFF  }
0x76: {  	[sflag:s0] =	ssyncadd.tile.s32 @!p0 $0x1;
	_ =	shalt  }
.Lfunc_end2:
_tile_overlayer_lowered:
.L_overlay_start_2:
0x77: {  	(tag) =	ssettag $0x2  }
0x78: {  	s0 =	rddreg [dreg:$0x0];
	s2 =	stileid.u32  }
0x79: {  	s1 =	rddreg [dreg:$0x1];
	p0 =	sne.s32 s2, $0x0  }
0x7a: {  	s3 =	rddreg [dreg:$0x2];
	[bflag:$0x3] =	sbarrier.arrive $0xFFFF;
	s2 =	simm.s32 @!p0 $0x1C06  }
0x7b: {  	[timem:s3], [sflag:s2] =	dma.local @!p0 [hbm:s0], s1  }
0x7c: {  	s0 =	simm.s32 @!p0 $0x6  }
0x7d: {  	_ =	swait.ge @!p0 [sflag:s0], s1  }
0x7e: {  	s1 =	ssub.s32 @!p0 $0x0, s1;
	[sflag:s0] =	ssyncset.done @!p0 $0x0  }
0x7f: {  	[sflag:s0] =	ssyncadd.s32 @!p0 s1  }
0x80: {  	[bflag:$0x3] =	sbarrier.arrive $0xFFFF  }
0x81: {  	_ =	shalt  }

// kernel: kernel.15.cloned.1.call-start
scs
__scs_entry_jumppad:
0x0: {  	(pc) =	sbr.rel $0x88, $3  }
0x1: {  	(tag) =	ssettag $0x0;
	lr =	simm.s32 $0x1  }
0x2: {  	[smem:$0x3F8C] =	sst lr;
	_ =	strace $0xD0000000  }
0x3: {  	_ = 	snop  }
0x4: {  	_ = 	snop  }
0x5: {  	_ = 	snop  }
0x6: {  	_ = 	snop  }
0x7: {  	_ = 	snop  }
__scs_overlays_trampoline_lowered:
0x8: {  	[smem:$0x3F9B] =	sst s0  }
0x9: {  	[smem:$0x3F9C] =	sst s1  }
0xa: {  	[smem:$0x3F9D] =	sst s2  }
0xb: {  	[smem:$0x3F9E] =	sst s3  }
0xc: {  	[smem:$0x3F9F] =	sst s4  }
0xd: {  	[smem:$0x3FA0] =	sst s5  }
0xe: {  	[smem:$0x3FA1] =	sst s6  }
0xf: {  	[smem:$0x3FA2] =	sst s7  }
0x10: {  	[smem:$0x3FA3] =	sst s8  }
0x11: {  	[smem:$0x3FA4] =	sst s9;
	s0 =	simm.s32 @!p0 $0x0  }
0x12: {  	s1 =	sld [smem:$0x3F8A];
	s0 =	simm.s32 @p0 $0x1  }
0x13: {  	[smem:$0x3FA5] =	sst s0;
	s0 =	simm.s32 @!p1 $0x0  }
0x14: {  	s2 =	sld [smem:$0x3F89];
	s0 =	simm.s32 @p1 $0x1  }
0x15: {  	[smem:$0x3FA6] =	sst s0;
	s0 =	simm.s32 @!p2 $0x0  }
0x16: {  	s3 =	sld [smem:$0x3FDB];
	s0 =	simm.s32 @p2 $0x1  }
0x17: {  	s4 =	simm.s32 $0x1BF5;
	[smem:$0x3FA8] =	sst s0  }
0x18: {  	s0 =	sld [smem:$0x3F8B];
	_ =	swait.ge [sflag:s4], $0x0  }
0x19: {  	s7 =	sld [smem:$0x3F8C]  }
0x1a: {  	s8 =	sadd.s32 $0xFFFFE003, lr  }
0x1b: {  	s9 =	sadd.s32 $0xFFFFFEF7, lr;
	s5 =	simm.s32 $0xFFFFFFFF;
	p2 =	slt.u32 s8, $0xFFFFF086  }
0x1c: {  	p1 =	slt.u32 s9, $0xF7A;
	s5 =	simm.s32 @!p2 $0x0  }
0x1d: {  	s5 =	simm.s32 @p1 $0x1;
	p0 =	seq.s32 s7, s2  }
0x1e: {  	s7 =	smul.u32 @!p0 $0xF7A, s2;
	p2 =	seq.s32 @!p0 s5, $0x0  }
0x1f: {  	s9 =	smul.u32 $0xF7A, s1;
	s8 =	simm.s32 @!p0 $0x1BF5;
	p2 =	por !p2, p0  }
0x20: {  	[sflag:s8] =	ssyncset.s32 @!p0 $0xFFFFF086;
	s6 =	sadd.s32 @!p0 s3, s7;
	s7 =	simm.s32 @!p0 $0x108  }
0x21: {  	s3 =	sadd.s32 s3, s9;
	s6 =	sadd.s32 @!p0 $0x88, s6;
	s7 =	simm.s32 @p2 $0x1082  }
0x22: {  	[simem:s7], [sflag:s8] =	dma.local @!p0 [hbm:s6], $0xF7A  }
0x23: {  	s9 =	sor.u32 $0xD0000000, s2;
	s6 =	simm.s32 $0x108;
	_ =	swait.ge @!p0 [sflag:s8], $0x0  }
0x24: {  	s3 =	sadd.s32 $0x88, s3;
	s6 =	simm.s32 @!p1 $0x1082;
	[sflag:s4] =	ssyncset.s32 $0xFFFFF086  }
0x25: {  	[simem:s6], [sflag:s4] =	dma.local [hbm:s3], $0xF7A  }
0x26: {  	[smem:$0x3F8C] =	sst s1;
	(tag) =	ssettag s2;
	_ =	strace s9  }
0x27: {  	s1 =	sld [smem:$0x3F9C]  }
0x28: {  	s2 =	sld [smem:$0x3F9D]  }
0x29: {  	s4 =	sld [smem:$0x3F9F]  }
0x2a: {  	p0 =	seq.s32 s5, $0x0;
	s5 =	sld [smem:$0x3FA0]  }
0x2b: {  	s6 =	sld [smem:$0x3FA1]  }
0x2c: {  	s7 =	sld [smem:$0x3FA2]  }
0x2d: {  	s3 =	simm.s32 $0x108;
	s8 =	sld [smem:$0x3FA3]  }
0x2e: {  	s3 =	simm.s32 @!p0 $0x1082;
	s9 =	sld [smem:$0x3FA4]  }
0x2f: {  	lr =	sadd.s32 s0, s3;
	s0 =	sld [smem:$0x3F9B]  }
0x30: {  	s3 =	sld [smem:$0x3F9E]  }
0x31: {  	[smem:$0x3FA7] =	sst s10  }
0x32: {  	s10 =	sld [smem:$0x3FA5];
	_ =	sdelay $0x3  }
0x33: {  	p0 =	seq.s32 s10, $0x1;
	s10 =	sld [smem:$0x3FA7];
	_ =	sdelay $0x3  }
0x34: {  	[smem:$0x3FA7] =	sst s10  }
0x35: {  	s10 =	sld [smem:$0x3FA6];
	_ =	sdelay $0x3  }
0x36: {  	p1 =	seq.s32 s10, $0x1;
	s10 =	sld [smem:$0x3FA7];
	_ =	sdelay $0x3  }
0x37: {  	[smem:$0x3FA7] =	sst s10  }
0x38: {  	s10 =	sld [smem:$0x3FA8]  }
0x39: {  	_ = 	snop;
	(pc) =	sbr.ind lr, $3  }
0x3a: {  	_ = 	snop  }
0x3b: {  	_ = 	snop  }
0x3c: {  	p2 =	seq.s32 s10, $0x1;
	s10 =	sld [smem:$0x3FA7]  }
0x3d: {  	_ =	shalt  }
0x3e: {  	_ =	shalt  }
0x3f: {  	_ =	shalt  }
0x40: {  	_ =	shalt  }
0x41: {  	_ =	shalt  }
0x42: {  	_ =	shalt  }
0x43: {  	_ =	shalt  }
0x44: {  	_ =	shalt  }
0x45: {  	_ =	shalt  }
0x46: {  	_ =	shalt  }
0x47: {  	_ =	shalt  }
0x48: {  	_ =	shalt  }
0x49: {  	_ =	shalt  }
0x4a: {  	_ =	shalt  }
0x4b: {  	_ =	shalt  }
0x4c: {  	_ =	shalt  }
0x4d: {  	_ =	shalt  }
0x4e: {  	_ =	shalt  }
0x4f: {  	_ =	shalt  }
0x50: {  	_ =	shalt  }
0x51: {  	_ =	shalt  }
0x52: {  	_ =	shalt  }
0x53: {  	_ =	shalt  }
0x54: {  	_ =	shalt  }
0x55: {  	_ =	shalt  }
0x56: {  	_ =	shalt  }
0x57: {  	_ =	shalt  }
0x58: {  	_ =	shalt  }
0x59: {  	_ =	shalt  }
0x5a: {  	_ =	shalt  }
0x5b: {  	_ =	shalt  }
0x5c: {  	_ =	shalt  }
0x5d: {  	_ =	shalt  }
0x5e: {  	_ =	shalt  }
0x5f: {  	_ =	shalt  }
0x60: {  	_ =	shalt  }
0x61: {  	_ =	shalt  }
0x62: {  	_ =	shalt  }
0x63: {  	_ =	shalt  }
0x64: {  	_ =	shalt  }
0x65: {  	_ =	shalt  }
0x66: {  	_ =	shalt  }
0x67: {  	_ =	shalt  }
0x68: {  	_ =	shalt  }
0x69: {  	_ =	shalt  }
0x6a: {  	_ =	shalt  }
0x6b: {  	_ =	shalt  }
0x6c: {  	_ =	shalt  }
0x6d: {  	_ =	shalt  }
0x6e: {  	_ =	shalt  }
0x6f: {  	_ =	shalt  }
0x70: {  	_ =	shalt  }
0x71: {  	_ =	shalt  }
0x72: {  	_ =	shalt  }
0x73: {  	_ =	shalt  }
0x74: {  	_ =	shalt  }
0x75: {  	_ =	shalt  }
0x76: {  	_ =	shalt  }
0x77: {  	_ =	shalt  }
0x78: {  	_ =	shalt  }
0x79: {  	_ =	shalt  }
0x7a: {  	_ =	shalt  }
0x7b: {  	_ =	shalt  }
0x7c: {  	_ =	shalt  }
0x7d: {  	_ =	shalt  }
0x7e: {  	_ =	shalt  }
0x7f: {  	_ =	shalt  }
0x80: {  	_ =	shalt  }
0x81: {  	_ =	shalt  }
0x82: {  	_ =	shalt  }
0x83: {  	_ =	shalt  }
0x84: {  	_ =	shalt  }
0x85: {  	_ =	shalt  }
0x86: {  	_ =	shalt  }
0x87: {  	_ =	shalt  }
.Lfunc_end0:
.L_simem_size_0:
called_computation.1_lowered:
.L_overlay_start_0:
0x88: {  	s2 =	sld [smem:$0x3FD9]  }
0x89: {  	s3 =	sld [smem:$0x3FFE];
	_ =	sdelay $0x1  }
0x8a: {  	s1 =	srdreg.scid  }
0x8b: {  	s0 =	sand.u32 $0x1, s1  }
0x8c: {  	s17 =	sshll.u32 s0, $0xA;
	s2 =	sadd.s32 s3, s2  }
0x8d: {  	s2 =	sadd.s32 s2, s17  }
0x8e: {  	[smem:$0x3FB3] =	sst s2  }
0x8f: {  	_ = 	snop  }
0x90: {  	(tm) =	ssettm $0x1  }
0x91: {  	s18 =	sld [smem:$0x3FFB];
	_ =	sdelay $0x3  }
0x92: {  	_ =	strace s18  }
0x93: {  	s2 =	sld [smem:$0x3FFC];
	_ =	sdelay $0x3  }
0x94: {  	_ =	strace s2  }
0x95: {  	s2 =	sld [smem:$0x3FFD];
	_ =	sdelay $0x3  }
0x96: {  	_ =	strace s2  }
0x97: {  	_ =	strace $0x8FFFFFFF  }
0x98: {  	s19 =	sld [smem:$0x3FDB];
	_ =	sdelay $0x1  }
0x99: {  	s20 =	simm.s32 $_scs_section_size  }
0x9a: {  	s4 =	simm.s32 $_size__tile_overlayer_lowered;
	s5 =	simm.s32 $_tile_overlayer_lowered  }
0x9b: {  	s6 =	simm.s32 $0x1BFF;
	s21 =	sshll.u32 s5, $0x1;
	s3 =	sadd.s32 s20, s19  }
0x9c: {  	s22 =	simm.s32 $0x0;
	s4 =	sshll.u32 s4, $0x1;
	s5 =	sadd.s32 s21, s3  }
0x9d: {  	[timem:s22], [sflag:s6] =	dma.local [hbm:s5], s4  }
0x9e: {  	_ =	swait.ge [sflag:s6], s4  }
0x9f: {  	s4 =	ssub.s32 $0x0, s4;
	[sflag:s6] =	ssyncset.done $0x0  }
0xa0: {  	[sflag:s6] =	ssyncadd.s32 s4;
	_ =	sdelay $0x1  }
0xa1: {  	s23 =	simm.s32 $0x1B8B  }
0xa2: {  	_ =	swait.ge [sflag:s23], $0x1  }
0xa3: {  	[sflag:s23] =	ssyncset.done $0x0  }
0xa4: {  	[sflag:s23] =	ssyncadd.s32 $0xFFFFFFFF  }
0xa5: {  	s4 =	sld [smem:$0x0]  }
0xa6: {  	s5 =	sand.u32 $0xFFFFFFFE, s1  }
0xa7: {  	p0 =	sne.s32 s1, s5  }
0xa8: {  	s5 =	sshll.u32 @p0 s5, $0xE  }
0xa9: {  	s5 =	sadd.s32 @p0 $0x11B8D, s5;
	s6 =	sshll.u32 @p0 s4, $0x11  }
0xaa: {  	s5 =	sor.u32 @p0 s6, s5  }
0xab: {  	[sflag:s5] =	ssyncadd.remote.s32 @p0 $0x1;
	_ =	sdelay $0x1  }
0xac: {  	s5 =	simm.s32 @p0 $0x1B8D  }
0xad: {  	_ =	swait.eq @p0 [sflag:s5], $0x1  }
0xae: {  	[sflag:s5] =	ssyncadd.s32 @p0 $0xFFFFFFFF  }
0xaf: {  	s6 =	sshll.u32 @!p0 s1, $0xE  }
0xb0: {  	s6 =	sor.u32 @!p0 $0x4000, s6;
	s5 =	simm.s32 @!p0 $0x1B8D  }
0xb1: {  	s4 =	sshll.u32 @!p0 s4, $0x11;
	s6 =	sadd.s32 @!p0 $0x11B8D, s6;
	_ =	swait.eq @!p0 [sflag:s5], $0x1  }
0xb2: {  	s4 =	sor.u32 @!p0 s4, s6;
	[sflag:s5] =	ssyncadd.s32 @!p0 $0xFFFFFFFF  }
0xb3: {  	s25 =	simm.s32 $0x1B8E;
	s24 =	sld [smem:$0x3FFE];
	[sflag:s4] =	ssyncadd.remote.s32 @!p0 $0x1  }
0xb4: {  	s26 =	simm.s32 $execute0_lowered;
	[smem:$0x3FD2] =	sst s25  }
0xb5: {  	s5 =	sshll.u32 s26, $0x1;
	_ =	strace $0x8000004C;
	[dreg:$0x1] =	wrdreg $0xFFFFFFFF  }
0xb6: {  	s28 =	simm.s32 $_size_execute0_lowered;
	s3 =	sadd.s32 s3, s5;
	[dreg:$0x0] =	wrdreg $0x0  }
0xb7: {  	s5 =	sshll.u32 s28, $0x1;
	[dreg:$0x2] =	wrdreg s3  }
0xb8: {  	[dreg:$0x3] =	wrdreg s5  }
0xb9: {  	[dreg:$0x4] =	wrdreg $0xC0  }
0xba: {  	_ =	task [dreg:s22], $0x5FFFF  }
0xbb: {  	[dreg:$0x1] =	wrdreg $0xFFFFFFFF  }
0xbc: {  	[dreg:$0x0] =	wrdreg $0x60  }
0xbd: {  	[dreg:$0x2] =	wrdreg s24  }
0xbe: {  	[dreg:$0x3] =	wrdreg $0x9  }
0xbf: {  	_ =	task.clear_ibuf [dreg:s22], $0x4FFFF;
	_ =	strace $0x9000004C  }
0xc0: {  	s29 =	simm.s32 $0x9;
	_ =	strace $0x8000004E  }
0xc1: {  	_ =	swait.ge [sflag:s29], $0x1  }
0xc2: {  	[sflag:s29] =	ssyncadd.s32 $0xFFFFFFFF  }
0xc3: {  	_ =	strace $0x9000004E  }
0xc4: {  	_ =	sfence  }
0xc5: {  	s30 =	sld [smem:$0x0];
	_ =	sdelay $0x2  }
0xc6: {  	s31 =	sshll.u32 s1, $0xD;
	s1 =	sshrl.u32 s1, $0x2  }
0xc7: {  	s4 =	sand.u32 $0x4000, s31;
	s1 =	sadd.s32 s1, s30  }
0xc8: {  	s0 =	sor.u32 s4, s0;
	s1 =	sshll.u32 s1, $0x11  }
0xc9: {  	s0 =	sor.u32 s1, s0  }
0xca: {  	s0 =	sadd.s32 $0x8F2B, s0  }
0xcb: {  	[sflag:s0] =	ssyncadd.remote.s32 $0x1  }
0xcc: {  	_ =	sfence.sel $0xFFFF  }
0xcd: {  	[dreg:$0x0] =	wrdreg $0xFFFFFFFF;
	(pc) =	sbr.abs _section_cstart, $3  }
0xce: {  	[dreg:$0x1] =	wrdreg $0xFFFFFFFF  }
0xcf: {  	_ =	task.clear_ibuf [dreg:s22], $0x2FFFF;
	_ =	strace $0x9FFFFFFF  }
0xd0: {  	(tm) =	ssettm $0x7FFFFFFF  }
0xd1: {  	_ =	shalt  }
tec
execute0_lowered:
.L_overlay_start_1:
0x0: {  	(tag) =	ssettag $0x1  }
0x1: {  	s1 =	srdreg.scid  }
0x2: {  	s0 =	stileid.u32;
	s4 =	rddreg [dreg:$0x0]  }
0x3: {  	s3 =	simm.s32 $0x0;
	s10 =	simm.s32 $0x2000;
	s12 =	simm.s32 $0x8000  }
0x4: {  	s13 =	simm.s32 $0x0;
	s7 =	sand.u32 $0x1, s1;
	s1 =	rddreg [dreg:$0x1]  }
0x5: {  	s2 =	sshll.u32 s0, $0xD;
	[smem:$0x7FF] =	sst s3;
	s5 =	sshll.u32 s7, $0x11  }
0x6: {  	s6 =	ssub.s32 $0x2, s7;
	_ =	strace $0x8000004D;
	s5 =	sor.u32 s2, s5  }
0x7: {  	s11 =	sshll.u32 s7, $0x18;
	s31 =	sshrl.u32 s6, $0x1;
	s5 =	sshrl.u32 s5, $0x3  }
0x8: {  	v0 =	vmov s11;
	s11 =	simm.s32 $0x80;
	s9 =	ssub.s32 s6, s31;
	s8 =	sadd.s32 s5, s4  }
0x9: {  	s4 =	sadd.s32 $0x56600, s4;
	s5 =	sadd.s32 $0x16600, s8;
	s6 =	sadd.s32 $0x1E600, s8  }
0xa: {  	v1 =	vlaneseq.u32;
	s7 =	sadd.s32 $0x4A6600, s8;
	s8 =	smax.u32 s9, $0x1;
	s9 =	simm.s32 $0x1  }
.LBB2_1:
0xb: {  	[tilespmem:s3], [sflag:$0x1] =	stream.linear.gather [hbm4b:s5+s3], $0x2000, $0x38;
	[tilespmem:$0xA000] =	vst v63  }
0xc: {  	_ =	swait.ge [sflag:s9], $0x2000  }
0xd: {  	[sflag:s9] =	ssyncset.done $0x0  }
0xe: {  	[sflag:s9] =	ssyncadd.s32 $0xFFFFE000  }
0xf: {  	[tilespmem:s10], [sflag:$0x1] =	stream.linear.gather [hbm4b:s6+s3], $0x2000, $0x38;
	[tilespmem:$0xA000] =	vst v63  }
0x10: {  	_ =	swait.ge [sflag:s9], $0x2000  }
0x11: {  	[sflag:s9] =	ssyncset.done $0x0  }
0x12: {  	s14 =	simm.s32 $0x0;
	[sflag:s9] =	ssyncadd.s32 $0xFFFFE000  }
0x13: {  	v2 =	vld [tilespmem:s14+$0x0]  }
0x14: {  	s15 =	simm.s32 $0x40;
	v3 =	vld [tilespmem:s14+$0x2000]  }
.LBB2_2:
0x15: {  	_ = 	snop  }
0x16: {  	p0 =	sne.s32 s15, $0x7FC0  }
.Ltmp0:
0x17: {  	_ = 	snop;
	(pc) =	sbr.rel @p0 .LBB2_2-.Ltmp0, $4  }
0x18: {  	v4 =	vshll.u32 v2, $0xC  }
0x19: {  	s16 =	sshra.s32 s15, $0x2;
	v4 =	vadd.s32 v0, v4  }
0x1a: {  	v2 =	vld [tilespmem:s16+$0x0];
	v4 =	vadd.s32 v3, v4  }
0x1b: {  	s15 =	sadd.s32 $0x40, s15;
	v3 =	vld [tilespmem:s16+$0x2000];
	[tilespmem:s14+$0x4000] =	vst v4;
	s14 =	smov.u32 s16  }
0x1c: {  	_ =	sdelay $0x2  }
0x1d: {  	v2 =	vshll.u32 v2, $0xC  }
0x1e: {  	v2 =	vadd.s32 v0, v2  }
0x1f: {  	v2 =	vadd.s32 v3, v2  }
0x20: {  	s31 =	simm.s32 $0x6000;
	s15 =	simm.s32 $0x4000;
	[tilespmem:s14+$0x4000] =	vst v2  }
0x21: {  	[tilespmem:s31], [sflag:$0x1] =	stream.indirect.gather [hbm4b:s4+s11], $0x1, s15, s11, $0xb8;
	[tilespmem:$0xA000] =	vst v63  }
0x22: {  	s14 =	simm.s32 $0x0;
	s15 =	simm.s32 $0x200;
	_ =	swait.ge [sflag:s9], $0x80  }
.LBB2_4:
0x23: {  	s16 =	sshra.s32 s15, $0x2  }
0x24: {  	[sflag:s9] =	ssyncset.done $0x0;
	p0 =	sne.s32 s15, $0x7E00;
	s17 =	sadd.s32 $0x6000, s16  }
.Ltmp1:
0x25: {  	s16 =	sadd.s32 $0x4000, s16;
	[sflag:s9] =	ssyncadd.s32 $0xFFFFFF80;
	(pc) =	sbr.rel @p0 .LBB2_4-.Ltmp1, $3  }
0x26: {  	[tilespmem:s17], [sflag:$0x1] =	stream.indirect.gather [hbm4b:s4+s11], $0x1, s16, s11, $0xb8;
	[tilespmem:$0xA000] =	vst v63  }
0x27: {  	s15 =	sadd.s32 $0x200, s15;
	_ =	sdelay $0x1  }
0x28: {  	_ =	swait.ge [sflag:s9], $0x80  }
0x29: {  	[sflag:s9] =	ssyncset.done $0x0  }
0x2a: {  	[sflag:s9] =	ssyncadd.s32 $0xFFFFFF80  }
0x2b: {  	v2 =	vld [tilespmem:s14+$0x6000]  }
0x2c: {  	v3 =	vld [tilespmem:s14+$0x0];
	_ =	sdelay $0x2  }
0x2d: {  	s15 =	simm.s32 $0x40;
	v4 =	vor.u32 s2, v1;
	s16 =	smov.u32 s2  }
.LBB2_6:
0x2e: {  	s17 =	sshra.s32 s15, $0x2;
	p0 =	sne.s32 s15, $0x7FC0;
	s15 =	sadd.s32 $0x40, s15;
	vm0 =	veq.s32 v2, v4  }
.Ltmp2:
0x2f: {  	v2 =	vld [tilespmem:s17+$0x6000];
	v4 =	vnsel vm0, $0xFFFFFFFF, v3;
	(pc) =	sbr.rel @p0 .LBB2_6-.Ltmp2, $3  }
0x30: {  	v3 =	vld [tilespmem:s17+$0x0];
	[tilespmem:s14+$0x8000] =	vst v4;
	s14 =	smov.u32 s17;
	_ =	sdelay $0x1  }
0x31: {  	s16 =	sadd.s32 $0x10, s16  }
0x32: {  	v4 =	vor.u32 s16, v1  }
0x33: {  	vm0 =	veq.s32 v2, v4;
	s13 =	sadd.s32 $0x1, s13  }
0x34: {  	v2 =	vnsel vm0, $0xFFFFFFFF, v3;
	p0 =	sne.s32 s13, s8  }
.Ltmp3:
0x35: {  	[tilespmem:s14+$0x8000] =	vst v2;
	(pc) =	sbr.rel @p0 .LBB2_1-.Ltmp3, $4  }
0x36: {  	[hbm4b:s7+s3] =	stream.linear.scatter [tilespmem:s12], [sflag:$0x1], $0x2000, $0x38;
	[tilespmem:$0xA000] =	vst v63  }
0x37: {  	_ =	swait.ge [sflag:s9], $0x2000  }
0x38: {  	[sflag:s9] =	ssyncset.done $0x0  }
0x39: {  	[sflag:s9] =	ssyncadd.s32 $0xFFFFE000  }
0x3a: {  	_ =	sfence.sel $0x180000  }
0x3b: {  	[bflag:$0x0] =	sbarrier.arrive $0xFFFF  }
0x3c: {  	p0 =	sne.s32 s0, $0x0;
	_ =	strace $0x9000004D  }
0x3d: {  	s0 =	sadd.s32 @!p0 $0x100000, s1;
	[bflag:$0x2] =	sbarrier.arrive $0xFFFF  }
0x3e: {  	[sflag:s0] =	ssyncadd.tile.s32 @!p0 $0x1;
	_ =	shalt  }
.Lfunc_end2:
_tile_overlayer_lowered:
.L_overlay_start_2:
0x3f: {  	(tag) =	ssettag $0x2  }
0x40: {  	s0 =	rddreg [dreg:$0x0];
	s2 =	stileid.u32  }
0x41: {  	s1 =	rddreg [dreg:$0x1];
	p0 =	sne.s32 s2, $0x0  }
0x42: {  	s3 =	rddreg [dreg:$0x2];
	[bflag:$0x3] =	sbarrier.arrive $0xFFFF;
	s2 =	simm.s32 @!p0 $0x1C01  }
0x43: {  	[timem:s3], [sflag:s2] =	dma.local @!p0 [hbm:s0], s1  }
0x44: {  	s0 =	simm.s32 @!p0 $0x1  }
0x45: {  	_ =	swait.ge @!p0 [sflag:s0], s1  }
0x46: {  	s1 =	ssub.s32 @!p0 $0x0, s1;
	[sflag:s0] =	ssyncset.done @!p0 $0x0  }
0x47: {  	[sflag:s0] =	ssyncadd.s32 @!p0 s1  }
0x48: {  	[bflag:$0x3] =	sbarrier.arrive $0xFFFF  }
0x49: {  	_ =	shalt  }

// kernel: kernel.18.cloned.1.call-start
scs
__scs_entry_jumppad:
0x0: {  	(pc) =	sbr.rel $0x88, $3  }
0x1: {  	(tag) =	ssettag $0x0;
	lr =	simm.s32 $0x1  }
0x2: {  	[smem:$0x3F8C] =	sst lr;
	_ =	strace $0xD0000000  }
0x3: {  	_ = 	snop  }
0x4: {  	_ = 	snop  }
0x5: {  	_ = 	snop  }
0x6: {  	_ = 	snop  }
0x7: {  	_ = 	snop  }
__scs_overlays_trampoline_lowered:
0x8: {  	[smem:$0x3F9B] =	sst s0  }
0x9: {  	[smem:$0x3F9C] =	sst s1  }
0xa: {  	[smem:$0x3F9D] =	sst s2  }
0xb: {  	[smem:$0x3F9E] =	sst s3  }
0xc: {  	[smem:$0x3F9F] =	sst s4  }
0xd: {  	[smem:$0x3FA0] =	sst s5  }
0xe: {  	[smem:$0x3FA1] =	sst s6  }
0xf: {  	[smem:$0x3FA2] =	sst s7  }
0x10: {  	[smem:$0x3FA3] =	sst s8  }
0x11: {  	[smem:$0x3FA4] =	sst s9;
	s0 =	simm.s32 @!p0 $0x0  }
0x12: {  	s1 =	sld [smem:$0x3F8A];
	s0 =	simm.s32 @p0 $0x1  }
0x13: {  	[smem:$0x3FA5] =	sst s0;
	s0 =	simm.s32 @!p1 $0x0  }
0x14: {  	s2 =	sld [smem:$0x3F89];
	s0 =	simm.s32 @p1 $0x1  }
0x15: {  	[smem:$0x3FA6] =	sst s0;
	s0 =	simm.s32 @!p2 $0x0  }
0x16: {  	s3 =	sld [smem:$0x3FDB];
	s0 =	simm.s32 @p2 $0x1  }
0x17: {  	s4 =	simm.s32 $0x1BF5;
	[smem:$0x3FA8] =	sst s0  }
0x18: {  	s0 =	sld [smem:$0x3F8B];
	_ =	swait.ge [sflag:s4], $0x0  }
0x19: {  	s7 =	sld [smem:$0x3F8C]  }
0x1a: {  	s8 =	sadd.s32 $0xFFFFE003, lr  }
0x1b: {  	s9 =	sadd.s32 $0xFFFFFEF7, lr;
	s5 =	simm.s32 $0xFFFFFFFF;
	p2 =	slt.u32 s8, $0xFFFFF086  }
0x1c: {  	p1 =	slt.u32 s9, $0xF7A;
	s5 =	simm.s32 @!p2 $0x0  }
0x1d: {  	s5 =	simm.s32 @p1 $0x1;
	p0 =	seq.s32 s7, s2  }
0x1e: {  	s7 =	smul.u32 @!p0 $0xF7A, s2;
	p2 =	seq.s32 @!p0 s5, $0x0  }
0x1f: {  	s9 =	smul.u32 $0xF7A, s1;
	s8 =	simm.s32 @!p0 $0x1BF5;
	p2 =	por !p2, p0  }
0x20: {  	[sflag:s8] =	ssyncset.s32 @!p0 $0xFFFFF086;
	s6 =	sadd.s32 @!p0 s3, s7;
	s7 =	simm.s32 @!p0 $0x108  }
0x21: {  	s3 =	sadd.s32 s3, s9;
	s6 =	sadd.s32 @!p0 $0x88, s6;
	s7 =	simm.s32 @p2 $0x1082  }
0x22: {  	[simem:s7], [sflag:s8] =	dma.local @!p0 [hbm:s6], $0xF7A  }
0x23: {  	s9 =	sor.u32 $0xD0000000, s2;
	s6 =	simm.s32 $0x108;
	_ =	swait.ge @!p0 [sflag:s8], $0x0  }
0x24: {  	s3 =	sadd.s32 $0x88, s3;
	s6 =	simm.s32 @!p1 $0x1082;
	[sflag:s4] =	ssyncset.s32 $0xFFFFF086  }
0x25: {  	[simem:s6], [sflag:s4] =	dma.local [hbm:s3], $0xF7A  }
0x26: {  	[smem:$0x3F8C] =	sst s1;
	(tag) =	ssettag s2;
	_ =	strace s9  }
0x27: {  	s1 =	sld [smem:$0x3F9C]  }
0x28: {  	s2 =	sld [smem:$0x3F9D]  }
0x29: {  	s4 =	sld [smem:$0x3F9F]  }
0x2a: {  	p0 =	seq.s32 s5, $0x0;
	s5 =	sld [smem:$0x3FA0]  }
0x2b: {  	s6 =	sld [smem:$0x3FA1]  }
0x2c: {  	s7 =	sld [smem:$0x3FA2]  }
0x2d: {  	s3 =	simm.s32 $0x108;
	s8 =	sld [smem:$0x3FA3]  }
0x2e: {  	s3 =	simm.s32 @!p0 $0x1082;
	s9 =	sld [smem:$0x3FA4]  }
0x2f: {  	lr =	sadd.s32 s0, s3;
	s0 =	sld [smem:$0x3F9B]  }
0x30: {  	s3 =	sld [smem:$0x3F9E]  }
0x31: {  	[smem:$0x3FA7] =	sst s10  }
0x32: {  	s10 =	sld [smem:$0x3FA5];
	_ =	sdelay $0x3  }
0x33: {  	p0 =	seq.s32 s10, $0x1;
	s10 =	sld [smem:$0x3FA7];
	_ =	sdelay $0x3  }
0x34: {  	[smem:$0x3FA7] =	sst s10  }
0x35: {  	s10 =	sld [smem:$0x3FA6];
	_ =	sdelay $0x3  }
0x36: {  	p1 =	seq.s32 s10, $0x1;
	s10 =	sld [smem:$0x3FA7];
	_ =	sdelay $0x3  }
0x37: {  	[smem:$0x3FA7] =	sst s10  }
0x38: {  	s10 =	sld [smem:$0x3FA8]  }
0x39: {  	_ = 	snop;
	(pc) =	sbr.ind lr, $3  }
0x3a: {  	_ = 	snop  }
0x3b: {  	_ = 	snop  }
0x3c: {  	p2 =	seq.s32 s10, $0x1;
	s10 =	sld [smem:$0x3FA7]  }
0x3d: {  	_ =	shalt  }
0x3e: {  	_ =	shalt  }
0x3f: {  	_ =	shalt  }
0x40: {  	_ =	shalt  }
0x41: {  	_ =	shalt  }
0x42: {  	_ =	shalt  }
0x43: {  	_ =	shalt  }
0x44: {  	_ =	shalt  }
0x45: {  	_ =	shalt  }
0x46: {  	_ =	shalt  }
0x47: {  	_ =	shalt  }
0x48: {  	_ =	shalt  }
0x49: {  	_ =	shalt  }
0x4a: {  	_ =	shalt  }
0x4b: {  	_ =	shalt  }
0x4c: {  	_ =	shalt  }
0x4d: {  	_ =	shalt  }
0x4e: {  	_ =	shalt  }
0x4f: {  	_ =	shalt  }
0x50: {  	_ =	shalt  }
0x51: {  	_ =	shalt  }
0x52: {  	_ =	shalt  }
0x53: {  	_ =	shalt  }
0x54: {  	_ =	shalt  }
0x55: {  	_ =	shalt  }
0x56: {  	_ =	shalt  }
0x57: {  	_ =	shalt  }
0x58: {  	_ =	shalt  }
0x59: {  	_ =	shalt  }
0x5a: {  	_ =	shalt  }
0x5b: {  	_ =	shalt  }
0x5c: {  	_ =	shalt  }
0x5d: {  	_ =	shalt  }
0x5e: {  	_ =	shalt  }
0x5f: {  	_ =	shalt  }
0x60: {  	_ =	shalt  }
0x61: {  	_ =	shalt  }
0x62: {  	_ =	shalt  }
0x63: {  	_ =	shalt  }
0x64: {  	_ =	shalt  }
0x65: {  	_ =	shalt  }
0x66: {  	_ =	shalt  }
0x67: {  	_ =	shalt  }
0x68: {  	_ =	shalt  }
0x69: {  	_ =	shalt  }
0x6a: {  	_ =	shalt  }
0x6b: {  	_ =	shalt  }
0x6c: {  	_ =	shalt  }
0x6d: {  	_ =	shalt  }
0x6e: {  	_ =	shalt  }
0x6f: {  	_ =	shalt  }
0x70: {  	_ =	shalt  }
0x71: {  	_ =	shalt  }
0x72: {  	_ =	shalt  }
0x73: {  	_ =	shalt  }
0x74: {  	_ =	shalt  }
0x75: {  	_ =	shalt  }
0x76: {  	_ =	shalt  }
0x77: {  	_ =	shalt  }
0x78: {  	_ =	shalt  }
0x79: {  	_ =	shalt  }
0x7a: {  	_ =	shalt  }
0x7b: {  	_ =	shalt  }
0x7c: {  	_ =	shalt  }
0x7d: {  	_ =	shalt  }
0x7e: {  	_ =	shalt  }
0x7f: {  	_ =	shalt  }
0x80: {  	_ =	shalt  }
0x81: {  	_ =	shalt  }
0x82: {  	_ =	shalt  }
0x83: {  	_ =	shalt  }
0x84: {  	_ =	shalt  }
0x85: {  	_ =	shalt  }
0x86: {  	_ =	shalt  }
0x87: {  	_ =	shalt  }
.Lfunc_end0:
.L_simem_size_0:
called_computation.2_lowered:
.L_overlay_start_0:
0x88: {  	s2 =	sld [smem:$0x3FD9]  }
0x89: {  	s3 =	sld [smem:$0x3FFE];
	_ =	sdelay $0x1  }
0x8a: {  	s1 =	srdreg.scid  }
0x8b: {  	s0 =	sand.u32 $0x1, s1  }
0x8c: {  	s16 =	sshll.u32 s0, $0xA;
	s2 =	sadd.s32 s3, s2  }
0x8d: {  	s2 =	sadd.s32 s2, s16  }
0x8e: {  	[smem:$0x3FB3] =	sst s2  }
0x8f: {  	_ = 	snop  }
0x90: {  	(tm) =	ssettm $0x1  }
0x91: {  	s17 =	sld [smem:$0x3FFB];
	_ =	sdelay $0x3  }
0x92: {  	_ =	strace s17  }
0x93: {  	s2 =	sld [smem:$0x3FFC];
	_ =	sdelay $0x3  }
0x94: {  	_ =	strace s2  }
0x95: {  	s2 =	sld [smem:$0x3FFD];
	_ =	sdelay $0x3  }
0x96: {  	_ =	strace s2  }
0x97: {  	_ =	strace $0x8FFFFFFF  }
0x98: {  	s18 =	sld [smem:$0x3FDB];
	_ =	sdelay $0x1  }
0x99: {  	s19 =	simm.s32 $_scs_section_size  }
0x9a: {  	s4 =	simm.s32 $_size__tile_overlayer_lowered;
	s5 =	simm.s32 $_tile_overlayer_lowered  }
0x9b: {  	s22 =	simm.s32 $0x1BFF;
	s21 =	sshll.u32 s5, $0x1;
	s2 =	sadd.s32 s19, s18  }
0x9c: {  	s6 =	simm.s32 $0x0;
	s20 =	sshll.u32 s4, $0x1;
	s4 =	sadd.s32 s21, s2  }
0x9d: {  	[timem:s6], [sflag:s22] =	dma.local [hbm:s4], s20  }
0x9e: {  	_ =	swait.ge [sflag:s22], s20  }
0x9f: {  	s3 =	ssub.s32 $0x0, s20;
	[sflag:s22] =	ssyncset.done $0x0  }
0xa0: {  	[sflag:s22] =	ssyncadd.s32 s3;
	_ =	sdelay $0x1  }
0xa1: {  	s23 =	simm.s32 $0x1B8B  }
0xa2: {  	_ =	swait.ge [sflag:s23], $0x1  }
0xa3: {  	[sflag:s23] =	ssyncset.done $0x0  }
0xa4: {  	s25 =	simm.s32 $0x1B8E;
	s24 =	sld [smem:$0x3FFE];
	[sflag:s23] =	ssyncadd.s32 $0xFFFFFFFF  }
0xa5: {  	s26 =	simm.s32 $execute0_lowered;
	[smem:$0x3FD2] =	sst s25  }
0xa6: {  	s4 =	sshll.u32 s26, $0x1;
	_ =	strace $0x80000049;
	[dreg:$0x1] =	wrdreg $0xFFFFFFFF  }
0xa7: {  	s28 =	simm.s32 $_size_execute0_lowered;
	s2 =	sadd.s32 s2, s4;
	[dreg:$0x0] =	wrdreg $0x0  }
0xa8: {  	s4 =	sshll.u32 s28, $0x1;
	[dreg:$0x2] =	wrdreg s2  }
0xa9: {  	[dreg:$0x3] =	wrdreg s4  }
0xaa: {  	[dreg:$0x4] =	wrdreg $0xC0  }
0xab: {  	_ =	task [dreg:s6], $0x5FFFF  }
0xac: {  	[dreg:$0x1] =	wrdreg $0xFFFFFFFF  }
0xad: {  	[dreg:$0x0] =	wrdreg $0x60  }
0xae: {  	[dreg:$0x2] =	wrdreg s24  }
0xaf: {  	[dreg:$0x3] =	wrdreg $0x140000  }
0xb0: {  	[dreg:$0x4] =	wrdreg $0xA  }
0xb1: {  	_ =	task.clear_ibuf [dreg:s6], $0x5FFFF;
	_ =	strace $0x90000049  }
0xb2: {  	s29 =	simm.s32 $0xA;
	_ =	strace $0x8000004B  }
0xb3: {  	_ =	swait.ge [sflag:s29], $0x1  }
0xb4: {  	[sflag:s29] =	ssyncadd.s32 $0xFFFFFFFF  }
0xb5: {  	_ =	strace $0x9000004B  }
0xb6: {  	_ =	sfence  }
0xb7: {  	s30 =	sld [smem:$0x0];
	_ =	sdelay $0x2  }
0xb8: {  	s31 =	sshll.u32 s1, $0xD;
	s1 =	sshrl.u32 s1, $0x2  }
0xb9: {  	s3 =	sand.u32 $0x4000, s31;
	s1 =	sadd.s32 s1, s30  }
0xba: {  	s0 =	sor.u32 s3, s0;
	s1 =	sshll.u32 s1, $0x11  }
0xbb: {  	s0 =	sor.u32 s1, s0  }
0xbc: {  	s0 =	sadd.s32 $0x8F2B, s0  }
0xbd: {  	[sflag:s0] =	ssyncadd.remote.s32 $0x1  }
0xbe: {  	_ =	sfence.sel $0xFFFF  }
0xbf: {  	[dreg:$0x0] =	wrdreg $0xFFFFFFFF;
	(pc) =	sbr.abs _section_cstart, $3  }
0xc0: {  	[dreg:$0x1] =	wrdreg $0xFFFFFFFF  }
0xc1: {  	_ =	task.clear_ibuf [dreg:s6], $0x2FFFF;
	_ =	strace $0x9FFFFFFF  }
0xc2: {  	(tm) =	ssettm $0x7FFFFFFF  }
0xc3: {  	_ =	shalt  }
tec
execute0_lowered:
.L_overlay_start_1:
0x0: {  	(tag) =	ssettag $0x1  }
0x1: {  	s0 =	srdreg.scid;
	s1 =	rddreg [dreg:$0x0]  }
0x2: {  	s12 =	stileid.u32;
	s2 =	rddreg [dreg:$0x1];
	s3 =	simm.s32 $0x0  }
0x3: {  	s13 =	simm.s32 $0xA;
	s16 =	simm.s32 $0x1;
	s17 =	simm.s32 $0x80  }
0x4: {  	s18 =	simm.s32 $0x4000;
	s19 =	simm.s32 $0x2;
	s20 =	simm.s32 $0x6  }
0x5: {  	s21 =	simm.s32 $0x8000;
	s22 =	simm.s32 $0x3;
	s23 =	simm.s32 $0x7  }
0x6: {  	s28 =	simm.s32 $0x10000;
	s29 =	simm.s32 $0x5;
	s30 =	simm.s32 $0x9  }
0x7: {  	s31 =	simm.s32 $0x0;
	s0 =	sand.u32 $0x1, s0;
	s4 =	sshll.u32 s12, $0xD  }
0x8: {  	[smem:$0x7FF] =	sst s3;
	s7 =	sshll.u32 s12, $0xC;
	s25 =	sshll.u32 s12, $0xF  }
0x9: {  	s12 =	sshll.u32 s12, $0x6;
	s5 =	sshll.u32 s0, $0x11;
	_ =	strace $0x8000004A  }
0xa: {  	s8 =	sshll.u32 s0, $0x10;
	s0 =	ssub.s32 $0x2, s0;
	s14 =	sor.u32 $0x1C01, s12  }
0xb: {  	s4 =	sor.u32 s4, s5;
	s5 =	sadd.s32 $0x456600, s1;
	s8 =	sor.u32 s7, s8  }
0xc: {  	s9 =	sshrl.u32 s0, $0x1;
	s7 =	sadd.s32 s7, s1;
	s4 =	sshrl.u32 s4, $0x3  }
0xd: {  	s0 =	ssub.s32 s0, s9;
	s7 =	sadd.s32 $0x26600, s7;
	s6 =	sadd.s32 s4, s1  }
0xe: {  	s4 =	sadd.s32 $0x6600, s1;
	s1 =	sadd.s32 s8, s1;
	s8 =	sadd.s32 s25, s2  }
0xf: {  	s10 =	smax.u32 s0, $0x1;
	s25 =	simm.s32 $0x4;
	s24 =	sadd.s32 $0x16600, s6  }
0x10: {  	s26 =	sadd.s32 $0x466600, s1;
	s1 =	sadd.s32 $0x486600, s1;
	[dreg:$0x3] =	wrdreg s24  }
0x11: {  	s11 =	sadd.s32 $0x1E600, s6;
	s15 =	sshrl.u32 s8, $0x3;
	[dreg:$0x4] =	wrdreg s26  }
0x12: {  	[dreg:$0x5] =	wrdreg s1;
	s24 =	simm.s32 $0xC000;
	s26 =	simm.s32 $0x8  }
.LBB2_1:
0x13: {  	s0 =	rddreg [dreg:$0x3]  }
0x14: {  	[tilespmem:s3], [sflag:$0xA] =	stream.linear.gather [hbm4b:s0+s3], $0x2000, $0x38;
	[tilespmem:$0x1C000] =	vst v63  }
0x15: {  	_ =	swait.ge [sflag:s13], $0x2000  }
0x16: {  	[sflag:s13] =	ssyncset.done $0x0  }
0x17: {  	s1 =	sadd.s32 $0x0, s11;
	s0 =	simm.s32 $0x2000;
	[sflag:s13] =	ssyncadd.s32 $0xFFFFE000  }
0x18: {  	[spmem:s15], [sflag:s14] =	dma.local [hbm:s7], $0x1000  }
0x19: {  	[tilespmem:s0], [sflag:$0xA] =	stream.linear.gather [hbm4b:s1+s3], $0x80, $0x38;
	[tilespmem:$0x1C000] =	vst v63  }
0x1a: {  	_ =	swait.ge [sflag:s13], $0x80  }
0x1b: {  	s1 =	simm.s32 $0x10;
	[sflag:s13] =	ssyncset.done $0x0  }
.LBB2_2:
0x1c: {  	s6 =	sadd.s32 s1, s11  }
0x1d: {  	[sflag:s13] =	ssyncadd.s32 $0xFFFFFF80;
	s0 =	sadd.s32 $0x80, s0;
	p0 =	sne.s32 s1, $0x3F0  }
0x1e: {  	[tilespmem:s0], [sflag:$0xA] =	stream.linear.gather [hbm4b:s6+s3], $0x80, $0x38;
	[tilespmem:$0x1C000] =	vst v63  }
.Ltmp0:
0x1f: {  	_ = 	snop;
	(pc) =	sbr.rel @p0 .LBB2_2-.Ltmp0, $4  }
0x20: {  	_ = 	snop  }
0x21: {  	s1 =	sadd.s32 $0x10, s1  }
0x22: {  	_ =	swait.ge [sflag:s13], $0x80  }
0x23: {  	[sflag:s13] =	ssyncset.done $0x0  }
0x24: {  	[sflag:s13] =	ssyncadd.s32 $0xFFFFFF80  }
0x25: {  	_ =	swait.ge [sflag:s16], $0x1000  }
0x26: {  	[sflag:s16] =	ssyncset.done $0x0  }
0x27: {  	[sflag:s16] =	ssyncadd.s32 $0xFFFFF000  }
0x28: {  	s0 =	simm.s32 $0x0;
	[bflag:$0x0] =	sbarrier.arrive $0xFFFF  }
0x29: {  	[tilespmem:s18], [sflag:$0x2] =	stream.indirect.gather [hbm4b:s4+s17], $0x80, s0, s17, $0xb8;
	[tilespmem:$0x1C000] =	vst v63  }
0x2a: {  	_ =	swait.ge [sflag:s19], $0x4000  }
0x2b: {  	[sflag:s19] =	ssyncset.done $0x0  }
0x2c: {  	s6 =	simm.s32 $0x2000;
	[sflag:s19] =	ssyncadd.s32 $0xFFFFC000  }
0x2d: {  	[spmem:s2] =	stream.indirect.scatter.add.f32 [tilespmem:s18], [sflag:$0x6], $0x80, s6, s17, $0xb8;
	[tilespmem:$0x1C000] =	vst v63  }
0x2e: {  	_ =	swait.ge [sflag:s20], $0x4000  }
0x2f: {  	[sflag:s20] =	ssyncset.done $0x0  }
0x30: {  	s8 =	simm.s32 $0x80;
	[sflag:s20] =	ssyncadd.s32 $0xFFFFC000  }
0x31: {  	[tilespmem:s21], [sflag:$0x3] =	stream.indirect.gather [hbm4b:s4+s17], $0x80, s8, s17, $0xb8;
	[tilespmem:$0x1C000] =	vst v63  }
0x32: {  	_ =	swait.ge [sflag:s22], $0x4000  }
0x33: {  	[sflag:s22] =	ssyncset.done $0x0  }
0x34: {  	s9 =	simm.s32 $0x2080;
	[sflag:s22] =	ssyncadd.s32 $0xFFFFC000  }
0x35: {  	[spmem:s2] =	stream.indirect.scatter.add.f32 [tilespmem:s21], [sflag:$0x7], $0x80, s9, s17, $0xb8;
	[tilespmem:$0x1C000] =	vst v63  }
0x36: {  	_ =	swait.ge [sflag:s23], $0x4000  }
0x37: {  	[sflag:s23] =	ssyncset.done $0x0  }
0x38: {  	s1 =	simm.s32 $0x100;
	[sflag:s23] =	ssyncadd.s32 $0xFFFFC000  }
0x39: {  	[tilespmem:s24], [sflag:$0x4] =	stream.indirect.gather [hbm4b:s4+s17], $0x80, s1, s17, $0xb8;
	[tilespmem:$0x1C000] =	vst v63  }
0x3a: {  	_ =	swait.ge [sflag:s25], $0x4000  }
0x3b: {  	[sflag:s25] =	ssyncset.done $0x0  }
0x3c: {  	s6 =	simm.s32 $0x2100;
	[sflag:s25] =	ssyncadd.s32 $0xFFFFC000  }
0x3d: {  	[spmem:s2] =	stream.indirect.scatter.add.f32 [tilespmem:s24], [sflag:$0x8], $0x80, s6, s17, $0xb8;
	[tilespmem:$0x1C000] =	vst v63  }
0x3e: {  	_ =	swait.ge [sflag:s26], $0x4000  }
0x3f: {  	[sflag:s26] =	ssyncset.done $0x0  }
0x40: {  	s8 =	simm.s32 $0x180;
	[sflag:s26] =	ssyncadd.s32 $0xFFFFC000  }
0x41: {  	[tilespmem:s28], [sflag:$0x5] =	stream.indirect.gather [hbm4b:s4+s17], $0x80, s8, s17, $0xb8;
	[tilespmem:$0x1C000] =	vst v63  }
0x42: {  	_ =	swait.ge [sflag:s29], $0x4000  }
0x43: {  	[sflag:s29] =	ssyncset.done $0x0  }
0x44: {  	s9 =	simm.s32 $0x2180;
	[sflag:s29] =	ssyncadd.s32 $0xFFFFC000  }
0x45: {  	[spmem:s2] =	stream.indirect.scatter.add.f32 [tilespmem:s28], [sflag:$0x9], $0x80, s9, s17, $0xb8;
	[tilespmem:$0x1C000] =	vst v63  }
0x46: {  	_ =	swait.ge [sflag:s30], $0x4000  }
0x47: {  	s1 =	simm.s32 $0x800;
	s8 =	simm.s32 $0x1000;
	[sflag:s30] =	ssyncset.done $0x0  }
.LBB2_4:
0x48: {  	s6 =	sshra.s32 s1, $0x2  }
0x49: {  	[sflag:s30] =	ssyncadd.s32 $0xFFFFC000;
	s1 =	smov.u32 s8;
	s0 =	sadd.s32 $0x800, s8  }
0x4a: {  	[tilespmem:s18], [sflag:$0x2] =	stream.indirect.gather [hbm4b:s4+s17], $0x80, s6, s17, $0xb8;
	[tilespmem:$0x1C000] =	vst v63  }
0x4b: {  	p0 =	sne.s32 s8, $0x7800;
	_ =	swait.ge [sflag:s19], $0x4000  }
0x4c: {  	[sflag:s19] =	ssyncset.done $0x0  }
0x4d: {  	s8 =	sadd.s32 $0x2000, s6;
	[sflag:s19] =	ssyncadd.s32 $0xFFFFC000  }
0x4e: {  	[spmem:s2] =	stream.indirect.scatter.add.f32 [tilespmem:s18], [sflag:$0x6], $0x80, s8, s17, $0xb8;
	[tilespmem:$0x1C000] =	vst v63  }
0x4f: {  	_ =	swait.ge [sflag:s20], $0x4000  }
0x50: {  	[sflag:s20] =	ssyncset.done $0x0  }
0x51: {  	s8 =	sadd.s32 $0x80, s6;
	[sflag:s20] =	ssyncadd.s32 $0xFFFFC000  }
0x52: {  	[tilespmem:s21], [sflag:$0x3] =	stream.indirect.gather [hbm4b:s4+s17], $0x80, s8, s17, $0xb8;
	[tilespmem:$0x1C000] =	vst v63  }
0x53: {  	_ =	swait.ge [sflag:s22], $0x4000  }
0x54: {  	[sflag:s22] =	ssyncset.done $0x0  }
0x55: {  	s8 =	sadd.s32 $0x2080, s6;
	[sflag:s22] =	ssyncadd.s32 $0xFFFFC000  }
0x56: {  	[spmem:s2] =	stream.indirect.scatter.add.f32 [tilespmem:s21], [sflag:$0x7], $0x80, s8, s17, $0xb8;
	[tilespmem:$0x1C000] =	vst v63  }
0x57: {  	_ =	swait.ge [sflag:s23], $0x4000  }
0x58: {  	[sflag:s23] =	ssyncset.done $0x0  }
0x59: {  	s8 =	sadd.s32 $0x100, s6;
	[sflag:s23] =	ssyncadd.s32 $0xFFFFC000  }
0x5a: {  	[tilespmem:s24], [sflag:$0x4] =	stream.indirect.gather [hbm4b:s4+s17], $0x80, s8, s17, $0xb8;
	[tilespmem:$0x1C000] =	vst v63  }
0x5b: {  	_ =	swait.ge [sflag:s25], $0x4000  }
0x5c: {  	[sflag:s25] =	ssyncset.done $0x0  }
0x5d: {  	s8 =	sadd.s32 $0x2100, s6;
	[sflag:s25] =	ssyncadd.s32 $0xFFFFC000  }
0x5e: {  	[spmem:s2] =	stream.indirect.scatter.add.f32 [tilespmem:s24], [sflag:$0x8], $0x80, s8, s17, $0xb8;
	[tilespmem:$0x1C000] =	vst v63  }
0x5f: {  	_ =	swait.ge [sflag:s26], $0x4000  }
0x60: {  	[sflag:s26] =	ssyncset.done $0x0  }
0x61: {  	s8 =	sadd.s32 $0x180, s6;
	[sflag:s26] =	ssyncadd.s32 $0xFFFFC000  }
0x62: {  	[tilespmem:s28], [sflag:$0x5] =	stream.indirect.gather [hbm4b:s4+s17], $0x80, s8, s17, $0xb8;
	[tilespmem:$0x1C000] =	vst v63  }
0x63: {  	_ =	swait.ge [sflag:s29], $0x4000  }
.Ltmp1:
0x64: {  	[sflag:s29] =	ssyncset.done $0x0;
	(pc) =	sbr.rel @p0 .LBB2_4-.Ltmp1, $4  }
0x65: {  	s6 =	sadd.s32 $0x2180, s6;
	[sflag:s29] =	ssyncadd.s32 $0xFFFFC000  }
0x66: {  	[spmem:s2] =	stream.indirect.scatter.add.f32 [tilespmem:s28], [sflag:$0x9], $0x80, s6, s17, $0xb8;
	[tilespmem:$0x1C000] =	vst v63  }
0x67: {  	_ =	swait.ge [sflag:s30], $0x4000  }
0x68: {  	s8 =	smov.u32 s0;
	[sflag:s30] =	ssyncset.done $0x0  }
0x69: {  	s0 =	sshra.s32 s1, $0x2;
	[sflag:s30] =	ssyncadd.s32 $0xFFFFC000  }
0x6a: {  	[tilespmem:s18], [sflag:$0x2] =	stream.indirect.gather [hbm4b:s4+s17], $0x80, s0, s17, $0xb8;
	[tilespmem:$0x1C000] =	vst v63  }
0x6b: {  	_ =	swait.ge [sflag:s19], $0x4000  }
0x6c: {  	[sflag:s19] =	ssyncset.done $0x0  }
0x6d: {  	s1 =	sadd.s32 $0x2000, s0;
	[sflag:s19] =	ssyncadd.s32 $0xFFFFC000  }
0x6e: {  	[spmem:s2] =	stream.indirect.scatter.add.f32 [tilespmem:s18], [sflag:$0x6], $0x80, s1, s17, $0xb8;
	[tilespmem:$0x1C000] =	vst v63  }
0x6f: {  	_ =	swait.ge [sflag:s20], $0x4000  }
0x70: {  	[sflag:s20] =	ssyncset.done $0x0  }
0x71: {  	s8 =	sadd.s32 $0x80, s0;
	[sflag:s20] =	ssyncadd.s32 $0xFFFFC000  }
0x72: {  	[tilespmem:s21], [sflag:$0x3] =	stream.indirect.gather [hbm4b:s4+s17], $0x80, s8, s17, $0xb8;
	[tilespmem:$0x1C000] =	vst v63  }
0x73: {  	_ =	swait.ge [sflag:s22], $0x4000  }
0x74: {  	[sflag:s22] =	ssyncset.done $0x0  }
0x75: {  	s9 =	sadd.s32 $0x2080, s0;
	[sflag:s22] =	ssyncadd.s32 $0xFFFFC000  }
0x76: {  	[spmem:s2] =	stream.indirect.scatter.add.f32 [tilespmem:s21], [sflag:$0x7], $0x80, s9, s17, $0xb8;
	[tilespmem:$0x1C000] =	vst v63  }
0x77: {  	_ =	swait.ge [sflag:s23], $0x4000  }
0x78: {  	[sflag:s23] =	ssyncset.done $0x0  }
0x79: {  	s6 =	sadd.s32 $0x100, s0;
	[sflag:s23] =	ssyncadd.s32 $0xFFFFC000  }
0x7a: {  	[tilespmem:s24], [sflag:$0x4] =	stream.indirect.gather [hbm4b:s4+s17], $0x80, s6, s17, $0xb8;
	[tilespmem:$0x1C000] =	vst v63  }
0x7b: {  	_ =	swait.ge [sflag:s25], $0x4000  }
0x7c: {  	[sflag:s25] =	ssyncset.done $0x0  }
0x7d: {  	s8 =	sadd.s32 $0x2100, s0;
	[sflag:s25] =	ssyncadd.s32 $0xFFFFC000  }
0x7e: {  	[spmem:s2] =	stream.indirect.scatter.add.f32 [tilespmem:s24], [sflag:$0x8], $0x80, s8, s17, $0xb8;
	[tilespmem:$0x1C000] =	vst v63  }
0x7f: {  	_ =	swait.ge [sflag:s26], $0x4000  }
0x80: {  	[sflag:s26] =	ssyncset.done $0x0  }
0x81: {  	s9 =	sadd.s32 $0x180, s0;
	[sflag:s26] =	ssyncadd.s32 $0xFFFFC000  }
0x82: {  	[tilespmem:s28], [sflag:$0x5] =	stream.indirect.gather [hbm4b:s4+s17], $0x80, s9, s17, $0xb8;
	[tilespmem:$0x1C000] =	vst v63  }
0x83: {  	_ =	swait.ge [sflag:s29], $0x4000  }
0x84: {  	[sflag:s29] =	ssyncset.done $0x0  }
0x85: {  	s0 =	sadd.s32 $0x2180, s0;
	[sflag:s29] =	ssyncadd.s32 $0xFFFFC000  }
0x86: {  	[spmem:s2] =	stream.indirect.scatter.add.f32 [tilespmem:s28], [sflag:$0x9], $0x80, s0, s17, $0xb8;
	[tilespmem:$0x1C000] =	vst v63  }
0x87: {  	_ =	swait.ge [sflag:s30], $0x4000  }
0x88: {  	[sflag:s30] =	ssyncset.done $0x0  }
0x89: {  	[sflag:s30] =	ssyncadd.s32 $0xFFFFC000  }
0x8a: {  	[bflag:$0x0] =	sbarrier.arrive $0xFFFF  }
0x8b: {  	s1 =	sor.u32 $0x1C0A, s12;
	s6 =	rddreg [dreg:$0x4]  }
0x8c: {  	[hbm:s6], [sflag:s1] =	dma.local [spmem:s15], $0x1000  }
0x8d: {  	_ =	swait.ge [sflag:s13], $0x1000  }
0x8e: {  	[sflag:s13] =	ssyncset.done $0x0  }
0x8f: {  	[sflag:s13] =	ssyncadd.s32 $0xFFFFF000  }
0x90: {  	[bflag:$0x0] =	sbarrier.arrive $0xFFFF  }
0x91: {  	[spmem:s15], [sflag:s1] =	dma.local [hbm:s7], $0x1000  }
0x92: {  	_ =	swait.ge [sflag:s13], $0x1000  }
0x93: {  	[sflag:s13] =	ssyncset.done $0x0  }
0x94: {  	[sflag:s13] =	ssyncadd.s32 $0xFFFFF000  }
0x95: {  	s8 =	simm.s32 $0x0;
	[bflag:$0x0] =	sbarrier.arrive $0xFFFF  }
0x96: {  	[tilespmem:s18], [sflag:$0x2] =	stream.indirect.gather [hbm4b:s5+s17], $0x80, s8, s17, $0xb8;
	[tilespmem:$0x1C000] =	vst v63  }
0x97: {  	_ =	swait.ge [sflag:s19], $0x4000  }
0x98: {  	[sflag:s19] =	ssyncset.done $0x0  }
0x99: {  	s9 =	simm.s32 $0x2000;
	[sflag:s19] =	ssyncadd.s32 $0xFFFFC000  }
0x9a: {  	[spmem:s2] =	stream.indirect.scatter.add.f32 [tilespmem:s18], [sflag:$0x6], $0x80, s9, s17, $0xb8;
	[tilespmem:$0x1C000] =	vst v63  }
0x9b: {  	_ =	swait.ge [sflag:s20], $0x4000  }
0x9c: {  	[sflag:s20] =	ssyncset.done $0x0  }
0x9d: {  	s6 =	simm.s32 $0x80;
	[sflag:s20] =	ssyncadd.s32 $0xFFFFC000  }
0x9e: {  	[tilespmem:s21], [sflag:$0x3] =	stream.indirect.gather [hbm4b:s5+s17], $0x80, s6, s17, $0xb8;
	[tilespmem:$0x1C000] =	vst v63  }
0x9f: {  	_ =	swait.ge [sflag:s22], $0x4000  }
0xa0: {  	[sflag:s22] =	ssyncset.done $0x0  }
0xa1: {  	s8 =	simm.s32 $0x2080;
	[sflag:s22] =	ssyncadd.s32 $0xFFFFC000  }
0xa2: {  	[spmem:s2] =	stream.indirect.scatter.add.f32 [tilespmem:s21], [sflag:$0x7], $0x80, s8, s17, $0xb8;
	[tilespmem:$0x1C000] =	vst v63  }
0xa3: {  	_ =	swait.ge [sflag:s23], $0x4000  }
0xa4: {  	[sflag:s23] =	ssyncset.done $0x0  }
0xa5: {  	s9 =	simm.s32 $0x100;
	[sflag:s23] =	ssyncadd.s32 $0xFFFFC000  }
0xa6: {  	[tilespmem:s24], [sflag:$0x4] =	stream.indirect.gather [hbm4b:s5+s17], $0x80, s9, s17, $0xb8;
	[tilespmem:$0x1C000] =	vst v63  }
0xa7: {  	_ =	swait.ge [sflag:s25], $0x4000  }
0xa8: {  	[sflag:s25] =	ssyncset.done $0x0  }
0xa9: {  	s6 =	simm.s32 $0x2100;
	[sflag:s25] =	ssyncadd.s32 $0xFFFFC000  }
0xaa: {  	[spmem:s2] =	stream.indirect.scatter.add.f32 [tilespmem:s24], [sflag:$0x8], $0x80, s6, s17, $0xb8;
	[tilespmem:$0x1C000] =	vst v63  }
0xab: {  	_ =	swait.ge [sflag:s26], $0x4000  }
0xac: {  	[sflag:s26] =	ssyncset.done $0x0  }
0xad: {  	s8 =	simm.s32 $0x180;
	[sflag:s26] =	ssyncadd.s32 $0xFFFFC000  }
0xae: {  	[tilespmem:s28], [sflag:$0x5] =	stream.indirect.gather [hbm4b:s5+s17], $0x80, s8, s17, $0xb8;
	[tilespmem:$0x1C000] =	vst v63  }
0xaf: {  	_ =	swait.ge [sflag:s29], $0x4000  }
0xb0: {  	[sflag:s29] =	ssyncset.done $0x0  }
0xb1: {  	s9 =	simm.s32 $0x2180;
	[sflag:s29] =	ssyncadd.s32 $0xFFFFC000  }
0xb2: {  	[spmem:s2] =	stream.indirect.scatter.add.f32 [tilespmem:s28], [sflag:$0x9], $0x80, s9, s17, $0xb8;
	[tilespmem:$0x1C000] =	vst v63  }
0xb3: {  	_ =	swait.ge [sflag:s30], $0x4000  }
0xb4: {  	s0 =	simm.s32 $0x800;
	s6 =	simm.s32 $0x1000;
	[sflag:s30] =	ssyncset.done $0x0  }
.LBB2_6:
0xb5: {  	s8 =	sshra.s32 s0, $0x2  }
0xb6: {  	[sflag:s30] =	ssyncadd.s32 $0xFFFFC000;
	s0 =	smov.u32 s6;
	s9 =	sadd.s32 $0x800, s6  }
0xb7: {  	[tilespmem:s18], [sflag:$0x2] =	stream.indirect.gather [hbm4b:s5+s17], $0x80, s8, s17, $0xb8;
	[tilespmem:$0x1C000] =	vst v63  }
0xb8: {  	p0 =	sne.s32 s6, $0x7800;
	_ =	swait.ge [sflag:s19], $0x4000  }
0xb9: {  	[sflag:s19] =	ssyncset.done $0x0  }
0xba: {  	s6 =	sadd.s32 $0x2000, s8;
	[sflag:s19] =	ssyncadd.s32 $0xFFFFC000  }
0xbb: {  	[spmem:s2] =	stream.indirect.scatter.add.f32 [tilespmem:s18], [sflag:$0x6], $0x80, s6, s17, $0xb8;
	[tilespmem:$0x1C000] =	vst v63  }
0xbc: {  	_ =	swait.ge [sflag:s20], $0x4000  }
0xbd: {  	[sflag:s20] =	ssyncset.done $0x0  }
0xbe: {  	s6 =	sadd.s32 $0x80, s8;
	[sflag:s20] =	ssyncadd.s32 $0xFFFFC000  }
0xbf: {  	[tilespmem:s21], [sflag:$0x3] =	stream.indirect.gather [hbm4b:s5+s17], $0x80, s6, s17, $0xb8;
	[tilespmem:$0x1C000] =	vst v63  }
0xc0: {  	_ =	swait.ge [sflag:s22], $0x4000  }
0xc1: {  	[sflag:s22] =	ssyncset.done $0x0  }
0xc2: {  	s6 =	sadd.s32 $0x2080, s8;
	[sflag:s22] =	ssyncadd.s32 $0xFFFFC000  }
0xc3: {  	[spmem:s2] =	stream.indirect.scatter.add.f32 [tilespmem:s21], [sflag:$0x7], $0x80, s6, s17, $0xb8;
	[tilespmem:$0x1C000] =	vst v63  }
0xc4: {  	_ =	swait.ge [sflag:s23], $0x4000  }
0xc5: {  	[sflag:s23] =	ssyncset.done $0x0  }
0xc6: {  	s6 =	sadd.s32 $0x100, s8;
	[sflag:s23] =	ssyncadd.s32 $0xFFFFC000  }
0xc7: {  	[tilespmem:s24], [sflag:$0x4] =	stream.indirect.gather [hbm4b:s5+s17], $0x80, s6, s17, $0xb8;
	[tilespmem:$0x1C000] =	vst v63  }
0xc8: {  	_ =	swait.ge [sflag:s25], $0x4000  }
0xc9: {  	[sflag:s25] =	ssyncset.done $0x0  }
0xca: {  	s6 =	sadd.s32 $0x2100, s8;
	[sflag:s25] =	ssyncadd.s32 $0xFFFFC000  }
0xcb: {  	[spmem:s2] =	stream.indirect.scatter.add.f32 [tilespmem:s24], [sflag:$0x8], $0x80, s6, s17, $0xb8;
	[tilespmem:$0x1C000] =	vst v63  }
0xcc: {  	_ =	swait.ge [sflag:s26], $0x4000  }
0xcd: {  	[sflag:s26] =	ssyncset.done $0x0  }
0xce: {  	s6 =	sadd.s32 $0x180, s8;
	[sflag:s26] =	ssyncadd.s32 $0xFFFFC000  }
0xcf: {  	[tilespmem:s28], [sflag:$0x5] =	stream.indirect.gather [hbm4b:s5+s17], $0x80, s6, s17, $0xb8;
	[tilespmem:$0x1C000] =	vst v63  }
0xd0: {  	_ =	swait.ge [sflag:s29], $0x4000  }
.Ltmp2:
0xd1: {  	[sflag:s29] =	ssyncset.done $0x0;
	(pc) =	sbr.rel @p0 .LBB2_6-.Ltmp2, $4  }
0xd2: {  	s6 =	sadd.s32 $0x2180, s8;
	[sflag:s29] =	ssyncadd.s32 $0xFFFFC000  }
0xd3: {  	[spmem:s2] =	stream.indirect.scatter.add.f32 [tilespmem:s28], [sflag:$0x9], $0x80, s6, s17, $0xb8;
	[tilespmem:$0x1C000] =	vst v63  }
0xd4: {  	_ =	swait.ge [sflag:s30], $0x4000  }
0xd5: {  	s6 =	smov.u32 s9;
	[sflag:s30] =	ssyncset.done $0x0  }
0xd6: {  	s0 =	sshra.s32 s0, $0x2;
	[sflag:s30] =	ssyncadd.s32 $0xFFFFC000  }
0xd7: {  	[tilespmem:s18], [sflag:$0x2] =	stream.indirect.gather [hbm4b:s5+s17], $0x80, s0, s17, $0xb8;
	[tilespmem:$0x1C000] =	vst v63  }
0xd8: {  	_ =	swait.ge [sflag:s19], $0x4000  }
0xd9: {  	[sflag:s19] =	ssyncset.done $0x0  }
0xda: {  	s6 =	sadd.s32 $0x2000, s0;
	[sflag:s19] =	ssyncadd.s32 $0xFFFFC000  }
0xdb: {  	[spmem:s2] =	stream.indirect.scatter.add.f32 [tilespmem:s18], [sflag:$0x6], $0x80, s6, s17, $0xb8;
	[tilespmem:$0x1C000] =	vst v63  }
0xdc: {  	_ =	swait.ge [sflag:s20], $0x4000  }
0xdd: {  	[sflag:s20] =	ssyncset.done $0x0  }
0xde: {  	s8 =	sadd.s32 $0x80, s0;
	[sflag:s20] =	ssyncadd.s32 $0xFFFFC000  }
0xdf: {  	[tilespmem:s21], [sflag:$0x3] =	stream.indirect.gather [hbm4b:s5+s17], $0x80, s8, s17, $0xb8;
	[tilespmem:$0x1C000] =	vst v63  }
0xe0: {  	_ =	swait.ge [sflag:s22], $0x4000  }
0xe1: {  	[sflag:s22] =	ssyncset.done $0x0  }
0xe2: {  	s9 =	sadd.s32 $0x2080, s0;
	[sflag:s22] =	ssyncadd.s32 $0xFFFFC000  }
0xe3: {  	[spmem:s2] =	stream.indirect.scatter.add.f32 [tilespmem:s21], [sflag:$0x7], $0x80, s9, s17, $0xb8;
	[tilespmem:$0x1C000] =	vst v63  }
0xe4: {  	_ =	swait.ge [sflag:s23], $0x4000  }
0xe5: {  	[sflag:s23] =	ssyncset.done $0x0  }
0xe6: {  	s8 =	sadd.s32 $0x100, s0;
	[sflag:s23] =	ssyncadd.s32 $0xFFFFC000  }
0xe7: {  	[tilespmem:s24], [sflag:$0x4] =	stream.indirect.gather [hbm4b:s5+s17], $0x80, s8, s17, $0xb8;
	[tilespmem:$0x1C000] =	vst v63  }
0xe8: {  	_ =	swait.ge [sflag:s25], $0x4000  }
0xe9: {  	[sflag:s25] =	ssyncset.done $0x0  }
0xea: {  	s9 =	sadd.s32 $0x2100, s0;
	[sflag:s25] =	ssyncadd.s32 $0xFFFFC000  }
0xeb: {  	[spmem:s2] =	stream.indirect.scatter.add.f32 [tilespmem:s24], [sflag:$0x8], $0x80, s9, s17, $0xb8;
	[tilespmem:$0x1C000] =	vst v63  }
0xec: {  	_ =	swait.ge [sflag:s26], $0x4000  }
0xed: {  	[sflag:s26] =	ssyncset.done $0x0  }
0xee: {  	s8 =	sadd.s32 $0x180, s0;
	[sflag:s26] =	ssyncadd.s32 $0xFFFFC000  }
0xef: {  	[tilespmem:s28], [sflag:$0x5] =	stream.indirect.gather [hbm4b:s5+s17], $0x80, s8, s17, $0xb8;
	[tilespmem:$0x1C000] =	vst v63  }
0xf0: {  	_ =	swait.ge [sflag:s29], $0x4000  }
0xf1: {  	[sflag:s29] =	ssyncset.done $0x0  }
0xf2: {  	s0 =	sadd.s32 $0x2180, s0;
	[sflag:s29] =	ssyncadd.s32 $0xFFFFC000  }
0xf3: {  	[spmem:s2] =	stream.indirect.scatter.add.f32 [tilespmem:s28], [sflag:$0x9], $0x80, s0, s17, $0xb8;
	[tilespmem:$0x1C000] =	vst v63  }
0xf4: {  	_ =	swait.ge [sflag:s30], $0x4000  }
0xf5: {  	[sflag:s30] =	ssyncset.done $0x0  }
0xf6: {  	[sflag:s30] =	ssyncadd.s32 $0xFFFFC000  }
0xf7: {  	s31 =	sadd.s32 $0x1, s31;
	[bflag:$0x0] =	sbarrier.arrive $0xFFFF  }
0xf8: {  	p0 =	sne.s32 s31, s10;
	s9 =	rddreg [dreg:$0x5]  }
0xf9: {  	[hbm:s9], [sflag:s1] =	dma.local [spmem:s15], $0x1000  }
.Ltmp3:
0xfa: {  	_ =	swait.ge [sflag:s13], $0x1000;
	(pc) =	sbr.rel @p0 .LBB2_1-.Ltmp3, $3  }
0xfb: {  	[sflag:s13] =	ssyncset.done $0x0  }
0xfc: {  	[sflag:s13] =	ssyncadd.s32 $0xFFFFF000  }
0xfd: {  	[bflag:$0x0] =	sbarrier.arrive $0xFFFF;
	_ =	sdelay $0x1  }
0xfe: {  	_ =	sfence.sel $0x180000  }
0xff: {  	[bflag:$0x0] =	sbarrier.arrive $0xFFFF  }
0x100: {  	_ =	strace $0x9000004A  }
0x101: {  	s0 =	stileid.u32;
	[bflag:$0x2] =	sbarrier.arrive $0xFFFF  }
0x102: {  	p0 =	sne.s32 s0, $0x0;
	s0 =	rddreg [dreg:$0x2]  }
0x103: {  	s0 =	sadd.s32 @!p0 $0x100000, s0  }
0x104: {  	[sflag:s0] =	ssyncadd.tile.s32 @!p0 $0x1;
	_ =	shalt  }
.Lfunc_end2:
_tile_overlayer_lowered:
.L_overlay_start_2:
0x105: {  	(tag) =	ssettag $0x2  }
0x106: {  	s0 =	rddreg [dreg:$0x0];
	s2 =	stileid.u32  }
0x107: {  	s1 =	rddreg [dreg:$0x1];
	p0 =	sne.s32 s2, $0x0  }
0x108: {  	s3 =	rddreg [dreg:$0x2];
	[bflag:$0x3] =	sbarrier.arrive $0xFFFF;
	s2 =	simm.s32 @!p0 $0x1C0A  }
0x109: {  	[timem:s3], [sflag:s2] =	dma.local @!p0 [hbm:s0], s1  }
0x10a: {  	s0 =	simm.s32 @!p0 $0xA  }
0x10b: {  	_ =	swait.ge @!p0 [sflag:s0], s1  }
0x10c: {  	s1 =	ssub.s32 @!p0 $0x0, s1;
	[sflag:s0] =	ssyncset.done @!p0 $0x0  }
0x10d: {  	[sflag:s0] =	ssyncadd.s32 @!p0 s1  }
0x10e: {  	[bflag:$0x3] =	sbarrier.arrive $0xFFFF  }
0x10f: {  	_ =	shalt  }

// kernel: kernel.21.cloned.1.call-start
scs
__scs_entry_jumppad:
0x0: {  	(pc) =	sbr.rel $0x88, $3  }
0x1: {  	(tag) =	ssettag $0x0;
	lr =	simm.s32 $0x1  }
0x2: {  	[smem:$0x3F8C] =	sst lr;
	_ =	strace $0xD0000000  }
0x3: {  	_ = 	snop  }
0x4: {  	_ = 	snop  }
0x5: {  	_ = 	snop  }
0x6: {  	_ = 	snop  }
0x7: {  	_ = 	snop  }
__scs_overlays_trampoline_lowered:
0x8: {  	[smem:$0x3F9B] =	sst s0  }
0x9: {  	[smem:$0x3F9C] =	sst s1  }
0xa: {  	[smem:$0x3F9D] =	sst s2  }
0xb: {  	[smem:$0x3F9E] =	sst s3  }
0xc: {  	[smem:$0x3F9F] =	sst s4  }
0xd: {  	[smem:$0x3FA0] =	sst s5  }
0xe: {  	[smem:$0x3FA1] =	sst s6  }
0xf: {  	[smem:$0x3FA2] =	sst s7  }
0x10: {  	[smem:$0x3FA3] =	sst s8  }
0x11: {  	[smem:$0x3FA4] =	sst s9;
	s0 =	simm.s32 @!p0 $0x0  }
0x12: {  	s1 =	sld [smem:$0x3F8A];
	s0 =	simm.s32 @p0 $0x1  }
0x13: {  	[smem:$0x3FA5] =	sst s0;
	s0 =	simm.s32 @!p1 $0x0  }
0x14: {  	s2 =	sld [smem:$0x3F89];
	s0 =	simm.s32 @p1 $0x1  }
0x15: {  	[smem:$0x3FA6] =	sst s0;
	s0 =	simm.s32 @!p2 $0x0  }
0x16: {  	s3 =	sld [smem:$0x3FDB];
	s0 =	simm.s32 @p2 $0x1  }
0x17: {  	s4 =	simm.s32 $0x1BF5;
	[smem:$0x3FA8] =	sst s0  }
0x18: {  	s0 =	sld [smem:$0x3F8B];
	_ =	swait.ge [sflag:s4], $0x0  }
0x19: {  	s7 =	sld [smem:$0x3F8C]  }
0x1a: {  	s8 =	sadd.s32 $0xFFFFE003, lr  }
0x1b: {  	s9 =	sadd.s32 $0xFFFFFEF7, lr;
	s5 =	simm.s32 $0xFFFFFFFF;
	p2 =	slt.u32 s8, $0xFFFFF086  }
0x1c: {  	p1 =	slt.u32 s9, $0xF7A;
	s5 =	simm.s32 @!p2 $0x0  }
0x1d: {  	s5 =	simm.s32 @p1 $0x1;
	p0 =	seq.s32 s7, s2  }
0x1e: {  	s7 =	smul.u32 @!p0 $0xF7A, s2;
	p2 =	seq.s32 @!p0 s5, $0x0  }
0x1f: {  	s9 =	smul.u32 $0xF7A, s1;
	s8 =	simm.s32 @!p0 $0x1BF5;
	p2 =	por !p2, p0  }
0x20: {  	[sflag:s8] =	ssyncset.s32 @!p0 $0xFFFFF086;
	s6 =	sadd.s32 @!p0 s3, s7;
	s7 =	simm.s32 @!p0 $0x108  }
0x21: {  	s3 =	sadd.s32 s3, s9;
	s6 =	sadd.s32 @!p0 $0x88, s6;
	s7 =	simm.s32 @p2 $0x1082  }
0x22: {  	[simem:s7], [sflag:s8] =	dma.local @!p0 [hbm:s6], $0xF7A  }
0x23: {  	s9 =	sor.u32 $0xD0000000, s2;
	s6 =	simm.s32 $0x108;
	_ =	swait.ge @!p0 [sflag:s8], $0x0  }
0x24: {  	s3 =	sadd.s32 $0x88, s3;
	s6 =	simm.s32 @!p1 $0x1082;
	[sflag:s4] =	ssyncset.s32 $0xFFFFF086  }
0x25: {  	[simem:s6], [sflag:s4] =	dma.local [hbm:s3], $0xF7A  }
0x26: {  	[smem:$0x3F8C] =	sst s1;
	(tag) =	ssettag s2;
	_ =	strace s9  }
0x27: {  	s1 =	sld [smem:$0x3F9C]  }
0x28: {  	s2 =	sld [smem:$0x3F9D]  }
0x29: {  	s4 =	sld [smem:$0x3F9F]  }
0x2a: {  	p0 =	seq.s32 s5, $0x0;
	s5 =	sld [smem:$0x3FA0]  }
0x2b: {  	s6 =	sld [smem:$0x3FA1]  }
0x2c: {  	s7 =	sld [smem:$0x3FA2]  }
0x2d: {  	s3 =	simm.s32 $0x108;
	s8 =	sld [smem:$0x3FA3]  }
0x2e: {  	s3 =	simm.s32 @!p0 $0x1082;
	s9 =	sld [smem:$0x3FA4]  }
0x2f: {  	lr =	sadd.s32 s0, s3;
	s0 =	sld [smem:$0x3F9B]  }
0x30: {  	s3 =	sld [smem:$0x3F9E]  }
0x31: {  	[smem:$0x3FA7] =	sst s10  }
0x32: {  	s10 =	sld [smem:$0x3FA5];
	_ =	sdelay $0x3  }
0x33: {  	p0 =	seq.s32 s10, $0x1;
	s10 =	sld [smem:$0x3FA7];
	_ =	sdelay $0x3  }
0x34: {  	[smem:$0x3FA7] =	sst s10  }
0x35: {  	s10 =	sld [smem:$0x3FA6];
	_ =	sdelay $0x3  }
0x36: {  	p1 =	seq.s32 s10, $0x1;
	s10 =	sld [smem:$0x3FA7];
	_ =	sdelay $0x3  }
0x37: {  	[smem:$0x3FA7] =	sst s10  }
0x38: {  	s10 =	sld [smem:$0x3FA8]  }
0x39: {  	_ = 	snop;
	(pc) =	sbr.ind lr, $3  }
0x3a: {  	_ = 	snop  }
0x3b: {  	_ = 	snop  }
0x3c: {  	p2 =	seq.s32 s10, $0x1;
	s10 =	sld [smem:$0x3FA7]  }
0x3d: {  	_ =	shalt  }
0x3e: {  	_ =	shalt  }
0x3f: {  	_ =	shalt  }
0x40: {  	_ =	shalt  }
0x41: {  	_ =	shalt  }
0x42: {  	_ =	shalt  }
0x43: {  	_ =	shalt  }
0x44: {  	_ =	shalt  }
0x45: {  	_ =	shalt  }
0x46: {  	_ =	shalt  }
0x47: {  	_ =	shalt  }
0x48: {  	_ =	shalt  }
0x49: {  	_ =	shalt  }
0x4a: {  	_ =	shalt  }
0x4b: {  	_ =	shalt  }
0x4c: {  	_ =	shalt  }
0x4d: {  	_ =	shalt  }
0x4e: {  	_ =	shalt  }
0x4f: {  	_ =	shalt  }
0x50: {  	_ =	shalt  }
0x51: {  	_ =	shalt  }
0x52: {  	_ =	shalt  }
0x53: {  	_ =	shalt  }
0x54: {  	_ =	shalt  }
0x55: {  	_ =	shalt  }
0x56: {  	_ =	shalt  }
0x57: {  	_ =	shalt  }
0x58: {  	_ =	shalt  }
0x59: {  	_ =	shalt  }
0x5a: {  	_ =	shalt  }
0x5b: {  	_ =	shalt  }
0x5c: {  	_ =	shalt  }
0x5d: {  	_ =	shalt  }
0x5e: {  	_ =	shalt  }
0x5f: {  	_ =	shalt  }
0x60: {  	_ =	shalt  }
0x61: {  	_ =	shalt  }
0x62: {  	_ =	shalt  }
0x63: {  	_ =	shalt  }
0x64: {  	_ =	shalt  }
0x65: {  	_ =	shalt  }
0x66: {  	_ =	shalt  }
0x67: {  	_ =	shalt  }
0x68: {  	_ =	shalt  }
0x69: {  	_ =	shalt  }
0x6a: {  	_ =	shalt  }
0x6b: {  	_ =	shalt  }
0x6c: {  	_ =	shalt  }
0x6d: {  	_ =	shalt  }
0x6e: {  	_ =	shalt  }
0x6f: {  	_ =	shalt  }
0x70: {  	_ =	shalt  }
0x71: {  	_ =	shalt  }
0x72: {  	_ =	shalt  }
0x73: {  	_ =	shalt  }
0x74: {  	_ =	shalt  }
0x75: {  	_ =	shalt  }
0x76: {  	_ =	shalt  }
0x77: {  	_ =	shalt  }
0x78: {  	_ =	shalt  }
0x79: {  	_ =	shalt  }
0x7a: {  	_ =	shalt  }
0x7b: {  	_ =	shalt  }
0x7c: {  	_ =	shalt  }
0x7d: {  	_ =	shalt  }
0x7e: {  	_ =	shalt  }
0x7f: {  	_ =	shalt  }
0x80: {  	_ =	shalt  }
0x81: {  	_ =	shalt  }
0x82: {  	_ =	shalt  }
0x83: {  	_ =	shalt  }
0x84: {  	_ =	shalt  }
0x85: {  	_ =	shalt  }
0x86: {  	_ =	shalt  }
0x87: {  	_ =	shalt  }
.Lfunc_end0:
.L_simem_size_0:
called_computation.3_lowered:
.L_overlay_start_0:
0x88: {  	s2 =	sld [smem:$0x3FD9]  }
0x89: {  	s3 =	sld [smem:$0x3FFE];
	_ =	sdelay $0x1  }
0x8a: {  	s1 =	srdreg.scid  }
0x8b: {  	s0 =	sand.u32 $0x1, s1  }
0x8c: {  	s16 =	sshll.u32 s0, $0xA;
	s2 =	sadd.s32 s3, s2  }
0x8d: {  	s2 =	sadd.s32 s2, s16  }
0x8e: {  	[smem:$0x3FB3] =	sst s2  }
0x8f: {  	_ = 	snop  }
0x90: {  	(tm) =	ssettm $0x1  }
0x91: {  	s17 =	sld [smem:$0x3FFB];
	_ =	sdelay $0x3  }
0x92: {  	_ =	strace s17  }
0x93: {  	s2 =	sld [smem:$0x3FFC];
	_ =	sdelay $0x3  }
0x94: {  	_ =	strace s2  }
0x95: {  	s2 =	sld [smem:$0x3FFD];
	_ =	sdelay $0x3  }
0x96: {  	_ =	strace s2  }
0x97: {  	_ =	strace $0x8FFFFFFF  }
0x98: {  	s18 =	sld [smem:$0x3FDB];
	_ =	sdelay $0x1  }
0x99: {  	s19 =	simm.s32 $_scs_section_size  }
0x9a: {  	s4 =	simm.s32 $_size__tile_overlayer_lowered;
	s5 =	simm.s32 $_tile_overlayer_lowered  }
0x9b: {  	s22 =	simm.s32 $0x1BFF;
	s21 =	sshll.u32 s5, $0x1;
	s2 =	sadd.s32 s19, s18  }
0x9c: {  	s6 =	simm.s32 $0x0;
	s20 =	sshll.u32 s4, $0x1;
	s4 =	sadd.s32 s21, s2  }
0x9d: {  	[timem:s6], [sflag:s22] =	dma.local [hbm:s4], s20  }
0x9e: {  	_ =	swait.ge [sflag:s22], s20  }
0x9f: {  	s3 =	ssub.s32 $0x0, s20;
	[sflag:s22] =	ssyncset.done $0x0  }
0xa0: {  	[sflag:s22] =	ssyncadd.s32 s3;
	_ =	sdelay $0x1  }
0xa1: {  	s23 =	simm.s32 $0x1B8B  }
0xa2: {  	_ =	swait.ge [sflag:s23], $0x1  }
0xa3: {  	[sflag:s23] =	ssyncset.done $0x0  }
0xa4: {  	s25 =	simm.s32 $0x1B8E;
	s24 =	sld [smem:$0x3FFE];
	[sflag:s23] =	ssyncadd.s32 $0xFFFFFFFF  }
0xa5: {  	s26 =	simm.s32 $execute0_lowered;
	[smem:$0x3FD2] =	sst s25  }
0xa6: {  	s4 =	sshll.u32 s26, $0x1;
	_ =	strace $0x8000004F;
	[dreg:$0x1] =	wrdreg $0xFFFFFFFF  }
0xa7: {  	s28 =	simm.s32 $_size_execute0_lowered;
	s2 =	sadd.s32 s2, s4;
	[dreg:$0x0] =	wrdreg $0x0  }
0xa8: {  	s4 =	sshll.u32 s28, $0x1;
	[dreg:$0x2] =	wrdreg s2  }
0xa9: {  	[dreg:$0x3] =	wrdreg s4  }
0xaa: {  	[dreg:$0x4] =	wrdreg $0xC0  }
0xab: {  	_ =	task [dreg:s6], $0x5FFFF  }
0xac: {  	[dreg:$0x1] =	wrdreg $0xFFFFFFFF  }
0xad: {  	[dreg:$0x0] =	wrdreg $0x60  }
0xae: {  	[dreg:$0x2] =	wrdreg s24  }
0xaf: {  	[dreg:$0x3] =	wrdreg $0x180000  }
0xb0: {  	[dreg:$0x4] =	wrdreg $0x9  }
0xb1: {  	_ =	task.clear_ibuf [dreg:s6], $0x5FFFF;
	_ =	strace $0x9000004F  }
0xb2: {  	s29 =	simm.s32 $0x9;
	_ =	strace $0x80000051  }
0xb3: {  	_ =	swait.ge [sflag:s29], $0x1  }
0xb4: {  	[sflag:s29] =	ssyncadd.s32 $0xFFFFFFFF  }
0xb5: {  	_ =	strace $0x90000051  }
0xb6: {  	_ =	sfence  }
0xb7: {  	s30 =	sld [smem:$0x0];
	_ =	sdelay $0x2  }
0xb8: {  	s31 =	sshll.u32 s1, $0xD;
	s1 =	sshrl.u32 s1, $0x2  }
0xb9: {  	s3 =	sand.u32 $0x4000, s31;
	s1 =	sadd.s32 s1, s30  }
0xba: {  	s0 =	sor.u32 s3, s0;
	s1 =	sshll.u32 s1, $0x11  }
0xbb: {  	s0 =	sor.u32 s1, s0  }
0xbc: {  	s0 =	sadd.s32 $0x8F2B, s0  }
0xbd: {  	[sflag:s0] =	ssyncadd.remote.s32 $0x1  }
0xbe: {  	_ =	sfence.sel $0xFFFF  }
0xbf: {  	[dreg:$0x0] =	wrdreg $0xFFFFFFFF;
	(pc) =	sbr.abs _section_cstart, $3  }
0xc0: {  	[dreg:$0x1] =	wrdreg $0xFFFFFFFF  }
0xc1: {  	_ =	task.clear_ibuf [dreg:s6], $0x2FFFF;
	_ =	strace $0x9FFFFFFF  }
0xc2: {  	(tm) =	ssettm $0x7FFFFFFF  }
0xc3: {  	_ =	shalt  }
tec
execute0_lowered:
.L_overlay_start_1:
0x0: {  	(tag) =	ssettag $0x1  }
0x1: {  	s0 =	rddreg [dreg:$0x0]  }
0x2: {  	s2 =	rddreg [dreg:$0x1]  }
0x3: {  	s1 =	srdreg.scid;
	s4 =	simm.s32 $0x0;
	s3 =	stileid.u32  }
0x4: {  	s12 =	simm.s32 $0xA;
	s15 =	simm.s32 $0x1;
	s16 =	simm.s32 $0x80  }
0x5: {  	s17 =	simm.s32 $0x8000;
	s18 =	simm.s32 $0x2;
	s19 =	simm.s32 $0x6  }
0x6: {  	s20 =	simm.s32 $0xC000;
	s21 =	simm.s32 $0x3;
	s22 =	simm.s32 $0x7  }
0x7: {  	s28 =	simm.s32 $0x5;
	s29 =	simm.s32 $0x9;
	s30 =	simm.s32 $0x0  }
0x8: {  	s1 =	sand.u32 $0x1, s1;
	[smem:$0x7FF] =	sst s4;
	s5 =	sshll.u32 s3, $0xA  }
0x9: {  	s24 =	sshll.u32 s3, $0xC;
	s31 =	sshll.u32 s3, $0xF;
	s11 =	sshll.u32 s3, $0x6  }
0xa: {  	s23 =	sshll.u32 s1, $0xE;
	_ =	strace $0x80000050;
	s7 =	ssub.s32 $0x2, s1  }
0xb: {  	s1 =	sshll.u32 s1, $0x10;
	s10 =	sadd.s32 s31, s2;
	s13 =	sor.u32 $0x1C01, s11  }
0xc: {  	s4 =	sor.u32 s5, s23;
	s25 =	sshrl.u32 s7, $0x1;
	s14 =	sshrl.u32 s10, $0x3  }
0xd: {  	s23 =	simm.s32 $0x10000;
	s6 =	sadd.s32 s4, s0;
	s4 =	sadd.s32 $0x36600, s0  }
0xe: {  	s0 =	sadd.s32 s24, s0;
	s9 =	ssub.s32 s7, s25;
	s24 =	simm.s32 $0x4  }
0xf: {  	s25 =	simm.s32 $0x8;
	s26 =	sadd.s32 $0x1E600, s6;
	s6 =	sadd.s32 $0x4A6600, s6  }
0x10: {  	s1 =	sadd.s32 s1, s0;
	s7 =	sadd.s32 $0x26600, s0;
	s9 =	smax.u32 s9, $0x1  }
0x11: {  	[dreg:$0x3] =	wrdreg s26;
	s8 =	sadd.s32 $0x46800, s1;
	s26 =	simm.s32 $0x14000  }
.LBB2_1:
0x12: {  	s0 =	simm.s32 $0x0;
	s1 =	rddreg [dreg:$0x3];
	s3 =	simm.s32 $0x2000  }
0x13: {  	[tilespmem:s3], [sflag:$0xA] =	stream.linear.gather [hbm4b:s1+s0], $0x2000, $0x38;
	v63 =	vld [tilespmem:$0x0]  }
0x14: {  	_ =	swait.ge [sflag:s12], $0x2000  }
0x15: {  	[sflag:s12] =	ssyncset.done $0x0  }
0x16: {  	[sflag:s12] =	ssyncadd.s32 $0xFFFFE000  }
0x17: {  	[tilespmem:s0], [sflag:$0xA] =	stream.linear.gather [hbm4b:s6+s0], $0x2000, $0x38;
	v63 =	vld [tilespmem:$0x0]  }
0x18: {  	_ =	swait.ge [sflag:s12], $0x2000  }
0x19: {  	[sflag:s12] =	ssyncset.done $0x0  }
0x1a: {  	s0 =	simm.s32 $0x0;
	[sflag:s12] =	ssyncadd.s32 $0xFFFFE000  }
0x1b: {  	[spmem:s14], [sflag:s13] =	dma.local [hbm:s7], $0x1000  }
0x1c: {  	s31 =	simm.s32 $0x10;
	s10 =	simm.s32 $0x0;
	s1 =	simm.s32 $0x0;
	v0 =	vld [tilespmem:s0+$0x0]  }
.LBB2_2:
0x1d: {  	p0 =	sne.s32 s31, $0x1FF0;
	v1 =	vld [tilespmem:s0+$0x2000];
	_ =	sdelay $0x3  }
.Ltmp0:
0x1e: {  	s3 =	sand.u32 $0x7E00, s1;
	vm0 =	vgt.s32 v0, $0xFFFFFFFF;
	(pc) =	sbr.rel @p0 .LBB2_2-.Ltmp0, $4  }
0x1f: {  	s5 =	sand.u32 $0x70, s10;
	s10 =	smov.u32 s31;
	s3 =	sshrl.u32 s3, $0x2;
	v1 =	vnsel vm0, $0x1000, v1;
	vm0 =	vgt.s32 v0, $0x0  }
0x20: {  	s1 =	sadd.s32 $0x40, s1;
	s3 =	sor.u32 s5, s3;
	[tilespmem:s0+$0x4000] =	vst v1;
	v0 =	vnsel vm0, $0x0, v0  }
0x21: {  	s0 =	sshra.s32 s1, $0x2;
	[tilespmem:s3+$0x6000] =	vst v0  }
0x22: {  	s31 =	sadd.s32 $0x10, s31;
	v0 =	vld [tilespmem:s0+$0x0]  }
0x23: {  	v1 =	vld [tilespmem:s0+$0x2000];
	_ =	sdelay $0x3  }
0x24: {  	s1 =	sand.u32 $0x7E00, s1;
	vm0 =	vgt.s32 v0, $0xFFFFFFFF  }
0x25: {  	s3 =	sand.u32 $0x70, s10;
	s1 =	sshrl.u32 s1, $0x2;
	vm15 =	vgt.s32 v0, $0x0;
	v1 =	vnsel vm0, $0x1000, v1  }
0x26: {  	s10 =	sor.u32 s3, s1;
	v0 =	vnsel vm15, $0x0, v0;
	[tilespmem:s0+$0x4000] =	vst v1  }
0x27: {  	[tilespmem:s10+$0x6000] =	vst v0  }
0x28: {  	_ =	swait.ge [sflag:s15], $0x1000  }
0x29: {  	[sflag:s15] =	ssyncset.done $0x0  }
0x2a: {  	[sflag:s15] =	ssyncadd.s32 $0xFFFFF000  }
0x2b: {  	s1 =	simm.s32 $0x4000;
	[bflag:$0x0] =	sbarrier.arrive $0xFFFF  }
0x2c: {  	[tilespmem:s17], [sflag:$0x2] =	stream.indirect.gather [hbm4b:s4+s16], $0x80, s1, s16, $0xb8;
	v63 =	vld [tilespmem:$0x0]  }
0x2d: {  	_ =	swait.ge [sflag:s18], $0x4000  }
0x2e: {  	[sflag:s18] =	ssyncset.done $0x0  }
0x2f: {  	s3 =	simm.s32 $0x6000;
	[sflag:s18] =	ssyncadd.s32 $0xFFFFC000  }
0x30: {  	[spmem:s2] =	stream.indirect.scatter.add.f32 [tilespmem:s17], [sflag:$0x6], $0x80, s3, s16, $0xb8;
	v63 =	vld [tilespmem:$0x0]  }
0x31: {  	_ =	swait.ge [sflag:s19], $0x4000  }
0x32: {  	[sflag:s19] =	ssyncset.done $0x0  }
0x33: {  	s5 =	simm.s32 $0x4080;
	[sflag:s19] =	ssyncadd.s32 $0xFFFFC000  }
0x34: {  	[tilespmem:s20], [sflag:$0x3] =	stream.indirect.gather [hbm4b:s4+s16], $0x80, s5, s16, $0xb8;
	v63 =	vld [tilespmem:$0x0]  }
0x35: {  	_ =	swait.ge [sflag:s21], $0x4000  }
0x36: {  	[sflag:s21] =	ssyncset.done $0x0  }
0x37: {  	s10 =	simm.s32 $0x6080;
	[sflag:s21] =	ssyncadd.s32 $0xFFFFC000  }
0x38: {  	[spmem:s2] =	stream.indirect.scatter.add.f32 [tilespmem:s20], [sflag:$0x7], $0x80, s10, s16, $0xb8;
	v63 =	vld [tilespmem:$0x0]  }
0x39: {  	_ =	swait.ge [sflag:s22], $0x4000  }
0x3a: {  	[sflag:s22] =	ssyncset.done $0x0  }
0x3b: {  	s1 =	simm.s32 $0x4100;
	[sflag:s22] =	ssyncadd.s32 $0xFFFFC000  }
0x3c: {  	[tilespmem:s23], [sflag:$0x4] =	stream.indirect.gather [hbm4b:s4+s16], $0x80, s1, s16, $0xb8;
	v63 =	vld [tilespmem:$0x0]  }
0x3d: {  	_ =	swait.ge [sflag:s24], $0x4000  }
0x3e: {  	[sflag:s24] =	ssyncset.done $0x0  }
0x3f: {  	s3 =	simm.s32 $0x6100;
	[sflag:s24] =	ssyncadd.s32 $0xFFFFC000  }
0x40: {  	[spmem:s2] =	stream.indirect.scatter.add.f32 [tilespmem:s23], [sflag:$0x8], $0x80, s3, s16, $0xb8;
	v63 =	vld [tilespmem:$0x0]  }
0x41: {  	_ =	swait.ge [sflag:s25], $0x4000  }
0x42: {  	[sflag:s25] =	ssyncset.done $0x0  }
0x43: {  	s5 =	simm.s32 $0x4180;
	[sflag:s25] =	ssyncadd.s32 $0xFFFFC000  }
0x44: {  	[tilespmem:s26], [sflag:$0x5] =	stream.indirect.gather [hbm4b:s4+s16], $0x80, s5, s16, $0xb8;
	v63 =	vld [tilespmem:$0x0]  }
0x45: {  	_ =	swait.ge [sflag:s28], $0x4000  }
0x46: {  	[sflag:s28] =	ssyncset.done $0x0  }
0x47: {  	s10 =	simm.s32 $0x6180;
	[sflag:s28] =	ssyncadd.s32 $0xFFFFC000  }
0x48: {  	[spmem:s2] =	stream.indirect.scatter.add.f32 [tilespmem:s26], [sflag:$0x9], $0x80, s10, s16, $0xb8;
	v63 =	vld [tilespmem:$0x0]  }
0x49: {  	_ =	swait.ge [sflag:s29], $0x4000  }
0x4a: {  	s31 =	simm.s32 $0x200;
	s10 =	simm.s32 $0x1000;
	[sflag:s29] =	ssyncset.done $0x0  }
.LBB2_4:
0x4b: {  	s3 =	sadd.s32 $0x4000, s31  }
0x4c: {  	[sflag:s29] =	ssyncadd.s32 $0xFFFFC000;
	s1 =	smov.u32 s10;
	s0 =	sadd.s32 $0x800, s10  }
0x4d: {  	[tilespmem:s17], [sflag:$0x2] =	stream.indirect.gather [hbm4b:s4+s16], $0x80, s3, s16, $0xb8;
	v63 =	vld [tilespmem:$0x0]  }
0x4e: {  	p0 =	sne.s32 s10, $0x7800;
	_ =	swait.ge [sflag:s18], $0x4000  }
0x4f: {  	[sflag:s18] =	ssyncset.done $0x0  }
0x50: {  	s3 =	sadd.s32 $0x6000, s31;
	[sflag:s18] =	ssyncadd.s32 $0xFFFFC000  }
0x51: {  	[spmem:s2] =	stream.indirect.scatter.add.f32 [tilespmem:s17], [sflag:$0x6], $0x80, s3, s16, $0xb8;
	v63 =	vld [tilespmem:$0x0]  }
0x52: {  	_ =	swait.ge [sflag:s19], $0x4000  }
0x53: {  	[sflag:s19] =	ssyncset.done $0x0  }
0x54: {  	s3 =	sadd.s32 $0x4080, s31;
	[sflag:s19] =	ssyncadd.s32 $0xFFFFC000  }
0x55: {  	[tilespmem:s20], [sflag:$0x3] =	stream.indirect.gather [hbm4b:s4+s16], $0x80, s3, s16, $0xb8;
	v63 =	vld [tilespmem:$0x0]  }
0x56: {  	_ =	swait.ge [sflag:s21], $0x4000  }
0x57: {  	[sflag:s21] =	ssyncset.done $0x0  }
0x58: {  	s3 =	sadd.s32 $0x6080, s31;
	[sflag:s21] =	ssyncadd.s32 $0xFFFFC000  }
0x59: {  	[spmem:s2] =	stream.indirect.scatter.add.f32 [tilespmem:s20], [sflag:$0x7], $0x80, s3, s16, $0xb8;
	v63 =	vld [tilespmem:$0x0]  }
0x5a: {  	_ =	swait.ge [sflag:s22], $0x4000  }
0x5b: {  	[sflag:s22] =	ssyncset.done $0x0  }
0x5c: {  	s3 =	sadd.s32 $0x4100, s31;
	[sflag:s22] =	ssyncadd.s32 $0xFFFFC000  }
0x5d: {  	[tilespmem:s23], [sflag:$0x4] =	stream.indirect.gather [hbm4b:s4+s16], $0x80, s3, s16, $0xb8;
	v63 =	vld [tilespmem:$0x0]  }
0x5e: {  	_ =	swait.ge [sflag:s24], $0x4000  }
0x5f: {  	[sflag:s24] =	ssyncset.done $0x0  }
0x60: {  	s3 =	sadd.s32 $0x6100, s31;
	[sflag:s24] =	ssyncadd.s32 $0xFFFFC000  }
0x61: {  	[spmem:s2] =	stream.indirect.scatter.add.f32 [tilespmem:s23], [sflag:$0x8], $0x80, s3, s16, $0xb8;
	v63 =	vld [tilespmem:$0x0]  }
0x62: {  	_ =	swait.ge [sflag:s25], $0x4000  }
0x63: {  	[sflag:s25] =	ssyncset.done $0x0  }
0x64: {  	s3 =	sadd.s32 $0x4180, s31;
	[sflag:s25] =	ssyncadd.s32 $0xFFFFC000  }
0x65: {  	[tilespmem:s26], [sflag:$0x5] =	stream.indirect.gather [hbm4b:s4+s16], $0x80, s3, s16, $0xb8;
	v63 =	vld [tilespmem:$0x0]  }
0x66: {  	_ =	swait.ge [sflag:s28], $0x4000  }
.Ltmp1:
0x67: {  	[sflag:s28] =	ssyncset.done $0x0;
	(pc) =	sbr.rel @p0 .LBB2_4-.Ltmp1, $4  }
0x68: {  	s3 =	sadd.s32 $0x6180, s31;
	[sflag:s28] =	ssyncadd.s32 $0xFFFFC000  }
0x69: {  	[spmem:s2] =	stream.indirect.scatter.add.f32 [tilespmem:s26], [sflag:$0x9], $0x80, s3, s16, $0xb8;
	v63 =	vld [tilespmem:$0x0]  }
0x6a: {  	_ =	swait.ge [sflag:s29], $0x4000  }
0x6b: {  	s10 =	smov.u32 s0;
	s31 =	sshra.s32 s1, $0x2;
	[sflag:s29] =	ssyncset.done $0x0  }
0x6c: {  	s0 =	sadd.s32 $0x4000, s31;
	[sflag:s29] =	ssyncadd.s32 $0xFFFFC000  }
0x6d: {  	[tilespmem:s17], [sflag:$0x2] =	stream.indirect.gather [hbm4b:s4+s16], $0x80, s0, s16, $0xb8;
	v63 =	vld [tilespmem:$0x0]  }
0x6e: {  	_ =	swait.ge [sflag:s18], $0x4000  }
0x6f: {  	[sflag:s18] =	ssyncset.done $0x0  }
0x70: {  	s3 =	sadd.s32 $0x6000, s31;
	[sflag:s18] =	ssyncadd.s32 $0xFFFFC000  }
0x71: {  	[spmem:s2] =	stream.indirect.scatter.add.f32 [tilespmem:s17], [sflag:$0x6], $0x80, s3, s16, $0xb8;
	v63 =	vld [tilespmem:$0x0]  }
0x72: {  	_ =	swait.ge [sflag:s19], $0x4000  }
0x73: {  	[sflag:s19] =	ssyncset.done $0x0  }
0x74: {  	s5 =	sadd.s32 $0x4080, s31;
	[sflag:s19] =	ssyncadd.s32 $0xFFFFC000  }
0x75: {  	[tilespmem:s20], [sflag:$0x3] =	stream.indirect.gather [hbm4b:s4+s16], $0x80, s5, s16, $0xb8;
	v63 =	vld [tilespmem:$0x0]  }
0x76: {  	_ =	swait.ge [sflag:s21], $0x4000  }
0x77: {  	[sflag:s21] =	ssyncset.done $0x0  }
0x78: {  	s10 =	sadd.s32 $0x6080, s31;
	[sflag:s21] =	ssyncadd.s32 $0xFFFFC000  }
0x79: {  	[spmem:s2] =	stream.indirect.scatter.add.f32 [tilespmem:s20], [sflag:$0x7], $0x80, s10, s16, $0xb8;
	v63 =	vld [tilespmem:$0x0]  }
0x7a: {  	_ =	swait.ge [sflag:s22], $0x4000  }
0x7b: {  	[sflag:s22] =	ssyncset.done $0x0  }
0x7c: {  	s1 =	sadd.s32 $0x4100, s31;
	[sflag:s22] =	ssyncadd.s32 $0xFFFFC000  }
0x7d: {  	[tilespmem:s23], [sflag:$0x4] =	stream.indirect.gather [hbm4b:s4+s16], $0x80, s1, s16, $0xb8;
	v63 =	vld [tilespmem:$0x0]  }
0x7e: {  	_ =	swait.ge [sflag:s24], $0x4000  }
0x7f: {  	[sflag:s24] =	ssyncset.done $0x0  }
0x80: {  	s3 =	sadd.s32 $0x6100, s31;
	[sflag:s24] =	ssyncadd.s32 $0xFFFFC000  }
0x81: {  	[spmem:s2] =	stream.indirect.scatter.add.f32 [tilespmem:s23], [sflag:$0x8], $0x80, s3, s16, $0xb8;
	v63 =	vld [tilespmem:$0x0]  }
0x82: {  	_ =	swait.ge [sflag:s25], $0x4000  }
0x83: {  	[sflag:s25] =	ssyncset.done $0x0  }
0x84: {  	s5 =	sadd.s32 $0x4180, s31;
	[sflag:s25] =	ssyncadd.s32 $0xFFFFC000  }
0x85: {  	[tilespmem:s26], [sflag:$0x5] =	stream.indirect.gather [hbm4b:s4+s16], $0x80, s5, s16, $0xb8;
	v63 =	vld [tilespmem:$0x0]  }
0x86: {  	_ =	swait.ge [sflag:s28], $0x4000  }
0x87: {  	[sflag:s28] =	ssyncset.done $0x0  }
0x88: {  	s10 =	sadd.s32 $0x6180, s31;
	[sflag:s28] =	ssyncadd.s32 $0xFFFFC000  }
0x89: {  	[spmem:s2] =	stream.indirect.scatter.add.f32 [tilespmem:s26], [sflag:$0x9], $0x80, s10, s16, $0xb8;
	v63 =	vld [tilespmem:$0x0]  }
0x8a: {  	_ =	swait.ge [sflag:s29], $0x4000  }
0x8b: {  	s30 =	sadd.s32 $0x1, s30;
	[sflag:s29] =	ssyncset.done $0x0  }
0x8c: {  	p0 =	sne.s32 s30, s9;
	[sflag:s29] =	ssyncadd.s32 $0xFFFFC000  }
.Ltmp2:
0x8d: {  	s31 =	sor.u32 $0x1C0A, s11;
	[bflag:$0x0] =	sbarrier.arrive $0xFFFF;
	(pc) =	sbr.rel @p0 .LBB2_1-.Ltmp2, $4  }
0x8e: {  	[hbm:s8], [sflag:s31] =	dma.local [spmem:s14], $0x1000  }
0x8f: {  	_ =	swait.ge [sflag:s12], $0x1000  }
0x90: {  	[sflag:s12] =	ssyncset.done $0x0  }
0x91: {  	[sflag:s12] =	ssyncadd.s32 $0xFFFFF000  }
0x92: {  	_ =	sfence.sel $0x180000  }
0x93: {  	[bflag:$0x0] =	sbarrier.arrive $0xFFFF  }
0x94: {  	_ =	strace $0x90000050  }
0x95: {  	s0 =	stileid.u32;
	[bflag:$0x2] =	sbarrier.arrive $0xFFFF  }
0x96: {  	p0 =	sne.s32 s0, $0x0;
	s0 =	rddreg [dreg:$0x2]  }
0x97: {  	s0 =	sadd.s32 @!p0 $0x100000, s0  }
0x98: {  	[sflag:s0] =	ssyncadd.tile.s32 @!p0 $0x1;
	_ =	shalt  }
.Lfunc_end2:
_tile_overlayer_lowered:
.L_overlay_start_2:
0x99: {  	(tag) =	ssettag $0x2  }
0x9a: {  	s0 =	rddreg [dreg:$0x0];
	s2 =	stileid.u32  }
0x9b: {  	s1 =	rddreg [dreg:$0x1];
	p0 =	sne.s32 s2, $0x0  }
0x9c: {  	s3 =	rddreg [dreg:$0x2];
	[bflag:$0x3] =	sbarrier.arrive $0xFFFF;
	s2 =	simm.s32 @!p0 $0x1C0A  }
0x9d: {  	[timem:s3], [sflag:s2] =	dma.local @!p0 [hbm:s0], s1  }
0x9e: {  	s0 =	simm.s32 @!p0 $0xA  }
0x9f: {  	_ =	swait.ge @!p0 [sflag:s0], s1  }
0xa0: {  	s1 =	ssub.s32 @!p0 $0x0, s1;
	[sflag:s0] =	ssyncset.done @!p0 $0x0  }
0xa1: {  	[sflag:s0] =	ssyncadd.s32 @!p0 s1  }
0xa2: {  	[bflag:$0x3] =	sbarrier.arrive $0xFFFF  }
0xa3: {  	_ =	shalt  }

// kernel: kernel.24.cloned.1.call-start
scs
__scs_entry_jumppad:
0x0: {  	(pc) =	sbr.rel $0x88, $3  }
0x1: {  	(tag) =	ssettag $0x0;
	lr =	simm.s32 $0x1  }
0x2: {  	[smem:$0x3F8C] =	sst lr;
	_ =	strace $0xD0000000  }
0x3: {  	_ = 	snop  }
0x4: {  	_ = 	snop  }
0x5: {  	_ = 	snop  }
0x6: {  	_ = 	snop  }
0x7: {  	_ = 	snop  }
__scs_overlays_trampoline_lowered:
0x8: {  	[smem:$0x3F9B] =	sst s0  }
0x9: {  	[smem:$0x3F9C] =	sst s1  }
0xa: {  	[smem:$0x3F9D] =	sst s2  }
0xb: {  	[smem:$0x3F9E] =	sst s3  }
0xc: {  	[smem:$0x3F9F] =	sst s4  }
0xd: {  	[smem:$0x3FA0] =	sst s5  }
0xe: {  	[smem:$0x3FA1] =	sst s6  }
0xf: {  	[smem:$0x3FA2] =	sst s7  }
0x10: {  	[smem:$0x3FA3] =	sst s8  }
0x11: {  	[smem:$0x3FA4] =	sst s9;
	s0 =	simm.s32 @!p0 $0x0  }
0x12: {  	s1 =	sld [smem:$0x3F8A];
	s0 =	simm.s32 @p0 $0x1  }
0x13: {  	[smem:$0x3FA5] =	sst s0;
	s0 =	simm.s32 @!p1 $0x0  }
0x14: {  	s2 =	sld [smem:$0x3F89];
	s0 =	simm.s32 @p1 $0x1  }
0x15: {  	[smem:$0x3FA6] =	sst s0;
	s0 =	simm.s32 @!p2 $0x0  }
0x16: {  	s3 =	sld [smem:$0x3FDB];
	s0 =	simm.s32 @p2 $0x1  }
0x17: {  	s4 =	simm.s32 $0x1BF5;
	[smem:$0x3FA8] =	sst s0  }
0x18: {  	s0 =	sld [smem:$0x3F8B];
	_ =	swait.ge [sflag:s4], $0x0  }
0x19: {  	s7 =	sld [smem:$0x3F8C]  }
0x1a: {  	s8 =	sadd.s32 $0xFFFFE003, lr  }
0x1b: {  	s9 =	sadd.s32 $0xFFFFFEF7, lr;
	s5 =	simm.s32 $0xFFFFFFFF;
	p2 =	slt.u32 s8, $0xFFFFF086  }
0x1c: {  	p1 =	slt.u32 s9, $0xF7A;
	s5 =	simm.s32 @!p2 $0x0  }
0x1d: {  	s5 =	simm.s32 @p1 $0x1;
	p0 =	seq.s32 s7, s2  }
0x1e: {  	s7 =	smul.u32 @!p0 $0xF7A, s2;
	p2 =	seq.s32 @!p0 s5, $0x0  }
0x1f: {  	s9 =	smul.u32 $0xF7A, s1;
	s8 =	simm.s32 @!p0 $0x1BF5;
	p2 =	por !p2, p0  }
0x20: {  	[sflag:s8] =	ssyncset.s32 @!p0 $0xFFFFF086;
	s6 =	sadd.s32 @!p0 s3, s7;
	s7 =	simm.s32 @!p0 $0x108  }
0x21: {  	s3 =	sadd.s32 s3, s9;
	s6 =	sadd.s32 @!p0 $0x88, s6;
	s7 =	simm.s32 @p2 $0x1082  }
0x22: {  	[simem:s7], [sflag:s8] =	dma.local @!p0 [hbm:s6], $0xF7A  }
0x23: {  	s9 =	sor.u32 $0xD0000000, s2;
	s6 =	simm.s32 $0x108;
	_ =	swait.ge @!p0 [sflag:s8], $0x0  }
0x24: {  	s3 =	sadd.s32 $0x88, s3;
	s6 =	simm.s32 @!p1 $0x1082;
	[sflag:s4] =	ssyncset.s32 $0xFFFFF086  }
0x25: {  	[simem:s6], [sflag:s4] =	dma.local [hbm:s3], $0xF7A  }
0x26: {  	[smem:$0x3F8C] =	sst s1;
	(tag) =	ssettag s2;
	_ =	strace s9  }
0x27: {  	s1 =	sld [smem:$0x3F9C]  }
0x28: {  	s2 =	sld [smem:$0x3F9D]  }
0x29: {  	s4 =	sld [smem:$0x3F9F]  }
0x2a: {  	p0 =	seq.s32 s5, $0x0;
	s5 =	sld [smem:$0x3FA0]  }
0x2b: {  	s6 =	sld [smem:$0x3FA1]  }
0x2c: {  	s7 =	sld [smem:$0x3FA2]  }
0x2d: {  	s3 =	simm.s32 $0x108;
	s8 =	sld [smem:$0x3FA3]  }
0x2e: {  	s3 =	simm.s32 @!p0 $0x1082;
	s9 =	sld [smem:$0x3FA4]  }
0x2f: {  	lr =	sadd.s32 s0, s3;
	s0 =	sld [smem:$0x3F9B]  }
0x30: {  	s3 =	sld [smem:$0x3F9E]  }
0x31: {  	[smem:$0x3FA7] =	sst s10  }
0x32: {  	s10 =	sld [smem:$0x3FA5];
	_ =	sdelay $0x3  }
0x33: {  	p0 =	seq.s32 s10, $0x1;
	s10 =	sld [smem:$0x3FA7];
	_ =	sdelay $0x3  }
0x34: {  	[smem:$0x3FA7] =	sst s10  }
0x35: {  	s10 =	sld [smem:$0x3FA6];
	_ =	sdelay $0x3  }
0x36: {  	p1 =	seq.s32 s10, $0x1;
	s10 =	sld [smem:$0x3FA7];
	_ =	sdelay $0x3  }
0x37: {  	[smem:$0x3FA7] =	sst s10  }
0x38: {  	s10 =	sld [smem:$0x3FA8]  }
0x39: {  	_ = 	snop;
	(pc) =	sbr.ind lr, $3  }
0x3a: {  	_ = 	snop  }
0x3b: {  	_ = 	snop  }
0x3c: {  	p2 =	seq.s32 s10, $0x1;
	s10 =	sld [smem:$0x3FA7]  }
0x3d: {  	_ =	shalt  }
0x3e: {  	_ =	shalt  }
0x3f: {  	_ =	shalt  }
0x40: {  	_ =	shalt  }
0x41: {  	_ =	shalt  }
0x42: {  	_ =	shalt  }
0x43: {  	_ =	shalt  }
0x44: {  	_ =	shalt  }
0x45: {  	_ =	shalt  }
0x46: {  	_ =	shalt  }
0x47: {  	_ =	shalt  }
0x48: {  	_ =	shalt  }
0x49: {  	_ =	shalt  }
0x4a: {  	_ =	shalt  }
0x4b: {  	_ =	shalt  }
0x4c: {  	_ =	shalt  }
0x4d: {  	_ =	shalt  }
0x4e: {  	_ =	shalt  }
0x4f: {  	_ =	shalt  }
0x50: {  	_ =	shalt  }
0x51: {  	_ =	shalt  }
0x52: {  	_ =	shalt  }
0x53: {  	_ =	shalt  }
0x54: {  	_ =	shalt  }
0x55: {  	_ =	shalt  }
0x56: {  	_ =	shalt  }
0x57: {  	_ =	shalt  }
0x58: {  	_ =	shalt  }
0x59: {  	_ =	shalt  }
0x5a: {  	_ =	shalt  }
0x5b: {  	_ =	shalt  }
0x5c: {  	_ =	shalt  }
0x5d: {  	_ =	shalt  }
0x5e: {  	_ =	shalt  }
0x5f: {  	_ =	shalt  }
0x60: {  	_ =	shalt  }
0x61: {  	_ =	shalt  }
0x62: {  	_ =	shalt  }
0x63: {  	_ =	shalt  }
0x64: {  	_ =	shalt  }
0x65: {  	_ =	shalt  }
0x66: {  	_ =	shalt  }
0x67: {  	_ =	shalt  }
0x68: {  	_ =	shalt  }
0x69: {  	_ =	shalt  }
0x6a: {  	_ =	shalt  }
0x6b: {  	_ =	shalt  }
0x6c: {  	_ =	shalt  }
0x6d: {  	_ =	shalt  }
0x6e: {  	_ =	shalt  }
0x6f: {  	_ =	shalt  }
0x70: {  	_ =	shalt  }
0x71: {  	_ =	shalt  }
0x72: {  	_ =	shalt  }
0x73: {  	_ =	shalt  }
0x74: {  	_ =	shalt  }
0x75: {  	_ =	shalt  }
0x76: {  	_ =	shalt  }
0x77: {  	_ =	shalt  }
0x78: {  	_ =	shalt  }
0x79: {  	_ =	shalt  }
0x7a: {  	_ =	shalt  }
0x7b: {  	_ =	shalt  }
0x7c: {  	_ =	shalt  }
0x7d: {  	_ =	shalt  }
0x7e: {  	_ =	shalt  }
0x7f: {  	_ =	shalt  }
0x80: {  	_ =	shalt  }
0x81: {  	_ =	shalt  }
0x82: {  	_ =	shalt  }
0x83: {  	_ =	shalt  }
0x84: {  	_ =	shalt  }
0x85: {  	_ =	shalt  }
0x86: {  	_ =	shalt  }
0x87: {  	_ =	shalt  }
.Lfunc_end0:
.L_simem_size_0:
called_computation.4_lowered:
.L_overlay_start_0:
0x88: {  	s2 =	sld [smem:$0x3FD9]  }
0x89: {  	s3 =	sld [smem:$0x3FFE];
	_ =	sdelay $0x1  }
0x8a: {  	s1 =	srdreg.scid  }
0x8b: {  	s0 =	sand.u32 $0x1, s1  }
0x8c: {  	s16 =	sshll.u32 s0, $0xA;
	s2 =	sadd.s32 s3, s2  }
0x8d: {  	s2 =	sadd.s32 s2, s16  }
0x8e: {  	[smem:$0x3FB3] =	sst s2  }
0x8f: {  	_ = 	snop  }
0x90: {  	(tm) =	ssettm $0x1  }
0x91: {  	s17 =	sld [smem:$0x3FFB];
	_ =	sdelay $0x3  }
0x92: {  	_ =	strace s17  }
0x93: {  	s2 =	sld [smem:$0x3FFC];
	_ =	sdelay $0x3  }
0x94: {  	_ =	strace s2  }
0x95: {  	s2 =	sld [smem:$0x3FFD];
	_ =	sdelay $0x3  }
0x96: {  	_ =	strace s2  }
0x97: {  	_ =	strace $0x8FFFFFFF  }
0x98: {  	s18 =	sld [smem:$0x3FDB];
	_ =	sdelay $0x1  }
0x99: {  	s19 =	simm.s32 $_scs_section_size  }
0x9a: {  	s4 =	simm.s32 $_size__tile_overlayer_lowered;
	s5 =	simm.s32 $_tile_overlayer_lowered  }
0x9b: {  	s22 =	simm.s32 $0x1BFF;
	s21 =	sshll.u32 s5, $0x1;
	s2 =	sadd.s32 s19, s18  }
0x9c: {  	s6 =	simm.s32 $0x0;
	s20 =	sshll.u32 s4, $0x1;
	s4 =	sadd.s32 s21, s2  }
0x9d: {  	[timem:s6], [sflag:s22] =	dma.local [hbm:s4], s20  }
0x9e: {  	_ =	swait.ge [sflag:s22], s20  }
0x9f: {  	s3 =	ssub.s32 $0x0, s20;
	[sflag:s22] =	ssyncset.done $0x0  }
0xa0: {  	[sflag:s22] =	ssyncadd.s32 s3;
	_ =	sdelay $0x1  }
0xa1: {  	s23 =	simm.s32 $0x1B8B  }
0xa2: {  	_ =	swait.ge [sflag:s23], $0x1  }
0xa3: {  	[sflag:s23] =	ssyncset.done $0x0  }
0xa4: {  	s25 =	simm.s32 $0x1B8E;
	s24 =	sld [smem:$0x3FFE];
	[sflag:s23] =	ssyncadd.s32 $0xFFFFFFFF  }
0xa5: {  	s26 =	simm.s32 $execute0_lowered;
	[smem:$0x3FD2] =	sst s25  }
0xa6: {  	s4 =	sshll.u32 s26, $0x1;
	_ =	strace $0x80000052;
	[dreg:$0x1] =	wrdreg $0xFFFFFFFF  }
0xa7: {  	s28 =	simm.s32 $_size_execute0_lowered;
	s2 =	sadd.s32 s2, s4;
	[dreg:$0x0] =	wrdreg $0x0  }
0xa8: {  	s4 =	sshll.u32 s28, $0x1;
	[dreg:$0x2] =	wrdreg s2  }
0xa9: {  	[dreg:$0x3] =	wrdreg s4  }
0xaa: {  	[dreg:$0x4] =	wrdreg $0xC0  }
0xab: {  	_ =	task [dreg:s6], $0x5FFFF  }
0xac: {  	[dreg:$0x1] =	wrdreg $0xFFFFFFFF  }
0xad: {  	[dreg:$0x0] =	wrdreg $0x60  }
0xae: {  	[dreg:$0x2] =	wrdreg s24  }
0xaf: {  	[dreg:$0x3] =	wrdreg $0x180000  }
0xb0: {  	[dreg:$0x4] =	wrdreg $0x9  }
0xb1: {  	_ =	task.clear_ibuf [dreg:s6], $0x5FFFF;
	_ =	strace $0x90000052  }
0xb2: {  	s29 =	simm.s32 $0x9;
	_ =	strace $0x80000054  }
0xb3: {  	_ =	swait.ge [sflag:s29], $0x1  }
0xb4: {  	[sflag:s29] =	ssyncadd.s32 $0xFFFFFFFF  }
0xb5: {  	_ =	strace $0x90000054  }
0xb6: {  	_ =	sfence  }
0xb7: {  	s30 =	sld [smem:$0x0];
	_ =	sdelay $0x2  }
0xb8: {  	s31 =	sshll.u32 s1, $0xD;
	s1 =	sshrl.u32 s1, $0x2  }
0xb9: {  	s3 =	sand.u32 $0x4000, s31;
	s1 =	sadd.s32 s1, s30  }
0xba: {  	s0 =	sor.u32 s3, s0;
	s1 =	sshll.u32 s1, $0x11  }
0xbb: {  	s0 =	sor.u32 s1, s0  }
0xbc: {  	s0 =	sadd.s32 $0x8F2B, s0  }
0xbd: {  	[sflag:s0] =	ssyncadd.remote.s32 $0x1  }
0xbe: {  	_ =	sfence.sel $0xFFFF  }
0xbf: {  	[dreg:$0x0] =	wrdreg $0xFFFFFFFF;
	(pc) =	sbr.abs _section_cstart, $3  }
0xc0: {  	[dreg:$0x1] =	wrdreg $0xFFFFFFFF  }
0xc1: {  	_ =	task.clear_ibuf [dreg:s6], $0x2FFFF;
	_ =	strace $0x9FFFFFFF  }
0xc2: {  	(tm) =	ssettm $0x7FFFFFFF  }
0xc3: {  	_ =	shalt  }
tec
execute0_lowered:
.L_overlay_start_1:
0x0: {  	(tag) =	ssettag $0x1  }
0x1: {  	s0 =	rddreg [dreg:$0x0]  }
0x2: {  	s2 =	rddreg [dreg:$0x1]  }
0x3: {  	s1 =	srdreg.scid;
	s4 =	simm.s32 $0x0;
	s3 =	stileid.u32  }
0x4: {  	s12 =	simm.s32 $0xA;
	s15 =	simm.s32 $0x1;
	s16 =	simm.s32 $0x80  }
0x5: {  	s17 =	simm.s32 $0x8000;
	s18 =	simm.s32 $0x2;
	s19 =	simm.s32 $0x6  }
0x6: {  	s20 =	simm.s32 $0xC000;
	s21 =	simm.s32 $0x3;
	s22 =	simm.s32 $0x7  }
0x7: {  	s28 =	simm.s32 $0x5;
	s29 =	simm.s32 $0x9;
	s30 =	simm.s32 $0x0  }
0x8: {  	s1 =	sand.u32 $0x1, s1;
	[smem:$0x7FF] =	sst s4;
	s5 =	sshll.u32 s3, $0xA  }
0x9: {  	s24 =	sshll.u32 s3, $0xC;
	s31 =	sshll.u32 s3, $0xF;
	s11 =	sshll.u32 s3, $0x6  }
0xa: {  	s23 =	sshll.u32 s1, $0xE;
	_ =	strace $0x80000053;
	s7 =	ssub.s32 $0x2, s1  }
0xb: {  	s1 =	sshll.u32 s1, $0x10;
	s10 =	sadd.s32 s31, s2;
	s13 =	sor.u32 $0x1C01, s11  }
0xc: {  	s4 =	sor.u32 s5, s23;
	s25 =	sshrl.u32 s7, $0x1;
	s14 =	sshrl.u32 s10, $0x3  }
0xd: {  	s23 =	simm.s32 $0x10000;
	s6 =	sadd.s32 s4, s0;
	s4 =	sadd.s32 $0x6600, s0  }
0xe: {  	s0 =	sadd.s32 s24, s0;
	s9 =	ssub.s32 s7, s25;
	s24 =	simm.s32 $0x4  }
0xf: {  	s25 =	simm.s32 $0x8;
	s26 =	sadd.s32 $0x1E600, s6;
	s6 =	sadd.s32 $0x4A6600, s6  }
0x10: {  	s1 =	sadd.s32 s1, s0;
	s7 =	sadd.s32 $0x26600, s0;
	s9 =	smax.u32 s9, $0x1  }
0x11: {  	[dreg:$0x3] =	wrdreg s26;
	s8 =	sadd.s32 $0x36600, s1;
	s26 =	simm.s32 $0x14000  }
.LBB2_1:
0x12: {  	s0 =	simm.s32 $0x0;
	s1 =	rddreg [dreg:$0x3];
	s3 =	simm.s32 $0x2000  }
0x13: {  	[tilespmem:s3], [sflag:$0xA] =	stream.linear.gather [hbm4b:s1+s0], $0x2000, $0x38;
	v63 =	vld [tilespmem:$0x0]  }
0x14: {  	_ =	swait.ge [sflag:s12], $0x2000  }
0x15: {  	[sflag:s12] =	ssyncset.done $0x0  }
0x16: {  	[sflag:s12] =	ssyncadd.s32 $0xFFFFE000  }
0x17: {  	[tilespmem:s0], [sflag:$0xA] =	stream.linear.gather [hbm4b:s6+s0], $0x2000, $0x38;
	v63 =	vld [tilespmem:$0x0]  }
0x18: {  	_ =	swait.ge [sflag:s12], $0x2000  }
0x19: {  	[sflag:s12] =	ssyncset.done $0x0  }
0x1a: {  	s0 =	simm.s32 $0x0;
	[sflag:s12] =	ssyncadd.s32 $0xFFFFE000  }
0x1b: {  	[spmem:s14], [sflag:s13] =	dma.local [hbm:s7], $0x1000  }
0x1c: {  	s31 =	simm.s32 $0x10;
	s10 =	simm.s32 $0x0;
	s1 =	simm.s32 $0x0;
	v0 =	vld [tilespmem:s0+$0x0]  }
.LBB2_2:
0x1d: {  	p0 =	sne.s32 s31, $0x1FF0;
	v1 =	vld [tilespmem:s0+$0x2000];
	_ =	sdelay $0x3  }
.Ltmp0:
0x1e: {  	s3 =	sand.u32 $0x7E00, s1;
	vm0 =	vgt.s32 v0, $0xFFFFFFFF;
	(pc) =	sbr.rel @p0 .LBB2_2-.Ltmp0, $4  }
0x1f: {  	s5 =	sand.u32 $0x70, s10;
	s10 =	smov.u32 s31;
	s3 =	sshrl.u32 s3, $0x2;
	v1 =	vnsel vm0, $0x1000, v1;
	vm0 =	vgt.s32 v0, $0x0  }
0x20: {  	s1 =	sadd.s32 $0x40, s1;
	s3 =	sor.u32 s5, s3;
	[tilespmem:s0+$0x4000] =	vst v1;
	v0 =	vnsel vm0, $0x0, v0  }
0x21: {  	s0 =	sshra.s32 s1, $0x2;
	[tilespmem:s3+$0x6000] =	vst v0  }
0x22: {  	s31 =	sadd.s32 $0x10, s31;
	v0 =	vld [tilespmem:s0+$0x0]  }
0x23: {  	v1 =	vld [tilespmem:s0+$0x2000];
	_ =	sdelay $0x3  }
0x24: {  	s1 =	sand.u32 $0x7E00, s1;
	vm0 =	vgt.s32 v0, $0xFFFFFFFF  }
0x25: {  	s3 =	sand.u32 $0x70, s10;
	s1 =	sshrl.u32 s1, $0x2;
	vm15 =	vgt.s32 v0, $0x0;
	v1 =	vnsel vm0, $0x1000, v1  }
0x26: {  	s10 =	sor.u32 s3, s1;
	v0 =	vnsel vm15, $0x0, v0;
	[tilespmem:s0+$0x4000] =	vst v1  }
0x27: {  	[tilespmem:s10+$0x6000] =	vst v0  }
0x28: {  	_ =	swait.ge [sflag:s15], $0x1000  }
0x29: {  	[sflag:s15] =	ssyncset.done $0x0  }
0x2a: {  	[sflag:s15] =	ssyncadd.s32 $0xFFFFF000  }
0x2b: {  	s1 =	simm.s32 $0x4000;
	[bflag:$0x0] =	sbarrier.arrive $0xFFFF  }
0x2c: {  	[tilespmem:s17], [sflag:$0x2] =	stream.indirect.gather [hbm4b:s4+s16], $0x80, s1, s16, $0xb8;
	v63 =	vld [tilespmem:$0x0]  }
0x2d: {  	_ =	swait.ge [sflag:s18], $0x4000  }
0x2e: {  	[sflag:s18] =	ssyncset.done $0x0  }
0x2f: {  	s3 =	simm.s32 $0x6000;
	[sflag:s18] =	ssyncadd.s32 $0xFFFFC000  }
0x30: {  	[spmem:s2] =	stream.indirect.scatter.add.f32 [tilespmem:s17], [sflag:$0x6], $0x80, s3, s16, $0xb8;
	v63 =	vld [tilespmem:$0x0]  }
0x31: {  	_ =	swait.ge [sflag:s19], $0x4000  }
0x32: {  	[sflag:s19] =	ssyncset.done $0x0  }
0x33: {  	s5 =	simm.s32 $0x4080;
	[sflag:s19] =	ssyncadd.s32 $0xFFFFC000  }
0x34: {  	[tilespmem:s20], [sflag:$0x3] =	stream.indirect.gather [hbm4b:s4+s16], $0x80, s5, s16, $0xb8;
	v63 =	vld [tilespmem:$0x0]  }
0x35: {  	_ =	swait.ge [sflag:s21], $0x4000  }
0x36: {  	[sflag:s21] =	ssyncset.done $0x0  }
0x37: {  	s10 =	simm.s32 $0x6080;
	[sflag:s21] =	ssyncadd.s32 $0xFFFFC000  }
0x38: {  	[spmem:s2] =	stream.indirect.scatter.add.f32 [tilespmem:s20], [sflag:$0x7], $0x80, s10, s16, $0xb8;
	v63 =	vld [tilespmem:$0x0]  }
0x39: {  	_ =	swait.ge [sflag:s22], $0x4000  }
0x3a: {  	[sflag:s22] =	ssyncset.done $0x0  }
0x3b: {  	s1 =	simm.s32 $0x4100;
	[sflag:s22] =	ssyncadd.s32 $0xFFFFC000  }
0x3c: {  	[tilespmem:s23], [sflag:$0x4] =	stream.indirect.gather [hbm4b:s4+s16], $0x80, s1, s16, $0xb8;
	v63 =	vld [tilespmem:$0x0]  }
0x3d: {  	_ =	swait.ge [sflag:s24], $0x4000  }
0x3e: {  	[sflag:s24] =	ssyncset.done $0x0  }
0x3f: {  	s3 =	simm.s32 $0x6100;
	[sflag:s24] =	ssyncadd.s32 $0xFFFFC000  }
0x40: {  	[spmem:s2] =	stream.indirect.scatter.add.f32 [tilespmem:s23], [sflag:$0x8], $0x80, s3, s16, $0xb8;
	v63 =	vld [tilespmem:$0x0]  }
0x41: {  	_ =	swait.ge [sflag:s25], $0x4000  }
0x42: {  	[sflag:s25] =	ssyncset.done $0x0  }
0x43: {  	s5 =	simm.s32 $0x4180;
	[sflag:s25] =	ssyncadd.s32 $0xFFFFC000  }
0x44: {  	[tilespmem:s26], [sflag:$0x5] =	stream.indirect.gather [hbm4b:s4+s16], $0x80, s5, s16, $0xb8;
	v63 =	vld [tilespmem:$0x0]  }
0x45: {  	_ =	swait.ge [sflag:s28], $0x4000  }
0x46: {  	[sflag:s28] =	ssyncset.done $0x0  }
0x47: {  	s10 =	simm.s32 $0x6180;
	[sflag:s28] =	ssyncadd.s32 $0xFFFFC000  }
0x48: {  	[spmem:s2] =	stream.indirect.scatter.add.f32 [tilespmem:s26], [sflag:$0x9], $0x80, s10, s16, $0xb8;
	v63 =	vld [tilespmem:$0x0]  }
0x49: {  	_ =	swait.ge [sflag:s29], $0x4000  }
0x4a: {  	s31 =	simm.s32 $0x200;
	s10 =	simm.s32 $0x1000;
	[sflag:s29] =	ssyncset.done $0x0  }
.LBB2_4:
0x4b: {  	s3 =	sadd.s32 $0x4000, s31  }
0x4c: {  	[sflag:s29] =	ssyncadd.s32 $0xFFFFC000;
	s1 =	smov.u32 s10;
	s0 =	sadd.s32 $0x800, s10  }
0x4d: {  	[tilespmem:s17], [sflag:$0x2] =	stream.indirect.gather [hbm4b:s4+s16], $0x80, s3, s16, $0xb8;
	v63 =	vld [tilespmem:$0x0]  }
0x4e: {  	p0 =	sne.s32 s10, $0x7800;
	_ =	swait.ge [sflag:s18], $0x4000  }
0x4f: {  	[sflag:s18] =	ssyncset.done $0x0  }
0x50: {  	s3 =	sadd.s32 $0x6000, s31;
	[sflag:s18] =	ssyncadd.s32 $0xFFFFC000  }
0x51: {  	[spmem:s2] =	stream.indirect.scatter.add.f32 [tilespmem:s17], [sflag:$0x6], $0x80, s3, s16, $0xb8;
	v63 =	vld [tilespmem:$0x0]  }
0x52: {  	_ =	swait.ge [sflag:s19], $0x4000  }
0x53: {  	[sflag:s19] =	ssyncset.done $0x0  }
0x54: {  	s3 =	sadd.s32 $0x4080, s31;
	[sflag:s19] =	ssyncadd.s32 $0xFFFFC000  }
0x55: {  	[tilespmem:s20], [sflag:$0x3] =	stream.indirect.gather [hbm4b:s4+s16], $0x80, s3, s16, $0xb8;
	v63 =	vld [tilespmem:$0x0]  }
0x56: {  	_ =	swait.ge [sflag:s21], $0x4000  }
0x57: {  	[sflag:s21] =	ssyncset.done $0x0  }
0x58: {  	s3 =	sadd.s32 $0x6080, s31;
	[sflag:s21] =	ssyncadd.s32 $0xFFFFC000  }
0x59: {  	[spmem:s2] =	stream.indirect.scatter.add.f32 [tilespmem:s20], [sflag:$0x7], $0x80, s3, s16, $0xb8;
	v63 =	vld [tilespmem:$0x0]  }
0x5a: {  	_ =	swait.ge [sflag:s22], $0x4000  }
0x5b: {  	[sflag:s22] =	ssyncset.done $0x0  }
0x5c: {  	s3 =	sadd.s32 $0x4100, s31;
	[sflag:s22] =	ssyncadd.s32 $0xFFFFC000  }
0x5d: {  	[tilespmem:s23], [sflag:$0x4] =	stream.indirect.gather [hbm4b:s4+s16], $0x80, s3, s16, $0xb8;
	v63 =	vld [tilespmem:$0x0]  }
0x5e: {  	_ =	swait.ge [sflag:s24], $0x4000  }
0x5f: {  	[sflag:s24] =	ssyncset.done $0x0  }
0x60: {  	s3 =	sadd.s32 $0x6100, s31;
	[sflag:s24] =	ssyncadd.s32 $0xFFFFC000  }
0x61: {  	[spmem:s2] =	stream.indirect.scatter.add.f32 [tilespmem:s23], [sflag:$0x8], $0x80, s3, s16, $0xb8;
	v63 =	vld [tilespmem:$0x0]  }
0x62: {  	_ =	swait.ge [sflag:s25], $0x4000  }
0x63: {  	[sflag:s25] =	ssyncset.done $0x0  }
0x64: {  	s3 =	sadd.s32 $0x4180, s31;
	[sflag:s25] =	ssyncadd.s32 $0xFFFFC000  }
0x65: {  	[tilespmem:s26], [sflag:$0x5] =	stream.indirect.gather [hbm4b:s4+s16], $0x80, s3, s16, $0xb8;
	v63 =	vld [tilespmem:$0x0]  }
0x66: {  	_ =	swait.ge [sflag:s28], $0x4000  }
.Ltmp1:
0x67: {  	[sflag:s28] =	ssyncset.done $0x0;
	(pc) =	sbr.rel @p0 .LBB2_4-.Ltmp1, $4  }
0x68: {  	s3 =	sadd.s32 $0x6180, s31;
	[sflag:s28] =	ssyncadd.s32 $0xFFFFC000  }
0x69: {  	[spmem:s2] =	stream.indirect.scatter.add.f32 [tilespmem:s26], [sflag:$0x9], $0x80, s3, s16, $0xb8;
	v63 =	vld [tilespmem:$0x0]  }
0x6a: {  	_ =	swait.ge [sflag:s29], $0x4000  }
0x6b: {  	s10 =	smov.u32 s0;
	s31 =	sshra.s32 s1, $0x2;
	[sflag:s29] =	ssyncset.done $0x0  }
0x6c: {  	s0 =	sadd.s32 $0x4000, s31;
	[sflag:s29] =	ssyncadd.s32 $0xFFFFC000  }
0x6d: {  	[tilespmem:s17], [sflag:$0x2] =	stream.indirect.gather [hbm4b:s4+s16], $0x80, s0, s16, $0xb8;
	v63 =	vld [tilespmem:$0x0]  }
0x6e: {  	_ =	swait.ge [sflag:s18], $0x4000  }
0x6f: {  	[sflag:s18] =	ssyncset.done $0x0  }
0x70: {  	s3 =	sadd.s32 $0x6000, s31;
	[sflag:s18] =	ssyncadd.s32 $0xFFFFC000  }
0x71: {  	[spmem:s2] =	stream.indirect.scatter.add.f32 [tilespmem:s17], [sflag:$0x6], $0x80, s3, s16, $0xb8;
	v63 =	vld [tilespmem:$0x0]  }
0x72: {  	_ =	swait.ge [sflag:s19], $0x4000  }
0x73: {  	[sflag:s19] =	ssyncset.done $0x0  }
0x74: {  	s5 =	sadd.s32 $0x4080, s31;
	[sflag:s19] =	ssyncadd.s32 $0xFFFFC000  }
0x75: {  	[tilespmem:s20], [sflag:$0x3] =	stream.indirect.gather [hbm4b:s4+s16], $0x80, s5, s16, $0xb8;
	v63 =	vld [tilespmem:$0x0]  }
0x76: {  	_ =	swait.ge [sflag:s21], $0x4000  }
0x77: {  	[sflag:s21] =	ssyncset.done $0x0  }
0x78: {  	s10 =	sadd.s32 $0x6080, s31;
	[sflag:s21] =	ssyncadd.s32 $0xFFFFC000  }
0x79: {  	[spmem:s2] =	stream.indirect.scatter.add.f32 [tilespmem:s20], [sflag:$0x7], $0x80, s10, s16, $0xb8;
	v63 =	vld [tilespmem:$0x0]  }
0x7a: {  	_ =	swait.ge [sflag:s22], $0x4000  }
0x7b: {  	[sflag:s22] =	ssyncset.done $0x0  }
0x7c: {  	s1 =	sadd.s32 $0x4100, s31;
	[sflag:s22] =	ssyncadd.s32 $0xFFFFC000  }
0x7d: {  	[tilespmem:s23], [sflag:$0x4] =	stream.indirect.gather [hbm4b:s4+s16], $0x80, s1, s16, $0xb8;
	v63 =	vld [tilespmem:$0x0]  }
0x7e: {  	_ =	swait.ge [sflag:s24], $0x4000  }
0x7f: {  	[sflag:s24] =	ssyncset.done $0x0  }
0x80: {  	s3 =	sadd.s32 $0x6100, s31;
	[sflag:s24] =	ssyncadd.s32 $0xFFFFC000  }
0x81: {  	[spmem:s2] =	stream.indirect.scatter.add.f32 [tilespmem:s23], [sflag:$0x8], $0x80, s3, s16, $0xb8;
	v63 =	vld [tilespmem:$0x0]  }
0x82: {  	_ =	swait.ge [sflag:s25], $0x4000  }
0x83: {  	[sflag:s25] =	ssyncset.done $0x0  }
0x84: {  	s5 =	sadd.s32 $0x4180, s31;
	[sflag:s25] =	ssyncadd.s32 $0xFFFFC000  }
0x85: {  	[tilespmem:s26], [sflag:$0x5] =	stream.indirect.gather [hbm4b:s4+s16], $0x80, s5, s16, $0xb8;
	v63 =	vld [tilespmem:$0x0]  }
0x86: {  	_ =	swait.ge [sflag:s28], $0x4000  }
0x87: {  	[sflag:s28] =	ssyncset.done $0x0  }
0x88: {  	s10 =	sadd.s32 $0x6180, s31;
	[sflag:s28] =	ssyncadd.s32 $0xFFFFC000  }
0x89: {  	[spmem:s2] =	stream.indirect.scatter.add.f32 [tilespmem:s26], [sflag:$0x9], $0x80, s10, s16, $0xb8;
	v63 =	vld [tilespmem:$0x0]  }
0x8a: {  	_ =	swait.ge [sflag:s29], $0x4000  }
0x8b: {  	s30 =	sadd.s32 $0x1, s30;
	[sflag:s29] =	ssyncset.done $0x0  }
0x8c: {  	p0 =	sne.s32 s30, s9;
	[sflag:s29] =	ssyncadd.s32 $0xFFFFC000  }
.Ltmp2:
0x8d: {  	s31 =	sor.u32 $0x1C0A, s11;
	[bflag:$0x0] =	sbarrier.arrive $0xFFFF;
	(pc) =	sbr.rel @p0 .LBB2_1-.Ltmp2, $4  }
0x8e: {  	[hbm:s8], [sflag:s31] =	dma.local [spmem:s14], $0x1000  }
0x8f: {  	_ =	swait.ge [sflag:s12], $0x1000  }
0x90: {  	[sflag:s12] =	ssyncset.done $0x0  }
0x91: {  	[sflag:s12] =	ssyncadd.s32 $0xFFFFF000  }
0x92: {  	_ =	sfence.sel $0x180000  }
0x93: {  	[bflag:$0x0] =	sbarrier.arrive $0xFFFF  }
0x94: {  	_ =	strace $0x90000053  }
0x95: {  	s0 =	stileid.u32;
	[bflag:$0x2] =	sbarrier.arrive $0xFFFF  }
0x96: {  	p0 =	sne.s32 s0, $0x0;
	s0 =	rddreg [dreg:$0x2]  }
0x97: {  	s0 =	sadd.s32 @!p0 $0x100000, s0  }
0x98: {  	[sflag:s0] =	ssyncadd.tile.s32 @!p0 $0x1;
	_ =	shalt  }
.Lfunc_end2:
_tile_overlayer_lowered:
.L_overlay_start_2:
0x99: {  	(tag) =	ssettag $0x2  }
0x9a: {  	s0 =	rddreg [dreg:$0x0];
	s2 =	stileid.u32  }
0x9b: {  	s1 =	rddreg [dreg:$0x1];
	p0 =	sne.s32 s2, $0x0  }
0x9c: {  	s3 =	rddreg [dreg:$0x2];
	[bflag:$0x3] =	sbarrier.arrive $0xFFFF;
	s2 =	simm.s32 @!p0 $0x1C0A  }
0x9d: {  	[timem:s3], [sflag:s2] =	dma.local @!p0 [hbm:s0], s1  }
0x9e: {  	s0 =	simm.s32 @!p0 $0xA  }
0x9f: {  	_ =	swait.ge @!p0 [sflag:s0], s1  }
0xa0: {  	s1 =	ssub.s32 @!p0 $0x0, s1;
	[sflag:s0] =	ssyncset.done @!p0 $0x0  }
0xa1: {  	[sflag:s0] =	ssyncadd.s32 @!p0 s1  }
0xa2: {  	[bflag:$0x3] =	sbarrier.arrive $0xFFFF  }
0xa3: {  	_ =	shalt  }

</sc_bundles>
